<compile_context>
chip_gen: v7x
topology: tpu7x:2x2x1
jax: 0.10.2.dev20260603
libtpu: 0.0.44.dev20260713+nightly
codegen_flags: <defaults>
</compile_context>

<pallas_src>
import jax
import jax.numpy as jnp
from jax import lax
from jax.experimental import pallas as pl
from jax.experimental.pallas import tpu as pltpu
from jax.experimental.pallas import tpu_sc as plsc

NC = 2
NS = 16
NW = NC * NS
C = 128
SI = 16
NBUF = 2


def _mesh():
  return plsc.VectorSubcoreMesh(
      core_axis_name="c", subcore_axis_name="s",
      num_cores=NC, num_subcores=NS)


def _sc_segment_sum(table, src2d, dst2d, zeros_hbm, npad):
  n_chunks = src2d.shape[0]
  k = n_chunks // NW
  rows = npad // NS

  def body(table_h, src_h, dst_h, zeros_h, agg_h, idx_s, idx_d, *rest):
    bufs = rest[:NBUF]
    sems = rest[NBUF + 1:]
    acc = rest[NBUF]
    cid = lax.axis_index("c")
    sid = lax.axis_index("s")
    wid = cid * NS + sid

    base = sid * rows
    pltpu.sync_copy(zeros_h, acc.at[pl.ds(base, rows)])

    plsc.subcore_barrier()

    def do_chunk(j, buf, sem):
      pltpu.make_async_copy(table_h.at[idx_s.at[j]], buf, sem).wait()
      pltpu.sync_copy(buf, acc.at[idx_d.at[j]], add=True)

      @pl.when(j + NBUF < SI)
      def _():
        pltpu.async_copy(table_h.at[idx_s.at[j + NBUF]], buf, sem)

    for st in range(k // SI):
      row0 = wid * k + st * SI
      pltpu.sync_copy(src_h.at[pl.ds(row0, SI)], idx_s)
      pltpu.sync_copy(dst_h.at[pl.ds(row0, SI)], idx_d)
      for b in range(NBUF):
        pltpu.async_copy(table_h.at[idx_s.at[b]], bufs[b], sems[b])

      def loop_body(i2, _):
        for b in range(NBUF):
          do_chunk(i2 * NBUF + b, bufs[b], sems[b])
        return 0
      lax.fori_loop(0, SI // NBUF, loop_body, 0)

    plsc.subcore_barrier()

    pltpu.sync_copy(acc.at[pl.ds(base, rows)],
                    agg_h.at[cid, pl.ds(base, rows)])

  f = pl.kernel(
      body,
      out_type=jax.ShapeDtypeStruct((NC, npad, 128), jnp.float32),
      mesh=_mesh(),
      scratch_types=(
          pltpu.VMEM((SI, C), jnp.int32),
          pltpu.VMEM((SI, C), jnp.int32),
          *[pltpu.VMEM((C, 128), jnp.float32) for _ in range(NBUF)],
          pltpu.VMEM_SHARED((npad, 128), jnp.float32),
          *[pltpu.SemaphoreType.DMA for _ in range(NBUF)],
      ))
  return f(table, src2d, dst2d, zeros_hbm)


def _sc_degree(dst2d, ones_hbm, zeros_hbm, npad):
  n_chunks = dst2d.shape[0]
  k = n_chunks // NW
  rows = npad // NS

  def body(dst_h, ones_h, zeros_h, cnt_h, idx_d, ones, cacc):
    cid = lax.axis_index("c")
    sid = lax.axis_index("s")
    wid = cid * NS + sid

    pltpu.sync_copy(dst_h.at[pl.ds(wid * k, k)], idx_d)
    pltpu.sync_copy(ones_h, ones)

    base = sid * rows
    pltpu.sync_copy(zeros_h, cacc.at[pl.ds(base, rows)])

    plsc.subcore_barrier()

    def loop_body(j, _):
      pltpu.sync_copy(ones, cacc.at[idx_d.at[j]], add=True)
      return 0
    lax.fori_loop(0, k, loop_body, 0)

    plsc.subcore_barrier()

    pltpu.sync_copy(cacc.at[pl.ds(base, rows)],
                    cnt_h.at[cid, pl.ds(base, rows)])

  f = pl.kernel(
      body,
      out_type=jax.ShapeDtypeStruct((NC, npad, 128), jnp.float32),
      mesh=_mesh(),
      scratch_types=(
          pltpu.VMEM((k, C), jnp.int32),
          pltpu.VMEM((C, 128), jnp.float32),
          pltpu.VMEM_SHARED((npad, 128), jnp.float32),
      ))
  return f(dst2d, ones_hbm, zeros_hbm)


def _dot_t(a, w):
  return lax.dot_general(a, w, (((1,), (1,)), ((), ())),
                         preferred_element_type=jnp.float32)


def _tc_prep(x, w_l, w_r, b, blk):
  n = x.shape[0]

  def body(x_ref, wl_ref, wr_ref, b_ref, xl_ref, xr_ref):
    xv = x_ref[...]
    xl_ref[...] = _dot_t(xv, wl_ref[...])
    xr_ref[...] = _dot_t(xv, wr_ref[...]) + b_ref[...]

  return pl.pallas_call(
      body,
      grid=(n // blk,),
      in_specs=[
          pl.BlockSpec((blk, 128), lambda i: (i, 0)),
          pl.BlockSpec((128, 128), lambda i: (0, 0)),
          pl.BlockSpec((128, 128), lambda i: (0, 0)),
          pl.BlockSpec((1, 128), lambda i: (0, 0)),
      ],
      out_specs=[
          pl.BlockSpec((blk, 128), lambda i: (i, 0)),
          pl.BlockSpec((blk, 128), lambda i: (i, 0)),
      ],
      out_shape=[
          jax.ShapeDtypeStruct((n, 128), jnp.float32),
          jax.ShapeDtypeStruct((n, 128), jnp.float32),
      ],
  )(x, w_l, w_r, b)


def _tc_mid(aggp, cntp, xr, w_l, w_r, b, blk):
  n = xr.shape[0]

  def body(p_ref, c_ref, xr_ref, wl_ref, wr_ref, b_ref, hl_ref, hr_ref):
    a = p_ref[0] + p_ref[1]
    cnt = c_ref[0, :, 0:1] + c_ref[1, :, 0:1]
    inv = 1.0 / jnp.maximum(cnt, 1.0)
    h = jnp.maximum(a * inv + xr_ref[...], 0.0)
    hl_ref[...] = _dot_t(h, wl_ref[...])
    hr_ref[...] = _dot_t(h, wr_ref[...]) + b_ref[...]

  return pl.pallas_call(
      body,
      grid=(n // blk,),
      in_specs=[
          pl.BlockSpec((NC, blk, 128), lambda i: (0, i, 0)),
          pl.BlockSpec((NC, blk, 128), lambda i: (0, i, 0)),
          pl.BlockSpec((blk, 128), lambda i: (i, 0)),
          pl.BlockSpec((128, 128), lambda i: (0, 0)),
          pl.BlockSpec((128, 128), lambda i: (0, 0)),
          pl.BlockSpec((1, 128), lambda i: (0, 0)),
      ],
      out_specs=[
          pl.BlockSpec((blk, 128), lambda i: (i, 0)),
          pl.BlockSpec((blk, 128), lambda i: (i, 0)),
      ],
      out_shape=[
          jax.ShapeDtypeStruct((n, 128), jnp.float32),
          jax.ShapeDtypeStruct((n, 128), jnp.float32),
      ],
  )(aggp, cntp, xr, w_l, w_r, b)


def _tc_final(aggp, cntp, hr, blk):
  n = hr.shape[0]

  def body(p_ref, c_ref, hr_ref, o_ref):
    a = p_ref[0] + p_ref[1]
    cnt = c_ref[0, :, 0:1] + c_ref[1, :, 0:1]
    inv = 1.0 / jnp.maximum(cnt, 1.0)
    o_ref[...] = a * inv + hr_ref[...]

  return pl.pallas_call(
      body,
      grid=(n // blk,),
      in_specs=[
          pl.BlockSpec((NC, blk, 128), lambda i: (0, i, 0)),
          pl.BlockSpec((NC, blk, 128), lambda i: (0, i, 0)),
          pl.BlockSpec((blk, 128), lambda i: (i, 0)),
      ],
      out_specs=pl.BlockSpec((blk, 128), lambda i: (i, 0)),
      out_shape=jax.ShapeDtypeStruct((n, 128), jnp.float32),
  )(aggp, cntp, hr)


@jax.jit
def kernel(x, edge_index, W1_l, b1, W1_r, W2_l, b2, W2_r):
  n = x.shape[0]
  e = edge_index.shape[1]

  npad = -((n + 1) // -(NS * 64)) * (NS * 64)
  k = -(e // -(NW * C * SI)) * SI
  e_pad = NW * C * k

  src = edge_index[0]
  dst = edge_index[1]
  pad_src = jnp.zeros((e_pad - e,), jnp.int32)
  pad_dst = jnp.full((e_pad - e,), npad - 1, jnp.int32)
  src2d = jnp.concatenate([src, pad_src]).reshape(NW * k, C)
  dst2d = jnp.concatenate([dst, pad_dst]).reshape(NW * k, C)

  blk = 2000 if n % 2000 == 0 else (8 * (n // 8) if n % 8 else n)
  b1r = b1.reshape(1, 128)
  b2r = b2.reshape(1, 128)

  rows = npad // NS
  zeros128 = jnp.zeros((rows, 128), jnp.float32)
  ones_pat = jnp.ones((C, 128), jnp.float32)

  cntp = _sc_degree(dst2d, ones_pat, zeros128, npad)
  xl, xr = _tc_prep(x, W1_l, W1_r, b1r, blk)
  aggp = _sc_segment_sum(xl, src2d, dst2d, zeros128, npad)
  hl, hr = _tc_mid(aggp, cntp, xr, W2_l, W2_r, b2r, blk)
  agg2p = _sc_segment_sum(hl, src2d, dst2d, zeros128, npad)
  return _tc_final(agg2p, cntp, hr, blk)

# --- scband reference (transcript-rebuilt; emitter-appended) ---
"""Pipeline reference for scband-net-14044543058087 (READ-ONLY COPY).

The authoritative reference and input builder live on the scoring server;
editing this copy changes nothing except your own understanding.
"""

import jax, jax.numpy as jnp
import numpy as np

N = 10000
E = 320000
D = 128
H = 128
O = 128


def setup_inputs(seed: int = 0) -> dict:
    key = jax.random.key(seed)
    ks = jax.random.split(key, 9)
    x = jax.random.normal(ks[0], (N, D), dtype=jnp.float32)
    edge_index = jax.random.randint(ks[1], (2, E), 0, N, dtype=jnp.int32)
    s1 = 1.0 / np.sqrt(D)
    s2 = 1.0 / np.sqrt(H)
    W1_l = jax.random.uniform(ks[2], (H, D), jnp.float32, -s1, s1)
    b1 = jax.random.uniform(ks[3], (H,), jnp.float32, -s1, s1)
    W1_r = jax.random.uniform(ks[4], (H, D), jnp.float32, -s1, s1)
    W2_l = jax.random.uniform(ks[5], (O, H), jnp.float32, -s2, s2)
    b2 = jax.random.uniform(ks[6], (O,), jnp.float32, -s2, s2)
    W2_r = jax.random.uniform(ks[7], (O, H), jnp.float32, -s2, s2)
    return {"x": x, "edge_index": edge_index, "W1_l": W1_l, "b1": b1, "W1_r": W1_r, "W2_l": W2_l, "b2": b2, "W2_r": W2_r}


def sage_conv(x, edge_index, W_l, b_l, W_r):
    # PyG SAGEConv with mean aggregation: out = lin_l(mean_j x_j) + lin_r(x)
    src = edge_index[0]
    dst = edge_index[1]
    n = x.shape[0]
    msg = jnp.take(x, src, axis=0)
    agg = jax.ops.segment_sum(msg, dst, num_segments=n)
    cnt = jax.ops.segment_sum(jnp.ones((msg.shape[0],), x.dtype), dst, num_segments=n)
    agg = agg / jnp.clip(cnt, 1.0, None)[:, None]
    return agg @ W_l.T + b_l + x @ W_r.T


def reference(x, edge_index, W1_l, b1, W1_r, W2_l, b2, W2_r):
    h = sage_conv(x, edge_index, W1_l, b1, W1_r)
    h = jax.nn.relu(h)
    # F.dropout with training=False (eval mode) is identity
    out = sage_conv(h, edge_index, W2_l, b2, W2_r)
    return out

if __name__ == "__main__":
    import jax
    _d = setup_inputs()
    print(jax.jit(kernel)(*tuple(_d.values())))

</pallas_src>

<mosaic_0001>
#map = affine_map<(d0, d1) -> (0, 0)>
#map1 = affine_map<(d0, d1) -> (0, 0, 0)>
module attributes {stable_mosaic.version = 14 : i64} {
  func.func @body(%arg0: i32, %arg1: i32, %arg2: memref<10000x128xf32, #tpu.memory_space<hbm>>, %arg3: memref<2560x128xi32, #tpu.memory_space<hbm>>, %arg4: memref<2560x128xi32, #tpu.memory_space<hbm>>, %arg5: memref<640x128xf32, #tpu.memory_space<hbm>>, %arg6: memref<2x10240x128xf32, #tpu.memory_space<hbm>>, %arg7: memref<16x128xi32, #tpu.memory_space<vmem>>, %arg8: memref<16x128xi32, #tpu.memory_space<vmem>>, %arg9: memref<128x128xf32, #tpu.memory_space<vmem>>, %arg10: memref<128x128xf32, #tpu.memory_space<vmem>>, %arg11: memref<10240x128xf32, #tpu.memory_space<vmem_shared>>, %arg12: memref<!tpu.dma_semaphore, #tpu.memory_space<semaphore_mem>>, %arg13: memref<!tpu.dma_semaphore, #tpu.memory_space<semaphore_mem>>) attributes {dimension_semantics = [#tpu.dimension_semantics<core_parallel>, #tpu.dimension_semantics<subcore_parallel>], iteration_bounds = array<i64: 2, 16>, scalar_prefetch = 0 : i64, scratch_operands = 7 : i64, tpu.core_type = #tpu.core_type<sc_vector_subcore>, window_params = [{transform_indices = #map}, {transform_indices = #map}, {transform_indices = #map}, {transform_indices = #map}, {transform_indices = #map1}]} {
    %mul3A = arith.constant 16 : i32
    %mul3A_0 = arith.muli %arg0, %mul3A : i32
    %add3A = arith.addi %mul3A_0, %arg1 : i32
    %mul3A_1 = arith.constant 640 : i32
    %mul3A_2 = arith.muli %arg1, %mul3A_1 : i32
    "tpu.region"() ({
      %run_scoped3A = tpu.sem_alloc : memref<!tpu.dma_semaphore, #tpu.memory_space<semaphore_mem>>
      %dma_start3A_127 = arith.constant 0 : i32
      %dma_start3A_128 = tpu.memref_slice %arg11[%mul3A_2, %dma_start3A_127] : memref<10240x128xf32, #tpu.memory_space<vmem_shared>> -> memref<640x128xf32, #tpu.memory_space<vmem_shared>>
      tpu.enqueue_dma source(%arg5 : memref<640x128xf32, #tpu.memory_space<hbm>>) target(%dma_start3A_128 : memref<640x128xf32, #tpu.memory_space<vmem_shared>>) target_semaphore(%run_scoped3A : memref<!tpu.dma_semaphore, #tpu.memory_space<semaphore_mem>>)
      %dma_wait3A = arith.constant 0 : i32
      %dma_wait3A_129 = tpu.memref_slice %arg11[%mul3A_2, %dma_wait3A] : memref<10240x128xf32, #tpu.memory_space<vmem_shared>> -> memref<640x128xf32, #tpu.memory_space<vmem_shared>>
      tpu.wait_dma2 semaphore(%run_scoped3A : memref<!tpu.dma_semaphore, #tpu.memory_space<semaphore_mem>>) src(%arg5 : memref<640x128xf32, #tpu.memory_space<hbm>>) dst(%dma_wait3A_129 : memref<640x128xf32, #tpu.memory_space<vmem_shared>>)
      tpu.yield
    }) : () -> ()
    %barrier3A = arith.constant 0 : index
    tpu.barrier barrier_id(%barrier3A)
    %mul3A_3 = arith.constant 80 : i32
    %mul3A_4 = arith.muli %add3A, %mul3A_3 : i32
    %add3A_5 = arith.constant 0 : i32
    %add3A_6 = arith.addi %mul3A_4, %add3A_5 : i32
    "tpu.region"() ({
      %run_scoped3A = tpu.sem_alloc : memref<!tpu.dma_semaphore, #tpu.memory_space<semaphore_mem>>
      %dma_start3A_127 = arith.constant 0 : i32
      %dma_start3A_128 = tpu.memref_slice %arg3[%add3A_6, %dma_start3A_127] : memref<2560x128xi32, #tpu.memory_space<hbm>> -> memref<16x128xi32, #tpu.memory_space<hbm>>
      %dma_start3A_129 = arith.constant 0 : i32
      %dma_start3A_130 = tpu.memref_slice %arg3[%add3A_6, %dma_start3A_129] : memref<2560x128xi32, #tpu.memory_space<hbm>> -> memref<16x128xi32, #tpu.memory_space<hbm>>
      tpu.enqueue_dma source(%dma_start3A_130 : memref<16x128xi32, #tpu.memory_space<hbm>>) target(%arg7 : memref<16x128xi32, #tpu.memory_space<vmem>>) target_semaphore(%run_scoped3A : memref<!tpu.dma_semaphore, #tpu.memory_space<semaphore_mem>>)
      %dma_wait3A = arith.constant 0 : i32
      %dma_wait3A_131 = tpu.memref_slice %arg3[%add3A_6, %dma_wait3A] : memref<2560x128xi32, #tpu.memory_space<hbm>> -> memref<16x128xi32, #tpu.memory_space<hbm>>
      %dma_wait3A_132 = arith.constant 0 : i32
      %dma_wait3A_133 = tpu.memref_slice %arg3[%add3A_6, %dma_wait3A_132] : memref<2560x128xi32, #tpu.memory_space<hbm>> -> memref<16x128xi32, #tpu.memory_space<hbm>>
      tpu.wait_dma2 semaphore(%run_scoped3A : memref<!tpu.dma_semaphore, #tpu.memory_space<semaphore_mem>>) src(%dma_wait3A_133 : memref<16x128xi32, #tpu.memory_space<hbm>>) dst(%arg7 : memref<16x128xi32, #tpu.memory_space<vmem>>)
      tpu.yield
    }) : () -> ()
    "tpu.region"() ({
      %run_scoped3A = tpu.sem_alloc : memref<!tpu.dma_semaphore, #tpu.memory_space<semaphore_mem>>
      %dma_start3A_127 = arith.constant 0 : i32
      %dma_start3A_128 = tpu.memref_slice %arg4[%add3A_6, %dma_start3A_127] : memref<2560x128xi32, #tpu.memory_space<hbm>> -> memref<16x128xi32, #tpu.memory_space<hbm>>
      %dma_start3A_129 = arith.constant 0 : i32
      %dma_start3A_130 = tpu.memref_slice %arg4[%add3A_6, %dma_start3A_129] : memref<2560x128xi32, #tpu.memory_space<hbm>> -> memref<16x128xi32, #tpu.memory_space<hbm>>
      tpu.enqueue_dma source(%dma_start3A_130 : memref<16x128xi32, #tpu.memory_space<hbm>>) target(%arg8 : memref<16x128xi32, #tpu.memory_space<vmem>>) target_semaphore(%run_scoped3A : memref<!tpu.dma_semaphore, #tpu.memory_space<semaphore_mem>>)
      %dma_wait3A = arith.constant 0 : i32
      %dma_wait3A_131 = tpu.memref_slice %arg4[%add3A_6, %dma_wait3A] : memref<2560x128xi32, #tpu.memory_space<hbm>> -> memref<16x128xi32, #tpu.memory_space<hbm>>
      %dma_wait3A_132 = arith.constant 0 : i32
      %dma_wait3A_133 = tpu.memref_slice %arg4[%add3A_6, %dma_wait3A_132] : memref<2560x128xi32, #tpu.memory_space<hbm>> -> memref<16x128xi32, #tpu.memory_space<hbm>>
      tpu.wait_dma2 semaphore(%run_scoped3A : memref<!tpu.dma_semaphore, #tpu.memory_space<semaphore_mem>>) src(%dma_wait3A_133 : memref<16x128xi32, #tpu.memory_space<hbm>>) dst(%arg8 : memref<16x128xi32, #tpu.memory_space<vmem>>)
      tpu.yield
    }) : () -> ()
    %dma_start3A = arith.constant 0 : i32
    %dma_start3A_7 = arith.constant 0 : i32
    %dma_start3A_8 = tpu.memref_slice %arg7[%dma_start3A, %dma_start3A_7] : memref<16x128xi32, #tpu.memory_space<vmem>> -> memref<1x128xi32, #tpu.memory_space<vmem>>
    %dma_start3A_9 = tpu.memref_squeeze %dma_start3A_8 : memref<1x128xi32, #tpu.memory_space<vmem>> -> memref<128xi32, #tpu.memory_space<vmem>>
    %dma_start3A_10 = arith.constant 0 : i32
    %dma_start3A_11 = arith.constant 0 : i32
    %dma_start3A_12 = tpu.memref_slice %arg2[%dma_start3A_10, %dma_start3A_11] : memref<10000x128xf32, #tpu.memory_space<hbm>> -> memref<10000x128xf32, #tpu.memory_space<hbm>>
    tpu.enqueue_indirect_dma source(%dma_start3A_12 : memref<10000x128xf32, #tpu.memory_space<hbm>>) target(%arg9 : memref<128x128xf32, #tpu.memory_space<vmem>>) offsets(%dma_start3A_9 : memref<128xi32, #tpu.memory_space<vmem>>) semaphore(%arg12 : memref<!tpu.dma_semaphore, #tpu.memory_space<semaphore_mem>>)
    %dma_start3A_13 = arith.constant 1 : i32
    %dma_start3A_14 = arith.constant 0 : i32
    %dma_start3A_15 = tpu.memref_slice %arg7[%dma_start3A_13, %dma_start3A_14] : memref<16x128xi32, #tpu.memory_space<vmem>> -> memref<1x128xi32, #tpu.memory_space<vmem>>
    %dma_start3A_16 = tpu.memref_squeeze %dma_start3A_15 : memref<1x128xi32, #tpu.memory_space<vmem>> -> memref<128xi32, #tpu.memory_space<vmem>>
    %dma_start3A_17 = arith.constant 0 : i32
    %dma_start3A_18 = arith.constant 0 : i32
    %dma_start3A_19 = tpu.memref_slice %arg2[%dma_start3A_17, %dma_start3A_18] : memref<10000x128xf32, #tpu.memory_space<hbm>> -> memref<10000x128xf32, #tpu.memory_space<hbm>>
    tpu.enqueue_indirect_dma source(%dma_start3A_19 : memref<10000x128xf32, #tpu.memory_space<hbm>>) target(%arg10 : memref<128x128xf32, #tpu.memory_space<vmem>>) offsets(%dma_start3A_16 : memref<128xi32, #tpu.memory_space<vmem>>) semaphore(%arg13 : memref<!tpu.dma_semaphore, #tpu.memory_space<semaphore_mem>>)
    %scan3A = arith.constant 0 : i32
    %scan3A_20 = arith.constant 0 : i32
    %scan3A_21 = arith.constant 8 : i32
    %scan3A_22 = arith.addi %scan3A_20, %scan3A_21 : i32
    %scan3A_23 = arith.constant 1 : i32
    %scan3A_24 = scf.for %scan3A_127 = %scan3A_20 to %scan3A_22 step %scan3A_23 iter_args(%scan3A_128 = %scan3A) -> (i32)  : i32 {
      %mul3A_129 = arith.constant 2 : i32
      %mul3A_130 = arith.muli %scan3A_127, %mul3A_129 : i32
      %add3A_131 = arith.constant 0 : i32
      %add3A_132 = arith.addi %mul3A_130, %add3A_131 : i32
      %dma_wait3A = arith.constant 0 : i32
      %dma_wait3A_133 = tpu.memref_slice %arg7[%add3A_132, %dma_wait3A] : memref<16x128xi32, #tpu.memory_space<vmem>> -> memref<1x128xi32, #tpu.memory_space<vmem>>
      %dma_wait3A_134 = tpu.memref_squeeze %dma_wait3A_133 : memref<1x128xi32, #tpu.memory_space<vmem>> -> memref<128xi32, #tpu.memory_space<vmem>>
      %dma_wait3A_135 = arith.constant 0 : i32
      %dma_wait3A_136 = arith.constant 0 : i32
      %dma_wait3A_137 = tpu.memref_slice %arg2[%dma_wait3A_135, %dma_wait3A_136] : memref<10000x128xf32, #tpu.memory_space<hbm>> -> memref<10000x128xf32, #tpu.memory_space<hbm>>
      tpu.wait_indirect_dma semaphore(%arg12 : memref<!tpu.dma_semaphore, #tpu.memory_space<semaphore_mem>>) src(%dma_wait3A_137 : memref<10000x128xf32, #tpu.memory_space<hbm>>) dst(%arg9 : memref<128x128xf32, #tpu.memory_space<vmem>>)
      "tpu.region"() ({
        %run_scoped3A = tpu.sem_alloc : memref<!tpu.dma_semaphore, #tpu.memory_space<semaphore_mem>>
        %dma_start3A_160 = arith.constant 0 : i32
        %dma_start3A_161 = tpu.memref_slice %arg8[%add3A_132, %dma_start3A_160] : memref<16x128xi32, #tpu.memory_space<vmem>> -> memref<1x128xi32, #tpu.memory_space<vmem>>
        %dma_start3A_162 = tpu.memref_squeeze %dma_start3A_161 : memref<1x128xi32, #tpu.memory_space<vmem>> -> memref<128xi32, #tpu.memory_space<vmem>>
        %dma_start3A_163 = arith.constant 0 : i32
        %dma_start3A_164 = arith.constant 0 : i32
        %dma_start3A_165 = tpu.memref_slice %arg11[%dma_start3A_163, %dma_start3A_164] : memref<10240x128xf32, #tpu.memory_space<vmem_shared>> -> memref<10240x128xf32, #tpu.memory_space<vmem_shared>>
        tpu.enqueue_indirect_dma source(%arg9 : memref<128x128xf32, #tpu.memory_space<vmem>>) target(%dma_start3A_165 : memref<10240x128xf32, #tpu.memory_space<vmem_shared>>) offsets(%dma_start3A_162 : memref<128xi32, #tpu.memory_space<vmem>>) semaphore(%run_scoped3A : memref<!tpu.dma_semaphore, #tpu.memory_space<semaphore_mem>>) {add = true}
        %dma_wait3A_166 = arith.constant 0 : i32
        %dma_wait3A_167 = tpu.memref_slice %arg8[%add3A_132, %dma_wait3A_166] : memref<16x128xi32, #tpu.memory_space<vmem>> -> memref<1x128xi32, #tpu.memory_space<vmem>>
        %dma_wait3A_168 = tpu.memref_squeeze %dma_wait3A_167 : memref<1x128xi32, #tpu.memory_space<vmem>> -> memref<128xi32, #tpu.memory_space<vmem>>
        %dma_wait3A_169 = arith.constant 0 : i32
        %dma_wait3A_170 = arith.constant 0 : i32
        %dma_wait3A_171 = tpu.memref_slice %arg11[%dma_wait3A_169, %dma_wait3A_170] : memref<10240x128xf32, #tpu.memory_space<vmem_shared>> -> memref<10240x128xf32, #tpu.memory_space<vmem_shared>>
        tpu.wait_indirect_dma semaphore(%run_scoped3A : memref<!tpu.dma_semaphore, #tpu.memory_space<semaphore_mem>>) src(%arg9 : memref<128x128xf32, #tpu.memory_space<vmem>>) dst(%dma_wait3A_171 : memref<10240x128xf32, #tpu.memory_space<vmem_shared>>)
        tpu.yield
      }) : () -> ()
      %add3A_138 = arith.constant 2 : i32
      %add3A_139 = arith.addi %add3A_132, %add3A_138 : i32
      %lt3A = arith.constant 16 : i32
      %lt3A_140 = arith.cmpi slt, %add3A_139, %lt3A : i32
      %convert_element_type3A = arith.extui %lt3A_140 : i1 to i32
      %cond3A = arith.constant 0 : i32
      %cond3A_141 = arith.cmpi ne, %convert_element_type3A, %cond3A : i32
      scf.if %cond3A_141 {
        %add3A_160 = arith.constant 2 : i32
        %add3A_161 = arith.addi %add3A_132, %add3A_160 : i32
        %dma_start3A_162 = arith.constant 0 : i32
        %dma_start3A_163 = tpu.memref_slice %arg7[%add3A_161, %dma_start3A_162] : memref<16x128xi32, #tpu.memory_space<vmem>> -> memref<1x128xi32, #tpu.memory_space<vmem>>
        %dma_start3A_164 = tpu.memref_squeeze %dma_start3A_163 : memref<1x128xi32, #tpu.memory_space<vmem>> -> memref<128xi32, #tpu.memory_space<vmem>>
        %dma_start3A_165 = arith.constant 0 : i32
        %dma_start3A_166 = arith.constant 0 : i32
        %dma_start3A_167 = tpu.memref_slice %arg2[%dma_start3A_165, %dma_start3A_166] : memref<10000x128xf32, #tpu.memory_space<hbm>> -> memref<10000x128xf32, #tpu.memory_space<hbm>>
        tpu.enqueue_indirect_dma source(%dma_start3A_167 : memref<10000x128xf32, #tpu.memory_space<hbm>>) target(%arg9 : memref<128x128xf32, #tpu.memory_space<vmem>>) offsets(%dma_start3A_164 : memref<128xi32, #tpu.memory_space<vmem>>) semaphore(%arg12 : memref<!tpu.dma_semaphore, #tpu.memory_space<semaphore_mem>>)
      } else {
      }
      %mul3A_142 = arith.constant 2 : i32
      %mul3A_143 = arith.muli %scan3A_127, %mul3A_142 : i32
      %add3A_144 = arith.constant 1 : i32
      %add3A_145 = arith.addi %mul3A_143, %add3A_144 : i32
      %dma_wait3A_146 = arith.constant 0 : i32
      %dma_wait3A_147 = tpu.memref_slice %arg7[%add3A_145, %dma_wait3A_146] : memref<16x128xi32, #tpu.memory_space<vmem>> -> memref<1x128xi32, #tpu.memory_space<vmem>>
      %dma_wait3A_148 = tpu.memref_squeeze %dma_wait3A_147 : memref<1x128xi32, #tpu.memory_space<vmem>> -> memref<128xi32, #tpu.memory_space<vmem>>
      %dma_wait3A_149 = arith.constant 0 : i32
      %dma_wait3A_150 = arith.constant 0 : i32
      %dma_wait3A_151 = tpu.memref_slice %arg2[%dma_wait3A_149, %dma_wait3A_150] : memref<10000x128xf32, #tpu.memory_space<hbm>> -> memref<10000x128xf32, #tpu.memory_space<hbm>>
      tpu.wait_indirect_dma semaphore(%arg13 : memref<!tpu.dma_semaphore, #tpu.memory_space<semaphore_mem>>) src(%dma_wait3A_151 : memref<10000x128xf32, #tpu.memory_space<hbm>>) dst(%arg10 : memref<128x128xf32, #tpu.memory_space<vmem>>)
      "tpu.region"() ({
        %run_scoped3A = tpu.sem_alloc : memref<!tpu.dma_semaphore, #tpu.memory_space<semaphore_mem>>
        %dma_start3A_160 = arith.constant 0 : i32
        %dma_start3A_161 = tpu.memref_slice %arg8[%add3A_145, %dma_start3A_160] : memref<16x128xi32, #tpu.memory_space<vmem>> -> memref<1x128xi32, #tpu.memory_space<vmem>>
        %dma_start3A_162 = tpu.memref_squeeze %dma_start3A_161 : memref<1x128xi32, #tpu.memory_space<vmem>> -> memref<128xi32, #tpu.memory_space<vmem>>
        %dma_start3A_163 = arith.constant 0 : i32
        %dma_start3A_164 = arith.constant 0 : i32
        %dma_start3A_165 = tpu.memref_slice %arg11[%dma_start3A_163, %dma_start3A_164] : memref<10240x128xf32, #tpu.memory_space<vmem_shared>> -> memref<10240x128xf32, #tpu.memory_space<vmem_shared>>
        tpu.enqueue_indirect_dma source(%arg10 : memref<128x128xf32, #tpu.memory_space<vmem>>) target(%dma_start3A_165 : memref<10240x128xf32, #tpu.memory_space<vmem_shared>>) offsets(%dma_start3A_162 : memref<128xi32, #tpu.memory_space<vmem>>) semaphore(%run_scoped3A : memref<!tpu.dma_semaphore, #tpu.memory_space<semaphore_mem>>) {add = true}
        %dma_wait3A_166 = arith.constant 0 : i32
        %dma_wait3A_167 = tpu.memref_slice %arg8[%add3A_145, %dma_wait3A_166] : memref<16x128xi32, #tpu.memory_space<vmem>> -> memref<1x128xi32, #tpu.memory_space<vmem>>
        %dma_wait3A_168 = tpu.memref_squeeze %dma_wait3A_167 : memref<1x128xi32, #tpu.memory_space<vmem>> -> memref<128xi32, #tpu.memory_space<vmem>>
        %dma_wait3A_169 = arith.constant 0 : i32
        %dma_wait3A_170 = arith.constant 0 : i32
        %dma_wait3A_171 = tpu.memref_slice %arg11[%dma_wait3A_169, %dma_wait3A_170] : memref<10240x128xf32, #tpu.memory_space<vmem_shared>> -> memref<10240x128xf32, #tpu.memory_space<vmem_shared>>
        tpu.wait_indirect_dma semaphore(%run_scoped3A : memref<!tpu.dma_semaphore, #tpu.memory_space<semaphore_mem>>) src(%arg10 : memref<128x128xf32, #tpu.memory_space<vmem>>) dst(%dma_wait3A_171 : memref<10240x128xf32, #tpu.memory_space<vmem_shared>>)
        tpu.yield
      }) : () -> ()
      %add3A_152 = arith.constant 2 : i32
      %add3A_153 = arith.addi %add3A_145, %add3A_152 : i32
      %lt3A_154 = arith.constant 16 : i32
      %lt3A_155 = arith.cmpi slt, %add3A_153, %lt3A_154 : i32
      %convert_element_type3A_156 = arith.extui %lt3A_155 : i1 to i32
      %cond3A_157 = arith.constant 0 : i32
      %cond3A_158 = arith.cmpi ne, %convert_element_type3A_156, %cond3A_157 : i32
      scf.if %cond3A_158 {
        %add3A_160 = arith.constant 2 : i32
        %add3A_161 = arith.addi %add3A_145, %add3A_160 : i32
        %dma_start3A_162 = arith.constant 0 : i32
        %dma_start3A_163 = tpu.memref_slice %arg7[%add3A_161, %dma_start3A_162] : memref<16x128xi32, #tpu.memory_space<vmem>> -> memref<1x128xi32, #tpu.memory_space<vmem>>
        %dma_start3A_164 = tpu.memref_squeeze %dma_start3A_163 : memref<1x128xi32, #tpu.memory_space<vmem>> -> memref<128xi32, #tpu.memory_space<vmem>>
        %dma_start3A_165 = arith.constant 0 : i32
        %dma_start3A_166 = arith.constant 0 : i32
        %dma_start3A_167 = tpu.memref_slice %arg2[%dma_start3A_165, %dma_start3A_166] : memref<10000x128xf32, #tpu.memory_space<hbm>> -> memref<10000x128xf32, #tpu.memory_space<hbm>>
        tpu.enqueue_indirect_dma source(%dma_start3A_167 : memref<10000x128xf32, #tpu.memory_space<hbm>>) target(%arg10 : memref<128x128xf32, #tpu.memory_space<vmem>>) offsets(%dma_start3A_164 : memref<128xi32, #tpu.memory_space<vmem>>) semaphore(%arg13 : memref<!tpu.dma_semaphore, #tpu.memory_space<semaphore_mem>>)
      } else {
      }
      %scan3A_159 = arith.constant 0 : i32
      scf.yield %scan3A_159 : i32
    }
    %scan3A_25 = arith.constant 8 : i32
    %mul3A_26 = arith.constant 80 : i32
    %mul3A_27 = arith.muli %add3A, %mul3A_26 : i32
    %add3A_28 = arith.constant 16 : i32
    %add3A_29 = arith.addi %mul3A_27, %add3A_28 : i32
    "tpu.region"() ({
      %run_scoped3A = tpu.sem_alloc : memref<!tpu.dma_semaphore, #tpu.memory_space<semaphore_mem>>
      %dma_start3A_127 = arith.constant 0 : i32
      %dma_start3A_128 = tpu.memref_slice %arg3[%add3A_29, %dma_start3A_127] : memref<2560x128xi32, #tpu.memory_space<hbm>> -> memref<16x128xi32, #tpu.memory_space<hbm>>
      %dma_start3A_129 = arith.constant 0 : i32
      %dma_start3A_130 = tpu.memref_slice %arg3[%add3A_29, %dma_start3A_129] : memref<2560x128xi32, #tpu.memory_space<hbm>> -> memref<16x128xi32, #tpu.memory_space<hbm>>
      tpu.enqueue_dma source(%dma_start3A_130 : memref<16x128xi32, #tpu.memory_space<hbm>>) target(%arg7 : memref<16x128xi32, #tpu.memory_space<vmem>>) target_semaphore(%run_scoped3A : memref<!tpu.dma_semaphore, #tpu.memory_space<semaphore_mem>>)
      %dma_wait3A = arith.constant 0 : i32
      %dma_wait3A_131 = tpu.memref_slice %arg3[%add3A_29, %dma_wait3A] : memref<2560x128xi32, #tpu.memory_space<hbm>> -> memref<16x128xi32, #tpu.memory_space<hbm>>
      %dma_wait3A_132 = arith.constant 0 : i32
      %dma_wait3A_133 = tpu.memref_slice %arg3[%add3A_29, %dma_wait3A_132] : memref<2560x128xi32, #tpu.memory_space<hbm>> -> memref<16x128xi32, #tpu.memory_space<hbm>>
      tpu.wait_dma2 semaphore(%run_scoped3A : memref<!tpu.dma_semaphore, #tpu.memory_space<semaphore_mem>>) src(%dma_wait3A_133 : memref<16x128xi32, #tpu.memory_space<hbm>>) dst(%arg7 : memref<16x128xi32, #tpu.memory_space<vmem>>)
      tpu.yield
    }) : () -> ()
    "tpu.region"() ({
      %run_scoped3A = tpu.sem_alloc : memref<!tpu.dma_semaphore, #tpu.memory_space<semaphore_mem>>
      %dma_start3A_127 = arith.constant 0 : i32
      %dma_start3A_128 = tpu.memref_slice %arg4[%add3A_29, %dma_start3A_127] : memref<2560x128xi32, #tpu.memory_space<hbm>> -> memref<16x128xi32, #tpu.memory_space<hbm>>
      %dma_start3A_129 = arith.constant 0 : i32
      %dma_start3A_130 = tpu.memref_slice %arg4[%add3A_29, %dma_start3A_129] : memref<2560x128xi32, #tpu.memory_space<hbm>> -> memref<16x128xi32, #tpu.memory_space<hbm>>
      tpu.enqueue_dma source(%dma_start3A_130 : memref<16x128xi32, #tpu.memory_space<hbm>>) target(%arg8 : memref<16x128xi32, #tpu.memory_space<vmem>>) target_semaphore(%run_scoped3A : memref<!tpu.dma_semaphore, #tpu.memory_space<semaphore_mem>>)
      %dma_wait3A = arith.constant 0 : i32
      %dma_wait3A_131 = tpu.memref_slice %arg4[%add3A_29, %dma_wait3A] : memref<2560x128xi32, #tpu.memory_space<hbm>> -> memref<16x128xi32, #tpu.memory_space<hbm>>
      %dma_wait3A_132 = arith.constant 0 : i32
      %dma_wait3A_133 = tpu.memref_slice %arg4[%add3A_29, %dma_wait3A_132] : memref<2560x128xi32, #tpu.memory_space<hbm>> -> memref<16x128xi32, #tpu.memory_space<hbm>>
      tpu.wait_dma2 semaphore(%run_scoped3A : memref<!tpu.dma_semaphore, #tpu.memory_space<semaphore_mem>>) src(%dma_wait3A_133 : memref<16x128xi32, #tpu.memory_space<hbm>>) dst(%arg8 : memref<16x128xi32, #tpu.memory_space<vmem>>)
      tpu.yield
    }) : () -> ()
    %dma_start3A_30 = arith.constant 0 : i32
    %dma_start3A_31 = arith.constant 0 : i32
    %dma_start3A_32 = tpu.memref_slice %arg7[%dma_start3A_30, %dma_start3A_31] : memref<16x128xi32, #tpu.memory_space<vmem>> -> memref<1x128xi32, #tpu.memory_space<vmem>>
    %dma_start3A_33 = tpu.memref_squeeze %dma_start3A_32 : memref<1x128xi32, #tpu.memory_space<vmem>> -> memref<128xi32, #tpu.memory_space<vmem>>
    %dma_start3A_34 = arith.constant 0 : i32
    %dma_start3A_35 = arith.constant 0 : i32
    %dma_start3A_36 = tpu.memref_slice %arg2[%dma_start3A_34, %dma_start3A_35] : memref<10000x128xf32, #tpu.memory_space<hbm>> -> memref<10000x128xf32, #tpu.memory_space<hbm>>
    tpu.enqueue_indirect_dma source(%dma_start3A_36 : memref<10000x128xf32, #tpu.memory_space<hbm>>) target(%arg9 : memref<128x128xf32, #tpu.memory_space<vmem>>) offsets(%dma_start3A_33 : memref<128xi32, #tpu.memory_space<vmem>>) semaphore(%arg12 : memref<!tpu.dma_semaphore, #tpu.memory_space<semaphore_mem>>)
    %dma_start3A_37 = arith.constant 1 : i32
    %dma_start3A_38 = arith.constant 0 : i32
    %dma_start3A_39 = tpu.memref_slice %arg7[%dma_start3A_37, %dma_start3A_38] : memref<16x128xi32, #tpu.memory_space<vmem>> -> memref<1x128xi32, #tpu.memory_space<vmem>>
    %dma_start3A_40 = tpu.memref_squeeze %dma_start3A_39 : memref<1x128xi32, #tpu.memory_space<vmem>> -> memref<128xi32, #tpu.memory_space<vmem>>
    %dma_start3A_41 = arith.constant 0 : i32
    %dma_start3A_42 = arith.constant 0 : i32
    %dma_start3A_43 = tpu.memref_slice %arg2[%dma_start3A_41, %dma_start3A_42] : memref<10000x128xf32, #tpu.memory_space<hbm>> -> memref<10000x128xf32, #tpu.memory_space<hbm>>
    tpu.enqueue_indirect_dma source(%dma_start3A_43 : memref<10000x128xf32, #tpu.memory_space<hbm>>) target(%arg10 : memref<128x128xf32, #tpu.memory_space<vmem>>) offsets(%dma_start3A_40 : memref<128xi32, #tpu.memory_space<vmem>>) semaphore(%arg13 : memref<!tpu.dma_semaphore, #tpu.memory_space<semaphore_mem>>)
    %scan3A_44 = arith.constant 0 : i32
    %scan3A_45 = arith.constant 0 : i32
    %scan3A_46 = arith.constant 8 : i32
    %scan3A_47 = arith.addi %scan3A_45, %scan3A_46 : i32
    %scan3A_48 = arith.constant 1 : i32
    %scan3A_49 = scf.for %scan3A_127 = %scan3A_45 to %scan3A_47 step %scan3A_48 iter_args(%scan3A_128 = %scan3A_44) -> (i32)  : i32 {
      %mul3A_129 = arith.constant 2 : i32
      %mul3A_130 = arith.muli %scan3A_127, %mul3A_129 : i32
      %add3A_131 = arith.constant 0 : i32
      %add3A_132 = arith.addi %mul3A_130, %add3A_131 : i32
      %dma_wait3A = arith.constant 0 : i32
      %dma_wait3A_133 = tpu.memref_slice %arg7[%add3A_132, %dma_wait3A] : memref<16x128xi32, #tpu.memory_space<vmem>> -> memref<1x128xi32, #tpu.memory_space<vmem>>
      %dma_wait3A_134 = tpu.memref_squeeze %dma_wait3A_133 : memref<1x128xi32, #tpu.memory_space<vmem>> -> memref<128xi32, #tpu.memory_space<vmem>>
      %dma_wait3A_135 = arith.constant 0 : i32
      %dma_wait3A_136 = arith.constant 0 : i32
      %dma_wait3A_137 = tpu.memref_slice %arg2[%dma_wait3A_135, %dma_wait3A_136] : memref<10000x128xf32, #tpu.memory_space<hbm>> -> memref<10000x128xf32, #tpu.memory_space<hbm>>
      tpu.wait_indirect_dma semaphore(%arg12 : memref<!tpu.dma_semaphore, #tpu.memory_space<semaphore_mem>>) src(%dma_wait3A_137 : memref<10000x128xf32, #tpu.memory_space<hbm>>) dst(%arg9 : memref<128x128xf32, #tpu.memory_space<vmem>>)
      "tpu.region"() ({
        %run_scoped3A = tpu.sem_alloc : memref<!tpu.dma_semaphore, #tpu.memory_space<semaphore_mem>>
        %dma_start3A_160 = arith.constant 0 : i32
        %dma_start3A_161 = tpu.memref_slice %arg8[%add3A_132, %dma_start3A_160] : memref<16x128xi32, #tpu.memory_space<vmem>> -> memref<1x128xi32, #tpu.memory_space<vmem>>
        %dma_start3A_162 = tpu.memref_squeeze %dma_start3A_161 : memref<1x128xi32, #tpu.memory_space<vmem>> -> memref<128xi32, #tpu.memory_space<vmem>>
        %dma_start3A_163 = arith.constant 0 : i32
        %dma_start3A_164 = arith.constant 0 : i32
        %dma_start3A_165 = tpu.memref_slice %arg11[%dma_start3A_163, %dma_start3A_164] : memref<10240x128xf32, #tpu.memory_space<vmem_shared>> -> memref<10240x128xf32, #tpu.memory_space<vmem_shared>>
        tpu.enqueue_indirect_dma source(%arg9 : memref<128x128xf32, #tpu.memory_space<vmem>>) target(%dma_start3A_165 : memref<10240x128xf32, #tpu.memory_space<vmem_shared>>) offsets(%dma_start3A_162 : memref<128xi32, #tpu.memory_space<vmem>>) semaphore(%run_scoped3A : memref<!tpu.dma_semaphore, #tpu.memory_space<semaphore_mem>>) {add = true}
        %dma_wait3A_166 = arith.constant 0 : i32
        %dma_wait3A_167 = tpu.memref_slice %arg8[%add3A_132, %dma_wait3A_166] : memref<16x128xi32, #tpu.memory_space<vmem>> -> memref<1x128xi32, #tpu.memory_space<vmem>>
        %dma_wait3A_168 = tpu.memref_squeeze %dma_wait3A_167 : memref<1x128xi32, #tpu.memory_space<vmem>> -> memref<128xi32, #tpu.memory_space<vmem>>
        %dma_wait3A_169 = arith.constant 0 : i32
        %dma_wait3A_170 = arith.constant 0 : i32
        %dma_wait3A_171 = tpu.memref_slice %arg11[%dma_wait3A_169, %dma_wait3A_170] : memref<10240x128xf32, #tpu.memory_space<vmem_shared>> -> memref<10240x128xf32, #tpu.memory_space<vmem_shared>>
        tpu.wait_indirect_dma semaphore(%run_scoped3A : memref<!tpu.dma_semaphore, #tpu.memory_space<semaphore_mem>>) src(%arg9 : memref<128x128xf32, #tpu.memory_space<vmem>>) dst(%dma_wait3A_171 : memref<10240x128xf32, #tpu.memory_space<vmem_shared>>)
        tpu.yield
      }) : () -> ()
      %add3A_138 = arith.constant 2 : i32
      %add3A_139 = arith.addi %add3A_132, %add3A_138 : i32
      %lt3A = arith.constant 16 : i32
      %lt3A_140 = arith.cmpi slt, %add3A_139, %lt3A : i32
      %convert_element_type3A = arith.extui %lt3A_140 : i1 to i32
      %cond3A = arith.constant 0 : i32
      %cond3A_141 = arith.cmpi ne, %convert_element_type3A, %cond3A : i32
      scf.if %cond3A_141 {
        %add3A_160 = arith.constant 2 : i32
        %add3A_161 = arith.addi %add3A_132, %add3A_160 : i32
        %dma_start3A_162 = arith.constant 0 : i32
        %dma_start3A_163 = tpu.memref_slice %arg7[%add3A_161, %dma_start3A_162] : memref<16x128xi32, #tpu.memory_space<vmem>> -> memref<1x128xi32, #tpu.memory_space<vmem>>
        %dma_start3A_164 = tpu.memref_squeeze %dma_start3A_163 : memref<1x128xi32, #tpu.memory_space<vmem>> -> memref<128xi32, #tpu.memory_space<vmem>>
        %dma_start3A_165 = arith.constant 0 : i32
        %dma_start3A_166 = arith.constant 0 : i32
        %dma_start3A_167 = tpu.memref_slice %arg2[%dma_start3A_165, %dma_start3A_166] : memref<10000x128xf32, #tpu.memory_space<hbm>> -> memref<10000x128xf32, #tpu.memory_space<hbm>>
        tpu.enqueue_indirect_dma source(%dma_start3A_167 : memref<10000x128xf32, #tpu.memory_space<hbm>>) target(%arg9 : memref<128x128xf32, #tpu.memory_space<vmem>>) offsets(%dma_start3A_164 : memref<128xi32, #tpu.memory_space<vmem>>) semaphore(%arg12 : memref<!tpu.dma_semaphore, #tpu.memory_space<semaphore_mem>>)
      } else {
      }
      %mul3A_142 = arith.constant 2 : i32
      %mul3A_143 = arith.muli %scan3A_127, %mul3A_142 : i32
      %add3A_144 = arith.constant 1 : i32
      %add3A_145 = arith.addi %mul3A_143, %add3A_144 : i32
      %dma_wait3A_146 = arith.constant 0 : i32
      %dma_wait3A_147 = tpu.memref_slice %arg7[%add3A_145, %dma_wait3A_146] : memref<16x128xi32, #tpu.memory_space<vmem>> -> memref<1x128xi32, #tpu.memory_space<vmem>>
      %dma_wait3A_148 = tpu.memref_squeeze %dma_wait3A_147 : memref<1x128xi32, #tpu.memory_space<vmem>> -> memref<128xi32, #tpu.memory_space<vmem>>
      %dma_wait3A_149 = arith.constant 0 : i32
      %dma_wait3A_150 = arith.constant 0 : i32
      %dma_wait3A_151 = tpu.memref_slice %arg2[%dma_wait3A_149, %dma_wait3A_150] : memref<10000x128xf32, #tpu.memory_space<hbm>> -> memref<10000x128xf32, #tpu.memory_space<hbm>>
      tpu.wait_indirect_dma semaphore(%arg13 : memref<!tpu.dma_semaphore, #tpu.memory_space<semaphore_mem>>) src(%dma_wait3A_151 : memref<10000x128xf32, #tpu.memory_space<hbm>>) dst(%arg10 : memref<128x128xf32, #tpu.memory_space<vmem>>)
      "tpu.region"() ({
        %run_scoped3A = tpu.sem_alloc : memref<!tpu.dma_semaphore, #tpu.memory_space<semaphore_mem>>
        %dma_start3A_160 = arith.constant 0 : i32
        %dma_start3A_161 = tpu.memref_slice %arg8[%add3A_145, %dma_start3A_160] : memref<16x128xi32, #tpu.memory_space<vmem>> -> memref<1x128xi32, #tpu.memory_space<vmem>>
        %dma_start3A_162 = tpu.memref_squeeze %dma_start3A_161 : memref<1x128xi32, #tpu.memory_space<vmem>> -> memref<128xi32, #tpu.memory_space<vmem>>
        %dma_start3A_163 = arith.constant 0 : i32
        %dma_start3A_164 = arith.constant 0 : i32
        %dma_start3A_165 = tpu.memref_slice %arg11[%dma_start3A_163, %dma_start3A_164] : memref<10240x128xf32, #tpu.memory_space<vmem_shared>> -> memref<10240x128xf32, #tpu.memory_space<vmem_shared>>
        tpu.enqueue_indirect_dma source(%arg10 : memref<128x128xf32, #tpu.memory_space<vmem>>) target(%dma_start3A_165 : memref<10240x128xf32, #tpu.memory_space<vmem_shared>>) offsets(%dma_start3A_162 : memref<128xi32, #tpu.memory_space<vmem>>) semaphore(%run_scoped3A : memref<!tpu.dma_semaphore, #tpu.memory_space<semaphore_mem>>) {add = true}
        %dma_wait3A_166 = arith.constant 0 : i32
        %dma_wait3A_167 = tpu.memref_slice %arg8[%add3A_145, %dma_wait3A_166] : memref<16x128xi32, #tpu.memory_space<vmem>> -> memref<1x128xi32, #tpu.memory_space<vmem>>
        %dma_wait3A_168 = tpu.memref_squeeze %dma_wait3A_167 : memref<1x128xi32, #tpu.memory_space<vmem>> -> memref<128xi32, #tpu.memory_space<vmem>>
        %dma_wait3A_169 = arith.constant 0 : i32
        %dma_wait3A_170 = arith.constant 0 : i32
        %dma_wait3A_171 = tpu.memref_slice %arg11[%dma_wait3A_169, %dma_wait3A_170] : memref<10240x128xf32, #tpu.memory_space<vmem_shared>> -> memref<10240x128xf32, #tpu.memory_space<vmem_shared>>
        tpu.wait_indirect_dma semaphore(%run_scoped3A : memref<!tpu.dma_semaphore, #tpu.memory_space<semaphore_mem>>) src(%arg10 : memref<128x128xf32, #tpu.memory_space<vmem>>) dst(%dma_wait3A_171 : memref<10240x128xf32, #tpu.memory_space<vmem_shared>>)
        tpu.yield
      }) : () -> ()
      %add3A_152 = arith.constant 2 : i32
      %add3A_153 = arith.addi %add3A_145, %add3A_152 : i32
      %lt3A_154 = arith.constant 16 : i32
      %lt3A_155 = arith.cmpi slt, %add3A_153, %lt3A_154 : i32
      %convert_element_type3A_156 = arith.extui %lt3A_155 : i1 to i32
      %cond3A_157 = arith.constant 0 : i32
      %cond3A_158 = arith.cmpi ne, %convert_element_type3A_156, %cond3A_157 : i32
      scf.if %cond3A_158 {
        %add3A_160 = arith.constant 2 : i32
        %add3A_161 = arith.addi %add3A_145, %add3A_160 : i32
        %dma_start3A_162 = arith.constant 0 : i32
        %dma_start3A_163 = tpu.memref_slice %arg7[%add3A_161, %dma_start3A_162] : memref<16x128xi32, #tpu.memory_space<vmem>> -> memref<1x128xi32, #tpu.memory_space<vmem>>
        %dma_start3A_164 = tpu.memref_squeeze %dma_start3A_163 : memref<1x128xi32, #tpu.memory_space<vmem>> -> memref<128xi32, #tpu.memory_space<vmem>>
        %dma_start3A_165 = arith.constant 0 : i32
        %dma_start3A_166 = arith.constant 0 : i32
        %dma_start3A_167 = tpu.memref_slice %arg2[%dma_start3A_165, %dma_start3A_166] : memref<10000x128xf32, #tpu.memory_space<hbm>> -> memref<10000x128xf32, #tpu.memory_space<hbm>>
        tpu.enqueue_indirect_dma source(%dma_start3A_167 : memref<10000x128xf32, #tpu.memory_space<hbm>>) target(%arg10 : memref<128x128xf32, #tpu.memory_space<vmem>>) offsets(%dma_start3A_164 : memref<128xi32, #tpu.memory_space<vmem>>) semaphore(%arg13 : memref<!tpu.dma_semaphore, #tpu.memory_space<semaphore_mem>>)
      } else {
      }
      %scan3A_159 = arith.constant 0 : i32
      scf.yield %scan3A_159 : i32
    }
    %scan3A_50 = arith.constant 8 : i32
    %mul3A_51 = arith.constant 80 : i32
    %mul3A_52 = arith.muli %add3A, %mul3A_51 : i32
    %add3A_53 = arith.constant 32 : i32
    %add3A_54 = arith.addi %mul3A_52, %add3A_53 : i32
    "tpu.region"() ({
      %run_scoped3A = tpu.sem_alloc : memref<!tpu.dma_semaphore, #tpu.memory_space<semaphore_mem>>
      %dma_start3A_127 = arith.constant 0 : i32
      %dma_start3A_128 = tpu.memref_slice %arg3[%add3A_54, %dma_start3A_127] : memref<2560x128xi32, #tpu.memory_space<hbm>> -> memref<16x128xi32, #tpu.memory_space<hbm>>
      %dma_start3A_129 = arith.constant 0 : i32
      %dma_start3A_130 = tpu.memref_slice %arg3[%add3A_54, %dma_start3A_129] : memref<2560x128xi32, #tpu.memory_space<hbm>> -> memref<16x128xi32, #tpu.memory_space<hbm>>
      tpu.enqueue_dma source(%dma_start3A_130 : memref<16x128xi32, #tpu.memory_space<hbm>>) target(%arg7 : memref<16x128xi32, #tpu.memory_space<vmem>>) target_semaphore(%run_scoped3A : memref<!tpu.dma_semaphore, #tpu.memory_space<semaphore_mem>>)
      %dma_wait3A = arith.constant 0 : i32
      %dma_wait3A_131 = tpu.memref_slice %arg3[%add3A_54, %dma_wait3A] : memref<2560x128xi32, #tpu.memory_space<hbm>> -> memref<16x128xi32, #tpu.memory_space<hbm>>
      %dma_wait3A_132 = arith.constant 0 : i32
      %dma_wait3A_133 = tpu.memref_slice %arg3[%add3A_54, %dma_wait3A_132] : memref<2560x128xi32, #tpu.memory_space<hbm>> -> memref<16x128xi32, #tpu.memory_space<hbm>>
      tpu.wait_dma2 semaphore(%run_scoped3A : memref<!tpu.dma_semaphore, #tpu.memory_space<semaphore_mem>>) src(%dma_wait3A_133 : memref<16x128xi32, #tpu.memory_space<hbm>>) dst(%arg7 : memref<16x128xi32, #tpu.memory_space<vmem>>)
      tpu.yield
    }) : () -> ()
    "tpu.region"() ({
      %run_scoped3A = tpu.sem_alloc : memref<!tpu.dma_semaphore, #tpu.memory_space<semaphore_mem>>
      %dma_start3A_127 = arith.constant 0 : i32
      %dma_start3A_128 = tpu.memref_slice %arg4[%add3A_54, %dma_start3A_127] : memref<2560x128xi32, #tpu.memory_space<hbm>> -> memref<16x128xi32, #tpu.memory_space<hbm>>
      %dma_start3A_129 = arith.constant 0 : i32
      %dma_start3A_130 = tpu.memref_slice %arg4[%add3A_54, %dma_start3A_129] : memref<2560x128xi32, #tpu.memory_space<hbm>> -> memref<16x128xi32, #tpu.memory_space<hbm>>
      tpu.enqueue_dma source(%dma_start3A_130 : memref<16x128xi32, #tpu.memory_space<hbm>>) target(%arg8 : memref<16x128xi32, #tpu.memory_space<vmem>>) target_semaphore(%run_scoped3A : memref<!tpu.dma_semaphore, #tpu.memory_space<semaphore_mem>>)
      %dma_wait3A = arith.constant 0 : i32
      %dma_wait3A_131 = tpu.memref_slice %arg4[%add3A_54, %dma_wait3A] : memref<2560x128xi32, #tpu.memory_space<hbm>> -> memref<16x128xi32, #tpu.memory_space<hbm>>
      %dma_wait3A_132 = arith.constant 0 : i32
      %dma_wait3A_133 = tpu.memref_slice %arg4[%add3A_54, %dma_wait3A_132] : memref<2560x128xi32, #tpu.memory_space<hbm>> -> memref<16x128xi32, #tpu.memory_space<hbm>>
      tpu.wait_dma2 semaphore(%run_scoped3A : memref<!tpu.dma_semaphore, #tpu.memory_space<semaphore_mem>>) src(%dma_wait3A_133 : memref<16x128xi32, #tpu.memory_space<hbm>>) dst(%arg8 : memref<16x128xi32, #tpu.memory_space<vmem>>)
      tpu.yield
    }) : () -> ()
    %dma_start3A_55 = arith.constant 0 : i32
    %dma_start3A_56 = arith.constant 0 : i32
    %dma_start3A_57 = tpu.memref_slice %arg7[%dma_start3A_55, %dma_start3A_56] : memref<16x128xi32, #tpu.memory_space<vmem>> -> memref<1x128xi32, #tpu.memory_space<vmem>>
    %dma_start3A_58 = tpu.memref_squeeze %dma_start3A_57 : memref<1x128xi32, #tpu.memory_space<vmem>> -> memref<128xi32, #tpu.memory_space<vmem>>
    %dma_start3A_59 = arith.constant 0 : i32
    %dma_start3A_60 = arith.constant 0 : i32
    %dma_start3A_61 = tpu.memref_slice %arg2[%dma_start3A_59, %dma_start3A_60] : memref<10000x128xf32, #tpu.memory_space<hbm>> -> memref<10000x128xf32, #tpu.memory_space<hbm>>
    tpu.enqueue_indirect_dma source(%dma_start3A_61 : memref<10000x128xf32, #tpu.memory_space<hbm>>) target(%arg9 : memref<128x128xf32, #tpu.memory_space<vmem>>) offsets(%dma_start3A_58 : memref<128xi32, #tpu.memory_space<vmem>>) semaphore(%arg12 : memref<!tpu.dma_semaphore, #tpu.memory_space<semaphore_mem>>)
    %dma_start3A_62 = arith.constant 1 : i32
    %dma_start3A_63 = arith.constant 0 : i32
    %dma_start3A_64 = tpu.memref_slice %arg7[%dma_start3A_62, %dma_start3A_63] : memref<16x128xi32, #tpu.memory_space<vmem>> -> memref<1x128xi32, #tpu.memory_space<vmem>>
    %dma_start3A_65 = tpu.memref_squeeze %dma_start3A_64 : memref<1x128xi32, #tpu.memory_space<vmem>> -> memref<128xi32, #tpu.memory_space<vmem>>
    %dma_start3A_66 = arith.constant 0 : i32
    %dma_start3A_67 = arith.constant 0 : i32
    %dma_start3A_68 = tpu.memref_slice %arg2[%dma_start3A_66, %dma_start3A_67] : memref<10000x128xf32, #tpu.memory_space<hbm>> -> memref<10000x128xf32, #tpu.memory_space<hbm>>
    tpu.enqueue_indirect_dma source(%dma_start3A_68 : memref<10000x128xf32, #tpu.memory_space<hbm>>) target(%arg10 : memref<128x128xf32, #tpu.memory_space<vmem>>) offsets(%dma_start3A_65 : memref<128xi32, #tpu.memory_space<vmem>>) semaphore(%arg13 : memref<!tpu.dma_semaphore, #tpu.memory_space<semaphore_mem>>)
    %scan3A_69 = arith.constant 0 : i32
    %scan3A_70 = arith.constant 0 : i32
    %scan3A_71 = arith.constant 8 : i32
    %scan3A_72 = arith.addi %scan3A_70, %scan3A_71 : i32
    %scan3A_73 = arith.constant 1 : i32
    %scan3A_74 = scf.for %scan3A_127 = %scan3A_70 to %scan3A_72 step %scan3A_73 iter_args(%scan3A_128 = %scan3A_69) -> (i32)  : i32 {
      %mul3A_129 = arith.constant 2 : i32
      %mul3A_130 = arith.muli %scan3A_127, %mul3A_129 : i32
      %add3A_131 = arith.constant 0 : i32
      %add3A_132 = arith.addi %mul3A_130, %add3A_131 : i32
      %dma_wait3A = arith.constant 0 : i32
      %dma_wait3A_133 = tpu.memref_slice %arg7[%add3A_132, %dma_wait3A] : memref<16x128xi32, #tpu.memory_space<vmem>> -> memref<1x128xi32, #tpu.memory_space<vmem>>
      %dma_wait3A_134 = tpu.memref_squeeze %dma_wait3A_133 : memref<1x128xi32, #tpu.memory_space<vmem>> -> memref<128xi32, #tpu.memory_space<vmem>>
      %dma_wait3A_135 = arith.constant 0 : i32
      %dma_wait3A_136 = arith.constant 0 : i32
      %dma_wait3A_137 = tpu.memref_slice %arg2[%dma_wait3A_135, %dma_wait3A_136] : memref<10000x128xf32, #tpu.memory_space<hbm>> -> memref<10000x128xf32, #tpu.memory_space<hbm>>
      tpu.wait_indirect_dma semaphore(%arg12 : memref<!tpu.dma_semaphore, #tpu.memory_space<semaphore_mem>>) src(%dma_wait3A_137 : memref<10000x128xf32, #tpu.memory_space<hbm>>) dst(%arg9 : memref<128x128xf32, #tpu.memory_space<vmem>>)
      "tpu.region"() ({
        %run_scoped3A = tpu.sem_alloc : memref<!tpu.dma_semaphore, #tpu.memory_space<semaphore_mem>>
        %dma_start3A_160 = arith.constant 0 : i32
        %dma_start3A_161 = tpu.memref_slice %arg8[%add3A_132, %dma_start3A_160] : memref<16x128xi32, #tpu.memory_space<vmem>> -> memref<1x128xi32, #tpu.memory_space<vmem>>
        %dma_start3A_162 = tpu.memref_squeeze %dma_start3A_161 : memref<1x128xi32, #tpu.memory_space<vmem>> -> memref<128xi32, #tpu.memory_space<vmem>>
        %dma_start3A_163 = arith.constant 0 : i32
        %dma_start3A_164 = arith.constant 0 : i32
        %dma_start3A_165 = tpu.memref_slice %arg11[%dma_start3A_163, %dma_start3A_164] : memref<10240x128xf32, #tpu.memory_space<vmem_shared>> -> memref<10240x128xf32, #tpu.memory_space<vmem_shared>>
        tpu.enqueue_indirect_dma source(%arg9 : memref<128x128xf32, #tpu.memory_space<vmem>>) target(%dma_start3A_165 : memref<10240x128xf32, #tpu.memory_space<vmem_shared>>) offsets(%dma_start3A_162 : memref<128xi32, #tpu.memory_space<vmem>>) semaphore(%run_scoped3A : memref<!tpu.dma_semaphore, #tpu.memory_space<semaphore_mem>>) {add = true}
        %dma_wait3A_166 = arith.constant 0 : i32
        %dma_wait3A_167 = tpu.memref_slice %arg8[%add3A_132, %dma_wait3A_166] : memref<16x128xi32, #tpu.memory_space<vmem>> -> memref<1x128xi32, #tpu.memory_space<vmem>>
        %dma_wait3A_168 = tpu.memref_squeeze %dma_wait3A_167 : memref<1x128xi32, #tpu.memory_space<vmem>> -> memref<128xi32, #tpu.memory_space<vmem>>
        %dma_wait3A_169 = arith.constant 0 : i32
        %dma_wait3A_170 = arith.constant 0 : i32
        %dma_wait3A_171 = tpu.memref_slice %arg11[%dma_wait3A_169, %dma_wait3A_170] : memref<10240x128xf32, #tpu.memory_space<vmem_shared>> -> memref<10240x128xf32, #tpu.memory_space<vmem_shared>>
        tpu.wait_indirect_dma semaphore(%run_scoped3A : memref<!tpu.dma_semaphore, #tpu.memory_space<semaphore_mem>>) src(%arg9 : memref<128x128xf32, #tpu.memory_space<vmem>>) dst(%dma_wait3A_171 : memref<10240x128xf32, #tpu.memory_space<vmem_shared>>)
        tpu.yield
      }) : () -> ()
      %add3A_138 = arith.constant 2 : i32
      %add3A_139 = arith.addi %add3A_132, %add3A_138 : i32
      %lt3A = arith.constant 16 : i32
      %lt3A_140 = arith.cmpi slt, %add3A_139, %lt3A : i32
      %convert_element_type3A = arith.extui %lt3A_140 : i1 to i32
      %cond3A = arith.constant 0 : i32
      %cond3A_141 = arith.cmpi ne, %convert_element_type3A, %cond3A : i32
      scf.if %cond3A_141 {
        %add3A_160 = arith.constant 2 : i32
        %add3A_161 = arith.addi %add3A_132, %add3A_160 : i32
        %dma_start3A_162 = arith.constant 0 : i32
        %dma_start3A_163 = tpu.memref_slice %arg7[%add3A_161, %dma_start3A_162] : memref<16x128xi32, #tpu.memory_space<vmem>> -> memref<1x128xi32, #tpu.memory_space<vmem>>
        %dma_start3A_164 = tpu.memref_squeeze %dma_start3A_163 : memref<1x128xi32, #tpu.memory_space<vmem>> -> memref<128xi32, #tpu.memory_space<vmem>>
        %dma_start3A_165 = arith.constant 0 : i32
        %dma_start3A_166 = arith.constant 0 : i32
        %dma_start3A_167 = tpu.memref_slice %arg2[%dma_start3A_165, %dma_start3A_166] : memref<10000x128xf32, #tpu.memory_space<hbm>> -> memref<10000x128xf32, #tpu.memory_space<hbm>>
        tpu.enqueue_indirect_dma source(%dma_start3A_167 : memref<10000x128xf32, #tpu.memory_space<hbm>>) target(%arg9 : memref<128x128xf32, #tpu.memory_space<vmem>>) offsets(%dma_start3A_164 : memref<128xi32, #tpu.memory_space<vmem>>) semaphore(%arg12 : memref<!tpu.dma_semaphore, #tpu.memory_space<semaphore_mem>>)
      } else {
      }
      %mul3A_142 = arith.constant 2 : i32
      %mul3A_143 = arith.muli %scan3A_127, %mul3A_142 : i32
      %add3A_144 = arith.constant 1 : i32
      %add3A_145 = arith.addi %mul3A_143, %add3A_144 : i32
      %dma_wait3A_146 = arith.constant 0 : i32
      %dma_wait3A_147 = tpu.memref_slice %arg7[%add3A_145, %dma_wait3A_146] : memref<16x128xi32, #tpu.memory_space<vmem>> -> memref<1x128xi32, #tpu.memory_space<vmem>>
      %dma_wait3A_148 = tpu.memref_squeeze %dma_wait3A_147 : memref<1x128xi32, #tpu.memory_space<vmem>> -> memref<128xi32, #tpu.memory_space<vmem>>
      %dma_wait3A_149 = arith.constant 0 : i32
      %dma_wait3A_150 = arith.constant 0 : i32
      %dma_wait3A_151 = tpu.memref_slice %arg2[%dma_wait3A_149, %dma_wait3A_150] : memref<10000x128xf32, #tpu.memory_space<hbm>> -> memref<10000x128xf32, #tpu.memory_space<hbm>>
      tpu.wait_indirect_dma semaphore(%arg13 : memref<!tpu.dma_semaphore, #tpu.memory_space<semaphore_mem>>) src(%dma_wait3A_151 : memref<10000x128xf32, #tpu.memory_space<hbm>>) dst(%arg10 : memref<128x128xf32, #tpu.memory_space<vmem>>)
      "tpu.region"() ({
        %run_scoped3A = tpu.sem_alloc : memref<!tpu.dma_semaphore, #tpu.memory_space<semaphore_mem>>
        %dma_start3A_160 = arith.constant 0 : i32
        %dma_start3A_161 = tpu.memref_slice %arg8[%add3A_145, %dma_start3A_160] : memref<16x128xi32, #tpu.memory_space<vmem>> -> memref<1x128xi32, #tpu.memory_space<vmem>>
        %dma_start3A_162 = tpu.memref_squeeze %dma_start3A_161 : memref<1x128xi32, #tpu.memory_space<vmem>> -> memref<128xi32, #tpu.memory_space<vmem>>
        %dma_start3A_163 = arith.constant 0 : i32
        %dma_start3A_164 = arith.constant 0 : i32
        %dma_start3A_165 = tpu.memref_slice %arg11[%dma_start3A_163, %dma_start3A_164] : memref<10240x128xf32, #tpu.memory_space<vmem_shared>> -> memref<10240x128xf32, #tpu.memory_space<vmem_shared>>
        tpu.enqueue_indirect_dma source(%arg10 : memref<128x128xf32, #tpu.memory_space<vmem>>) target(%dma_start3A_165 : memref<10240x128xf32, #tpu.memory_space<vmem_shared>>) offsets(%dma_start3A_162 : memref<128xi32, #tpu.memory_space<vmem>>) semaphore(%run_scoped3A : memref<!tpu.dma_semaphore, #tpu.memory_space<semaphore_mem>>) {add = true}
        %dma_wait3A_166 = arith.constant 0 : i32
        %dma_wait3A_167 = tpu.memref_slice %arg8[%add3A_145, %dma_wait3A_166] : memref<16x128xi32, #tpu.memory_space<vmem>> -> memref<1x128xi32, #tpu.memory_space<vmem>>
        %dma_wait3A_168 = tpu.memref_squeeze %dma_wait3A_167 : memref<1x128xi32, #tpu.memory_space<vmem>> -> memref<128xi32, #tpu.memory_space<vmem>>
        %dma_wait3A_169 = arith.constant 0 : i32
        %dma_wait3A_170 = arith.constant 0 : i32
        %dma_wait3A_171 = tpu.memref_slice %arg11[%dma_wait3A_169, %dma_wait3A_170] : memref<10240x128xf32, #tpu.memory_space<vmem_shared>> -> memref<10240x128xf32, #tpu.memory_space<vmem_shared>>
        tpu.wait_indirect_dma semaphore(%run_scoped3A : memref<!tpu.dma_semaphore, #tpu.memory_space<semaphore_mem>>) src(%arg10 : memref<128x128xf32, #tpu.memory_space<vmem>>) dst(%dma_wait3A_171 : memref<10240x128xf32, #tpu.memory_space<vmem_shared>>)
        tpu.yield
      }) : () -> ()
      %add3A_152 = arith.constant 2 : i32
      %add3A_153 = arith.addi %add3A_145, %add3A_152 : i32
      %lt3A_154 = arith.constant 16 : i32
      %lt3A_155 = arith.cmpi slt, %add3A_153, %lt3A_154 : i32
      %convert_element_type3A_156 = arith.extui %lt3A_155 : i1 to i32
      %cond3A_157 = arith.constant 0 : i32
      %cond3A_158 = arith.cmpi ne, %convert_element_type3A_156, %cond3A_157 : i32
      scf.if %cond3A_158 {
        %add3A_160 = arith.constant 2 : i32
        %add3A_161 = arith.addi %add3A_145, %add3A_160 : i32
        %dma_start3A_162 = arith.constant 0 : i32
        %dma_start3A_163 = tpu.memref_slice %arg7[%add3A_161, %dma_start3A_162] : memref<16x128xi32, #tpu.memory_space<vmem>> -> memref<1x128xi32, #tpu.memory_space<vmem>>
        %dma_start3A_164 = tpu.memref_squeeze %dma_start3A_163 : memref<1x128xi32, #tpu.memory_space<vmem>> -> memref<128xi32, #tpu.memory_space<vmem>>
        %dma_start3A_165 = arith.constant 0 : i32
        %dma_start3A_166 = arith.constant 0 : i32
        %dma_start3A_167 = tpu.memref_slice %arg2[%dma_start3A_165, %dma_start3A_166] : memref<10000x128xf32, #tpu.memory_space<hbm>> -> memref<10000x128xf32, #tpu.memory_space<hbm>>
        tpu.enqueue_indirect_dma source(%dma_start3A_167 : memref<10000x128xf32, #tpu.memory_space<hbm>>) target(%arg10 : memref<128x128xf32, #tpu.memory_space<vmem>>) offsets(%dma_start3A_164 : memref<128xi32, #tpu.memory_space<vmem>>) semaphore(%arg13 : memref<!tpu.dma_semaphore, #tpu.memory_space<semaphore_mem>>)
      } else {
      }
      %scan3A_159 = arith.constant 0 : i32
      scf.yield %scan3A_159 : i32
    }
    %scan3A_75 = arith.constant 8 : i32
    %mul3A_76 = arith.constant 80 : i32
    %mul3A_77 = arith.muli %add3A, %mul3A_76 : i32
    %add3A_78 = arith.constant 48 : i32
    %add3A_79 = arith.addi %mul3A_77, %add3A_78 : i32
    "tpu.region"() ({
      %run_scoped3A = tpu.sem_alloc : memref<!tpu.dma_semaphore, #tpu.memory_space<semaphore_mem>>
      %dma_start3A_127 = arith.constant 0 : i32
      %dma_start3A_128 = tpu.memref_slice %arg3[%add3A_79, %dma_start3A_127] : memref<2560x128xi32, #tpu.memory_space<hbm>> -> memref<16x128xi32, #tpu.memory_space<hbm>>
      %dma_start3A_129 = arith.constant 0 : i32
      %dma_start3A_130 = tpu.memref_slice %arg3[%add3A_79, %dma_start3A_129] : memref<2560x128xi32, #tpu.memory_space<hbm>> -> memref<16x128xi32, #tpu.memory_space<hbm>>
      tpu.enqueue_dma source(%dma_start3A_130 : memref<16x128xi32, #tpu.memory_space<hbm>>) target(%arg7 : memref<16x128xi32, #tpu.memory_space<vmem>>) target_semaphore(%run_scoped3A : memref<!tpu.dma_semaphore, #tpu.memory_space<semaphore_mem>>)
      %dma_wait3A = arith.constant 0 : i32
      %dma_wait3A_131 = tpu.memref_slice %arg3[%add3A_79, %dma_wait3A] : memref<2560x128xi32, #tpu.memory_space<hbm>> -> memref<16x128xi32, #tpu.memory_space<hbm>>
      %dma_wait3A_132 = arith.constant 0 : i32
      %dma_wait3A_133 = tpu.memref_slice %arg3[%add3A_79, %dma_wait3A_132] : memref<2560x128xi32, #tpu.memory_space<hbm>> -> memref<16x128xi32, #tpu.memory_space<hbm>>
      tpu.wait_dma2 semaphore(%run_scoped3A : memref<!tpu.dma_semaphore, #tpu.memory_space<semaphore_mem>>) src(%dma_wait3A_133 : memref<16x128xi32, #tpu.memory_space<hbm>>) dst(%arg7 : memref<16x128xi32, #tpu.memory_space<vmem>>)
      tpu.yield
    }) : () -> ()
    "tpu.region"() ({
      %run_scoped3A = tpu.sem_alloc : memref<!tpu.dma_semaphore, #tpu.memory_space<semaphore_mem>>
      %dma_start3A_127 = arith.constant 0 : i32
      %dma_start3A_128 = tpu.memref_slice %arg4[%add3A_79, %dma_start3A_127] : memref<2560x128xi32, #tpu.memory_space<hbm>> -> memref<16x128xi32, #tpu.memory_space<hbm>>
      %dma_start3A_129 = arith.constant 0 : i32
      %dma_start3A_130 = tpu.memref_slice %arg4[%add3A_79, %dma_start3A_129] : memref<2560x128xi32, #tpu.memory_space<hbm>> -> memref<16x128xi32, #tpu.memory_space<hbm>>
      tpu.enqueue_dma source(%dma_start3A_130 : memref<16x128xi32, #tpu.memory_space<hbm>>) target(%arg8 : memref<16x128xi32, #tpu.memory_space<vmem>>) target_semaphore(%run_scoped3A : memref<!tpu.dma_semaphore, #tpu.memory_space<semaphore_mem>>)
      %dma_wait3A = arith.constant 0 : i32
      %dma_wait3A_131 = tpu.memref_slice %arg4[%add3A_79, %dma_wait3A] : memref<2560x128xi32, #tpu.memory_space<hbm>> -> memref<16x128xi32, #tpu.memory_space<hbm>>
      %dma_wait3A_132 = arith.constant 0 : i32
      %dma_wait3A_133 = tpu.memref_slice %arg4[%add3A_79, %dma_wait3A_132] : memref<2560x128xi32, #tpu.memory_space<hbm>> -> memref<16x128xi32, #tpu.memory_space<hbm>>
      tpu.wait_dma2 semaphore(%run_scoped3A : memref<!tpu.dma_semaphore, #tpu.memory_space<semaphore_mem>>) src(%dma_wait3A_133 : memref<16x128xi32, #tpu.memory_space<hbm>>) dst(%arg8 : memref<16x128xi32, #tpu.memory_space<vmem>>)
      tpu.yield
    }) : () -> ()
    %dma_start3A_80 = arith.constant 0 : i32
    %dma_start3A_81 = arith.constant 0 : i32
    %dma_start3A_82 = tpu.memref_slice %arg7[%dma_start3A_80, %dma_start3A_81] : memref<16x128xi32, #tpu.memory_space<vmem>> -> memref<1x128xi32, #tpu.memory_space<vmem>>
    %dma_start3A_83 = tpu.memref_squeeze %dma_start3A_82 : memref<1x128xi32, #tpu.memory_space<vmem>> -> memref<128xi32, #tpu.memory_space<vmem>>
    %dma_start3A_84 = arith.constant 0 : i32
    %dma_start3A_85 = arith.constant 0 : i32
    %dma_start3A_86 = tpu.memref_slice %arg2[%dma_start3A_84, %dma_start3A_85] : memref<10000x128xf32, #tpu.memory_space<hbm>> -> memref<10000x128xf32, #tpu.memory_space<hbm>>
    tpu.enqueue_indirect_dma source(%dma_start3A_86 : memref<10000x128xf32, #tpu.memory_space<hbm>>) target(%arg9 : memref<128x128xf32, #tpu.memory_space<vmem>>) offsets(%dma_start3A_83 : memref<128xi32, #tpu.memory_space<vmem>>) semaphore(%arg12 : memref<!tpu.dma_semaphore, #tpu.memory_space<semaphore_mem>>)
    %dma_start3A_87 = arith.constant 1 : i32
    %dma_start3A_88 = arith.constant 0 : i32
    %dma_start3A_89 = tpu.memref_slice %arg7[%dma_start3A_87, %dma_start3A_88] : memref<16x128xi32, #tpu.memory_space<vmem>> -> memref<1x128xi32, #tpu.memory_space<vmem>>
    %dma_start3A_90 = tpu.memref_squeeze %dma_start3A_89 : memref<1x128xi32, #tpu.memory_space<vmem>> -> memref<128xi32, #tpu.memory_space<vmem>>
    %dma_start3A_91 = arith.constant 0 : i32
    %dma_start3A_92 = arith.constant 0 : i32
    %dma_start3A_93 = tpu.memref_slice %arg2[%dma_start3A_91, %dma_start3A_92] : memref<10000x128xf32, #tpu.memory_space<hbm>> -> memref<10000x128xf32, #tpu.memory_space<hbm>>
    tpu.enqueue_indirect_dma source(%dma_start3A_93 : memref<10000x128xf32, #tpu.memory_space<hbm>>) target(%arg10 : memref<128x128xf32, #tpu.memory_space<vmem>>) offsets(%dma_start3A_90 : memref<128xi32, #tpu.memory_space<vmem>>) semaphore(%arg13 : memref<!tpu.dma_semaphore, #tpu.memory_space<semaphore_mem>>)
    %scan3A_94 = arith.constant 0 : i32
    %scan3A_95 = arith.constant 0 : i32
    %scan3A_96 = arith.constant 8 : i32
    %scan3A_97 = arith.addi %scan3A_95, %scan3A_96 : i32
    %scan3A_98 = arith.constant 1 : i32
    %scan3A_99 = scf.for %scan3A_127 = %scan3A_95 to %scan3A_97 step %scan3A_98 iter_args(%scan3A_128 = %scan3A_94) -> (i32)  : i32 {
      %mul3A_129 = arith.constant 2 : i32
      %mul3A_130 = arith.muli %scan3A_127, %mul3A_129 : i32
      %add3A_131 = arith.constant 0 : i32
      %add3A_132 = arith.addi %mul3A_130, %add3A_131 : i32
      %dma_wait3A = arith.constant 0 : i32
      %dma_wait3A_133 = tpu.memref_slice %arg7[%add3A_132, %dma_wait3A] : memref<16x128xi32, #tpu.memory_space<vmem>> -> memref<1x128xi32, #tpu.memory_space<vmem>>
      %dma_wait3A_134 = tpu.memref_squeeze %dma_wait3A_133 : memref<1x128xi32, #tpu.memory_space<vmem>> -> memref<128xi32, #tpu.memory_space<vmem>>
      %dma_wait3A_135 = arith.constant 0 : i32
      %dma_wait3A_136 = arith.constant 0 : i32
      %dma_wait3A_137 = tpu.memref_slice %arg2[%dma_wait3A_135, %dma_wait3A_136] : memref<10000x128xf32, #tpu.memory_space<hbm>> -> memref<10000x128xf32, #tpu.memory_space<hbm>>
      tpu.wait_indirect_dma semaphore(%arg12 : memref<!tpu.dma_semaphore, #tpu.memory_space<semaphore_mem>>) src(%dma_wait3A_137 : memref<10000x128xf32, #tpu.memory_space<hbm>>) dst(%arg9 : memref<128x128xf32, #tpu.memory_space<vmem>>)
      "tpu.region"() ({
        %run_scoped3A = tpu.sem_alloc : memref<!tpu.dma_semaphore, #tpu.memory_space<semaphore_mem>>
        %dma_start3A_160 = arith.constant 0 : i32
        %dma_start3A_161 = tpu.memref_slice %arg8[%add3A_132, %dma_start3A_160] : memref<16x128xi32, #tpu.memory_space<vmem>> -> memref<1x128xi32, #tpu.memory_space<vmem>>
        %dma_start3A_162 = tpu.memref_squeeze %dma_start3A_161 : memref<1x128xi32, #tpu.memory_space<vmem>> -> memref<128xi32, #tpu.memory_space<vmem>>
        %dma_start3A_163 = arith.constant 0 : i32
        %dma_start3A_164 = arith.constant 0 : i32
        %dma_start3A_165 = tpu.memref_slice %arg11[%dma_start3A_163, %dma_start3A_164] : memref<10240x128xf32, #tpu.memory_space<vmem_shared>> -> memref<10240x128xf32, #tpu.memory_space<vmem_shared>>
        tpu.enqueue_indirect_dma source(%arg9 : memref<128x128xf32, #tpu.memory_space<vmem>>) target(%dma_start3A_165 : memref<10240x128xf32, #tpu.memory_space<vmem_shared>>) offsets(%dma_start3A_162 : memref<128xi32, #tpu.memory_space<vmem>>) semaphore(%run_scoped3A : memref<!tpu.dma_semaphore, #tpu.memory_space<semaphore_mem>>) {add = true}
        %dma_wait3A_166 = arith.constant 0 : i32
        %dma_wait3A_167 = tpu.memref_slice %arg8[%add3A_132, %dma_wait3A_166] : memref<16x128xi32, #tpu.memory_space<vmem>> -> memref<1x128xi32, #tpu.memory_space<vmem>>
        %dma_wait3A_168 = tpu.memref_squeeze %dma_wait3A_167 : memref<1x128xi32, #tpu.memory_space<vmem>> -> memref<128xi32, #tpu.memory_space<vmem>>
        %dma_wait3A_169 = arith.constant 0 : i32
        %dma_wait3A_170 = arith.constant 0 : i32
        %dma_wait3A_171 = tpu.memref_slice %arg11[%dma_wait3A_169, %dma_wait3A_170] : memref<10240x128xf32, #tpu.memory_space<vmem_shared>> -> memref<10240x128xf32, #tpu.memory_space<vmem_shared>>
        tpu.wait_indirect_dma semaphore(%run_scoped3A : memref<!tpu.dma_semaphore, #tpu.memory_space<semaphore_mem>>) src(%arg9 : memref<128x128xf32, #tpu.memory_space<vmem>>) dst(%dma_wait3A_171 : memref<10240x128xf32, #tpu.memory_space<vmem_shared>>)
        tpu.yield
      }) : () -> ()
      %add3A_138 = arith.constant 2 : i32
      %add3A_139 = arith.addi %add3A_132, %add3A_138 : i32
      %lt3A = arith.constant 16 : i32
      %lt3A_140 = arith.cmpi slt, %add3A_139, %lt3A : i32
      %convert_element_type3A = arith.extui %lt3A_140 : i1 to i32
      %cond3A = arith.constant 0 : i32
      %cond3A_141 = arith.cmpi ne, %convert_element_type3A, %cond3A : i32
      scf.if %cond3A_141 {
        %add3A_160 = arith.constant 2 : i32
        %add3A_161 = arith.addi %add3A_132, %add3A_160 : i32
        %dma_start3A_162 = arith.constant 0 : i32
        %dma_start3A_163 = tpu.memref_slice %arg7[%add3A_161, %dma_start3A_162] : memref<16x128xi32, #tpu.memory_space<vmem>> -> memref<1x128xi32, #tpu.memory_space<vmem>>
        %dma_start3A_164 = tpu.memref_squeeze %dma_start3A_163 : memref<1x128xi32, #tpu.memory_space<vmem>> -> memref<128xi32, #tpu.memory_space<vmem>>
        %dma_start3A_165 = arith.constant 0 : i32
        %dma_start3A_166 = arith.constant 0 : i32
        %dma_start3A_167 = tpu.memref_slice %arg2[%dma_start3A_165, %dma_start3A_166] : memref<10000x128xf32, #tpu.memory_space<hbm>> -> memref<10000x128xf32, #tpu.memory_space<hbm>>
        tpu.enqueue_indirect_dma source(%dma_start3A_167 : memref<10000x128xf32, #tpu.memory_space<hbm>>) target(%arg9 : memref<128x128xf32, #tpu.memory_space<vmem>>) offsets(%dma_start3A_164 : memref<128xi32, #tpu.memory_space<vmem>>) semaphore(%arg12 : memref<!tpu.dma_semaphore, #tpu.memory_space<semaphore_mem>>)
      } else {
      }
      %mul3A_142 = arith.constant 2 : i32
      %mul3A_143 = arith.muli %scan3A_127, %mul3A_142 : i32
      %add3A_144 = arith.constant 1 : i32
      %add3A_145 = arith.addi %mul3A_143, %add3A_144 : i32
      %dma_wait3A_146 = arith.constant 0 : i32
      %dma_wait3A_147 = tpu.memref_slice %arg7[%add3A_145, %dma_wait3A_146] : memref<16x128xi32, #tpu.memory_space<vmem>> -> memref<1x128xi32, #tpu.memory_space<vmem>>
      %dma_wait3A_148 = tpu.memref_squeeze %dma_wait3A_147 : memref<1x128xi32, #tpu.memory_space<vmem>> -> memref<128xi32, #tpu.memory_space<vmem>>
      %dma_wait3A_149 = arith.constant 0 : i32
      %dma_wait3A_150 = arith.constant 0 : i32
      %dma_wait3A_151 = tpu.memref_slice %arg2[%dma_wait3A_149, %dma_wait3A_150] : memref<10000x128xf32, #tpu.memory_space<hbm>> -> memref<10000x128xf32, #tpu.memory_space<hbm>>
      tpu.wait_indirect_dma semaphore(%arg13 : memref<!tpu.dma_semaphore, #tpu.memory_space<semaphore_mem>>) src(%dma_wait3A_151 : memref<10000x128xf32, #tpu.memory_space<hbm>>) dst(%arg10 : memref<128x128xf32, #tpu.memory_space<vmem>>)
      "tpu.region"() ({
        %run_scoped3A = tpu.sem_alloc : memref<!tpu.dma_semaphore, #tpu.memory_space<semaphore_mem>>
        %dma_start3A_160 = arith.constant 0 : i32
        %dma_start3A_161 = tpu.memref_slice %arg8[%add3A_145, %dma_start3A_160] : memref<16x128xi32, #tpu.memory_space<vmem>> -> memref<1x128xi32, #tpu.memory_space<vmem>>
        %dma_start3A_162 = tpu.memref_squeeze %dma_start3A_161 : memref<1x128xi32, #tpu.memory_space<vmem>> -> memref<128xi32, #tpu.memory_space<vmem>>
        %dma_start3A_163 = arith.constant 0 : i32
        %dma_start3A_164 = arith.constant 0 : i32
        %dma_start3A_165 = tpu.memref_slice %arg11[%dma_start3A_163, %dma_start3A_164] : memref<10240x128xf32, #tpu.memory_space<vmem_shared>> -> memref<10240x128xf32, #tpu.memory_space<vmem_shared>>
        tpu.enqueue_indirect_dma source(%arg10 : memref<128x128xf32, #tpu.memory_space<vmem>>) target(%dma_start3A_165 : memref<10240x128xf32, #tpu.memory_space<vmem_shared>>) offsets(%dma_start3A_162 : memref<128xi32, #tpu.memory_space<vmem>>) semaphore(%run_scoped3A : memref<!tpu.dma_semaphore, #tpu.memory_space<semaphore_mem>>) {add = true}
        %dma_wait3A_166 = arith.constant 0 : i32
        %dma_wait3A_167 = tpu.memref_slice %arg8[%add3A_145, %dma_wait3A_166] : memref<16x128xi32, #tpu.memory_space<vmem>> -> memref<1x128xi32, #tpu.memory_space<vmem>>
        %dma_wait3A_168 = tpu.memref_squeeze %dma_wait3A_167 : memref<1x128xi32, #tpu.memory_space<vmem>> -> memref<128xi32, #tpu.memory_space<vmem>>
        %dma_wait3A_169 = arith.constant 0 : i32
        %dma_wait3A_170 = arith.constant 0 : i32
        %dma_wait3A_171 = tpu.memref_slice %arg11[%dma_wait3A_169, %dma_wait3A_170] : memref<10240x128xf32, #tpu.memory_space<vmem_shared>> -> memref<10240x128xf32, #tpu.memory_space<vmem_shared>>
        tpu.wait_indirect_dma semaphore(%run_scoped3A : memref<!tpu.dma_semaphore, #tpu.memory_space<semaphore_mem>>) src(%arg10 : memref<128x128xf32, #tpu.memory_space<vmem>>) dst(%dma_wait3A_171 : memref<10240x128xf32, #tpu.memory_space<vmem_shared>>)
        tpu.yield
      }) : () -> ()
      %add3A_152 = arith.constant 2 : i32
      %add3A_153 = arith.addi %add3A_145, %add3A_152 : i32
      %lt3A_154 = arith.constant 16 : i32
      %lt3A_155 = arith.cmpi slt, %add3A_153, %lt3A_154 : i32
      %convert_element_type3A_156 = arith.extui %lt3A_155 : i1 to i32
      %cond3A_157 = arith.constant 0 : i32
      %cond3A_158 = arith.cmpi ne, %convert_element_type3A_156, %cond3A_157 : i32
      scf.if %cond3A_158 {
        %add3A_160 = arith.constant 2 : i32
        %add3A_161 = arith.addi %add3A_145, %add3A_160 : i32
        %dma_start3A_162 = arith.constant 0 : i32
        %dma_start3A_163 = tpu.memref_slice %arg7[%add3A_161, %dma_start3A_162] : memref<16x128xi32, #tpu.memory_space<vmem>> -> memref<1x128xi32, #tpu.memory_space<vmem>>
        %dma_start3A_164 = tpu.memref_squeeze %dma_start3A_163 : memref<1x128xi32, #tpu.memory_space<vmem>> -> memref<128xi32, #tpu.memory_space<vmem>>
        %dma_start3A_165 = arith.constant 0 : i32
        %dma_start3A_166 = arith.constant 0 : i32
        %dma_start3A_167 = tpu.memref_slice %arg2[%dma_start3A_165, %dma_start3A_166] : memref<10000x128xf32, #tpu.memory_space<hbm>> -> memref<10000x128xf32, #tpu.memory_space<hbm>>
        tpu.enqueue_indirect_dma source(%dma_start3A_167 : memref<10000x128xf32, #tpu.memory_space<hbm>>) target(%arg10 : memref<128x128xf32, #tpu.memory_space<vmem>>) offsets(%dma_start3A_164 : memref<128xi32, #tpu.memory_space<vmem>>) semaphore(%arg13 : memref<!tpu.dma_semaphore, #tpu.memory_space<semaphore_mem>>)
      } else {
      }
      %scan3A_159 = arith.constant 0 : i32
      scf.yield %scan3A_159 : i32
    }
    %scan3A_100 = arith.constant 8 : i32
    %mul3A_101 = arith.constant 80 : i32
    %mul3A_102 = arith.muli %add3A, %mul3A_101 : i32
    %add3A_103 = arith.constant 64 : i32
    %add3A_104 = arith.addi %mul3A_102, %add3A_103 : i32
    "tpu.region"() ({
      %run_scoped3A = tpu.sem_alloc : memref<!tpu.dma_semaphore, #tpu.memory_space<semaphore_mem>>
      %dma_start3A_127 = arith.constant 0 : i32
      %dma_start3A_128 = tpu.memref_slice %arg3[%add3A_104, %dma_start3A_127] : memref<2560x128xi32, #tpu.memory_space<hbm>> -> memref<16x128xi32, #tpu.memory_space<hbm>>
      %dma_start3A_129 = arith.constant 0 : i32
      %dma_start3A_130 = tpu.memref_slice %arg3[%add3A_104, %dma_start3A_129] : memref<2560x128xi32, #tpu.memory_space<hbm>> -> memref<16x128xi32, #tpu.memory_space<hbm>>
      tpu.enqueue_dma source(%dma_start3A_130 : memref<16x128xi32, #tpu.memory_space<hbm>>) target(%arg7 : memref<16x128xi32, #tpu.memory_space<vmem>>) target_semaphore(%run_scoped3A : memref<!tpu.dma_semaphore, #tpu.memory_space<semaphore_mem>>)
      %dma_wait3A = arith.constant 0 : i32
      %dma_wait3A_131 = tpu.memref_slice %arg3[%add3A_104, %dma_wait3A] : memref<2560x128xi32, #tpu.memory_space<hbm>> -> memref<16x128xi32, #tpu.memory_space<hbm>>
      %dma_wait3A_132 = arith.constant 0 : i32
      %dma_wait3A_133 = tpu.memref_slice %arg3[%add3A_104, %dma_wait3A_132] : memref<2560x128xi32, #tpu.memory_space<hbm>> -> memref<16x128xi32, #tpu.memory_space<hbm>>
      tpu.wait_dma2 semaphore(%run_scoped3A : memref<!tpu.dma_semaphore, #tpu.memory_space<semaphore_mem>>) src(%dma_wait3A_133 : memref<16x128xi32, #tpu.memory_space<hbm>>) dst(%arg7 : memref<16x128xi32, #tpu.memory_space<vmem>>)
      tpu.yield
    }) : () -> ()
    "tpu.region"() ({
      %run_scoped3A = tpu.sem_alloc : memref<!tpu.dma_semaphore, #tpu.memory_space<semaphore_mem>>
      %dma_start3A_127 = arith.constant 0 : i32
      %dma_start3A_128 = tpu.memref_slice %arg4[%add3A_104, %dma_start3A_127] : memref<2560x128xi32, #tpu.memory_space<hbm>> -> memref<16x128xi32, #tpu.memory_space<hbm>>
      %dma_start3A_129 = arith.constant 0 : i32
      %dma_start3A_130 = tpu.memref_slice %arg4[%add3A_104, %dma_start3A_129] : memref<2560x128xi32, #tpu.memory_space<hbm>> -> memref<16x128xi32, #tpu.memory_space<hbm>>
      tpu.enqueue_dma source(%dma_start3A_130 : memref<16x128xi32, #tpu.memory_space<hbm>>) target(%arg8 : memref<16x128xi32, #tpu.memory_space<vmem>>) target_semaphore(%run_scoped3A : memref<!tpu.dma_semaphore, #tpu.memory_space<semaphore_mem>>)
      %dma_wait3A = arith.constant 0 : i32
      %dma_wait3A_131 = tpu.memref_slice %arg4[%add3A_104, %dma_wait3A] : memref<2560x128xi32, #tpu.memory_space<hbm>> -> memref<16x128xi32, #tpu.memory_space<hbm>>
      %dma_wait3A_132 = arith.constant 0 : i32
      %dma_wait3A_133 = tpu.memref_slice %arg4[%add3A_104, %dma_wait3A_132] : memref<2560x128xi32, #tpu.memory_space<hbm>> -> memref<16x128xi32, #tpu.memory_space<hbm>>
      tpu.wait_dma2 semaphore(%run_scoped3A : memref<!tpu.dma_semaphore, #tpu.memory_space<semaphore_mem>>) src(%dma_wait3A_133 : memref<16x128xi32, #tpu.memory_space<hbm>>) dst(%arg8 : memref<16x128xi32, #tpu.memory_space<vmem>>)
      tpu.yield
    }) : () -> ()
    %dma_start3A_105 = arith.constant 0 : i32
    %dma_start3A_106 = arith.constant 0 : i32
    %dma_start3A_107 = tpu.memref_slice %arg7[%dma_start3A_105, %dma_start3A_106] : memref<16x128xi32, #tpu.memory_space<vmem>> -> memref<1x128xi32, #tpu.memory_space<vmem>>
    %dma_start3A_108 = tpu.memref_squeeze %dma_start3A_107 : memref<1x128xi32, #tpu.memory_space<vmem>> -> memref<128xi32, #tpu.memory_space<vmem>>
    %dma_start3A_109 = arith.constant 0 : i32
    %dma_start3A_110 = arith.constant 0 : i32
    %dma_start3A_111 = tpu.memref_slice %arg2[%dma_start3A_109, %dma_start3A_110] : memref<10000x128xf32, #tpu.memory_space<hbm>> -> memref<10000x128xf32, #tpu.memory_space<hbm>>
    tpu.enqueue_indirect_dma source(%dma_start3A_111 : memref<10000x128xf32, #tpu.memory_space<hbm>>) target(%arg9 : memref<128x128xf32, #tpu.memory_space<vmem>>) offsets(%dma_start3A_108 : memref<128xi32, #tpu.memory_space<vmem>>) semaphore(%arg12 : memref<!tpu.dma_semaphore, #tpu.memory_space<semaphore_mem>>)
    %dma_start3A_112 = arith.constant 1 : i32
    %dma_start3A_113 = arith.constant 0 : i32
    %dma_start3A_114 = tpu.memref_slice %arg7[%dma_start3A_112, %dma_start3A_113] : memref<16x128xi32, #tpu.memory_space<vmem>> -> memref<1x128xi32, #tpu.memory_space<vmem>>
    %dma_start3A_115 = tpu.memref_squeeze %dma_start3A_114 : memref<1x128xi32, #tpu.memory_space<vmem>> -> memref<128xi32, #tpu.memory_space<vmem>>
    %dma_start3A_116 = arith.constant 0 : i32
    %dma_start3A_117 = arith.constant 0 : i32
    %dma_start3A_118 = tpu.memref_slice %arg2[%dma_start3A_116, %dma_start3A_117] : memref<10000x128xf32, #tpu.memory_space<hbm>> -> memref<10000x128xf32, #tpu.memory_space<hbm>>
    tpu.enqueue_indirect_dma source(%dma_start3A_118 : memref<10000x128xf32, #tpu.memory_space<hbm>>) target(%arg10 : memref<128x128xf32, #tpu.memory_space<vmem>>) offsets(%dma_start3A_115 : memref<128xi32, #tpu.memory_space<vmem>>) semaphore(%arg13 : memref<!tpu.dma_semaphore, #tpu.memory_space<semaphore_mem>>)
    %scan3A_119 = arith.constant 0 : i32
    %scan3A_120 = arith.constant 0 : i32
    %scan3A_121 = arith.constant 8 : i32
    %scan3A_122 = arith.addi %scan3A_120, %scan3A_121 : i32
    %scan3A_123 = arith.constant 1 : i32
    %scan3A_124 = scf.for %scan3A_127 = %scan3A_120 to %scan3A_122 step %scan3A_123 iter_args(%scan3A_128 = %scan3A_119) -> (i32)  : i32 {
      %mul3A_129 = arith.constant 2 : i32
      %mul3A_130 = arith.muli %scan3A_127, %mul3A_129 : i32
      %add3A_131 = arith.constant 0 : i32
      %add3A_132 = arith.addi %mul3A_130, %add3A_131 : i32
      %dma_wait3A = arith.constant 0 : i32
      %dma_wait3A_133 = tpu.memref_slice %arg7[%add3A_132, %dma_wait3A] : memref<16x128xi32, #tpu.memory_space<vmem>> -> memref<1x128xi32, #tpu.memory_space<vmem>>
      %dma_wait3A_134 = tpu.memref_squeeze %dma_wait3A_133 : memref<1x128xi32, #tpu.memory_space<vmem>> -> memref<128xi32, #tpu.memory_space<vmem>>
      %dma_wait3A_135 = arith.constant 0 : i32
      %dma_wait3A_136 = arith.constant 0 : i32
      %dma_wait3A_137 = tpu.memref_slice %arg2[%dma_wait3A_135, %dma_wait3A_136] : memref<10000x128xf32, #tpu.memory_space<hbm>> -> memref<10000x128xf32, #tpu.memory_space<hbm>>
      tpu.wait_indirect_dma semaphore(%arg12 : memref<!tpu.dma_semaphore, #tpu.memory_space<semaphore_mem>>) src(%dma_wait3A_137 : memref<10000x128xf32, #tpu.memory_space<hbm>>) dst(%arg9 : memref<128x128xf32, #tpu.memory_space<vmem>>)
      "tpu.region"() ({
        %run_scoped3A = tpu.sem_alloc : memref<!tpu.dma_semaphore, #tpu.memory_space<semaphore_mem>>
        %dma_start3A_160 = arith.constant 0 : i32
        %dma_start3A_161 = tpu.memref_slice %arg8[%add3A_132, %dma_start3A_160] : memref<16x128xi32, #tpu.memory_space<vmem>> -> memref<1x128xi32, #tpu.memory_space<vmem>>
        %dma_start3A_162 = tpu.memref_squeeze %dma_start3A_161 : memref<1x128xi32, #tpu.memory_space<vmem>> -> memref<128xi32, #tpu.memory_space<vmem>>
        %dma_start3A_163 = arith.constant 0 : i32
        %dma_start3A_164 = arith.constant 0 : i32
        %dma_start3A_165 = tpu.memref_slice %arg11[%dma_start3A_163, %dma_start3A_164] : memref<10240x128xf32, #tpu.memory_space<vmem_shared>> -> memref<10240x128xf32, #tpu.memory_space<vmem_shared>>
        tpu.enqueue_indirect_dma source(%arg9 : memref<128x128xf32, #tpu.memory_space<vmem>>) target(%dma_start3A_165 : memref<10240x128xf32, #tpu.memory_space<vmem_shared>>) offsets(%dma_start3A_162 : memref<128xi32, #tpu.memory_space<vmem>>) semaphore(%run_scoped3A : memref<!tpu.dma_semaphore, #tpu.memory_space<semaphore_mem>>) {add = true}
        %dma_wait3A_166 = arith.constant 0 : i32
        %dma_wait3A_167 = tpu.memref_slice %arg8[%add3A_132, %dma_wait3A_166] : memref<16x128xi32, #tpu.memory_space<vmem>> -> memref<1x128xi32, #tpu.memory_space<vmem>>
        %dma_wait3A_168 = tpu.memref_squeeze %dma_wait3A_167 : memref<1x128xi32, #tpu.memory_space<vmem>> -> memref<128xi32, #tpu.memory_space<vmem>>
        %dma_wait3A_169 = arith.constant 0 : i32
        %dma_wait3A_170 = arith.constant 0 : i32
        %dma_wait3A_171 = tpu.memref_slice %arg11[%dma_wait3A_169, %dma_wait3A_170] : memref<10240x128xf32, #tpu.memory_space<vmem_shared>> -> memref<10240x128xf32, #tpu.memory_space<vmem_shared>>
        tpu.wait_indirect_dma semaphore(%run_scoped3A : memref<!tpu.dma_semaphore, #tpu.memory_space<semaphore_mem>>) src(%arg9 : memref<128x128xf32, #tpu.memory_space<vmem>>) dst(%dma_wait3A_171 : memref<10240x128xf32, #tpu.memory_space<vmem_shared>>)
        tpu.yield
      }) : () -> ()
      %add3A_138 = arith.constant 2 : i32
      %add3A_139 = arith.addi %add3A_132, %add3A_138 : i32
      %lt3A = arith.constant 16 : i32
      %lt3A_140 = arith.cmpi slt, %add3A_139, %lt3A : i32
      %convert_element_type3A = arith.extui %lt3A_140 : i1 to i32
      %cond3A = arith.constant 0 : i32
      %cond3A_141 = arith.cmpi ne, %convert_element_type3A, %cond3A : i32
      scf.if %cond3A_141 {
        %add3A_160 = arith.constant 2 : i32
        %add3A_161 = arith.addi %add3A_132, %add3A_160 : i32
        %dma_start3A_162 = arith.constant 0 : i32
        %dma_start3A_163 = tpu.memref_slice %arg7[%add3A_161, %dma_start3A_162] : memref<16x128xi32, #tpu.memory_space<vmem>> -> memref<1x128xi32, #tpu.memory_space<vmem>>
        %dma_start3A_164 = tpu.memref_squeeze %dma_start3A_163 : memref<1x128xi32, #tpu.memory_space<vmem>> -> memref<128xi32, #tpu.memory_space<vmem>>
        %dma_start3A_165 = arith.constant 0 : i32
        %dma_start3A_166 = arith.constant 0 : i32
        %dma_start3A_167 = tpu.memref_slice %arg2[%dma_start3A_165, %dma_start3A_166] : memref<10000x128xf32, #tpu.memory_space<hbm>> -> memref<10000x128xf32, #tpu.memory_space<hbm>>
        tpu.enqueue_indirect_dma source(%dma_start3A_167 : memref<10000x128xf32, #tpu.memory_space<hbm>>) target(%arg9 : memref<128x128xf32, #tpu.memory_space<vmem>>) offsets(%dma_start3A_164 : memref<128xi32, #tpu.memory_space<vmem>>) semaphore(%arg12 : memref<!tpu.dma_semaphore, #tpu.memory_space<semaphore_mem>>)
      } else {
      }
      %mul3A_142 = arith.constant 2 : i32
      %mul3A_143 = arith.muli %scan3A_127, %mul3A_142 : i32
      %add3A_144 = arith.constant 1 : i32
      %add3A_145 = arith.addi %mul3A_143, %add3A_144 : i32
      %dma_wait3A_146 = arith.constant 0 : i32
      %dma_wait3A_147 = tpu.memref_slice %arg7[%add3A_145, %dma_wait3A_146] : memref<16x128xi32, #tpu.memory_space<vmem>> -> memref<1x128xi32, #tpu.memory_space<vmem>>
      %dma_wait3A_148 = tpu.memref_squeeze %dma_wait3A_147 : memref<1x128xi32, #tpu.memory_space<vmem>> -> memref<128xi32, #tpu.memory_space<vmem>>
      %dma_wait3A_149 = arith.constant 0 : i32
      %dma_wait3A_150 = arith.constant 0 : i32
      %dma_wait3A_151 = tpu.memref_slice %arg2[%dma_wait3A_149, %dma_wait3A_150] : memref<10000x128xf32, #tpu.memory_space<hbm>> -> memref<10000x128xf32, #tpu.memory_space<hbm>>
      tpu.wait_indirect_dma semaphore(%arg13 : memref<!tpu.dma_semaphore, #tpu.memory_space<semaphore_mem>>) src(%dma_wait3A_151 : memref<10000x128xf32, #tpu.memory_space<hbm>>) dst(%arg10 : memref<128x128xf32, #tpu.memory_space<vmem>>)
      "tpu.region"() ({
        %run_scoped3A = tpu.sem_alloc : memref<!tpu.dma_semaphore, #tpu.memory_space<semaphore_mem>>
        %dma_start3A_160 = arith.constant 0 : i32
        %dma_start3A_161 = tpu.memref_slice %arg8[%add3A_145, %dma_start3A_160] : memref<16x128xi32, #tpu.memory_space<vmem>> -> memref<1x128xi32, #tpu.memory_space<vmem>>
        %dma_start3A_162 = tpu.memref_squeeze %dma_start3A_161 : memref<1x128xi32, #tpu.memory_space<vmem>> -> memref<128xi32, #tpu.memory_space<vmem>>
        %dma_start3A_163 = arith.constant 0 : i32
        %dma_start3A_164 = arith.constant 0 : i32
        %dma_start3A_165 = tpu.memref_slice %arg11[%dma_start3A_163, %dma_start3A_164] : memref<10240x128xf32, #tpu.memory_space<vmem_shared>> -> memref<10240x128xf32, #tpu.memory_space<vmem_shared>>
        tpu.enqueue_indirect_dma source(%arg10 : memref<128x128xf32, #tpu.memory_space<vmem>>) target(%dma_start3A_165 : memref<10240x128xf32, #tpu.memory_space<vmem_shared>>) offsets(%dma_start3A_162 : memref<128xi32, #tpu.memory_space<vmem>>) semaphore(%run_scoped3A : memref<!tpu.dma_semaphore, #tpu.memory_space<semaphore_mem>>) {add = true}
        %dma_wait3A_166 = arith.constant 0 : i32
        %dma_wait3A_167 = tpu.memref_slice %arg8[%add3A_145, %dma_wait3A_166] : memref<16x128xi32, #tpu.memory_space<vmem>> -> memref<1x128xi32, #tpu.memory_space<vmem>>
        %dma_wait3A_168 = tpu.memref_squeeze %dma_wait3A_167 : memref<1x128xi32, #tpu.memory_space<vmem>> -> memref<128xi32, #tpu.memory_space<vmem>>
        %dma_wait3A_169 = arith.constant 0 : i32
        %dma_wait3A_170 = arith.constant 0 : i32
        %dma_wait3A_171 = tpu.memref_slice %arg11[%dma_wait3A_169, %dma_wait3A_170] : memref<10240x128xf32, #tpu.memory_space<vmem_shared>> -> memref<10240x128xf32, #tpu.memory_space<vmem_shared>>
        tpu.wait_indirect_dma semaphore(%run_scoped3A : memref<!tpu.dma_semaphore, #tpu.memory_space<semaphore_mem>>) src(%arg10 : memref<128x128xf32, #tpu.memory_space<vmem>>) dst(%dma_wait3A_171 : memref<10240x128xf32, #tpu.memory_space<vmem_shared>>)
        tpu.yield
      }) : () -> ()
      %add3A_152 = arith.constant 2 : i32
      %add3A_153 = arith.addi %add3A_145, %add3A_152 : i32
      %lt3A_154 = arith.constant 16 : i32
      %lt3A_155 = arith.cmpi slt, %add3A_153, %lt3A_154 : i32
      %convert_element_type3A_156 = arith.extui %lt3A_155 : i1 to i32
      %cond3A_157 = arith.constant 0 : i32
      %cond3A_158 = arith.cmpi ne, %convert_element_type3A_156, %cond3A_157 : i32
      scf.if %cond3A_158 {
        %add3A_160 = arith.constant 2 : i32
        %add3A_161 = arith.addi %add3A_145, %add3A_160 : i32
        %dma_start3A_162 = arith.constant 0 : i32
        %dma_start3A_163 = tpu.memref_slice %arg7[%add3A_161, %dma_start3A_162] : memref<16x128xi32, #tpu.memory_space<vmem>> -> memref<1x128xi32, #tpu.memory_space<vmem>>
        %dma_start3A_164 = tpu.memref_squeeze %dma_start3A_163 : memref<1x128xi32, #tpu.memory_space<vmem>> -> memref<128xi32, #tpu.memory_space<vmem>>
        %dma_start3A_165 = arith.constant 0 : i32
        %dma_start3A_166 = arith.constant 0 : i32
        %dma_start3A_167 = tpu.memref_slice %arg2[%dma_start3A_165, %dma_start3A_166] : memref<10000x128xf32, #tpu.memory_space<hbm>> -> memref<10000x128xf32, #tpu.memory_space<hbm>>
        tpu.enqueue_indirect_dma source(%dma_start3A_167 : memref<10000x128xf32, #tpu.memory_space<hbm>>) target(%arg10 : memref<128x128xf32, #tpu.memory_space<vmem>>) offsets(%dma_start3A_164 : memref<128xi32, #tpu.memory_space<vmem>>) semaphore(%arg13 : memref<!tpu.dma_semaphore, #tpu.memory_space<semaphore_mem>>)
      } else {
      }
      %scan3A_159 = arith.constant 0 : i32
      scf.yield %scan3A_159 : i32
    }
    %scan3A_125 = arith.constant 8 : i32
    %barrier3A_126 = arith.constant 0 : index
    tpu.barrier barrier_id(%barrier3A_126)
    "tpu.region"() ({
      %run_scoped3A = tpu.sem_alloc : memref<!tpu.dma_semaphore, #tpu.memory_space<semaphore_mem>>
      %dma_start3A_127 = arith.constant 0 : i32
      %dma_start3A_128 = tpu.memref_slice %arg6[%arg0, %mul3A_2, %dma_start3A_127] : memref<2x10240x128xf32, #tpu.memory_space<hbm>> -> memref<1x640x128xf32, #tpu.memory_space<hbm>>
      %dma_start3A_129 = tpu.memref_squeeze %dma_start3A_128 : memref<1x640x128xf32, #tpu.memory_space<hbm>> -> memref<640x128xf32, #tpu.memory_space<hbm>>
      %dma_start3A_130 = arith.constant 0 : i32
      %dma_start3A_131 = tpu.memref_slice %arg11[%mul3A_2, %dma_start3A_130] : memref<10240x128xf32, #tpu.memory_space<vmem_shared>> -> memref<640x128xf32, #tpu.memory_space<vmem_shared>>
      tpu.enqueue_dma source(%dma_start3A_131 : memref<640x128xf32, #tpu.memory_space<vmem_shared>>) target(%dma_start3A_129 : memref<640x128xf32, #tpu.memory_space<hbm>>) target_semaphore(%run_scoped3A : memref<!tpu.dma_semaphore, #tpu.memory_space<semaphore_mem>>)
      %dma_wait3A = arith.constant 0 : i32
      %dma_wait3A_132 = tpu.memref_slice %arg6[%arg0, %mul3A_2, %dma_wait3A] : memref<2x10240x128xf32, #tpu.memory_space<hbm>> -> memref<1x640x128xf32, #tpu.memory_space<hbm>>
      %dma_wait3A_133 = tpu.memref_squeeze %dma_wait3A_132 : memref<1x640x128xf32, #tpu.memory_space<hbm>> -> memref<640x128xf32, #tpu.memory_space<hbm>>
      %dma_wait3A_134 = arith.constant 0 : i32
      %dma_wait3A_135 = tpu.memref_slice %arg11[%mul3A_2, %dma_wait3A_134] : memref<10240x128xf32, #tpu.memory_space<vmem_shared>> -> memref<640x128xf32, #tpu.memory_space<vmem_shared>>
      tpu.wait_dma2 semaphore(%run_scoped3A : memref<!tpu.dma_semaphore, #tpu.memory_space<semaphore_mem>>) src(%dma_wait3A_135 : memref<640x128xf32, #tpu.memory_space<vmem_shared>>) dst(%dma_wait3A_133 : memref<640x128xf32, #tpu.memory_space<hbm>>)
      tpu.yield
    }) : () -> ()
    return
  }
}

#map = affine_map<(d0, d1) -> (0, 0)>
#map1 = affine_map<(d0, d1) -> (0, 0, 0)>
module attributes {stable_mosaic.version = 14 : i64} {
  func.func @body(%arg0: i32, %arg1: i32, %arg2: memref<2560x128xi32, #tpu.memory_space<hbm>>, %arg3: memref<128x128xf32, #tpu.memory_space<hbm>>, %arg4: memref<640x128xf32, #tpu.memory_space<hbm>>, %arg5: memref<2x10240x128xf32, #tpu.memory_space<hbm>>, %arg6: memref<80x128xi32, #tpu.memory_space<vmem>>, %arg7: memref<128x128xf32, #tpu.memory_space<vmem>>, %arg8: memref<10240x128xf32, #tpu.memory_space<vmem_shared>>) attributes {dimension_semantics = [#tpu.dimension_semantics<core_parallel>, #tpu.dimension_semantics<subcore_parallel>], iteration_bounds = array<i64: 2, 16>, scalar_prefetch = 0 : i64, scratch_operands = 3 : i64, tpu.core_type = #tpu.core_type<sc_vector_subcore>, window_params = [{transform_indices = #map}, {transform_indices = #map}, {transform_indices = #map}, {transform_indices = #map1}]} {
    %mul3A = arith.constant 16 : i32
    %mul3A_0 = arith.muli %arg0, %mul3A : i32
    %add3A = arith.addi %mul3A_0, %arg1 : i32
    %mul3A_1 = arith.constant 80 : i32
    %mul3A_2 = arith.muli %add3A, %mul3A_1 : i32
    "tpu.region"() ({
      %run_scoped3A = tpu.sem_alloc : memref<!tpu.dma_semaphore, #tpu.memory_space<semaphore_mem>>
      %dma_start3A = arith.constant 0 : i32
      %dma_start3A_12 = tpu.memref_slice %arg2[%mul3A_2, %dma_start3A] : memref<2560x128xi32, #tpu.memory_space<hbm>> -> memref<80x128xi32, #tpu.memory_space<hbm>>
      %dma_start3A_13 = arith.constant 0 : i32
      %dma_start3A_14 = tpu.memref_slice %arg2[%mul3A_2, %dma_start3A_13] : memref<2560x128xi32, #tpu.memory_space<hbm>> -> memref<80x128xi32, #tpu.memory_space<hbm>>
      tpu.enqueue_dma source(%dma_start3A_14 : memref<80x128xi32, #tpu.memory_space<hbm>>) target(%arg6 : memref<80x128xi32, #tpu.memory_space<vmem>>) target_semaphore(%run_scoped3A : memref<!tpu.dma_semaphore, #tpu.memory_space<semaphore_mem>>)
      %dma_wait3A = arith.constant 0 : i32
      %dma_wait3A_15 = tpu.memref_slice %arg2[%mul3A_2, %dma_wait3A] : memref<2560x128xi32, #tpu.memory_space<hbm>> -> memref<80x128xi32, #tpu.memory_space<hbm>>
      %dma_wait3A_16 = arith.constant 0 : i32
      %dma_wait3A_17 = tpu.memref_slice %arg2[%mul3A_2, %dma_wait3A_16] : memref<2560x128xi32, #tpu.memory_space<hbm>> -> memref<80x128xi32, #tpu.memory_space<hbm>>
      tpu.wait_dma2 semaphore(%run_scoped3A : memref<!tpu.dma_semaphore, #tpu.memory_space<semaphore_mem>>) src(%dma_wait3A_17 : memref<80x128xi32, #tpu.memory_space<hbm>>) dst(%arg6 : memref<80x128xi32, #tpu.memory_space<vmem>>)
      tpu.yield
    }) : () -> ()
    "tpu.region"() ({
      %run_scoped3A = tpu.sem_alloc : memref<!tpu.dma_semaphore, #tpu.memory_space<semaphore_mem>>
      tpu.enqueue_dma source(%arg3 : memref<128x128xf32, #tpu.memory_space<hbm>>) target(%arg7 : memref<128x128xf32, #tpu.memory_space<vmem>>) target_semaphore(%run_scoped3A : memref<!tpu.dma_semaphore, #tpu.memory_space<semaphore_mem>>)
      tpu.wait_dma2 semaphore(%run_scoped3A : memref<!tpu.dma_semaphore, #tpu.memory_space<semaphore_mem>>) src(%arg3 : memref<128x128xf32, #tpu.memory_space<hbm>>) dst(%arg7 : memref<128x128xf32, #tpu.memory_space<vmem>>)
      tpu.yield
    }) : () -> ()
    %mul3A_3 = arith.constant 640 : i32
    %mul3A_4 = arith.muli %arg1, %mul3A_3 : i32
    "tpu.region"() ({
      %run_scoped3A = tpu.sem_alloc : memref<!tpu.dma_semaphore, #tpu.memory_space<semaphore_mem>>
      %dma_start3A = arith.constant 0 : i32
      %dma_start3A_12 = tpu.memref_slice %arg8[%mul3A_4, %dma_start3A] : memref<10240x128xf32, #tpu.memory_space<vmem_shared>> -> memref<640x128xf32, #tpu.memory_space<vmem_shared>>
      tpu.enqueue_dma source(%arg4 : memref<640x128xf32, #tpu.memory_space<hbm>>) target(%dma_start3A_12 : memref<640x128xf32, #tpu.memory_space<vmem_shared>>) target_semaphore(%run_scoped3A : memref<!tpu.dma_semaphore, #tpu.memory_space<semaphore_mem>>)
      %dma_wait3A = arith.constant 0 : i32
      %dma_wait3A_13 = tpu.memref_slice %arg8[%mul3A_4, %dma_wait3A] : memref<10240x128xf32, #tpu.memory_space<vmem_shared>> -> memref<640x128xf32, #tpu.memory_space<vmem_shared>>
      tpu.wait_dma2 semaphore(%run_scoped3A : memref<!tpu.dma_semaphore, #tpu.memory_space<semaphore_mem>>) src(%arg4 : memref<640x128xf32, #tpu.memory_space<hbm>>) dst(%dma_wait3A_13 : memref<640x128xf32, #tpu.memory_space<vmem_shared>>)
      tpu.yield
    }) : () -> ()
    %barrier3A = arith.constant 0 : index
    tpu.barrier barrier_id(%barrier3A)
    %scan3A = arith.constant 0 : i32
    %scan3A_5 = arith.constant 0 : i32
    %scan3A_6 = arith.constant 80 : i32
    %scan3A_7 = arith.addi %scan3A_5, %scan3A_6 : i32
    %scan3A_8 = arith.constant 1 : i32
    %scan3A_9 = scf.for %scan3A_12 = %scan3A_5 to %scan3A_7 step %scan3A_8 iter_args(%scan3A_13 = %scan3A) -> (i32)  : i32 {
      "tpu.region"() ({
        %run_scoped3A = tpu.sem_alloc : memref<!tpu.dma_semaphore, #tpu.memory_space<semaphore_mem>>
        %dma_start3A = arith.constant 0 : i32
        %dma_start3A_15 = tpu.memref_slice %arg6[%scan3A_12, %dma_start3A] : memref<80x128xi32, #tpu.memory_space<vmem>> -> memref<1x128xi32, #tpu.memory_space<vmem>>
        %dma_start3A_16 = tpu.memref_squeeze %dma_start3A_15 : memref<1x128xi32, #tpu.memory_space<vmem>> -> memref<128xi32, #tpu.memory_space<vmem>>
        %dma_start3A_17 = arith.constant 0 : i32
        %dma_start3A_18 = arith.constant 0 : i32
        %dma_start3A_19 = tpu.memref_slice %arg8[%dma_start3A_17, %dma_start3A_18] : memref<10240x128xf32, #tpu.memory_space<vmem_shared>> -> memref<10240x128xf32, #tpu.memory_space<vmem_shared>>
        tpu.enqueue_indirect_dma source(%arg7 : memref<128x128xf32, #tpu.memory_space<vmem>>) target(%dma_start3A_19 : memref<10240x128xf32, #tpu.memory_space<vmem_shared>>) offsets(%dma_start3A_16 : memref<128xi32, #tpu.memory_space<vmem>>) semaphore(%run_scoped3A : memref<!tpu.dma_semaphore, #tpu.memory_space<semaphore_mem>>) {add = true}
        %dma_wait3A = arith.constant 0 : i32
        %dma_wait3A_20 = tpu.memref_slice %arg6[%scan3A_12, %dma_wait3A] : memref<80x128xi32, #tpu.memory_space<vmem>> -> memref<1x128xi32, #tpu.memory_space<vmem>>
        %dma_wait3A_21 = tpu.memref_squeeze %dma_wait3A_20 : memref<1x128xi32, #tpu.memory_space<vmem>> -> memref<128xi32, #tpu.memory_space<vmem>>
        %dma_wait3A_22 = arith.constant 0 : i32
        %dma_wait3A_23 = arith.constant 0 : i32
        %dma_wait3A_24 = tpu.memref_slice %arg8[%dma_wait3A_22, %dma_wait3A_23] : memref<10240x128xf32, #tpu.memory_space<vmem_shared>> -> memref<10240x128xf32, #tpu.memory_space<vmem_shared>>
        tpu.wait_indirect_dma semaphore(%run_scoped3A : memref<!tpu.dma_semaphore, #tpu.memory_space<semaphore_mem>>) src(%arg7 : memref<128x128xf32, #tpu.memory_space<vmem>>) dst(%dma_wait3A_24 : memref<10240x128xf32, #tpu.memory_space<vmem_shared>>)
        tpu.yield
      }) : () -> ()
      %scan3A_14 = arith.constant 0 : i32
      scf.yield %scan3A_14 : i32
    }
    %scan3A_10 = arith.constant 80 : i32
    %barrier3A_11 = arith.constant 0 : index
    tpu.barrier barrier_id(%barrier3A_11)
    "tpu.region"() ({
      %run_scoped3A = tpu.sem_alloc : memref<!tpu.dma_semaphore, #tpu.memory_space<semaphore_mem>>
      %dma_start3A = arith.constant 0 : i32
      %dma_start3A_12 = tpu.memref_slice %arg5[%arg0, %mul3A_4, %dma_start3A] : memref<2x10240x128xf32, #tpu.memory_space<hbm>> -> memref<1x640x128xf32, #tpu.memory_space<hbm>>
      %dma_start3A_13 = tpu.memref_squeeze %dma_start3A_12 : memref<1x640x128xf32, #tpu.memory_space<hbm>> -> memref<640x128xf32, #tpu.memory_space<hbm>>
      %dma_start3A_14 = arith.constant 0 : i32
      %dma_start3A_15 = tpu.memref_slice %arg8[%mul3A_4, %dma_start3A_14] : memref<10240x128xf32, #tpu.memory_space<vmem_shared>> -> memref<640x128xf32, #tpu.memory_space<vmem_shared>>
      tpu.enqueue_dma source(%dma_start3A_15 : memref<640x128xf32, #tpu.memory_space<vmem_shared>>) target(%dma_start3A_13 : memref<640x128xf32, #tpu.memory_space<hbm>>) target_semaphore(%run_scoped3A : memref<!tpu.dma_semaphore, #tpu.memory_space<semaphore_mem>>)
      %dma_wait3A = arith.constant 0 : i32
      %dma_wait3A_16 = tpu.memref_slice %arg5[%arg0, %mul3A_4, %dma_wait3A] : memref<2x10240x128xf32, #tpu.memory_space<hbm>> -> memref<1x640x128xf32, #tpu.memory_space<hbm>>
      %dma_wait3A_17 = tpu.memref_squeeze %dma_wait3A_16 : memref<1x640x128xf32, #tpu.memory_space<hbm>> -> memref<640x128xf32, #tpu.memory_space<hbm>>
      %dma_wait3A_18 = arith.constant 0 : i32
      %dma_wait3A_19 = tpu.memref_slice %arg8[%mul3A_4, %dma_wait3A_18] : memref<10240x128xf32, #tpu.memory_space<vmem_shared>> -> memref<640x128xf32, #tpu.memory_space<vmem_shared>>
      tpu.wait_dma2 semaphore(%run_scoped3A : memref<!tpu.dma_semaphore, #tpu.memory_space<semaphore_mem>>) src(%dma_wait3A_19 : memref<640x128xf32, #tpu.memory_space<vmem_shared>>) dst(%dma_wait3A_17 : memref<640x128xf32, #tpu.memory_space<hbm>>)
      tpu.yield
    }) : () -> ()
    return
  }
}

#map = affine_map<(d0, d1) -> (0, 0)>
#map1 = affine_map<(d0, d1) -> (0, 0, 0)>
module attributes {stable_mosaic.version = 14 : i64} {
  func.func @body(%arg0: i32, %arg1: i32, %arg2: memref<10000x128xf32, #tpu.memory_space<hbm>>, %arg3: memref<2560x128xi32, #tpu.memory_space<hbm>>, %arg4: memref<2560x128xi32, #tpu.memory_space<hbm>>, %arg5: memref<640x128xf32, #tpu.memory_space<hbm>>, %arg6: memref<2x10240x128xf32, #tpu.memory_space<hbm>>, %arg7: memref<16x128xi32, #tpu.memory_space<vmem>>, %arg8: memref<16x128xi32, #tpu.memory_space<vmem>>, %arg9: memref<128x128xf32, #tpu.memory_space<vmem>>, %arg10: memref<128x128xf32, #tpu.memory_space<vmem>>, %arg11: memref<10240x128xf32, #tpu.memory_space<vmem_shared>>, %arg12: memref<!tpu.dma_semaphore, #tpu.memory_space<semaphore_mem>>, %arg13: memref<!tpu.dma_semaphore, #tpu.memory_space<semaphore_mem>>) attributes {dimension_semantics = [#tpu.dimension_semantics<core_parallel>, #tpu.dimension_semantics<subcore_parallel>], iteration_bounds = array<i64: 2, 16>, scalar_prefetch = 0 : i64, scratch_operands = 7 : i64, tpu.core_type = #tpu.core_type<sc_vector_subcore>, window_params = [{transform_indices = #map}, {transform_indices = #map}, {transform_indices = #map}, {transform_indices = #map}, {transform_indices = #map1}]} {
    %mul3A = arith.constant 16 : i32
    %mul3A_0 = arith.muli %arg0, %mul3A : i32
    %add3A = arith.addi %mul3A_0, %arg1 : i32
    %mul3A_1 = arith.constant 640 : i32
    %mul3A_2 = arith.muli %arg1, %mul3A_1 : i32
    "tpu.region"() ({
      %run_scoped3A = tpu.sem_alloc : memref<!tpu.dma_semaphore, #tpu.memory_space<semaphore_mem>>
      %dma_start3A_127 = arith.constant 0 : i32
      %dma_start3A_128 = tpu.memref_slice %arg11[%mul3A_2, %dma_start3A_127] : memref<10240x128xf32, #tpu.memory_space<vmem_shared>> -> memref<640x128xf32, #tpu.memory_space<vmem_shared>>
      tpu.enqueue_dma source(%arg5 : memref<640x128xf32, #tpu.memory_space<hbm>>) target(%dma_start3A_128 : memref<640x128xf32, #tpu.memory_space<vmem_shared>>) target_semaphore(%run_scoped3A : memref<!tpu.dma_semaphore, #tpu.memory_space<semaphore_mem>>)
      %dma_wait3A = arith.constant 0 : i32
      %dma_wait3A_129 = tpu.memref_slice %arg11[%mul3A_2, %dma_wait3A] : memref<10240x128xf32, #tpu.memory_space<vmem_shared>> -> memref<640x128xf32, #tpu.memory_space<vmem_shared>>
      tpu.wait_dma2 semaphore(%run_scoped3A : memref<!tpu.dma_semaphore, #tpu.memory_space<semaphore_mem>>) src(%arg5 : memref<640x128xf32, #tpu.memory_space<hbm>>) dst(%dma_wait3A_129 : memref<640x128xf32, #tpu.memory_space<vmem_shared>>)
      tpu.yield
    }) : () -> ()
    %barrier3A = arith.constant 0 : index
    tpu.barrier barrier_id(%barrier3A)
    %mul3A_3 = arith.constant 80 : i32
    %mul3A_4 = arith.muli %add3A, %mul3A_3 : i32
    %add3A_5 = arith.constant 0 : i32
    %add3A_6 = arith.addi %mul3A_4, %add3A_5 : i32
    "tpu.region"() ({
      %run_scoped3A = tpu.sem_alloc : memref<!tpu.dma_semaphore, #tpu.memory_space<semaphore_mem>>
      %dma_start3A_127 = arith.constant 0 : i32
      %dma_start3A_128 = tpu.memref_slice %arg3[%add3A_6, %dma_start3A_127] : memref<2560x128xi32, #tpu.memory_space<hbm>> -> memref<16x128xi32, #tpu.memory_space<hbm>>
      %dma_start3A_129 = arith.constant 0 : i32
      %dma_start3A_130 = tpu.memref_slice %arg3[%add3A_6, %dma_start3A_129] : memref<2560x128xi32, #tpu.memory_space<hbm>> -> memref<16x128xi32, #tpu.memory_space<hbm>>
      tpu.enqueue_dma source(%dma_start3A_130 : memref<16x128xi32, #tpu.memory_space<hbm>>) target(%arg7 : memref<16x128xi32, #tpu.memory_space<vmem>>) target_semaphore(%run_scoped3A : memref<!tpu.dma_semaphore, #tpu.memory_space<semaphore_mem>>)
      %dma_wait3A = arith.constant 0 : i32
      %dma_wait3A_131 = tpu.memref_slice %arg3[%add3A_6, %dma_wait3A] : memref<2560x128xi32, #tpu.memory_space<hbm>> -> memref<16x128xi32, #tpu.memory_space<hbm>>
      %dma_wait3A_132 = arith.constant 0 : i32
      %dma_wait3A_133 = tpu.memref_slice %arg3[%add3A_6, %dma_wait3A_132] : memref<2560x128xi32, #tpu.memory_space<hbm>> -> memref<16x128xi32, #tpu.memory_space<hbm>>
      tpu.wait_dma2 semaphore(%run_scoped3A : memref<!tpu.dma_semaphore, #tpu.memory_space<semaphore_mem>>) src(%dma_wait3A_133 : memref<16x128xi32, #tpu.memory_space<hbm>>) dst(%arg7 : memref<16x128xi32, #tpu.memory_space<vmem>>)
      tpu.yield
    }) : () -> ()
    "tpu.region"() ({
      %run_scoped3A = tpu.sem_alloc : memref<!tpu.dma_semaphore, #tpu.memory_space<semaphore_mem>>
      %dma_start3A_127 = arith.constant 0 : i32
      %dma_start3A_128 = tpu.memref_slice %arg4[%add3A_6, %dma_start3A_127] : memref<2560x128xi32, #tpu.memory_space<hbm>> -> memref<16x128xi32, #tpu.memory_space<hbm>>
      %dma_start3A_129 = arith.constant 0 : i32
      %dma_start3A_130 = tpu.memref_slice %arg4[%add3A_6, %dma_start3A_129] : memref<2560x128xi32, #tpu.memory_space<hbm>> -> memref<16x128xi32, #tpu.memory_space<hbm>>
      tpu.enqueue_dma source(%dma_start3A_130 : memref<16x128xi32, #tpu.memory_space<hbm>>) target(%arg8 : memref<16x128xi32, #tpu.memory_space<vmem>>) target_semaphore(%run_scoped3A : memref<!tpu.dma_semaphore, #tpu.memory_space<semaphore_mem>>)
      %dma_wait3A = arith.constant 0 : i32
      %dma_wait3A_131 = tpu.memref_slice %arg4[%add3A_6, %dma_wait3A] : memref<2560x128xi32, #tpu.memory_space<hbm>> -> memref<16x128xi32, #tpu.memory_space<hbm>>
      %dma_wait3A_132 = arith.constant 0 : i32
      %dma_wait3A_133 = tpu.memref_slice %arg4[%add3A_6, %dma_wait3A_132] : memref<2560x128xi32, #tpu.memory_space<hbm>> -> memref<16x128xi32, #tpu.memory_space<hbm>>
      tpu.wait_dma2 semaphore(%run_scoped3A : memref<!tpu.dma_semaphore, #tpu.memory_space<semaphore_mem>>) src(%dma_wait3A_133 : memref<16x128xi32, #tpu.memory_space<hbm>>) dst(%arg8 : memref<16x128xi32, #tpu.memory_space<vmem>>)
      tpu.yield
    }) : () -> ()
    %dma_start3A = arith.constant 0 : i32
    %dma_start3A_7 = arith.constant 0 : i32
    %dma_start3A_8 = tpu.memref_slice %arg7[%dma_start3A, %dma_start3A_7] : memref<16x128xi32, #tpu.memory_space<vmem>> -> memref<1x128xi32, #tpu.memory_space<vmem>>
    %dma_start3A_9 = tpu.memref_squeeze %dma_start3A_8 : memref<1x128xi32, #tpu.memory_space<vmem>> -> memref<128xi32, #tpu.memory_space<vmem>>
    %dma_start3A_10 = arith.constant 0 : i32
    %dma_start3A_11 = arith.constant 0 : i32
    %dma_start3A_12 = tpu.memref_slice %arg2[%dma_start3A_10, %dma_start3A_11] : memref<10000x128xf32, #tpu.memory_space<hbm>> -> memref<10000x128xf32, #tpu.memory_space<hbm>>
    tpu.enqueue_indirect_dma source(%dma_start3A_12 : memref<10000x128xf32, #tpu.memory_space<hbm>>) target(%arg9 : memref<128x128xf32, #tpu.memory_space<vmem>>) offsets(%dma_start3A_9 : memref<128xi32, #tpu.memory_space<vmem>>) semaphore(%arg12 : memref<!tpu.dma_semaphore, #tpu.memory_space<semaphore_mem>>)
    %dma_start3A_13 = arith.constant 1 : i32
    %dma_start3A_14 = arith.constant 0 : i32
    %dma_start3A_15 = tpu.memref_slice %arg7[%dma_start3A_13, %dma_start3A_14] : memref<16x128xi32, #tpu.memory_space<vmem>> -> memref<1x128xi32, #tpu.memory_space<vmem>>
    %dma_start3A_16 = tpu.memref_squeeze %dma_start3A_15 : memref<1x128xi32, #tpu.memory_space<vmem>> -> memref<128xi32, #tpu.memory_space<vmem>>
    %dma_start3A_17 = arith.constant 0 : i32
    %dma_start3A_18 = arith.constant 0 : i32
    %dma_start3A_19 = tpu.memref_slice %arg2[%dma_start3A_17, %dma_start3A_18] : memref<10000x128xf32, #tpu.memory_space<hbm>> -> memref<10000x128xf32, #tpu.memory_space<hbm>>
    tpu.enqueue_indirect_dma source(%dma_start3A_19 : memref<10000x128xf32, #tpu.memory_space<hbm>>) target(%arg10 : memref<128x128xf32, #tpu.memory_space<vmem>>) offsets(%dma_start3A_16 : memref<128xi32, #tpu.memory_space<vmem>>) semaphore(%arg13 : memref<!tpu.dma_semaphore, #tpu.memory_space<semaphore_mem>>)
    %scan3A = arith.constant 0 : i32
    %scan3A_20 = arith.constant 0 : i32
    %scan3A_21 = arith.constant 8 : i32
    %scan3A_22 = arith.addi %scan3A_20, %scan3A_21 : i32
    %scan3A_23 = arith.constant 1 : i32
    %scan3A_24 = scf.for %scan3A_127 = %scan3A_20 to %scan3A_22 step %scan3A_23 iter_args(%scan3A_128 = %scan3A) -> (i32)  : i32 {
      %mul3A_129 = arith.constant 2 : i32
      %mul3A_130 = arith.muli %scan3A_127, %mul3A_129 : i32
      %add3A_131 = arith.constant 0 : i32
      %add3A_132 = arith.addi %mul3A_130, %add3A_131 : i32
      %dma_wait3A = arith.constant 0 : i32
      %dma_wait3A_133 = tpu.memref_slice %arg7[%add3A_132, %dma_wait3A] : memref<16x128xi32, #tpu.memory_space<vmem>> -> memref<1x128xi32, #tpu.memory_space<vmem>>
      %dma_wait3A_134 = tpu.memref_squeeze %dma_wait3A_133 : memref<1x128xi32, #tpu.memory_space<vmem>> -> memref<128xi32, #tpu.memory_space<vmem>>
      %dma_wait3A_135 = arith.constant 0 : i32
      %dma_wait3A_136 = arith.constant 0 : i32
      %dma_wait3A_137 = tpu.memref_slice %arg2[%dma_wait3A_135, %dma_wait3A_136] : memref<10000x128xf32, #tpu.memory_space<hbm>> -> memref<10000x128xf32, #tpu.memory_space<hbm>>
      tpu.wait_indirect_dma semaphore(%arg12 : memref<!tpu.dma_semaphore, #tpu.memory_space<semaphore_mem>>) src(%dma_wait3A_137 : memref<10000x128xf32, #tpu.memory_space<hbm>>) dst(%arg9 : memref<128x128xf32, #tpu.memory_space<vmem>>)
      "tpu.region"() ({
        %run_scoped3A = tpu.sem_alloc : memref<!tpu.dma_semaphore, #tpu.memory_space<semaphore_mem>>
        %dma_start3A_160 = arith.constant 0 : i32
        %dma_start3A_161 = tpu.memref_slice %arg8[%add3A_132, %dma_start3A_160] : memref<16x128xi32, #tpu.memory_space<vmem>> -> memref<1x128xi32, #tpu.memory_space<vmem>>
        %dma_start3A_162 = tpu.memref_squeeze %dma_start3A_161 : memref<1x128xi32, #tpu.memory_space<vmem>> -> memref<128xi32, #tpu.memory_space<vmem>>
        %dma_start3A_163 = arith.constant 0 : i32
        %dma_start3A_164 = arith.constant 0 : i32
        %dma_start3A_165 = tpu.memref_slice %arg11[%dma_start3A_163, %dma_start3A_164] : memref<10240x128xf32, #tpu.memory_space<vmem_shared>> -> memref<10240x128xf32, #tpu.memory_space<vmem_shared>>
        tpu.enqueue_indirect_dma source(%arg9 : memref<128x128xf32, #tpu.memory_space<vmem>>) target(%dma_start3A_165 : memref<10240x128xf32, #tpu.memory_space<vmem_shared>>) offsets(%dma_start3A_162 : memref<128xi32, #tpu.memory_space<vmem>>) semaphore(%run_scoped3A : memref<!tpu.dma_semaphore, #tpu.memory_space<semaphore_mem>>) {add = true}
        %dma_wait3A_166 = arith.constant 0 : i32
        %dma_wait3A_167 = tpu.memref_slice %arg8[%add3A_132, %dma_wait3A_166] : memref<16x128xi32, #tpu.memory_space<vmem>> -> memref<1x128xi32, #tpu.memory_space<vmem>>
        %dma_wait3A_168 = tpu.memref_squeeze %dma_wait3A_167 : memref<1x128xi32, #tpu.memory_space<vmem>> -> memref<128xi32, #tpu.memory_space<vmem>>
        %dma_wait3A_169 = arith.constant 0 : i32
        %dma_wait3A_170 = arith.constant 0 : i32
        %dma_wait3A_171 = tpu.memref_slice %arg11[%dma_wait3A_169, %dma_wait3A_170] : memref<10240x128xf32, #tpu.memory_space<vmem_shared>> -> memref<10240x128xf32, #tpu.memory_space<vmem_shared>>
        tpu.wait_indirect_dma semaphore(%run_scoped3A : memref<!tpu.dma_semaphore, #tpu.memory_space<semaphore_mem>>) src(%arg9 : memref<128x128xf32, #tpu.memory_space<vmem>>) dst(%dma_wait3A_171 : memref<10240x128xf32, #tpu.memory_space<vmem_shared>>)
        tpu.yield
      }) : () -> ()
      %add3A_138 = arith.constant 2 : i32
      %add3A_139 = arith.addi %add3A_132, %add3A_138 : i32
      %lt3A = arith.constant 16 : i32
      %lt3A_140 = arith.cmpi slt, %add3A_139, %lt3A : i32
      %convert_element_type3A = arith.extui %lt3A_140 : i1 to i32
      %cond3A = arith.constant 0 : i32
      %cond3A_141 = arith.cmpi ne, %convert_element_type3A, %cond3A : i32
      scf.if %cond3A_141 {
        %add3A_160 = arith.constant 2 : i32
        %add3A_161 = arith.addi %add3A_132, %add3A_160 : i32
        %dma_start3A_162 = arith.constant 0 : i32
        %dma_start3A_163 = tpu.memref_slice %arg7[%add3A_161, %dma_start3A_162] : memref<16x128xi32, #tpu.memory_space<vmem>> -> memref<1x128xi32, #tpu.memory_space<vmem>>
        %dma_start3A_164 = tpu.memref_squeeze %dma_start3A_163 : memref<1x128xi32, #tpu.memory_space<vmem>> -> memref<128xi32, #tpu.memory_space<vmem>>
        %dma_start3A_165 = arith.constant 0 : i32
        %dma_start3A_166 = arith.constant 0 : i32
        %dma_start3A_167 = tpu.memref_slice %arg2[%dma_start3A_165, %dma_start3A_166] : memref<10000x128xf32, #tpu.memory_space<hbm>> -> memref<10000x128xf32, #tpu.memory_space<hbm>>
        tpu.enqueue_indirect_dma source(%dma_start3A_167 : memref<10000x128xf32, #tpu.memory_space<hbm>>) target(%arg9 : memref<128x128xf32, #tpu.memory_space<vmem>>) offsets(%dma_start3A_164 : memref<128xi32, #tpu.memory_space<vmem>>) semaphore(%arg12 : memref<!tpu.dma_semaphore, #tpu.memory_space<semaphore_mem>>)
      } else {
      }
      %mul3A_142 = arith.constant 2 : i32
      %mul3A_143 = arith.muli %scan3A_127, %mul3A_142 : i32
      %add3A_144 = arith.constant 1 : i32
      %add3A_145 = arith.addi %mul3A_143, %add3A_144 : i32
      %dma_wait3A_146 = arith.constant 0 : i32
      %dma_wait3A_147 = tpu.memref_slice %arg7[%add3A_145, %dma_wait3A_146] : memref<16x128xi32, #tpu.memory_space<vmem>> -> memref<1x128xi32, #tpu.memory_space<vmem>>
      %dma_wait3A_148 = tpu.memref_squeeze %dma_wait3A_147 : memref<1x128xi32, #tpu.memory_space<vmem>> -> memref<128xi32, #tpu.memory_space<vmem>>
      %dma_wait3A_149 = arith.constant 0 : i32
      %dma_wait3A_150 = arith.constant 0 : i32
      %dma_wait3A_151 = tpu.memref_slice %arg2[%dma_wait3A_149, %dma_wait3A_150] : memref<10000x128xf32, #tpu.memory_space<hbm>> -> memref<10000x128xf32, #tpu.memory_space<hbm>>
      tpu.wait_indirect_dma semaphore(%arg13 : memref<!tpu.dma_semaphore, #tpu.memory_space<semaphore_mem>>) src(%dma_wait3A_151 : memref<10000x128xf32, #tpu.memory_space<hbm>>) dst(%arg10 : memref<128x128xf32, #tpu.memory_space<vmem>>)
      "tpu.region"() ({
        %run_scoped3A = tpu.sem_alloc : memref<!tpu.dma_semaphore, #tpu.memory_space<semaphore_mem>>
        %dma_start3A_160 = arith.constant 0 : i32
        %dma_start3A_161 = tpu.memref_slice %arg8[%add3A_145, %dma_start3A_160] : memref<16x128xi32, #tpu.memory_space<vmem>> -> memref<1x128xi32, #tpu.memory_space<vmem>>
        %dma_start3A_162 = tpu.memref_squeeze %dma_start3A_161 : memref<1x128xi32, #tpu.memory_space<vmem>> -> memref<128xi32, #tpu.memory_space<vmem>>
        %dma_start3A_163 = arith.constant 0 : i32
        %dma_start3A_164 = arith.constant 0 : i32
        %dma_start3A_165 = tpu.memref_slice %arg11[%dma_start3A_163, %dma_start3A_164] : memref<10240x128xf32, #tpu.memory_space<vmem_shared>> -> memref<10240x128xf32, #tpu.memory_space<vmem_shared>>
        tpu.enqueue_indirect_dma source(%arg10 : memref<128x128xf32, #tpu.memory_space<vmem>>) target(%dma_start3A_165 : memref<10240x128xf32, #tpu.memory_space<vmem_shared>>) offsets(%dma_start3A_162 : memref<128xi32, #tpu.memory_space<vmem>>) semaphore(%run_scoped3A : memref<!tpu.dma_semaphore, #tpu.memory_space<semaphore_mem>>) {add = true}
        %dma_wait3A_166 = arith.constant 0 : i32
        %dma_wait3A_167 = tpu.memref_slice %arg8[%add3A_145, %dma_wait3A_166] : memref<16x128xi32, #tpu.memory_space<vmem>> -> memref<1x128xi32, #tpu.memory_space<vmem>>
        %dma_wait3A_168 = tpu.memref_squeeze %dma_wait3A_167 : memref<1x128xi32, #tpu.memory_space<vmem>> -> memref<128xi32, #tpu.memory_space<vmem>>
        %dma_wait3A_169 = arith.constant 0 : i32
        %dma_wait3A_170 = arith.constant 0 : i32
        %dma_wait3A_171 = tpu.memref_slice %arg11[%dma_wait3A_169, %dma_wait3A_170] : memref<10240x128xf32, #tpu.memory_space<vmem_shared>> -> memref<10240x128xf32, #tpu.memory_space<vmem_shared>>
        tpu.wait_indirect_dma semaphore(%run_scoped3A : memref<!tpu.dma_semaphore, #tpu.memory_space<semaphore_mem>>) src(%arg10 : memref<128x128xf32, #tpu.memory_space<vmem>>) dst(%dma_wait3A_171 : memref<10240x128xf32, #tpu.memory_space<vmem_shared>>)
        tpu.yield
      }) : () -> ()
      %add3A_152 = arith.constant 2 : i32
      %add3A_153 = arith.addi %add3A_145, %add3A_152 : i32
      %lt3A_154 = arith.constant 16 : i32
      %lt3A_155 = arith.cmpi slt, %add3A_153, %lt3A_154 : i32
      %convert_element_type3A_156 = arith.extui %lt3A_155 : i1 to i32
      %cond3A_157 = arith.constant 0 : i32
      %cond3A_158 = arith.cmpi ne, %convert_element_type3A_156, %cond3A_157 : i32
      scf.if %cond3A_158 {
        %add3A_160 = arith.constant 2 : i32
        %add3A_161 = arith.addi %add3A_145, %add3A_160 : i32
        %dma_start3A_162 = arith.constant 0 : i32
        %dma_start3A_163 = tpu.memref_slice %arg7[%add3A_161, %dma_start3A_162] : memref<16x128xi32, #tpu.memory_space<vmem>> -> memref<1x128xi32, #tpu.memory_space<vmem>>
        %dma_start3A_164 = tpu.memref_squeeze %dma_start3A_163 : memref<1x128xi32, #tpu.memory_space<vmem>> -> memref<128xi32, #tpu.memory_space<vmem>>
        %dma_start3A_165 = arith.constant 0 : i32
        %dma_start3A_166 = arith.constant 0 : i32
        %dma_start3A_167 = tpu.memref_slice %arg2[%dma_start3A_165, %dma_start3A_166] : memref<10000x128xf32, #tpu.memory_space<hbm>> -> memref<10000x128xf32, #tpu.memory_space<hbm>>
        tpu.enqueue_indirect_dma source(%dma_start3A_167 : memref<10000x128xf32, #tpu.memory_space<hbm>>) target(%arg10 : memref<128x128xf32, #tpu.memory_space<vmem>>) offsets(%dma_start3A_164 : memref<128xi32, #tpu.memory_space<vmem>>) semaphore(%arg13 : memref<!tpu.dma_semaphore, #tpu.memory_space<semaphore_mem>>)
      } else {
      }
      %scan3A_159 = arith.constant 0 : i32
      scf.yield %scan3A_159 : i32
    }
    %scan3A_25 = arith.constant 8 : i32
    %mul3A_26 = arith.constant 80 : i32
    %mul3A_27 = arith.muli %add3A, %mul3A_26 : i32
    %add3A_28 = arith.constant 16 : i32
    %add3A_29 = arith.addi %mul3A_27, %add3A_28 : i32
    "tpu.region"() ({
      %run_scoped3A = tpu.sem_alloc : memref<!tpu.dma_semaphore, #tpu.memory_space<semaphore_mem>>
      %dma_start3A_127 = arith.constant 0 : i32
      %dma_start3A_128 = tpu.memref_slice %arg3[%add3A_29, %dma_start3A_127] : memref<2560x128xi32, #tpu.memory_space<hbm>> -> memref<16x128xi32, #tpu.memory_space<hbm>>
      %dma_start3A_129 = arith.constant 0 : i32
      %dma_start3A_130 = tpu.memref_slice %arg3[%add3A_29, %dma_start3A_129] : memref<2560x128xi32, #tpu.memory_space<hbm>> -> memref<16x128xi32, #tpu.memory_space<hbm>>
      tpu.enqueue_dma source(%dma_start3A_130 : memref<16x128xi32, #tpu.memory_space<hbm>>) target(%arg7 : memref<16x128xi32, #tpu.memory_space<vmem>>) target_semaphore(%run_scoped3A : memref<!tpu.dma_semaphore, #tpu.memory_space<semaphore_mem>>)
      %dma_wait3A = arith.constant 0 : i32
      %dma_wait3A_131 = tpu.memref_slice %arg3[%add3A_29, %dma_wait3A] : memref<2560x128xi32, #tpu.memory_space<hbm>> -> memref<16x128xi32, #tpu.memory_space<hbm>>
      %dma_wait3A_132 = arith.constant 0 : i32
      %dma_wait3A_133 = tpu.memref_slice %arg3[%add3A_29, %dma_wait3A_132] : memref<2560x128xi32, #tpu.memory_space<hbm>> -> memref<16x128xi32, #tpu.memory_space<hbm>>
      tpu.wait_dma2 semaphore(%run_scoped3A : memref<!tpu.dma_semaphore, #tpu.memory_space<semaphore_mem>>) src(%dma_wait3A_133 : memref<16x128xi32, #tpu.memory_space<hbm>>) dst(%arg7 : memref<16x128xi32, #tpu.memory_space<vmem>>)
      tpu.yield
    }) : () -> ()
    "tpu.region"() ({
      %run_scoped3A = tpu.sem_alloc : memref<!tpu.dma_semaphore, #tpu.memory_space<semaphore_mem>>
      %dma_start3A_127 = arith.constant 0 : i32
      %dma_start3A_128 = tpu.memref_slice %arg4[%add3A_29, %dma_start3A_127] : memref<2560x128xi32, #tpu.memory_space<hbm>> -> memref<16x128xi32, #tpu.memory_space<hbm>>
      %dma_start3A_129 = arith.constant 0 : i32
      %dma_start3A_130 = tpu.memref_slice %arg4[%add3A_29, %dma_start3A_129] : memref<2560x128xi32, #tpu.memory_space<hbm>> -> memref<16x128xi32, #tpu.memory_space<hbm>>
      tpu.enqueue_dma source(%dma_start3A_130 : memref<16x128xi32, #tpu.memory_space<hbm>>) target(%arg8 : memref<16x128xi32, #tpu.memory_space<vmem>>) target_semaphore(%run_scoped3A : memref<!tpu.dma_semaphore, #tpu.memory_space<semaphore_mem>>)
      %dma_wait3A = arith.constant 0 : i32
      %dma_wait3A_131 = tpu.memref_slice %arg4[%add3A_29, %dma_wait3A] : memref<2560x128xi32, #tpu.memory_space<hbm>> -> memref<16x128xi32, #tpu.memory_space<hbm>>
      %dma_wait3A_132 = arith.constant 0 : i32
      %dma_wait3A_133 = tpu.memref_slice %arg4[%add3A_29, %dma_wait3A_132] : memref<2560x128xi32, #tpu.memory_space<hbm>> -> memref<16x128xi32, #tpu.memory_space<hbm>>
      tpu.wait_dma2 semaphore(%run_scoped3A : memref<!tpu.dma_semaphore, #tpu.memory_space<semaphore_mem>>) src(%dma_wait3A_133 : memref<16x128xi32, #tpu.memory_space<hbm>>) dst(%arg8 : memref<16x128xi32, #tpu.memory_space<vmem>>)
      tpu.yield
    }) : () -> ()
    %dma_start3A_30 = arith.constant 0 : i32
    %dma_start3A_31 = arith.constant 0 : i32
    %dma_start3A_32 = tpu.memref_slice %arg7[%dma_start3A_30, %dma_start3A_31] : memref<16x128xi32, #tpu.memory_space<vmem>> -> memref<1x128xi32, #tpu.memory_space<vmem>>
    %dma_start3A_33 = tpu.memref_squeeze %dma_start3A_32 : memref<1x128xi32, #tpu.memory_space<vmem>> -> memref<128xi32, #tpu.memory_space<vmem>>
    %dma_start3A_34 = arith.constant 0 : i32
    %dma_start3A_35 = arith.constant 0 : i32
    %dma_start3A_36 = tpu.memref_slice %arg2[%dma_start3A_34, %dma_start3A_35] : memref<10000x128xf32, #tpu.memory_space<hbm>> -> memref<10000x128xf32, #tpu.memory_space<hbm>>
    tpu.enqueue_indirect_dma source(%dma_start3A_36 : memref<10000x128xf32, #tpu.memory_space<hbm>>) target(%arg9 : memref<128x128xf32, #tpu.memory_space<vmem>>) offsets(%dma_start3A_33 : memref<128xi32, #tpu.memory_space<vmem>>) semaphore(%arg12 : memref<!tpu.dma_semaphore, #tpu.memory_space<semaphore_mem>>)
    %dma_start3A_37 = arith.constant 1 : i32
    %dma_start3A_38 = arith.constant 0 : i32
    %dma_start3A_39 = tpu.memref_slice %arg7[%dma_start3A_37, %dma_start3A_38] : memref<16x128xi32, #tpu.memory_space<vmem>> -> memref<1x128xi32, #tpu.memory_space<vmem>>
    %dma_start3A_40 = tpu.memref_squeeze %dma_start3A_39 : memref<1x128xi32, #tpu.memory_space<vmem>> -> memref<128xi32, #tpu.memory_space<vmem>>
    %dma_start3A_41 = arith.constant 0 : i32
    %dma_start3A_42 = arith.constant 0 : i32
    %dma_start3A_43 = tpu.memref_slice %arg2[%dma_start3A_41, %dma_start3A_42] : memref<10000x128xf32, #tpu.memory_space<hbm>> -> memref<10000x128xf32, #tpu.memory_space<hbm>>
    tpu.enqueue_indirect_dma source(%dma_start3A_43 : memref<10000x128xf32, #tpu.memory_space<hbm>>) target(%arg10 : memref<128x128xf32, #tpu.memory_space<vmem>>) offsets(%dma_start3A_40 : memref<128xi32, #tpu.memory_space<vmem>>) semaphore(%arg13 : memref<!tpu.dma_semaphore, #tpu.memory_space<semaphore_mem>>)
    %scan3A_44 = arith.constant 0 : i32
    %scan3A_45 = arith.constant 0 : i32
    %scan3A_46 = arith.constant 8 : i32
    %scan3A_47 = arith.addi %scan3A_45, %scan3A_46 : i32
    %scan3A_48 = arith.constant 1 : i32
    %scan3A_49 = scf.for %scan3A_127 = %scan3A_45 to %scan3A_47 step %scan3A_48 iter_args(%scan3A_128 = %scan3A_44) -> (i32)  : i32 {
      %mul3A_129 = arith.constant 2 : i32
      %mul3A_130 = arith.muli %scan3A_127, %mul3A_129 : i32
      %add3A_131 = arith.constant 0 : i32
      %add3A_132 = arith.addi %mul3A_130, %add3A_131 : i32
      %dma_wait3A = arith.constant 0 : i32
      %dma_wait3A_133 = tpu.memref_slice %arg7[%add3A_132, %dma_wait3A] : memref<16x128xi32, #tpu.memory_space<vmem>> -> memref<1x128xi32, #tpu.memory_space<vmem>>
      %dma_wait3A_134 = tpu.memref_squeeze %dma_wait3A_133 : memref<1x128xi32, #tpu.memory_space<vmem>> -> memref<128xi32, #tpu.memory_space<vmem>>
      %dma_wait3A_135 = arith.constant 0 : i32
      %dma_wait3A_136 = arith.constant 0 : i32
      %dma_wait3A_137 = tpu.memref_slice %arg2[%dma_wait3A_135, %dma_wait3A_136] : memref<10000x128xf32, #tpu.memory_space<hbm>> -> memref<10000x128xf32, #tpu.memory_space<hbm>>
      tpu.wait_indirect_dma semaphore(%arg12 : memref<!tpu.dma_semaphore, #tpu.memory_space<semaphore_mem>>) src(%dma_wait3A_137 : memref<10000x128xf32, #tpu.memory_space<hbm>>) dst(%arg9 : memref<128x128xf32, #tpu.memory_space<vmem>>)
      "tpu.region"() ({
        %run_scoped3A = tpu.sem_alloc : memref<!tpu.dma_semaphore, #tpu.memory_space<semaphore_mem>>
        %dma_start3A_160 = arith.constant 0 : i32
        %dma_start3A_161 = tpu.memref_slice %arg8[%add3A_132, %dma_start3A_160] : memref<16x128xi32, #tpu.memory_space<vmem>> -> memref<1x128xi32, #tpu.memory_space<vmem>>
        %dma_start3A_162 = tpu.memref_squeeze %dma_start3A_161 : memref<1x128xi32, #tpu.memory_space<vmem>> -> memref<128xi32, #tpu.memory_space<vmem>>
        %dma_start3A_163 = arith.constant 0 : i32
        %dma_start3A_164 = arith.constant 0 : i32
        %dma_start3A_165 = tpu.memref_slice %arg11[%dma_start3A_163, %dma_start3A_164] : memref<10240x128xf32, #tpu.memory_space<vmem_shared>> -> memref<10240x128xf32, #tpu.memory_space<vmem_shared>>
        tpu.enqueue_indirect_dma source(%arg9 : memref<128x128xf32, #tpu.memory_space<vmem>>) target(%dma_start3A_165 : memref<10240x128xf32, #tpu.memory_space<vmem_shared>>) offsets(%dma_start3A_162 : memref<128xi32, #tpu.memory_space<vmem>>) semaphore(%run_scoped3A : memref<!tpu.dma_semaphore, #tpu.memory_space<semaphore_mem>>) {add = true}
        %dma_wait3A_166 = arith.constant 0 : i32
        %dma_wait3A_167 = tpu.memref_slice %arg8[%add3A_132, %dma_wait3A_166] : memref<16x128xi32, #tpu.memory_space<vmem>> -> memref<1x128xi32, #tpu.memory_space<vmem>>
        %dma_wait3A_168 = tpu.memref_squeeze %dma_wait3A_167 : memref<1x128xi32, #tpu.memory_space<vmem>> -> memref<128xi32, #tpu.memory_space<vmem>>
        %dma_wait3A_169 = arith.constant 0 : i32
        %dma_wait3A_170 = arith.constant 0 : i32
        %dma_wait3A_171 = tpu.memref_slice %arg11[%dma_wait3A_169, %dma_wait3A_170] : memref<10240x128xf32, #tpu.memory_space<vmem_shared>> -> memref<10240x128xf32, #tpu.memory_space<vmem_shared>>
        tpu.wait_indirect_dma semaphore(%run_scoped3A : memref<!tpu.dma_semaphore, #tpu.memory_space<semaphore_mem>>) src(%arg9 : memref<128x128xf32, #tpu.memory_space<vmem>>) dst(%dma_wait3A_171 : memref<10240x128xf32, #tpu.memory_space<vmem_shared>>)
        tpu.yield
      }) : () -> ()
      %add3A_138 = arith.constant 2 : i32
      %add3A_139 = arith.addi %add3A_132, %add3A_138 : i32
      %lt3A = arith.constant 16 : i32
      %lt3A_140 = arith.cmpi slt, %add3A_139, %lt3A : i32
      %convert_element_type3A = arith.extui %lt3A_140 : i1 to i32
      %cond3A = arith.constant 0 : i32
      %cond3A_141 = arith.cmpi ne, %convert_element_type3A, %cond3A : i32
      scf.if %cond3A_141 {
        %add3A_160 = arith.constant 2 : i32
        %add3A_161 = arith.addi %add3A_132, %add3A_160 : i32
        %dma_start3A_162 = arith.constant 0 : i32
        %dma_start3A_163 = tpu.memref_slice %arg7[%add3A_161, %dma_start3A_162] : memref<16x128xi32, #tpu.memory_space<vmem>> -> memref<1x128xi32, #tpu.memory_space<vmem>>
        %dma_start3A_164 = tpu.memref_squeeze %dma_start3A_163 : memref<1x128xi32, #tpu.memory_space<vmem>> -> memref<128xi32, #tpu.memory_space<vmem>>
        %dma_start3A_165 = arith.constant 0 : i32
        %dma_start3A_166 = arith.constant 0 : i32
        %dma_start3A_167 = tpu.memref_slice %arg2[%dma_start3A_165, %dma_start3A_166] : memref<10000x128xf32, #tpu.memory_space<hbm>> -> memref<10000x128xf32, #tpu.memory_space<hbm>>
        tpu.enqueue_indirect_dma source(%dma_start3A_167 : memref<10000x128xf32, #tpu.memory_space<hbm>>) target(%arg9 : memref<128x128xf32, #tpu.memory_space<vmem>>) offsets(%dma_start3A_164 : memref<128xi32, #tpu.memory_space<vmem>>) semaphore(%arg12 : memref<!tpu.dma_semaphore, #tpu.memory_space<semaphore_mem>>)
      } else {
      }
      %mul3A_142 = arith.constant 2 : i32
      %mul3A_143 = arith.muli %scan3A_127, %mul3A_142 : i32
      %add3A_144 = arith.constant 1 : i32
      %add3A_145 = arith.addi %mul3A_143, %add3A_144 : i32
      %dma_wait3A_146 = arith.constant 0 : i32
      %dma_wait3A_147 = tpu.memref_slice %arg7[%add3A_145, %dma_wait3A_146] : memref<16x128xi32, #tpu.memory_space<vmem>> -> memref<1x128xi32, #tpu.memory_space<vmem>>
      %dma_wait3A_148 = tpu.memref_squeeze %dma_wait3A_147 : memref<1x128xi32, #tpu.memory_space<vmem>> -> memref<128xi32, #tpu.memory_space<vmem>>
      %dma_wait3A_149 = arith.constant 0 : i32
      %dma_wait3A_150 = arith.constant 0 : i32
      %dma_wait3A_151 = tpu.memref_slice %arg2[%dma_wait3A_149, %dma_wait3A_150] : memref<10000x128xf32, #tpu.memory_space<hbm>> -> memref<10000x128xf32, #tpu.memory_space<hbm>>
      tpu.wait_indirect_dma semaphore(%arg13 : memref<!tpu.dma_semaphore, #tpu.memory_space<semaphore_mem>>) src(%dma_wait3A_151 : memref<10000x128xf32, #tpu.memory_space<hbm>>) dst(%arg10 : memref<128x128xf32, #tpu.memory_space<vmem>>)
      "tpu.region"() ({
        %run_scoped3A = tpu.sem_alloc : memref<!tpu.dma_semaphore, #tpu.memory_space<semaphore_mem>>
        %dma_start3A_160 = arith.constant 0 : i32
        %dma_start3A_161 = tpu.memref_slice %arg8[%add3A_145, %dma_start3A_160] : memref<16x128xi32, #tpu.memory_space<vmem>> -> memref<1x128xi32, #tpu.memory_space<vmem>>
        %dma_start3A_162 = tpu.memref_squeeze %dma_start3A_161 : memref<1x128xi32, #tpu.memory_space<vmem>> -> memref<128xi32, #tpu.memory_space<vmem>>
        %dma_start3A_163 = arith.constant 0 : i32
        %dma_start3A_164 = arith.constant 0 : i32
        %dma_start3A_165 = tpu.memref_slice %arg11[%dma_start3A_163, %dma_start3A_164] : memref<10240x128xf32, #tpu.memory_space<vmem_shared>> -> memref<10240x128xf32, #tpu.memory_space<vmem_shared>>
        tpu.enqueue_indirect_dma source(%arg10 : memref<128x128xf32, #tpu.memory_space<vmem>>) target(%dma_start3A_165 : memref<10240x128xf32, #tpu.memory_space<vmem_shared>>) offsets(%dma_start3A_162 : memref<128xi32, #tpu.memory_space<vmem>>) semaphore(%run_scoped3A : memref<!tpu.dma_semaphore, #tpu.memory_space<semaphore_mem>>) {add = true}
        %dma_wait3A_166 = arith.constant 0 : i32
        %dma_wait3A_167 = tpu.memref_slice %arg8[%add3A_145, %dma_wait3A_166] : memref<16x128xi32, #tpu.memory_space<vmem>> -> memref<1x128xi32, #tpu.memory_space<vmem>>
        %dma_wait3A_168 = tpu.memref_squeeze %dma_wait3A_167 : memref<1x128xi32, #tpu.memory_space<vmem>> -> memref<128xi32, #tpu.memory_space<vmem>>
        %dma_wait3A_169 = arith.constant 0 : i32
        %dma_wait3A_170 = arith.constant 0 : i32
        %dma_wait3A_171 = tpu.memref_slice %arg11[%dma_wait3A_169, %dma_wait3A_170] : memref<10240x128xf32, #tpu.memory_space<vmem_shared>> -> memref<10240x128xf32, #tpu.memory_space<vmem_shared>>
        tpu.wait_indirect_dma semaphore(%run_scoped3A : memref<!tpu.dma_semaphore, #tpu.memory_space<semaphore_mem>>) src(%arg10 : memref<128x128xf32, #tpu.memory_space<vmem>>) dst(%dma_wait3A_171 : memref<10240x128xf32, #tpu.memory_space<vmem_shared>>)
        tpu.yield
      }) : () -> ()
      %add3A_152 = arith.constant 2 : i32
      %add3A_153 = arith.addi %add3A_145, %add3A_152 : i32
      %lt3A_154 = arith.constant 16 : i32
      %lt3A_155 = arith.cmpi slt, %add3A_153, %lt3A_154 : i32
      %convert_element_type3A_156 = arith.extui %lt3A_155 : i1 to i32
      %cond3A_157 = arith.constant 0 : i32
      %cond3A_158 = arith.cmpi ne, %convert_element_type3A_156, %cond3A_157 : i32
      scf.if %cond3A_158 {
        %add3A_160 = arith.constant 2 : i32
        %add3A_161 = arith.addi %add3A_145, %add3A_160 : i32
        %dma_start3A_162 = arith.constant 0 : i32
        %dma_start3A_163 = tpu.memref_slice %arg7[%add3A_161, %dma_start3A_162] : memref<16x128xi32, #tpu.memory_space<vmem>> -> memref<1x128xi32, #tpu.memory_space<vmem>>
        %dma_start3A_164 = tpu.memref_squeeze %dma_start3A_163 : memref<1x128xi32, #tpu.memory_space<vmem>> -> memref<128xi32, #tpu.memory_space<vmem>>
        %dma_start3A_165 = arith.constant 0 : i32
        %dma_start3A_166 = arith.constant 0 : i32
        %dma_start3A_167 = tpu.memref_slice %arg2[%dma_start3A_165, %dma_start3A_166] : memref<10000x128xf32, #tpu.memory_space<hbm>> -> memref<10000x128xf32, #tpu.memory_space<hbm>>
        tpu.enqueue_indirect_dma source(%dma_start3A_167 : memref<10000x128xf32, #tpu.memory_space<hbm>>) target(%arg10 : memref<128x128xf32, #tpu.memory_space<vmem>>) offsets(%dma_start3A_164 : memref<128xi32, #tpu.memory_space<vmem>>) semaphore(%arg13 : memref<!tpu.dma_semaphore, #tpu.memory_space<semaphore_mem>>)
      } else {
      }
      %scan3A_159 = arith.constant 0 : i32
      scf.yield %scan3A_159 : i32
    }
    %scan3A_50 = arith.constant 8 : i32
    %mul3A_51 = arith.constant 80 : i32
    %mul3A_52 = arith.muli %add3A, %mul3A_51 : i32
    %add3A_53 = arith.constant 32 : i32
    %add3A_54 = arith.addi %mul3A_52, %add3A_53 : i32
    "tpu.region"() ({
      %run_scoped3A = tpu.sem_alloc : memref<!tpu.dma_semaphore, #tpu.memory_space<semaphore_mem>>
      %dma_start3A_127 = arith.constant 0 : i32
      %dma_start3A_128 = tpu.memref_slice %arg3[%add3A_54, %dma_start3A_127] : memref<2560x128xi32, #tpu.memory_space<hbm>> -> memref<16x128xi32, #tpu.memory_space<hbm>>
      %dma_start3A_129 = arith.constant 0 : i32
      %dma_start3A_130 = tpu.memref_slice %arg3[%add3A_54, %dma_start3A_129] : memref<2560x128xi32, #tpu.memory_space<hbm>> -> memref<16x128xi32, #tpu.memory_space<hbm>>
      tpu.enqueue_dma source(%dma_start3A_130 : memref<16x128xi32, #tpu.memory_space<hbm>>) target(%arg7 : memref<16x128xi32, #tpu.memory_space<vmem>>) target_semaphore(%run_scoped3A : memref<!tpu.dma_semaphore, #tpu.memory_space<semaphore_mem>>)
      %dma_wait3A = arith.constant 0 : i32
      %dma_wait3A_131 = tpu.memref_slice %arg3[%add3A_54, %dma_wait3A] : memref<2560x128xi32, #tpu.memory_space<hbm>> -> memref<16x128xi32, #tpu.memory_space<hbm>>
      %dma_wait3A_132 = arith.constant 0 : i32
      %dma_wait3A_133 = tpu.memref_slice %arg3[%add3A_54, %dma_wait3A_132] : memref<2560x128xi32, #tpu.memory_space<hbm>> -> memref<16x128xi32, #tpu.memory_space<hbm>>
      tpu.wait_dma2 semaphore(%run_scoped3A : memref<!tpu.dma_semaphore, #tpu.memory_space<semaphore_mem>>) src(%dma_wait3A_133 : memref<16x128xi32, #tpu.memory_space<hbm>>) dst(%arg7 : memref<16x128xi32, #tpu.memory_space<vmem>>)
      tpu.yield
    }) : () -> ()
    "tpu.region"() ({
      %run_scoped3A = tpu.sem_alloc : memref<!tpu.dma_semaphore, #tpu.memory_space<semaphore_mem>>
      %dma_start3A_127 = arith.constant 0 : i32
      %dma_start3A_128 = tpu.memref_slice %arg4[%add3A_54, %dma_start3A_127] : memref<2560x128xi32, #tpu.memory_space<hbm>> -> memref<16x128xi32, #tpu.memory_space<hbm>>
      %dma_start3A_129 = arith.constant 0 : i32
      %dma_start3A_130 = tpu.memref_slice %arg4[%add3A_54, %dma_start3A_129] : memref<2560x128xi32, #tpu.memory_space<hbm>> -> memref<16x128xi32, #tpu.memory_space<hbm>>
      tpu.enqueue_dma source(%dma_start3A_130 : memref<16x128xi32, #tpu.memory_space<hbm>>) target(%arg8 : memref<16x128xi32, #tpu.memory_space<vmem>>) target_semaphore(%run_scoped3A : memref<!tpu.dma_semaphore, #tpu.memory_space<semaphore_mem>>)
      %dma_wait3A = arith.constant 0 : i32
      %dma_wait3A_131 = tpu.memref_slice %arg4[%add3A_54, %dma_wait3A] : memref<2560x128xi32, #tpu.memory_space<hbm>> -> memref<16x128xi32, #tpu.memory_space<hbm>>
      %dma_wait3A_132 = arith.constant 0 : i32
      %dma_wait3A_133 = tpu.memref_slice %arg4[%add3A_54, %dma_wait3A_132] : memref<2560x128xi32, #tpu.memory_space<hbm>> -> memref<16x128xi32, #tpu.memory_space<hbm>>
      tpu.wait_dma2 semaphore(%run_scoped3A : memref<!tpu.dma_semaphore, #tpu.memory_space<semaphore_mem>>) src(%dma_wait3A_133 : memref<16x128xi32, #tpu.memory_space<hbm>>) dst(%arg8 : memref<16x128xi32, #tpu.memory_space<vmem>>)
      tpu.yield
    }) : () -> ()
    %dma_start3A_55 = arith.constant 0 : i32
    %dma_start3A_56 = arith.constant 0 : i32
    %dma_start3A_57 = tpu.memref_slice %arg7[%dma_start3A_55, %dma_start3A_56] : memref<16x128xi32, #tpu.memory_space<vmem>> -> memref<1x128xi32, #tpu.memory_space<vmem>>
    %dma_start3A_58 = tpu.memref_squeeze %dma_start3A_57 : memref<1x128xi32, #tpu.memory_space<vmem>> -> memref<128xi32, #tpu.memory_space<vmem>>
    %dma_start3A_59 = arith.constant 0 : i32
    %dma_start3A_60 = arith.constant 0 : i32
    %dma_start3A_61 = tpu.memref_slice %arg2[%dma_start3A_59, %dma_start3A_60] : memref<10000x128xf32, #tpu.memory_space<hbm>> -> memref<10000x128xf32, #tpu.memory_space<hbm>>
    tpu.enqueue_indirect_dma source(%dma_start3A_61 : memref<10000x128xf32, #tpu.memory_space<hbm>>) target(%arg9 : memref<128x128xf32, #tpu.memory_space<vmem>>) offsets(%dma_start3A_58 : memref<128xi32, #tpu.memory_space<vmem>>) semaphore(%arg12 : memref<!tpu.dma_semaphore, #tpu.memory_space<semaphore_mem>>)
    %dma_start3A_62 = arith.constant 1 : i32
    %dma_start3A_63 = arith.constant 0 : i32
    %dma_start3A_64 = tpu.memref_slice %arg7[%dma_start3A_62, %dma_start3A_63] : memref<16x128xi32, #tpu.memory_space<vmem>> -> memref<1x128xi32, #tpu.memory_space<vmem>>
    %dma_start3A_65 = tpu.memref_squeeze %dma_start3A_64 : memref<1x128xi32, #tpu.memory_space<vmem>> -> memref<128xi32, #tpu.memory_space<vmem>>
    %dma_start3A_66 = arith.constant 0 : i32
    %dma_start3A_67 = arith.constant 0 : i32
    %dma_start3A_68 = tpu.memref_slice %arg2[%dma_start3A_66, %dma_start3A_67] : memref<10000x128xf32, #tpu.memory_space<hbm>> -> memref<10000x128xf32, #tpu.memory_space<hbm>>
    tpu.enqueue_indirect_dma source(%dma_start3A_68 : memref<10000x128xf32, #tpu.memory_space<hbm>>) target(%arg10 : memref<128x128xf32, #tpu.memory_space<vmem>>) offsets(%dma_start3A_65 : memref<128xi32, #tpu.memory_space<vmem>>) semaphore(%arg13 : memref<!tpu.dma_semaphore, #tpu.memory_space<semaphore_mem>>)
    %scan3A_69 = arith.constant 0 : i32
    %scan3A_70 = arith.constant 0 : i32
    %scan3A_71 = arith.constant 8 : i32
    %scan3A_72 = arith.addi %scan3A_70, %scan3A_71 : i32
    %scan3A_73 = arith.constant 1 : i32
    %scan3A_74 = scf.for %scan3A_127 = %scan3A_70 to %scan3A_72 step %scan3A_73 iter_args(%scan3A_128 = %scan3A_69) -> (i32)  : i32 {
      %mul3A_129 = arith.constant 2 : i32
      %mul3A_130 = arith.muli %scan3A_127, %mul3A_129 : i32
      %add3A_131 = arith.constant 0 : i32
      %add3A_132 = arith.addi %mul3A_130, %add3A_131 : i32
      %dma_wait3A = arith.constant 0 : i32
      %dma_wait3A_133 = tpu.memref_slice %arg7[%add3A_132, %dma_wait3A] : memref<16x128xi32, #tpu.memory_space<vmem>> -> memref<1x128xi32, #tpu.memory_space<vmem>>
      %dma_wait3A_134 = tpu.memref_squeeze %dma_wait3A_133 : memref<1x128xi32, #tpu.memory_space<vmem>> -> memref<128xi32, #tpu.memory_space<vmem>>
      %dma_wait3A_135 = arith.constant 0 : i32
      %dma_wait3A_136 = arith.constant 0 : i32
      %dma_wait3A_137 = tpu.memref_slice %arg2[%dma_wait3A_135, %dma_wait3A_136] : memref<10000x128xf32, #tpu.memory_space<hbm>> -> memref<10000x128xf32, #tpu.memory_space<hbm>>
      tpu.wait_indirect_dma semaphore(%arg12 : memref<!tpu.dma_semaphore, #tpu.memory_space<semaphore_mem>>) src(%dma_wait3A_137 : memref<10000x128xf32, #tpu.memory_space<hbm>>) dst(%arg9 : memref<128x128xf32, #tpu.memory_space<vmem>>)
      "tpu.region"() ({
        %run_scoped3A = tpu.sem_alloc : memref<!tpu.dma_semaphore, #tpu.memory_space<semaphore_mem>>
        %dma_start3A_160 = arith.constant 0 : i32
        %dma_start3A_161 = tpu.memref_slice %arg8[%add3A_132, %dma_start3A_160] : memref<16x128xi32, #tpu.memory_space<vmem>> -> memref<1x128xi32, #tpu.memory_space<vmem>>
        %dma_start3A_162 = tpu.memref_squeeze %dma_start3A_161 : memref<1x128xi32, #tpu.memory_space<vmem>> -> memref<128xi32, #tpu.memory_space<vmem>>
        %dma_start3A_163 = arith.constant 0 : i32
        %dma_start3A_164 = arith.constant 0 : i32
        %dma_start3A_165 = tpu.memref_slice %arg11[%dma_start3A_163, %dma_start3A_164] : memref<10240x128xf32, #tpu.memory_space<vmem_shared>> -> memref<10240x128xf32, #tpu.memory_space<vmem_shared>>
        tpu.enqueue_indirect_dma source(%arg9 : memref<128x128xf32, #tpu.memory_space<vmem>>) target(%dma_start3A_165 : memref<10240x128xf32, #tpu.memory_space<vmem_shared>>) offsets(%dma_start3A_162 : memref<128xi32, #tpu.memory_space<vmem>>) semaphore(%run_scoped3A : memref<!tpu.dma_semaphore, #tpu.memory_space<semaphore_mem>>) {add = true}
        %dma_wait3A_166 = arith.constant 0 : i32
        %dma_wait3A_167 = tpu.memref_slice %arg8[%add3A_132, %dma_wait3A_166] : memref<16x128xi32, #tpu.memory_space<vmem>> -> memref<1x128xi32, #tpu.memory_space<vmem>>
        %dma_wait3A_168 = tpu.memref_squeeze %dma_wait3A_167 : memref<1x128xi32, #tpu.memory_space<vmem>> -> memref<128xi32, #tpu.memory_space<vmem>>
        %dma_wait3A_169 = arith.constant 0 : i32
        %dma_wait3A_170 = arith.constant 0 : i32
        %dma_wait3A_171 = tpu.memref_slice %arg11[%dma_wait3A_169, %dma_wait3A_170] : memref<10240x128xf32, #tpu.memory_space<vmem_shared>> -> memref<10240x128xf32, #tpu.memory_space<vmem_shared>>
        tpu.wait_indirect_dma semaphore(%run_scoped3A : memref<!tpu.dma_semaphore, #tpu.memory_space<semaphore_mem>>) src(%arg9 : memref<128x128xf32, #tpu.memory_space<vmem>>) dst(%dma_wait3A_171 : memref<10240x128xf32, #tpu.memory_space<vmem_shared>>)
        tpu.yield
      }) : () -> ()
      %add3A_138 = arith.constant 2 : i32
      %add3A_139 = arith.addi %add3A_132, %add3A_138 : i32
      %lt3A = arith.constant 16 : i32
      %lt3A_140 = arith.cmpi slt, %add3A_139, %lt3A : i32
      %convert_element_type3A = arith.extui %lt3A_140 : i1 to i32
      %cond3A = arith.constant 0 : i32
      %cond3A_141 = arith.cmpi ne, %convert_element_type3A, %cond3A : i32
      scf.if %cond3A_141 {
        %add3A_160 = arith.constant 2 : i32
        %add3A_161 = arith.addi %add3A_132, %add3A_160 : i32
        %dma_start3A_162 = arith.constant 0 : i32
        %dma_start3A_163 = tpu.memref_slice %arg7[%add3A_161, %dma_start3A_162] : memref<16x128xi32, #tpu.memory_space<vmem>> -> memref<1x128xi32, #tpu.memory_space<vmem>>
        %dma_start3A_164 = tpu.memref_squeeze %dma_start3A_163 : memref<1x128xi32, #tpu.memory_space<vmem>> -> memref<128xi32, #tpu.memory_space<vmem>>
        %dma_start3A_165 = arith.constant 0 : i32
        %dma_start3A_166 = arith.constant 0 : i32
        %dma_start3A_167 = tpu.memref_slice %arg2[%dma_start3A_165, %dma_start3A_166] : memref<10000x128xf32, #tpu.memory_space<hbm>> -> memref<10000x128xf32, #tpu.memory_space<hbm>>
        tpu.enqueue_indirect_dma source(%dma_start3A_167 : memref<10000x128xf32, #tpu.memory_space<hbm>>) target(%arg9 : memref<128x128xf32, #tpu.memory_space<vmem>>) offsets(%dma_start3A_164 : memref<128xi32, #tpu.memory_space<vmem>>) semaphore(%arg12 : memref<!tpu.dma_semaphore, #tpu.memory_space<semaphore_mem>>)
      } else {
      }
      %mul3A_142 = arith.constant 2 : i32
      %mul3A_143 = arith.muli %scan3A_127, %mul3A_142 : i32
      %add3A_144 = arith.constant 1 : i32
      %add3A_145 = arith.addi %mul3A_143, %add3A_144 : i32
      %dma_wait3A_146 = arith.constant 0 : i32
      %dma_wait3A_147 = tpu.memref_slice %arg7[%add3A_145, %dma_wait3A_146] : memref<16x128xi32, #tpu.memory_space<vmem>> -> memref<1x128xi32, #tpu.memory_space<vmem>>
      %dma_wait3A_148 = tpu.memref_squeeze %dma_wait3A_147 : memref<1x128xi32, #tpu.memory_space<vmem>> -> memref<128xi32, #tpu.memory_space<vmem>>
      %dma_wait3A_149 = arith.constant 0 : i32
      %dma_wait3A_150 = arith.constant 0 : i32
      %dma_wait3A_151 = tpu.memref_slice %arg2[%dma_wait3A_149, %dma_wait3A_150] : memref<10000x128xf32, #tpu.memory_space<hbm>> -> memref<10000x128xf32, #tpu.memory_space<hbm>>
      tpu.wait_indirect_dma semaphore(%arg13 : memref<!tpu.dma_semaphore, #tpu.memory_space<semaphore_mem>>) src(%dma_wait3A_151 : memref<10000x128xf32, #tpu.memory_space<hbm>>) dst(%arg10 : memref<128x128xf32, #tpu.memory_space<vmem>>)
      "tpu.region"() ({
        %run_scoped3A = tpu.sem_alloc : memref<!tpu.dma_semaphore, #tpu.memory_space<semaphore_mem>>
        %dma_start3A_160 = arith.constant 0 : i32
        %dma_start3A_161 = tpu.memref_slice %arg8[%add3A_145, %dma_start3A_160] : memref<16x128xi32, #tpu.memory_space<vmem>> -> memref<1x128xi32, #tpu.memory_space<vmem>>
        %dma_start3A_162 = tpu.memref_squeeze %dma_start3A_161 : memref<1x128xi32, #tpu.memory_space<vmem>> -> memref<128xi32, #tpu.memory_space<vmem>>
        %dma_start3A_163 = arith.constant 0 : i32
        %dma_start3A_164 = arith.constant 0 : i32
        %dma_start3A_165 = tpu.memref_slice %arg11[%dma_start3A_163, %dma_start3A_164] : memref<10240x128xf32, #tpu.memory_space<vmem_shared>> -> memref<10240x128xf32, #tpu.memory_space<vmem_shared>>
        tpu.enqueue_indirect_dma source(%arg10 : memref<128x128xf32, #tpu.memory_space<vmem>>) target(%dma_start3A_165 : memref<10240x128xf32, #tpu.memory_space<vmem_shared>>) offsets(%dma_start3A_162 : memref<128xi32, #tpu.memory_space<vmem>>) semaphore(%run_scoped3A : memref<!tpu.dma_semaphore, #tpu.memory_space<semaphore_mem>>) {add = true}
        %dma_wait3A_166 = arith.constant 0 : i32
        %dma_wait3A_167 = tpu.memref_slice %arg8[%add3A_145, %dma_wait3A_166] : memref<16x128xi32, #tpu.memory_space<vmem>> -> memref<1x128xi32, #tpu.memory_space<vmem>>
        %dma_wait3A_168 = tpu.memref_squeeze %dma_wait3A_167 : memref<1x128xi32, #tpu.memory_space<vmem>> -> memref<128xi32, #tpu.memory_space<vmem>>
        %dma_wait3A_169 = arith.constant 0 : i32
        %dma_wait3A_170 = arith.constant 0 : i32
        %dma_wait3A_171 = tpu.memref_slice %arg11[%dma_wait3A_169, %dma_wait3A_170] : memref<10240x128xf32, #tpu.memory_space<vmem_shared>> -> memref<10240x128xf32, #tpu.memory_space<vmem_shared>>
        tpu.wait_indirect_dma semaphore(%run_scoped3A : memref<!tpu.dma_semaphore, #tpu.memory_space<semaphore_mem>>) src(%arg10 : memref<128x128xf32, #tpu.memory_space<vmem>>) dst(%dma_wait3A_171 : memref<10240x128xf32, #tpu.memory_space<vmem_shared>>)
        tpu.yield
      }) : () -> ()
      %add3A_152 = arith.constant 2 : i32
      %add3A_153 = arith.addi %add3A_145, %add3A_152 : i32
      %lt3A_154 = arith.constant 16 : i32
      %lt3A_155 = arith.cmpi slt, %add3A_153, %lt3A_154 : i32
      %convert_element_type3A_156 = arith.extui %lt3A_155 : i1 to i32
      %cond3A_157 = arith.constant 0 : i32
      %cond3A_158 = arith.cmpi ne, %convert_element_type3A_156, %cond3A_157 : i32
      scf.if %cond3A_158 {
        %add3A_160 = arith.constant 2 : i32
        %add3A_161 = arith.addi %add3A_145, %add3A_160 : i32
        %dma_start3A_162 = arith.constant 0 : i32
        %dma_start3A_163 = tpu.memref_slice %arg7[%add3A_161, %dma_start3A_162] : memref<16x128xi32, #tpu.memory_space<vmem>> -> memref<1x128xi32, #tpu.memory_space<vmem>>
        %dma_start3A_164 = tpu.memref_squeeze %dma_start3A_163 : memref<1x128xi32, #tpu.memory_space<vmem>> -> memref<128xi32, #tpu.memory_space<vmem>>
        %dma_start3A_165 = arith.constant 0 : i32
        %dma_start3A_166 = arith.constant 0 : i32
        %dma_start3A_167 = tpu.memref_slice %arg2[%dma_start3A_165, %dma_start3A_166] : memref<10000x128xf32, #tpu.memory_space<hbm>> -> memref<10000x128xf32, #tpu.memory_space<hbm>>
        tpu.enqueue_indirect_dma source(%dma_start3A_167 : memref<10000x128xf32, #tpu.memory_space<hbm>>) target(%arg10 : memref<128x128xf32, #tpu.memory_space<vmem>>) offsets(%dma_start3A_164 : memref<128xi32, #tpu.memory_space<vmem>>) semaphore(%arg13 : memref<!tpu.dma_semaphore, #tpu.memory_space<semaphore_mem>>)
      } else {
      }
      %scan3A_159 = arith.constant 0 : i32
      scf.yield %scan3A_159 : i32
    }
    %scan3A_75 = arith.constant 8 : i32
    %mul3A_76 = arith.constant 80 : i32
    %mul3A_77 = arith.muli %add3A, %mul3A_76 : i32
    %add3A_78 = arith.constant 48 : i32
    %add3A_79 = arith.addi %mul3A_77, %add3A_78 : i32
    "tpu.region"() ({
      %run_scoped3A = tpu.sem_alloc : memref<!tpu.dma_semaphore, #tpu.memory_space<semaphore_mem>>
      %dma_start3A_127 = arith.constant 0 : i32
      %dma_start3A_128 = tpu.memref_slice %arg3[%add3A_79, %dma_start3A_127] : memref<2560x128xi32, #tpu.memory_space<hbm>> -> memref<16x128xi32, #tpu.memory_space<hbm>>
      %dma_start3A_129 = arith.constant 0 : i32
      %dma_start3A_130 = tpu.memref_slice %arg3[%add3A_79, %dma_start3A_129] : memref<2560x128xi32, #tpu.memory_space<hbm>> -> memref<16x128xi32, #tpu.memory_space<hbm>>
      tpu.enqueue_dma source(%dma_start3A_130 : memref<16x128xi32, #tpu.memory_space<hbm>>) target(%arg7 : memref<16x128xi32, #tpu.memory_space<vmem>>) target_semaphore(%run_scoped3A : memref<!tpu.dma_semaphore, #tpu.memory_space<semaphore_mem>>)
      %dma_wait3A = arith.constant 0 : i32
      %dma_wait3A_131 = tpu.memref_slice %arg3[%add3A_79, %dma_wait3A] : memref<2560x128xi32, #tpu.memory_space<hbm>> -> memref<16x128xi32, #tpu.memory_space<hbm>>
      %dma_wait3A_132 = arith.constant 0 : i32
      %dma_wait3A_133 = tpu.memref_slice %arg3[%add3A_79, %dma_wait3A_132] : memref<2560x128xi32, #tpu.memory_space<hbm>> -> memref<16x128xi32, #tpu.memory_space<hbm>>
      tpu.wait_dma2 semaphore(%run_scoped3A : memref<!tpu.dma_semaphore, #tpu.memory_space<semaphore_mem>>) src(%dma_wait3A_133 : memref<16x128xi32, #tpu.memory_space<hbm>>) dst(%arg7 : memref<16x128xi32, #tpu.memory_space<vmem>>)
      tpu.yield
    }) : () -> ()
    "tpu.region"() ({
      %run_scoped3A = tpu.sem_alloc : memref<!tpu.dma_semaphore, #tpu.memory_space<semaphore_mem>>
      %dma_start3A_127 = arith.constant 0 : i32
      %dma_start3A_128 = tpu.memref_slice %arg4[%add3A_79, %dma_start3A_127] : memref<2560x128xi32, #tpu.memory_space<hbm>> -> memref<16x128xi32, #tpu.memory_space<hbm>>
      %dma_start3A_129 = arith.constant 0 : i32
      %dma_start3A_130 = tpu.memref_slice %arg4[%add3A_79, %dma_start3A_129] : memref<2560x128xi32, #tpu.memory_space<hbm>> -> memref<16x128xi32, #tpu.memory_space<hbm>>
      tpu.enqueue_dma source(%dma_start3A_130 : memref<16x128xi32, #tpu.memory_space<hbm>>) target(%arg8 : memref<16x128xi32, #tpu.memory_space<vmem>>) target_semaphore(%run_scoped3A : memref<!tpu.dma_semaphore, #tpu.memory_space<semaphore_mem>>)
      %dma_wait3A = arith.constant 0 : i32
      %dma_wait3A_131 = tpu.memref_slice %arg4[%add3A_79, %dma_wait3A] : memref<2560x128xi32, #tpu.memory_space<hbm>> -> memref<16x128xi32, #tpu.memory_space<hbm>>
      %dma_wait3A_132 = arith.constant 0 : i32
      %dma_wait3A_133 = tpu.memref_slice %arg4[%add3A_79, %dma_wait3A_132] : memref<2560x128xi32, #tpu.memory_space<hbm>> -> memref<16x128xi32, #tpu.memory_space<hbm>>
      tpu.wait_dma2 semaphore(%run_scoped3A : memref<!tpu.dma_semaphore, #tpu.memory_space<semaphore_mem>>) src(%dma_wait3A_133 : memref<16x128xi32, #tpu.memory_space<hbm>>) dst(%arg8 : memref<16x128xi32, #tpu.memory_space<vmem>>)
      tpu.yield
    }) : () -> ()
    %dma_start3A_80 = arith.constant 0 : i32
    %dma_start3A_81 = arith.constant 0 : i32
    %dma_start3A_82 = tpu.memref_slice %arg7[%dma_start3A_80, %dma_start3A_81] : memref<16x128xi32, #tpu.memory_space<vmem>> -> memref<1x128xi32, #tpu.memory_space<vmem>>
    %dma_start3A_83 = tpu.memref_squeeze %dma_start3A_82 : memref<1x128xi32, #tpu.memory_space<vmem>> -> memref<128xi32, #tpu.memory_space<vmem>>
    %dma_start3A_84 = arith.constant 0 : i32
    %dma_start3A_85 = arith.constant 0 : i32
    %dma_start3A_86 = tpu.memref_slice %arg2[%dma_start3A_84, %dma_start3A_85] : memref<10000x128xf32, #tpu.memory_space<hbm>> -> memref<10000x128xf32, #tpu.memory_space<hbm>>
    tpu.enqueue_indirect_dma source(%dma_start3A_86 : memref<10000x128xf32, #tpu.memory_space<hbm>>) target(%arg9 : memref<128x128xf32, #tpu.memory_space<vmem>>) offsets(%dma_start3A_83 : memref<128xi32, #tpu.memory_space<vmem>>) semaphore(%arg12 : memref<!tpu.dma_semaphore, #tpu.memory_space<semaphore_mem>>)
    %dma_start3A_87 = arith.constant 1 : i32
    %dma_start3A_88 = arith.constant 0 : i32
    %dma_start3A_89 = tpu.memref_slice %arg7[%dma_start3A_87, %dma_start3A_88] : memref<16x128xi32, #tpu.memory_space<vmem>> -> memref<1x128xi32, #tpu.memory_space<vmem>>
    %dma_start3A_90 = tpu.memref_squeeze %dma_start3A_89 : memref<1x128xi32, #tpu.memory_space<vmem>> -> memref<128xi32, #tpu.memory_space<vmem>>
    %dma_start3A_91 = arith.constant 0 : i32
    %dma_start3A_92 = arith.constant 0 : i32
    %dma_start3A_93 = tpu.memref_slice %arg2[%dma_start3A_91, %dma_start3A_92] : memref<10000x128xf32, #tpu.memory_space<hbm>> -> memref<10000x128xf32, #tpu.memory_space<hbm>>
    tpu.enqueue_indirect_dma source(%dma_start3A_93 : memref<10000x128xf32, #tpu.memory_space<hbm>>) target(%arg10 : memref<128x128xf32, #tpu.memory_space<vmem>>) offsets(%dma_start3A_90 : memref<128xi32, #tpu.memory_space<vmem>>) semaphore(%arg13 : memref<!tpu.dma_semaphore, #tpu.memory_space<semaphore_mem>>)
    %scan3A_94 = arith.constant 0 : i32
    %scan3A_95 = arith.constant 0 : i32
    %scan3A_96 = arith.constant 8 : i32
    %scan3A_97 = arith.addi %scan3A_95, %scan3A_96 : i32
    %scan3A_98 = arith.constant 1 : i32
    %scan3A_99 = scf.for %scan3A_127 = %scan3A_95 to %scan3A_97 step %scan3A_98 iter_args(%scan3A_128 = %scan3A_94) -> (i32)  : i32 {
      %mul3A_129 = arith.constant 2 : i32
      %mul3A_130 = arith.muli %scan3A_127, %mul3A_129 : i32
      %add3A_131 = arith.constant 0 : i32
      %add3A_132 = arith.addi %mul3A_130, %add3A_131 : i32
      %dma_wait3A = arith.constant 0 : i32
      %dma_wait3A_133 = tpu.memref_slice %arg7[%add3A_132, %dma_wait3A] : memref<16x128xi32, #tpu.memory_space<vmem>> -> memref<1x128xi32, #tpu.memory_space<vmem>>
      %dma_wait3A_134 = tpu.memref_squeeze %dma_wait3A_133 : memref<1x128xi32, #tpu.memory_space<vmem>> -> memref<128xi32, #tpu.memory_space<vmem>>
      %dma_wait3A_135 = arith.constant 0 : i32
      %dma_wait3A_136 = arith.constant 0 : i32
      %dma_wait3A_137 = tpu.memref_slice %arg2[%dma_wait3A_135, %dma_wait3A_136] : memref<10000x128xf32, #tpu.memory_space<hbm>> -> memref<10000x128xf32, #tpu.memory_space<hbm>>
      tpu.wait_indirect_dma semaphore(%arg12 : memref<!tpu.dma_semaphore, #tpu.memory_space<semaphore_mem>>) src(%dma_wait3A_137 : memref<10000x128xf32, #tpu.memory_space<hbm>>) dst(%arg9 : memref<128x128xf32, #tpu.memory_space<vmem>>)
      "tpu.region"() ({
        %run_scoped3A = tpu.sem_alloc : memref<!tpu.dma_semaphore, #tpu.memory_space<semaphore_mem>>
        %dma_start3A_160 = arith.constant 0 : i32
        %dma_start3A_161 = tpu.memref_slice %arg8[%add3A_132, %dma_start3A_160] : memref<16x128xi32, #tpu.memory_space<vmem>> -> memref<1x128xi32, #tpu.memory_space<vmem>>
        %dma_start3A_162 = tpu.memref_squeeze %dma_start3A_161 : memref<1x128xi32, #tpu.memory_space<vmem>> -> memref<128xi32, #tpu.memory_space<vmem>>
        %dma_start3A_163 = arith.constant 0 : i32
        %dma_start3A_164 = arith.constant 0 : i32
        %dma_start3A_165 = tpu.memref_slice %arg11[%dma_start3A_163, %dma_start3A_164] : memref<10240x128xf32, #tpu.memory_space<vmem_shared>> -> memref<10240x128xf32, #tpu.memory_space<vmem_shared>>
        tpu.enqueue_indirect_dma source(%arg9 : memref<128x128xf32, #tpu.memory_space<vmem>>) target(%dma_start3A_165 : memref<10240x128xf32, #tpu.memory_space<vmem_shared>>) offsets(%dma_start3A_162 : memref<128xi32, #tpu.memory_space<vmem>>) semaphore(%run_scoped3A : memref<!tpu.dma_semaphore, #tpu.memory_space<semaphore_mem>>) {add = true}
        %dma_wait3A_166 = arith.constant 0 : i32
        %dma_wait3A_167 = tpu.memref_slice %arg8[%add3A_132, %dma_wait3A_166] : memref<16x128xi32, #tpu.memory_space<vmem>> -> memref<1x128xi32, #tpu.memory_space<vmem>>
        %dma_wait3A_168 = tpu.memref_squeeze %dma_wait3A_167 : memref<1x128xi32, #tpu.memory_space<vmem>> -> memref<128xi32, #tpu.memory_space<vmem>>
        %dma_wait3A_169 = arith.constant 0 : i32
        %dma_wait3A_170 = arith.constant 0 : i32
        %dma_wait3A_171 = tpu.memref_slice %arg11[%dma_wait3A_169, %dma_wait3A_170] : memref<10240x128xf32, #tpu.memory_space<vmem_shared>> -> memref<10240x128xf32, #tpu.memory_space<vmem_shared>>
        tpu.wait_indirect_dma semaphore(%run_scoped3A : memref<!tpu.dma_semaphore, #tpu.memory_space<semaphore_mem>>) src(%arg9 : memref<128x128xf32, #tpu.memory_space<vmem>>) dst(%dma_wait3A_171 : memref<10240x128xf32, #tpu.memory_space<vmem_shared>>)
        tpu.yield
      }) : () -> ()
      %add3A_138 = arith.constant 2 : i32
      %add3A_139 = arith.addi %add3A_132, %add3A_138 : i32
      %lt3A = arith.constant 16 : i32
      %lt3A_140 = arith.cmpi slt, %add3A_139, %lt3A : i32
      %convert_element_type3A = arith.extui %lt3A_140 : i1 to i32
      %cond3A = arith.constant 0 : i32
      %cond3A_141 = arith.cmpi ne, %convert_element_type3A, %cond3A : i32
      scf.if %cond3A_141 {
        %add3A_160 = arith.constant 2 : i32
        %add3A_161 = arith.addi %add3A_132, %add3A_160 : i32
        %dma_start3A_162 = arith.constant 0 : i32
        %dma_start3A_163 = tpu.memref_slice %arg7[%add3A_161, %dma_start3A_162] : memref<16x128xi32, #tpu.memory_space<vmem>> -> memref<1x128xi32, #tpu.memory_space<vmem>>
        %dma_start3A_164 = tpu.memref_squeeze %dma_start3A_163 : memref<1x128xi32, #tpu.memory_space<vmem>> -> memref<128xi32, #tpu.memory_space<vmem>>
        %dma_start3A_165 = arith.constant 0 : i32
        %dma_start3A_166 = arith.constant 0 : i32
        %dma_start3A_167 = tpu.memref_slice %arg2[%dma_start3A_165, %dma_start3A_166] : memref<10000x128xf32, #tpu.memory_space<hbm>> -> memref<10000x128xf32, #tpu.memory_space<hbm>>
        tpu.enqueue_indirect_dma source(%dma_start3A_167 : memref<10000x128xf32, #tpu.memory_space<hbm>>) target(%arg9 : memref<128x128xf32, #tpu.memory_space<vmem>>) offsets(%dma_start3A_164 : memref<128xi32, #tpu.memory_space<vmem>>) semaphore(%arg12 : memref<!tpu.dma_semaphore, #tpu.memory_space<semaphore_mem>>)
      } else {
      }
      %mul3A_142 = arith.constant 2 : i32
      %mul3A_143 = arith.muli %scan3A_127, %mul3A_142 : i32
      %add3A_144 = arith.constant 1 : i32
      %add3A_145 = arith.addi %mul3A_143, %add3A_144 : i32
      %dma_wait3A_146 = arith.constant 0 : i32
      %dma_wait3A_147 = tpu.memref_slice %arg7[%add3A_145, %dma_wait3A_146] : memref<16x128xi32, #tpu.memory_space<vmem>> -> memref<1x128xi32, #tpu.memory_space<vmem>>
      %dma_wait3A_148 = tpu.memref_squeeze %dma_wait3A_147 : memref<1x128xi32, #tpu.memory_space<vmem>> -> memref<128xi32, #tpu.memory_space<vmem>>
      %dma_wait3A_149 = arith.constant 0 : i32
      %dma_wait3A_150 = arith.constant 0 : i32
      %dma_wait3A_151 = tpu.memref_slice %arg2[%dma_wait3A_149, %dma_wait3A_150] : memref<10000x128xf32, #tpu.memory_space<hbm>> -> memref<10000x128xf32, #tpu.memory_space<hbm>>
      tpu.wait_indirect_dma semaphore(%arg13 : memref<!tpu.dma_semaphore, #tpu.memory_space<semaphore_mem>>) src(%dma_wait3A_151 : memref<10000x128xf32, #tpu.memory_space<hbm>>) dst(%arg10 : memref<128x128xf32, #tpu.memory_space<vmem>>)
      "tpu.region"() ({
        %run_scoped3A = tpu.sem_alloc : memref<!tpu.dma_semaphore, #tpu.memory_space<semaphore_mem>>
        %dma_start3A_160 = arith.constant 0 : i32
        %dma_start3A_161 = tpu.memref_slice %arg8[%add3A_145, %dma_start3A_160] : memref<16x128xi32, #tpu.memory_space<vmem>> -> memref<1x128xi32, #tpu.memory_space<vmem>>
        %dma_start3A_162 = tpu.memref_squeeze %dma_start3A_161 : memref<1x128xi32, #tpu.memory_space<vmem>> -> memref<128xi32, #tpu.memory_space<vmem>>
        %dma_start3A_163 = arith.constant 0 : i32
        %dma_start3A_164 = arith.constant 0 : i32
        %dma_start3A_165 = tpu.memref_slice %arg11[%dma_start3A_163, %dma_start3A_164] : memref<10240x128xf32, #tpu.memory_space<vmem_shared>> -> memref<10240x128xf32, #tpu.memory_space<vmem_shared>>
        tpu.enqueue_indirect_dma source(%arg10 : memref<128x128xf32, #tpu.memory_space<vmem>>) target(%dma_start3A_165 : memref<10240x128xf32, #tpu.memory_space<vmem_shared>>) offsets(%dma_start3A_162 : memref<128xi32, #tpu.memory_space<vmem>>) semaphore(%run_scoped3A : memref<!tpu.dma_semaphore, #tpu.memory_space<semaphore_mem>>) {add = true}
        %dma_wait3A_166 = arith.constant 0 : i32
        %dma_wait3A_167 = tpu.memref_slice %arg8[%add3A_145, %dma_wait3A_166] : memref<16x128xi32, #tpu.memory_space<vmem>> -> memref<1x128xi32, #tpu.memory_space<vmem>>
        %dma_wait3A_168 = tpu.memref_squeeze %dma_wait3A_167 : memref<1x128xi32, #tpu.memory_space<vmem>> -> memref<128xi32, #tpu.memory_space<vmem>>
        %dma_wait3A_169 = arith.constant 0 : i32
        %dma_wait3A_170 = arith.constant 0 : i32
        %dma_wait3A_171 = tpu.memref_slice %arg11[%dma_wait3A_169, %dma_wait3A_170] : memref<10240x128xf32, #tpu.memory_space<vmem_shared>> -> memref<10240x128xf32, #tpu.memory_space<vmem_shared>>
        tpu.wait_indirect_dma semaphore(%run_scoped3A : memref<!tpu.dma_semaphore, #tpu.memory_space<semaphore_mem>>) src(%arg10 : memref<128x128xf32, #tpu.memory_space<vmem>>) dst(%dma_wait3A_171 : memref<10240x128xf32, #tpu.memory_space<vmem_shared>>)
        tpu.yield
      }) : () -> ()
      %add3A_152 = arith.constant 2 : i32
      %add3A_153 = arith.addi %add3A_145, %add3A_152 : i32
      %lt3A_154 = arith.constant 16 : i32
      %lt3A_155 = arith.cmpi slt, %add3A_153, %lt3A_154 : i32
      %convert_element_type3A_156 = arith.extui %lt3A_155 : i1 to i32
      %cond3A_157 = arith.constant 0 : i32
      %cond3A_158 = arith.cmpi ne, %convert_element_type3A_156, %cond3A_157 : i32
      scf.if %cond3A_158 {
        %add3A_160 = arith.constant 2 : i32
        %add3A_161 = arith.addi %add3A_145, %add3A_160 : i32
        %dma_start3A_162 = arith.constant 0 : i32
        %dma_start3A_163 = tpu.memref_slice %arg7[%add3A_161, %dma_start3A_162] : memref<16x128xi32, #tpu.memory_space<vmem>> -> memref<1x128xi32, #tpu.memory_space<vmem>>
        %dma_start3A_164 = tpu.memref_squeeze %dma_start3A_163 : memref<1x128xi32, #tpu.memory_space<vmem>> -> memref<128xi32, #tpu.memory_space<vmem>>
        %dma_start3A_165 = arith.constant 0 : i32
        %dma_start3A_166 = arith.constant 0 : i32
        %dma_start3A_167 = tpu.memref_slice %arg2[%dma_start3A_165, %dma_start3A_166] : memref<10000x128xf32, #tpu.memory_space<hbm>> -> memref<10000x128xf32, #tpu.memory_space<hbm>>
        tpu.enqueue_indirect_dma source(%dma_start3A_167 : memref<10000x128xf32, #tpu.memory_space<hbm>>) target(%arg10 : memref<128x128xf32, #tpu.memory_space<vmem>>) offsets(%dma_start3A_164 : memref<128xi32, #tpu.memory_space<vmem>>) semaphore(%arg13 : memref<!tpu.dma_semaphore, #tpu.memory_space<semaphore_mem>>)
      } else {
      }
      %scan3A_159 = arith.constant 0 : i32
      scf.yield %scan3A_159 : i32
    }
    %scan3A_100 = arith.constant 8 : i32
    %mul3A_101 = arith.constant 80 : i32
    %mul3A_102 = arith.muli %add3A, %mul3A_101 : i32
    %add3A_103 = arith.constant 64 : i32
    %add3A_104 = arith.addi %mul3A_102, %add3A_103 : i32
    "tpu.region"() ({
      %run_scoped3A = tpu.sem_alloc : memref<!tpu.dma_semaphore, #tpu.memory_space<semaphore_mem>>
      %dma_start3A_127 = arith.constant 0 : i32
      %dma_start3A_128 = tpu.memref_slice %arg3[%add3A_104, %dma_start3A_127] : memref<2560x128xi32, #tpu.memory_space<hbm>> -> memref<16x128xi32, #tpu.memory_space<hbm>>
      %dma_start3A_129 = arith.constant 0 : i32
      %dma_start3A_130 = tpu.memref_slice %arg3[%add3A_104, %dma_start3A_129] : memref<2560x128xi32, #tpu.memory_space<hbm>> -> memref<16x128xi32, #tpu.memory_space<hbm>>
      tpu.enqueue_dma source(%dma_start3A_130 : memref<16x128xi32, #tpu.memory_space<hbm>>) target(%arg7 : memref<16x128xi32, #tpu.memory_space<vmem>>) target_semaphore(%run_scoped3A : memref<!tpu.dma_semaphore, #tpu.memory_space<semaphore_mem>>)
      %dma_wait3A = arith.constant 0 : i32
      %dma_wait3A_131 = tpu.memref_slice %arg3[%add3A_104, %dma_wait3A] : memref<2560x128xi32, #tpu.memory_space<hbm>> -> memref<16x128xi32, #tpu.memory_space<hbm>>
      %dma_wait3A_132 = arith.constant 0 : i32
      %dma_wait3A_133 = tpu.memref_slice %arg3[%add3A_104, %dma_wait3A_132] : memref<2560x128xi32, #tpu.memory_space<hbm>> -> memref<16x128xi32, #tpu.memory_space<hbm>>
      tpu.wait_dma2 semaphore(%run_scoped3A : memref<!tpu.dma_semaphore, #tpu.memory_space<semaphore_mem>>) src(%dma_wait3A_133 : memref<16x128xi32, #tpu.memory_space<hbm>>) dst(%arg7 : memref<16x128xi32, #tpu.memory_space<vmem>>)
      tpu.yield
    }) : () -> ()
    "tpu.region"() ({
      %run_scoped3A = tpu.sem_alloc : memref<!tpu.dma_semaphore, #tpu.memory_space<semaphore_mem>>
      %dma_start3A_127 = arith.constant 0 : i32
      %dma_start3A_128 = tpu.memref_slice %arg4[%add3A_104, %dma_start3A_127] : memref<2560x128xi32, #tpu.memory_space<hbm>> -> memref<16x128xi32, #tpu.memory_space<hbm>>
      %dma_start3A_129 = arith.constant 0 : i32
      %dma_start3A_130 = tpu.memref_slice %arg4[%add3A_104, %dma_start3A_129] : memref<2560x128xi32, #tpu.memory_space<hbm>> -> memref<16x128xi32, #tpu.memory_space<hbm>>
      tpu.enqueue_dma source(%dma_start3A_130 : memref<16x128xi32, #tpu.memory_space<hbm>>) target(%arg8 : memref<16x128xi32, #tpu.memory_space<vmem>>) target_semaphore(%run_scoped3A : memref<!tpu.dma_semaphore, #tpu.memory_space<semaphore_mem>>)
      %dma_wait3A = arith.constant 0 : i32
      %dma_wait3A_131 = tpu.memref_slice %arg4[%add3A_104, %dma_wait3A] : memref<2560x128xi32, #tpu.memory_space<hbm>> -> memref<16x128xi32, #tpu.memory_space<hbm>>
      %dma_wait3A_132 = arith.constant 0 : i32
      %dma_wait3A_133 = tpu.memref_slice %arg4[%add3A_104, %dma_wait3A_132] : memref<2560x128xi32, #tpu.memory_space<hbm>> -> memref<16x128xi32, #tpu.memory_space<hbm>>
      tpu.wait_dma2 semaphore(%run_scoped3A : memref<!tpu.dma_semaphore, #tpu.memory_space<semaphore_mem>>) src(%dma_wait3A_133 : memref<16x128xi32, #tpu.memory_space<hbm>>) dst(%arg8 : memref<16x128xi32, #tpu.memory_space<vmem>>)
      tpu.yield
    }) : () -> ()
    %dma_start3A_105 = arith.constant 0 : i32
    %dma_start3A_106 = arith.constant 0 : i32
    %dma_start3A_107 = tpu.memref_slice %arg7[%dma_start3A_105, %dma_start3A_106] : memref<16x128xi32, #tpu.memory_space<vmem>> -> memref<1x128xi32, #tpu.memory_space<vmem>>
    %dma_start3A_108 = tpu.memref_squeeze %dma_start3A_107 : memref<1x128xi32, #tpu.memory_space<vmem>> -> memref<128xi32, #tpu.memory_space<vmem>>
    %dma_start3A_109 = arith.constant 0 : i32
    %dma_start3A_110 = arith.constant 0 : i32
    %dma_start3A_111 = tpu.memref_slice %arg2[%dma_start3A_109, %dma_start3A_110] : memref<10000x128xf32, #tpu.memory_space<hbm>> -> memref<10000x128xf32, #tpu.memory_space<hbm>>
    tpu.enqueue_indirect_dma source(%dma_start3A_111 : memref<10000x128xf32, #tpu.memory_space<hbm>>) target(%arg9 : memref<128x128xf32, #tpu.memory_space<vmem>>) offsets(%dma_start3A_108 : memref<128xi32, #tpu.memory_space<vmem>>) semaphore(%arg12 : memref<!tpu.dma_semaphore, #tpu.memory_space<semaphore_mem>>)
    %dma_start3A_112 = arith.constant 1 : i32
    %dma_start3A_113 = arith.constant 0 : i32
    %dma_start3A_114 = tpu.memref_slice %arg7[%dma_start3A_112, %dma_start3A_113] : memref<16x128xi32, #tpu.memory_space<vmem>> -> memref<1x128xi32, #tpu.memory_space<vmem>>
    %dma_start3A_115 = tpu.memref_squeeze %dma_start3A_114 : memref<1x128xi32, #tpu.memory_space<vmem>> -> memref<128xi32, #tpu.memory_space<vmem>>
    %dma_start3A_116 = arith.constant 0 : i32
    %dma_start3A_117 = arith.constant 0 : i32
    %dma_start3A_118 = tpu.memref_slice %arg2[%dma_start3A_116, %dma_start3A_117] : memref<10000x128xf32, #tpu.memory_space<hbm>> -> memref<10000x128xf32, #tpu.memory_space<hbm>>
    tpu.enqueue_indirect_dma source(%dma_start3A_118 : memref<10000x128xf32, #tpu.memory_space<hbm>>) target(%arg10 : memref<128x128xf32, #tpu.memory_space<vmem>>) offsets(%dma_start3A_115 : memref<128xi32, #tpu.memory_space<vmem>>) semaphore(%arg13 : memref<!tpu.dma_semaphore, #tpu.memory_space<semaphore_mem>>)
    %scan3A_119 = arith.constant 0 : i32
    %scan3A_120 = arith.constant 0 : i32
    %scan3A_121 = arith.constant 8 : i32
    %scan3A_122 = arith.addi %scan3A_120, %scan3A_121 : i32
    %scan3A_123 = arith.constant 1 : i32
    %scan3A_124 = scf.for %scan3A_127 = %scan3A_120 to %scan3A_122 step %scan3A_123 iter_args(%scan3A_128 = %scan3A_119) -> (i32)  : i32 {
      %mul3A_129 = arith.constant 2 : i32
      %mul3A_130 = arith.muli %scan3A_127, %mul3A_129 : i32
      %add3A_131 = arith.constant 0 : i32
      %add3A_132 = arith.addi %mul3A_130, %add3A_131 : i32
      %dma_wait3A = arith.constant 0 : i32
      %dma_wait3A_133 = tpu.memref_slice %arg7[%add3A_132, %dma_wait3A] : memref<16x128xi32, #tpu.memory_space<vmem>> -> memref<1x128xi32, #tpu.memory_space<vmem>>
      %dma_wait3A_134 = tpu.memref_squeeze %dma_wait3A_133 : memref<1x128xi32, #tpu.memory_space<vmem>> -> memref<128xi32, #tpu.memory_space<vmem>>
      %dma_wait3A_135 = arith.constant 0 : i32
      %dma_wait3A_136 = arith.constant 0 : i32
      %dma_wait3A_137 = tpu.memref_slice %arg2[%dma_wait3A_135, %dma_wait3A_136] : memref<10000x128xf32, #tpu.memory_space<hbm>> -> memref<10000x128xf32, #tpu.memory_space<hbm>>
      tpu.wait_indirect_dma semaphore(%arg12 : memref<!tpu.dma_semaphore, #tpu.memory_space<semaphore_mem>>) src(%dma_wait3A_137 : memref<10000x128xf32, #tpu.memory_space<hbm>>) dst(%arg9 : memref<128x128xf32, #tpu.memory_space<vmem>>)
      "tpu.region"() ({
        %run_scoped3A = tpu.sem_alloc : memref<!tpu.dma_semaphore, #tpu.memory_space<semaphore_mem>>
        %dma_start3A_160 = arith.constant 0 : i32
        %dma_start3A_161 = tpu.memref_slice %arg8[%add3A_132, %dma_start3A_160] : memref<16x128xi32, #tpu.memory_space<vmem>> -> memref<1x128xi32, #tpu.memory_space<vmem>>
        %dma_start3A_162 = tpu.memref_squeeze %dma_start3A_161 : memref<1x128xi32, #tpu.memory_space<vmem>> -> memref<128xi32, #tpu.memory_space<vmem>>
        %dma_start3A_163 = arith.constant 0 : i32
        %dma_start3A_164 = arith.constant 0 : i32
        %dma_start3A_165 = tpu.memref_slice %arg11[%dma_start3A_163, %dma_start3A_164] : memref<10240x128xf32, #tpu.memory_space<vmem_shared>> -> memref<10240x128xf32, #tpu.memory_space<vmem_shared>>
        tpu.enqueue_indirect_dma source(%arg9 : memref<128x128xf32, #tpu.memory_space<vmem>>) target(%dma_start3A_165 : memref<10240x128xf32, #tpu.memory_space<vmem_shared>>) offsets(%dma_start3A_162 : memref<128xi32, #tpu.memory_space<vmem>>) semaphore(%run_scoped3A : memref<!tpu.dma_semaphore, #tpu.memory_space<semaphore_mem>>) {add = true}
        %dma_wait3A_166 = arith.constant 0 : i32
        %dma_wait3A_167 = tpu.memref_slice %arg8[%add3A_132, %dma_wait3A_166] : memref<16x128xi32, #tpu.memory_space<vmem>> -> memref<1x128xi32, #tpu.memory_space<vmem>>
        %dma_wait3A_168 = tpu.memref_squeeze %dma_wait3A_167 : memref<1x128xi32, #tpu.memory_space<vmem>> -> memref<128xi32, #tpu.memory_space<vmem>>
        %dma_wait3A_169 = arith.constant 0 : i32
        %dma_wait3A_170 = arith.constant 0 : i32
        %dma_wait3A_171 = tpu.memref_slice %arg11[%dma_wait3A_169, %dma_wait3A_170] : memref<10240x128xf32, #tpu.memory_space<vmem_shared>> -> memref<10240x128xf32, #tpu.memory_space<vmem_shared>>
        tpu.wait_indirect_dma semaphore(%run_scoped3A : memref<!tpu.dma_semaphore, #tpu.memory_space<semaphore_mem>>) src(%arg9 : memref<128x128xf32, #tpu.memory_space<vmem>>) dst(%dma_wait3A_171 : memref<10240x128xf32, #tpu.memory_space<vmem_shared>>)
        tpu.yield
      }) : () -> ()
      %add3A_138 = arith.constant 2 : i32
      %add3A_139 = arith.addi %add3A_132, %add3A_138 : i32
      %lt3A = arith.constant 16 : i32
      %lt3A_140 = arith.cmpi slt, %add3A_139, %lt3A : i32
      %convert_element_type3A = arith.extui %lt3A_140 : i1 to i32
      %cond3A = arith.constant 0 : i32
      %cond3A_141 = arith.cmpi ne, %convert_element_type3A, %cond3A : i32
      scf.if %cond3A_141 {
        %add3A_160 = arith.constant 2 : i32
        %add3A_161 = arith.addi %add3A_132, %add3A_160 : i32
        %dma_start3A_162 = arith.constant 0 : i32
        %dma_start3A_163 = tpu.memref_slice %arg7[%add3A_161, %dma_start3A_162] : memref<16x128xi32, #tpu.memory_space<vmem>> -> memref<1x128xi32, #tpu.memory_space<vmem>>
        %dma_start3A_164 = tpu.memref_squeeze %dma_start3A_163 : memref<1x128xi32, #tpu.memory_space<vmem>> -> memref<128xi32, #tpu.memory_space<vmem>>
        %dma_start3A_165 = arith.constant 0 : i32
        %dma_start3A_166 = arith.constant 0 : i32
        %dma_start3A_167 = tpu.memref_slice %arg2[%dma_start3A_165, %dma_start3A_166] : memref<10000x128xf32, #tpu.memory_space<hbm>> -> memref<10000x128xf32, #tpu.memory_space<hbm>>
        tpu.enqueue_indirect_dma source(%dma_start3A_167 : memref<10000x128xf32, #tpu.memory_space<hbm>>) target(%arg9 : memref<128x128xf32, #tpu.memory_space<vmem>>) offsets(%dma_start3A_164 : memref<128xi32, #tpu.memory_space<vmem>>) semaphore(%arg12 : memref<!tpu.dma_semaphore, #tpu.memory_space<semaphore_mem>>)
      } else {
      }
      %mul3A_142 = arith.constant 2 : i32
      %mul3A_143 = arith.muli %scan3A_127, %mul3A_142 : i32
      %add3A_144 = arith.constant 1 : i32
      %add3A_145 = arith.addi %mul3A_143, %add3A_144 : i32
      %dma_wait3A_146 = arith.constant 0 : i32
      %dma_wait3A_147 = tpu.memref_slice %arg7[%add3A_145, %dma_wait3A_146] : memref<16x128xi32, #tpu.memory_space<vmem>> -> memref<1x128xi32, #tpu.memory_space<vmem>>
      %dma_wait3A_148 = tpu.memref_squeeze %dma_wait3A_147 : memref<1x128xi32, #tpu.memory_space<vmem>> -> memref<128xi32, #tpu.memory_space<vmem>>
      %dma_wait3A_149 = arith.constant 0 : i32
      %dma_wait3A_150 = arith.constant 0 : i32
      %dma_wait3A_151 = tpu.memref_slice %arg2[%dma_wait3A_149, %dma_wait3A_150] : memref<10000x128xf32, #tpu.memory_space<hbm>> -> memref<10000x128xf32, #tpu.memory_space<hbm>>
      tpu.wait_indirect_dma semaphore(%arg13 : memref<!tpu.dma_semaphore, #tpu.memory_space<semaphore_mem>>) src(%dma_wait3A_151 : memref<10000x128xf32, #tpu.memory_space<hbm>>) dst(%arg10 : memref<128x128xf32, #tpu.memory_space<vmem>>)
      "tpu.region"() ({
        %run_scoped3A = tpu.sem_alloc : memref<!tpu.dma_semaphore, #tpu.memory_space<semaphore_mem>>
        %dma_start3A_160 = arith.constant 0 : i32
        %dma_start3A_161 = tpu.memref_slice %arg8[%add3A_145, %dma_start3A_160] : memref<16x128xi32, #tpu.memory_space<vmem>> -> memref<1x128xi32, #tpu.memory_space<vmem>>
        %dma_start3A_162 = tpu.memref_squeeze %dma_start3A_161 : memref<1x128xi32, #tpu.memory_space<vmem>> -> memref<128xi32, #tpu.memory_space<vmem>>
        %dma_start3A_163 = arith.constant 0 : i32
        %dma_start3A_164 = arith.constant 0 : i32
        %dma_start3A_165 = tpu.memref_slice %arg11[%dma_start3A_163, %dma_start3A_164] : memref<10240x128xf32, #tpu.memory_space<vmem_shared>> -> memref<10240x128xf32, #tpu.memory_space<vmem_shared>>
        tpu.enqueue_indirect_dma source(%arg10 : memref<128x128xf32, #tpu.memory_space<vmem>>) target(%dma_start3A_165 : memref<10240x128xf32, #tpu.memory_space<vmem_shared>>) offsets(%dma_start3A_162 : memref<128xi32, #tpu.memory_space<vmem>>) semaphore(%run_scoped3A : memref<!tpu.dma_semaphore, #tpu.memory_space<semaphore_mem>>) {add = true}
        %dma_wait3A_166 = arith.constant 0 : i32
        %dma_wait3A_167 = tpu.memref_slice %arg8[%add3A_145, %dma_wait3A_166] : memref<16x128xi32, #tpu.memory_space<vmem>> -> memref<1x128xi32, #tpu.memory_space<vmem>>
        %dma_wait3A_168 = tpu.memref_squeeze %dma_wait3A_167 : memref<1x128xi32, #tpu.memory_space<vmem>> -> memref<128xi32, #tpu.memory_space<vmem>>
        %dma_wait3A_169 = arith.constant 0 : i32
        %dma_wait3A_170 = arith.constant 0 : i32
        %dma_wait3A_171 = tpu.memref_slice %arg11[%dma_wait3A_169, %dma_wait3A_170] : memref<10240x128xf32, #tpu.memory_space<vmem_shared>> -> memref<10240x128xf32, #tpu.memory_space<vmem_shared>>
        tpu.wait_indirect_dma semaphore(%run_scoped3A : memref<!tpu.dma_semaphore, #tpu.memory_space<semaphore_mem>>) src(%arg10 : memref<128x128xf32, #tpu.memory_space<vmem>>) dst(%dma_wait3A_171 : memref<10240x128xf32, #tpu.memory_space<vmem_shared>>)
        tpu.yield
      }) : () -> ()
      %add3A_152 = arith.constant 2 : i32
      %add3A_153 = arith.addi %add3A_145, %add3A_152 : i32
      %lt3A_154 = arith.constant 16 : i32
      %lt3A_155 = arith.cmpi slt, %add3A_153, %lt3A_154 : i32
      %convert_element_type3A_156 = arith.extui %lt3A_155 : i1 to i32
      %cond3A_157 = arith.constant 0 : i32
      %cond3A_158 = arith.cmpi ne, %convert_element_type3A_156, %cond3A_157 : i32
      scf.if %cond3A_158 {
        %add3A_160 = arith.constant 2 : i32
        %add3A_161 = arith.addi %add3A_145, %add3A_160 : i32
        %dma_start3A_162 = arith.constant 0 : i32
        %dma_start3A_163 = tpu.memref_slice %arg7[%add3A_161, %dma_start3A_162] : memref<16x128xi32, #tpu.memory_space<vmem>> -> memref<1x128xi32, #tpu.memory_space<vmem>>
        %dma_start3A_164 = tpu.memref_squeeze %dma_start3A_163 : memref<1x128xi32, #tpu.memory_space<vmem>> -> memref<128xi32, #tpu.memory_space<vmem>>
        %dma_start3A_165 = arith.constant 0 : i32
        %dma_start3A_166 = arith.constant 0 : i32
        %dma_start3A_167 = tpu.memref_slice %arg2[%dma_start3A_165, %dma_start3A_166] : memref<10000x128xf32, #tpu.memory_space<hbm>> -> memref<10000x128xf32, #tpu.memory_space<hbm>>
        tpu.enqueue_indirect_dma source(%dma_start3A_167 : memref<10000x128xf32, #tpu.memory_space<hbm>>) target(%arg10 : memref<128x128xf32, #tpu.memory_space<vmem>>) offsets(%dma_start3A_164 : memref<128xi32, #tpu.memory_space<vmem>>) semaphore(%arg13 : memref<!tpu.dma_semaphore, #tpu.memory_space<semaphore_mem>>)
      } else {
      }
      %scan3A_159 = arith.constant 0 : i32
      scf.yield %scan3A_159 : i32
    }
    %scan3A_125 = arith.constant 8 : i32
    %barrier3A_126 = arith.constant 0 : index
    tpu.barrier barrier_id(%barrier3A_126)
    "tpu.region"() ({
      %run_scoped3A = tpu.sem_alloc : memref<!tpu.dma_semaphore, #tpu.memory_space<semaphore_mem>>
      %dma_start3A_127 = arith.constant 0 : i32
      %dma_start3A_128 = tpu.memref_slice %arg6[%arg0, %mul3A_2, %dma_start3A_127] : memref<2x10240x128xf32, #tpu.memory_space<hbm>> -> memref<1x640x128xf32, #tpu.memory_space<hbm>>
      %dma_start3A_129 = tpu.memref_squeeze %dma_start3A_128 : memref<1x640x128xf32, #tpu.memory_space<hbm>> -> memref<640x128xf32, #tpu.memory_space<hbm>>
      %dma_start3A_130 = arith.constant 0 : i32
      %dma_start3A_131 = tpu.memref_slice %arg11[%mul3A_2, %dma_start3A_130] : memref<10240x128xf32, #tpu.memory_space<vmem_shared>> -> memref<640x128xf32, #tpu.memory_space<vmem_shared>>
      tpu.enqueue_dma source(%dma_start3A_131 : memref<640x128xf32, #tpu.memory_space<vmem_shared>>) target(%dma_start3A_129 : memref<640x128xf32, #tpu.memory_space<hbm>>) target_semaphore(%run_scoped3A : memref<!tpu.dma_semaphore, #tpu.memory_space<semaphore_mem>>)
      %dma_wait3A = arith.constant 0 : i32
      %dma_wait3A_132 = tpu.memref_slice %arg6[%arg0, %mul3A_2, %dma_wait3A] : memref<2x10240x128xf32, #tpu.memory_space<hbm>> -> memref<1x640x128xf32, #tpu.memory_space<hbm>>
      %dma_wait3A_133 = tpu.memref_squeeze %dma_wait3A_132 : memref<1x640x128xf32, #tpu.memory_space<hbm>> -> memref<640x128xf32, #tpu.memory_space<hbm>>
      %dma_wait3A_134 = arith.constant 0 : i32
      %dma_wait3A_135 = tpu.memref_slice %arg11[%mul3A_2, %dma_wait3A_134] : memref<10240x128xf32, #tpu.memory_space<vmem_shared>> -> memref<640x128xf32, #tpu.memory_space<vmem_shared>>
      tpu.wait_dma2 semaphore(%run_scoped3A : memref<!tpu.dma_semaphore, #tpu.memory_space<semaphore_mem>>) src(%dma_wait3A_135 : memref<640x128xf32, #tpu.memory_space<vmem_shared>>) dst(%dma_wait3A_133 : memref<640x128xf32, #tpu.memory_space<hbm>>)
      tpu.yield
    }) : () -> ()
    return
  }
}

module attributes {stable_mosaic.version = 14 : i64} {
  func.func @body(%arg0: i32, %arg1: memref<2000x128xf32, #tpu.memory_space<vmem>>, %arg2: memref<128x128xf32, #tpu.memory_space<vmem>>, %arg3: memref<128x128xf32, #tpu.memory_space<vmem>>, %arg4: memref<1x128xf32, #tpu.memory_space<vmem>>, %arg5: memref<2000x128xf32, #tpu.memory_space<vmem>>, %arg6: memref<2000x128xf32, #tpu.memory_space<vmem>>) attributes {dimension_semantics = [#tpu.dimension_semantics<arbitrary>], iteration_bounds = array<i64: 5>, scalar_prefetch = 0 : i64, scratch_operands = 0 : i64, tpu.core_type = #tpu.core_type<tc>, window_params = [{transform_indices = @transform_0, window_bounds = array<i64: 2000, 128>}, {pipeline_mode = #tpu.pipeline_mode<synchronous>, transform_indices = @transform_1, window_bounds = array<i64: 128, 128>}, {pipeline_mode = #tpu.pipeline_mode<synchronous>, transform_indices = @transform_2, window_bounds = array<i64: 128, 128>}, {pipeline_mode = #tpu.pipeline_mode<synchronous>, transform_indices = @transform_3, window_bounds = array<i64: 1, 128>}, {transform_indices = @transform_4, window_bounds = array<i64: 2000, 128>}, {transform_indices = @transform_5, window_bounds = array<i64: 2000, 128>}]} {
    %get3A = arith.constant 0 : index
    %get3A_0 = arith.constant 0 : index
    %get3A_1 = vector.load %arg1[%get3A, %get3A_0] : memref<2000x128xf32, #tpu.memory_space<vmem>>, vector<2000x128xf32>
    %get3A_2 = arith.constant 0 : index
    %get3A_3 = arith.constant 0 : index
    %get3A_4 = vector.load %arg2[%get3A_2, %get3A_3] : memref<128x128xf32, #tpu.memory_space<vmem>>, vector<128x128xf32>
    %dot_general3A = arith.constant dense<0.000000e+00> : vector<2000x128xf32>
    %dot_general3A_5 = tpu.matmul %get3A_1, %get3A_4, %dot_general3A {dimension_numbers = #tpu.dot_dimension_numbers<[1], [1], [0], [0], [0, 0, 1, 0], [], []>, transpose_lhs_hint = false} : vector<2000x128xf32>, vector<128x128xf32>, vector<2000x128xf32> -> vector<2000x128xf32>
    %swap3A = arith.constant 0 : index
    %swap3A_6 = arith.constant 0 : index
    %swap3A_7 = vector.load %arg5[%swap3A, %swap3A_6] : memref<2000x128xf32, #tpu.memory_space<vmem>>, vector<2000x128xf32>
    tpu.vector_store %arg5[%swap3A, %swap3A_6], %dot_general3A_5 {strides = array<i32>} : memref<2000x128xf32, #tpu.memory_space<vmem>>, vector<2000x128xf32>,
    %get3A_8 = arith.constant 0 : index
    %get3A_9 = arith.constant 0 : index
    %get3A_10 = vector.load %arg3[%get3A_8, %get3A_9] : memref<128x128xf32, #tpu.memory_space<vmem>>, vector<128x128xf32>
    %dot_general3A_11 = arith.constant dense<0.000000e+00> : vector<2000x128xf32>
    %dot_general3A_12 = tpu.matmul %get3A_1, %get3A_10, %dot_general3A_11 {dimension_numbers = #tpu.dot_dimension_numbers<[1], [1], [0], [0], [0, 0, 1, 0], [], []>, transpose_lhs_hint = false} : vector<2000x128xf32>, vector<128x128xf32>, vector<2000x128xf32> -> vector<2000x128xf32>
    %get3A_13 = arith.constant 0 : index
    %get3A_14 = arith.constant 0 : index
    %get3A_15 = vector.load %arg4[%get3A_13, %get3A_14] : memref<1x128xf32, #tpu.memory_space<vmem>>, vector<1x128xf32>
    %add3A = vector.broadcast %get3A_15 : vector<1x128xf32> to vector<2000x128xf32>
    %add3A_16 = arith.addf %dot_general3A_12, %add3A : vector<2000x128xf32>
    %swap3A_17 = arith.constant 0 : index
    %swap3A_18 = arith.constant 0 : index
    %swap3A_19 = vector.load %arg6[%swap3A_17, %swap3A_18] : memref<2000x128xf32, #tpu.memory_space<vmem>>, vector<2000x128xf32>
    tpu.vector_store %arg6[%swap3A_17, %swap3A_18], %add3A_16 {strides = array<i32>} : memref<2000x128xf32, #tpu.memory_space<vmem>>, vector<2000x128xf32>,
    return
  }
  func.func @transform_0(%arg0: i32) -> (i32, i32) {
    %c0_i32 = arith.constant 0 : i32
    %c0_i32_0 = arith.constant 0 : i32
    return %arg0, %c0_i32 : i32, i32
  }
  func.func @transform_1(%arg0: i32) -> (i32, i32) {
    %c0_i32 = arith.constant 0 : i32
    %c0_i32_0 = arith.constant 0 : i32
    %c0_i32_1 = arith.constant 0 : i32
    return %c0_i32, %c0_i32_0 : i32, i32
  }
  func.func @transform_2(%arg0: i32) -> (i32, i32) {
    %c0_i32 = arith.constant 0 : i32
    %c0_i32_0 = arith.constant 0 : i32
    %c0_i32_1 = arith.constant 0 : i32
    return %c0_i32, %c0_i32_0 : i32, i32
  }
  func.func @transform_3(%arg0: i32) -> (i32, i32) {
    %c0_i32 = arith.constant 0 : i32
    %c0_i32_0 = arith.constant 0 : i32
    %c0_i32_1 = arith.constant 0 : i32
    return %c0_i32, %c0_i32_0 : i32, i32
  }
  func.func @transform_4(%arg0: i32) -> (i32, i32) {
    %c0_i32 = arith.constant 0 : i32
    %c0_i32_0 = arith.constant 0 : i32
    return %arg0, %c0_i32 : i32, i32
  }
  func.func @transform_5(%arg0: i32) -> (i32, i32) {
    %c0_i32 = arith.constant 0 : i32
    %c0_i32_0 = arith.constant 0 : i32
    return %arg0, %c0_i32 : i32, i32
  }
}

module attributes {stable_mosaic.version = 14 : i64} {
  func.func @body(%arg0: i32, %arg1: memref<2x2000x128xf32, #tpu.memory_space<vmem>>, %arg2: memref<2x2000x128xf32, #tpu.memory_space<vmem>>, %arg3: memref<2000x128xf32, #tpu.memory_space<vmem>>, %arg4: memref<2000x128xf32, #tpu.memory_space<vmem>>) attributes {dimension_semantics = [#tpu.dimension_semantics<arbitrary>], iteration_bounds = array<i64: 5>, scalar_prefetch = 0 : i64, scratch_operands = 0 : i64, tpu.core_type = #tpu.core_type<tc>, window_params = [{transform_indices = @transform_0, window_bounds = array<i64: 2, 2000, 128>}, {transform_indices = @transform_1, window_bounds = array<i64: 2, 2000, 128>}, {transform_indices = @transform_2, window_bounds = array<i64: 2000, 128>}, {transform_indices = @transform_3, window_bounds = array<i64: 2000, 128>}]} {
    %get3A = arith.constant 0 : index
    %get3A_0 = arith.constant 0 : index
    %get3A_1 = arith.constant 0 : index
    %get3A_2 = vector.load %arg1[%get3A, %get3A_0, %get3A_1] : memref<2x2000x128xf32, #tpu.memory_space<vmem>>, vector<1x2000x128xf32>
    %get3A_3 = vector.shape_cast %get3A_2 : vector<1x2000x128xf32> to vector<2000x128xf32>
    %get3A_4 = arith.constant 1 : index
    %get3A_5 = arith.constant 0 : index
    %get3A_6 = arith.constant 0 : index
    %get3A_7 = vector.load %arg1[%get3A_4, %get3A_5, %get3A_6] : memref<2x2000x128xf32, #tpu.memory_space<vmem>>, vector<1x2000x128xf32>
    %get3A_8 = vector.shape_cast %get3A_7 : vector<1x2000x128xf32> to vector<2000x128xf32>
    %add3A = arith.addf %get3A_3, %get3A_8 : vector<2000x128xf32>
    %get3A_9 = arith.constant 0 : index
    %get3A_10 = arith.constant 0 : index
    %get3A_11 = arith.constant 0 : index
    %get3A_12 = vector.load %arg2[%get3A_9, %get3A_10, %get3A_11] : memref<2x2000x128xf32, #tpu.memory_space<vmem>>, vector<1x2000x1xf32>
    %get3A_13 = vector.shape_cast %get3A_12 : vector<1x2000x1xf32> to vector<2000x1xf32>
    %get3A_14 = arith.constant 1 : index
    %get3A_15 = arith.constant 0 : index
    %get3A_16 = arith.constant 0 : index
    %get3A_17 = vector.load %arg2[%get3A_14, %get3A_15, %get3A_16] : memref<2x2000x128xf32, #tpu.memory_space<vmem>>, vector<1x2000x1xf32>
    %get3A_18 = vector.shape_cast %get3A_17 : vector<1x2000x1xf32> to vector<2000x1xf32>
    %add3A_19 = arith.addf %get3A_13, %get3A_18 : vector<2000x1xf32>
    %max3A = arith.constant 1.000000e+00 : f32
    %max3A_20 = vector.broadcast %max3A : f32 to vector<2000x1xf32>
    %max3A_21 = arith.maximumf %add3A_19, %max3A_20 : vector<2000x1xf32>
    %div3A = arith.constant 1.000000e+00 : f32
    %div3A_22 = vector.broadcast %div3A : f32 to vector<2000x1xf32>
    %div3A_23 = arith.divf %div3A_22, %max3A_21 : vector<2000x1xf32>
    %mul3A = vector.broadcast %div3A_23 : vector<2000x1xf32> to vector<2000x128xf32>
    %mul3A_24 = arith.mulf %add3A, %mul3A : vector<2000x128xf32>
    %get3A_25 = arith.constant 0 : index
    %get3A_26 = arith.constant 0 : index
    %get3A_27 = vector.load %arg3[%get3A_25, %get3A_26] : memref<2000x128xf32, #tpu.memory_space<vmem>>, vector<2000x128xf32>
    %add3A_28 = arith.addf %mul3A_24, %get3A_27 : vector<2000x128xf32>
    %swap3A = arith.constant 0 : index
    %swap3A_29 = arith.constant 0 : index
    %swap3A_30 = vector.load %arg4[%swap3A, %swap3A_29] : memref<2000x128xf32, #tpu.memory_space<vmem>>, vector<2000x128xf32>
    tpu.vector_store %arg4[%swap3A, %swap3A_29], %add3A_28 {strides = array<i32>} : memref<2000x128xf32, #tpu.memory_space<vmem>>, vector<2000x128xf32>,
    return
  }
  func.func @transform_0(%arg0: i32) -> (i32, i32, i32) {
    %c0_i32 = arith.constant 0 : i32
    %c0_i32_0 = arith.constant 0 : i32
    %c0_i32_1 = arith.constant 0 : i32
    return %c0_i32, %arg0, %c0_i32_0 : i32, i32, i32
  }
  func.func @transform_1(%arg0: i32) -> (i32, i32, i32) {
    %c0_i32 = arith.constant 0 : i32
    %c0_i32_0 = arith.constant 0 : i32
    %c0_i32_1 = arith.constant 0 : i32
    return %c0_i32, %arg0, %c0_i32_0 : i32, i32, i32
  }
  func.func @transform_2(%arg0: i32) -> (i32, i32) {
    %c0_i32 = arith.constant 0 : i32
    %c0_i32_0 = arith.constant 0 : i32
    return %arg0, %c0_i32 : i32, i32
  }
  func.func @transform_3(%arg0: i32) -> (i32, i32) {
    %c0_i32 = arith.constant 0 : i32
    %c0_i32_0 = arith.constant 0 : i32
    return %arg0, %c0_i32 : i32, i32
  }
}

module attributes {stable_mosaic.version = 14 : i64} {
  func.func @body(%arg0: i32, %arg1: memref<2x2000x128xf32, #tpu.memory_space<vmem>>, %arg2: memref<2x2000x128xf32, #tpu.memory_space<vmem>>, %arg3: memref<2000x128xf32, #tpu.memory_space<vmem>>, %arg4: memref<128x128xf32, #tpu.memory_space<vmem>>, %arg5: memref<128x128xf32, #tpu.memory_space<vmem>>, %arg6: memref<1x128xf32, #tpu.memory_space<vmem>>, %arg7: memref<2000x128xf32, #tpu.memory_space<vmem>>, %arg8: memref<2000x128xf32, #tpu.memory_space<vmem>>) attributes {dimension_semantics = [#tpu.dimension_semantics<arbitrary>], iteration_bounds = array<i64: 5>, scalar_prefetch = 0 : i64, scratch_operands = 0 : i64, tpu.core_type = #tpu.core_type<tc>, window_params = [{transform_indices = @transform_0, window_bounds = array<i64: 2, 2000, 128>}, {transform_indices = @transform_1, window_bounds = array<i64: 2, 2000, 128>}, {transform_indices = @transform_2, window_bounds = array<i64: 2000, 128>}, {pipeline_mode = #tpu.pipeline_mode<synchronous>, transform_indices = @transform_3, window_bounds = array<i64: 128, 128>}, {pipeline_mode = #tpu.pipeline_mode<synchronous>, transform_indices = @transform_4, window_bounds = array<i64: 128, 128>}, {pipeline_mode = #tpu.pipeline_mode<synchronous>, transform_indices = @transform_5, window_bounds = array<i64: 1, 128>}, {transform_indices = @transform_6, window_bounds = array<i64: 2000, 128>}, {transform_indices = @transform_7, window_bounds = array<i64: 2000, 128>}]} {
    %get3A = arith.constant 0 : index
    %get3A_0 = arith.constant 0 : index
    %get3A_1 = arith.constant 0 : index
    %get3A_2 = vector.load %arg1[%get3A, %get3A_0, %get3A_1] : memref<2x2000x128xf32, #tpu.memory_space<vmem>>, vector<1x2000x128xf32>
    %get3A_3 = vector.shape_cast %get3A_2 : vector<1x2000x128xf32> to vector<2000x128xf32>
    %get3A_4 = arith.constant 1 : index
    %get3A_5 = arith.constant 0 : index
    %get3A_6 = arith.constant 0 : index
    %get3A_7 = vector.load %arg1[%get3A_4, %get3A_5, %get3A_6] : memref<2x2000x128xf32, #tpu.memory_space<vmem>>, vector<1x2000x128xf32>
    %get3A_8 = vector.shape_cast %get3A_7 : vector<1x2000x128xf32> to vector<2000x128xf32>
    %add3A = arith.addf %get3A_3, %get3A_8 : vector<2000x128xf32>
    %get3A_9 = arith.constant 0 : index
    %get3A_10 = arith.constant 0 : index
    %get3A_11 = arith.constant 0 : index
    %get3A_12 = vector.load %arg2[%get3A_9, %get3A_10, %get3A_11] : memref<2x2000x128xf32, #tpu.memory_space<vmem>>, vector<1x2000x1xf32>
    %get3A_13 = vector.shape_cast %get3A_12 : vector<1x2000x1xf32> to vector<2000x1xf32>
    %get3A_14 = arith.constant 1 : index
    %get3A_15 = arith.constant 0 : index
    %get3A_16 = arith.constant 0 : index
    %get3A_17 = vector.load %arg2[%get3A_14, %get3A_15, %get3A_16] : memref<2x2000x128xf32, #tpu.memory_space<vmem>>, vector<1x2000x1xf32>
    %get3A_18 = vector.shape_cast %get3A_17 : vector<1x2000x1xf32> to vector<2000x1xf32>
    %add3A_19 = arith.addf %get3A_13, %get3A_18 : vector<2000x1xf32>
    %max3A = arith.constant 1.000000e+00 : f32
    %max3A_20 = vector.broadcast %max3A : f32 to vector<2000x1xf32>
    %max3A_21 = arith.maximumf %add3A_19, %max3A_20 : vector<2000x1xf32>
    %div3A = arith.constant 1.000000e+00 : f32
    %div3A_22 = vector.broadcast %div3A : f32 to vector<2000x1xf32>
    %div3A_23 = arith.divf %div3A_22, %max3A_21 : vector<2000x1xf32>
    %mul3A = vector.broadcast %div3A_23 : vector<2000x1xf32> to vector<2000x128xf32>
    %mul3A_24 = arith.mulf %add3A, %mul3A : vector<2000x128xf32>
    %get3A_25 = arith.constant 0 : index
    %get3A_26 = arith.constant 0 : index
    %get3A_27 = vector.load %arg3[%get3A_25, %get3A_26] : memref<2000x128xf32, #tpu.memory_space<vmem>>, vector<2000x128xf32>
    %add3A_28 = arith.addf %mul3A_24, %get3A_27 : vector<2000x128xf32>
    %max3A_29 = arith.constant 0.000000e+00 : f32
    %max3A_30 = vector.broadcast %max3A_29 : f32 to vector<2000x128xf32>
    %max3A_31 = arith.maximumf %add3A_28, %max3A_30 : vector<2000x128xf32>
    %get3A_32 = arith.constant 0 : index
    %get3A_33 = arith.constant 0 : index
    %get3A_34 = vector.load %arg4[%get3A_32, %get3A_33] : memref<128x128xf32, #tpu.memory_space<vmem>>, vector<128x128xf32>
    %dot_general3A = arith.constant dense<0.000000e+00> : vector<2000x128xf32>
    %dot_general3A_35 = tpu.matmul %max3A_31, %get3A_34, %dot_general3A {dimension_numbers = #tpu.dot_dimension_numbers<[1], [1], [0], [0], [0, 0, 1, 0], [], []>, transpose_lhs_hint = false} : vector<2000x128xf32>, vector<128x128xf32>, vector<2000x128xf32> -> vector<2000x128xf32>
    %swap3A = arith.constant 0 : index
    %swap3A_36 = arith.constant 0 : index
    %swap3A_37 = vector.load %arg7[%swap3A, %swap3A_36] : memref<2000x128xf32, #tpu.memory_space<vmem>>, vector<2000x128xf32>
    tpu.vector_store %arg7[%swap3A, %swap3A_36], %dot_general3A_35 {strides = array<i32>} : memref<2000x128xf32, #tpu.memory_space<vmem>>, vector<2000x128xf32>,
    %get3A_38 = arith.constant 0 : index
    %get3A_39 = arith.constant 0 : index
    %get3A_40 = vector.load %arg5[%get3A_38, %get3A_39] : memref<128x128xf32, #tpu.memory_space<vmem>>, vector<128x128xf32>
    %dot_general3A_41 = arith.constant dense<0.000000e+00> : vector<2000x128xf32>
    %dot_general3A_42 = tpu.matmul %max3A_31, %get3A_40, %dot_general3A_41 {dimension_numbers = #tpu.dot_dimension_numbers<[1], [1], [0], [0], [0, 0, 1, 0], [], []>, transpose_lhs_hint = false} : vector<2000x128xf32>, vector<128x128xf32>, vector<2000x128xf32> -> vector<2000x128xf32>
    %get3A_43 = arith.constant 0 : index
    %get3A_44 = arith.constant 0 : index
    %get3A_45 = vector.load %arg6[%get3A_43, %get3A_44] : memref<1x128xf32, #tpu.memory_space<vmem>>, vector<1x128xf32>
    %add3A_46 = vector.broadcast %get3A_45 : vector<1x128xf32> to vector<2000x128xf32>
    %add3A_47 = arith.addf %dot_general3A_42, %add3A_46 : vector<2000x128xf32>
    %swap3A_48 = arith.constant 0 : index
    %swap3A_49 = arith.constant 0 : index
    %swap3A_50 = vector.load %arg8[%swap3A_48, %swap3A_49] : memref<2000x128xf32, #tpu.memory_space<vmem>>, vector<2000x128xf32>
    tpu.vector_store %arg8[%swap3A_48, %swap3A_49], %add3A_47 {strides = array<i32>} : memref<2000x128xf32, #tpu.memory_space<vmem>>, vector<2000x128xf32>,
    return
  }
  func.func @transform_0(%arg0: i32) -> (i32, i32, i32) {
    %c0_i32 = arith.constant 0 : i32
    %c0_i32_0 = arith.constant 0 : i32
    %c0_i32_1 = arith.constant 0 : i32
    return %c0_i32, %arg0, %c0_i32_0 : i32, i32, i32
  }
  func.func @transform_1(%arg0: i32) -> (i32, i32, i32) {
    %c0_i32 = arith.constant 0 : i32
    %c0_i32_0 = arith.constant 0 : i32
    %c0_i32_1 = arith.constant 0 : i32
    return %c0_i32, %arg0, %c0_i32_0 : i32, i32, i32
  }
  func.func @transform_2(%arg0: i32) -> (i32, i32) {
    %c0_i32 = arith.constant 0 : i32
    %c0_i32_0 = arith.constant 0 : i32
    return %arg0, %c0_i32 : i32, i32
  }
  func.func @transform_3(%arg0: i32) -> (i32, i32) {
    %c0_i32 = arith.constant 0 : i32
    %c0_i32_0 = arith.constant 0 : i32
    %c0_i32_1 = arith.constant 0 : i32
    return %c0_i32, %c0_i32_0 : i32, i32
  }
  func.func @transform_4(%arg0: i32) -> (i32, i32) {
    %c0_i32 = arith.constant 0 : i32
    %c0_i32_0 = arith.constant 0 : i32
    %c0_i32_1 = arith.constant 0 : i32
    return %c0_i32, %c0_i32_0 : i32, i32
  }
  func.func @transform_5(%arg0: i32) -> (i32, i32) {
    %c0_i32 = arith.constant 0 : i32
    %c0_i32_0 = arith.constant 0 : i32
    %c0_i32_1 = arith.constant 0 : i32
    return %c0_i32, %c0_i32_0 : i32, i32
  }
  func.func @transform_6(%arg0: i32) -> (i32, i32) {
    %c0_i32 = arith.constant 0 : i32
    %c0_i32_0 = arith.constant 0 : i32
    return %arg0, %c0_i32 : i32, i32
  }
  func.func @transform_7(%arg0: i32) -> (i32, i32) {
    %c0_i32 = arith.constant 0 : i32
    %c0_i32_0 = arith.constant 0 : i32
    return %arg0, %c0_i32 : i32, i32
  }
}

</mosaic_0001>

<sc_bundles>
// kernel: kernel.11.cloned.1.call-start
scs
__scs_entry_jumppad:
0x0: {  	(pc) =	sbr.rel $0x88, $3  }
0x1: {  	(tag) =	ssettag $0x0;
	lr =	simm.s32 $0x1  }
0x2: {  	[smem:$0x3F99] =	sst lr;
	_ =	strace $0xD0000000  }
0x3: {  	_ = 	snop  }
0x4: {  	_ = 	snop  }
0x5: {  	_ = 	snop  }
0x6: {  	_ = 	snop  }
0x7: {  	_ = 	snop  }
__scs_overlays_trampoline_lowered:
0x8: {  	[smem:$0x3FA8] =	sst s0  }
0x9: {  	[smem:$0x3FA9] =	sst s1  }
0xa: {  	[smem:$0x3FAA] =	sst s2  }
0xb: {  	[smem:$0x3FAB] =	sst s3  }
0xc: {  	[smem:$0x3FAC] =	sst s4  }
0xd: {  	[smem:$0x3FAD] =	sst s5  }
0xe: {  	[smem:$0x3FAE] =	sst s6  }
0xf: {  	[smem:$0x3FAF] =	sst s7  }
0x10: {  	[smem:$0x3FB0] =	sst s8  }
0x11: {  	[smem:$0x3FB1] =	sst s9;
	s0 =	simm.s32 @!p0 $0x0  }
0x12: {  	s1 =	sld [smem:$0x3F97];
	s0 =	simm.s32 @p0 $0x1  }
0x13: {  	[smem:$0x3FB2] =	sst s0;
	s0 =	simm.s32 @!p1 $0x0  }
0x14: {  	s2 =	sld [smem:$0x3F96];
	s0 =	simm.s32 @p1 $0x1  }
0x15: {  	[smem:$0x3FB3] =	sst s0;
	s0 =	simm.s32 @!p2 $0x0  }
0x16: {  	s3 =	sld [smem:$0x3FDB];
	s0 =	simm.s32 @p2 $0x1  }
0x17: {  	s4 =	simm.s32 $0x1BF5;
	[smem:$0x3FB5] =	sst s0  }
0x18: {  	s0 =	sld [smem:$0x3F98];
	_ =	swait.ge [sflag:s4], $0x0  }
0x19: {  	s7 =	sld [smem:$0x3F99]  }
0x1a: {  	s8 =	sadd.s32 $0xFFFFE003, lr  }
0x1b: {  	s9 =	sadd.s32 $0xFFFFFEF7, lr;
	s5 =	simm.s32 $0xFFFFFFFF;
	p2 =	slt.u32 s8, $0xFFFFF086  }
0x1c: {  	p1 =	slt.u32 s9, $0xF7A;
	s5 =	simm.s32 @!p2 $0x0  }
0x1d: {  	s5 =	simm.s32 @p1 $0x1;
	p0 =	seq.s32 s7, s2  }
0x1e: {  	s7 =	smul.u32 @!p0 $0xF7A, s2;
	p2 =	seq.s32 @!p0 s5, $0x0  }
0x1f: {  	s9 =	smul.u32 $0xF7A, s1;
	s8 =	simm.s32 @!p0 $0x1BF5;
	p2 =	por !p2, p0  }
0x20: {  	[sflag:s8] =	ssyncset.s32 @!p0 $0xFFFFF086;
	s6 =	sadd.s32 @!p0 s3, s7;
	s7 =	simm.s32 @!p0 $0x108  }
0x21: {  	s3 =	sadd.s32 s3, s9;
	s6 =	sadd.s32 @!p0 $0x88, s6;
	s7 =	simm.s32 @p2 $0x1082  }
0x22: {  	[simem:s7], [sflag:s8] =	dma.local @!p0 [hbm:s6], $0xF7A  }
0x23: {  	s9 =	sor.u32 $0xD0000000, s2;
	s6 =	simm.s32 $0x108;
	_ =	swait.ge @!p0 [sflag:s8], $0x0  }
0x24: {  	s3 =	sadd.s32 $0x88, s3;
	s6 =	simm.s32 @!p1 $0x1082;
	[sflag:s4] =	ssyncset.s32 $0xFFFFF086  }
0x25: {  	[simem:s6], [sflag:s4] =	dma.local [hbm:s3], $0xF7A  }
0x26: {  	[smem:$0x3F99] =	sst s1;
	(tag) =	ssettag s2;
	_ =	strace s9  }
0x27: {  	s1 =	sld [smem:$0x3FA9]  }
0x28: {  	s2 =	sld [smem:$0x3FAA]  }
0x29: {  	s4 =	sld [smem:$0x3FAC]  }
0x2a: {  	p0 =	seq.s32 s5, $0x0;
	s5 =	sld [smem:$0x3FAD]  }
0x2b: {  	s6 =	sld [smem:$0x3FAE]  }
0x2c: {  	s7 =	sld [smem:$0x3FAF]  }
0x2d: {  	s3 =	simm.s32 $0x108;
	s8 =	sld [smem:$0x3FB0]  }
0x2e: {  	s3 =	simm.s32 @!p0 $0x1082;
	s9 =	sld [smem:$0x3FB1]  }
0x2f: {  	lr =	sadd.s32 s0, s3;
	s0 =	sld [smem:$0x3FA8]  }
0x30: {  	s3 =	sld [smem:$0x3FAB]  }
0x31: {  	[smem:$0x3FB4] =	sst s10  }
0x32: {  	s10 =	sld [smem:$0x3FB2];
	_ =	sdelay $0x3  }
0x33: {  	p0 =	seq.s32 s10, $0x1;
	s10 =	sld [smem:$0x3FB4];
	_ =	sdelay $0x3  }
0x34: {  	[smem:$0x3FB4] =	sst s10  }
0x35: {  	s10 =	sld [smem:$0x3FB3];
	_ =	sdelay $0x3  }
0x36: {  	p1 =	seq.s32 s10, $0x1;
	s10 =	sld [smem:$0x3FB4];
	_ =	sdelay $0x3  }
0x37: {  	[smem:$0x3FB4] =	sst s10  }
0x38: {  	s10 =	sld [smem:$0x3FB5]  }
0x39: {  	_ = 	snop;
	(pc) =	sbr.ind lr, $3  }
0x3a: {  	_ = 	snop  }
0x3b: {  	_ = 	snop  }
0x3c: {  	p2 =	seq.s32 s10, $0x1;
	s10 =	sld [smem:$0x3FB4]  }
0x3d: {  	_ =	shalt  }
0x3e: {  	_ =	shalt  }
0x3f: {  	_ =	shalt  }
0x40: {  	_ =	shalt  }
0x41: {  	_ =	shalt  }
0x42: {  	_ =	shalt  }
0x43: {  	_ =	shalt  }
0x44: {  	_ =	shalt  }
0x45: {  	_ =	shalt  }
0x46: {  	_ =	shalt  }
0x47: {  	_ =	shalt  }
0x48: {  	_ =	shalt  }
0x49: {  	_ =	shalt  }
0x4a: {  	_ =	shalt  }
0x4b: {  	_ =	shalt  }
0x4c: {  	_ =	shalt  }
0x4d: {  	_ =	shalt  }
0x4e: {  	_ =	shalt  }
0x4f: {  	_ =	shalt  }
0x50: {  	_ =	shalt  }
0x51: {  	_ =	shalt  }
0x52: {  	_ =	shalt  }
0x53: {  	_ =	shalt  }
0x54: {  	_ =	shalt  }
0x55: {  	_ =	shalt  }
0x56: {  	_ =	shalt  }
0x57: {  	_ =	shalt  }
0x58: {  	_ =	shalt  }
0x59: {  	_ =	shalt  }
0x5a: {  	_ =	shalt  }
0x5b: {  	_ =	shalt  }
0x5c: {  	_ =	shalt  }
0x5d: {  	_ =	shalt  }
0x5e: {  	_ =	shalt  }
0x5f: {  	_ =	shalt  }
0x60: {  	_ =	shalt  }
0x61: {  	_ =	shalt  }
0x62: {  	_ =	shalt  }
0x63: {  	_ =	shalt  }
0x64: {  	_ =	shalt  }
0x65: {  	_ =	shalt  }
0x66: {  	_ =	shalt  }
0x67: {  	_ =	shalt  }
0x68: {  	_ =	shalt  }
0x69: {  	_ =	shalt  }
0x6a: {  	_ =	shalt  }
0x6b: {  	_ =	shalt  }
0x6c: {  	_ =	shalt  }
0x6d: {  	_ =	shalt  }
0x6e: {  	_ =	shalt  }
0x6f: {  	_ =	shalt  }
0x70: {  	_ =	shalt  }
0x71: {  	_ =	shalt  }
0x72: {  	_ =	shalt  }
0x73: {  	_ =	shalt  }
0x74: {  	_ =	shalt  }
0x75: {  	_ =	shalt  }
0x76: {  	_ =	shalt  }
0x77: {  	_ =	shalt  }
0x78: {  	_ =	shalt  }
0x79: {  	_ =	shalt  }
0x7a: {  	_ =	shalt  }
0x7b: {  	_ =	shalt  }
0x7c: {  	_ =	shalt  }
0x7d: {  	_ =	shalt  }
0x7e: {  	_ =	shalt  }
0x7f: {  	_ =	shalt  }
0x80: {  	_ =	shalt  }
0x81: {  	_ =	shalt  }
0x82: {  	_ =	shalt  }
0x83: {  	_ =	shalt  }
0x84: {  	_ =	shalt  }
0x85: {  	_ =	shalt  }
0x86: {  	_ =	shalt  }
0x87: {  	_ =	shalt  }
.Lfunc_end0:
.L_simem_size_0:
called_computation.1_lowered:
.L_overlay_start_0:
0x88: {  	s2 =	sld [smem:$0x3FD9]  }
0x89: {  	s3 =	sld [smem:$0x3FFE];
	_ =	sdelay $0x1  }
0x8a: {  	s1 =	srdreg.scid  }
0x8b: {  	s0 =	sand.u32 $0x1, s1  }
0x8c: {  	s17 =	sshll.u32 s0, $0xA;
	s2 =	sadd.s32 s3, s2  }
0x8d: {  	s2 =	sadd.s32 s2, s17  }
0x8e: {  	[smem:$0x3FC0] =	sst s2  }
0x8f: {  	_ = 	snop  }
0x90: {  	s2 =	sld [smem:$0x3FD0];
	(tm) =	ssettm $0x1  }
0x91: {  	s18 =	sld [smem:$0x3FFB];
	_ =	sdelay $0x3  }
0x92: {  	_ =	strace s18  }
0x93: {  	s3 =	sld [smem:$0x3FFC];
	_ =	sdelay $0x3  }
0x94: {  	_ =	strace s3  }
0x95: {  	s3 =	sld [smem:$0x3FFD];
	_ =	sdelay $0x3  }
0x96: {  	_ =	strace s3  }
0x97: {  	_ =	strace $0x8FFFFFFF  }
0x98: {  	s19 =	sld [smem:$0x3FDB];
	_ =	sdelay $0x1  }
0x99: {  	s4 =	simm.s32 $_scs_section_size  }
0x9a: {  	s5 =	simm.s32 $_size__tile_overlayer_lowered;
	s6 =	simm.s32 $_tile_overlayer_lowered  }
0x9b: {  	s22 =	simm.s32 $0x1BFF;
	s21 =	sshll.u32 s6, $0x1;
	s3 =	sadd.s32 s4, s19  }
0x9c: {  	s7 =	simm.s32 $0x0;
	s20 =	sshll.u32 s5, $0x1;
	s5 =	sadd.s32 s21, s3  }
0x9d: {  	[timem:s7], [sflag:s22] =	dma.local [hbm:s5], s20  }
0x9e: {  	_ =	swait.ge [sflag:s22], s20  }
0x9f: {  	s4 =	ssub.s32 $0x0, s20;
	[sflag:s22] =	ssyncset.done $0x0  }
0xa0: {  	[sflag:s22] =	ssyncadd.s32 s4;
	_ =	sdelay $0x1  }
0xa1: {  	s23 =	simm.s32 $0x1B8B  }
0xa2: {  	_ =	swait.ge [sflag:s23], $0x1  }
0xa3: {  	[sflag:s23] =	ssyncset.done $0x0  }
0xa4: {  	s25 =	simm.s32 $0x1B8E;
	s24 =	sld [smem:$0x3FFE];
	[sflag:s23] =	ssyncadd.s32 $0xFFFFFFFF  }
0xa5: {  	s26 =	simm.s32 $execute0_lowered;
	[smem:$0x3FD2] =	sst s25  }
0xa6: {  	s5 =	sshll.u32 s26, $0x1;
	_ =	strace $0x80000046;
	[dreg:$0x1] =	wrdreg $0xFFFFFFFF  }
0xa7: {  	s28 =	simm.s32 $_size_execute0_lowered;
	s3 =	sadd.s32 s3, s5;
	[dreg:$0x0] =	wrdreg $0x0  }
0xa8: {  	s5 =	sshll.u32 s28, $0x1;
	[dreg:$0x2] =	wrdreg s3  }
0xa9: {  	[dreg:$0x3] =	wrdreg s5  }
0xaa: {  	[dreg:$0x4] =	wrdreg $0xC0  }
0xab: {  	_ =	task [dreg:s7], $0x5FFFF  }
0xac: {  	[dreg:$0x1] =	wrdreg $0xFFFFFFFF  }
0xad: {  	[dreg:$0x0] =	wrdreg $0x60  }
0xae: {  	[dreg:$0x2] =	wrdreg s2  }
0xaf: {  	[dreg:$0x3] =	wrdreg s24  }
0xb0: {  	[dreg:$0x4] =	wrdreg $0x90000  }
0xb1: {  	[dreg:$0x5] =	wrdreg $0xA  }
0xb2: {  	_ =	task.clear_ibuf [dreg:s7], $0x6FFFF;
	_ =	strace $0x90000046  }
0xb3: {  	s29 =	simm.s32 $0xA;
	_ =	strace $0x80000048  }
0xb4: {  	_ =	swait.ge [sflag:s29], $0x1  }
0xb5: {  	[sflag:s29] =	ssyncadd.s32 $0xFFFFFFFF  }
0xb6: {  	_ =	strace $0x90000048  }
0xb7: {  	_ =	sfence  }
0xb8: {  	s30 =	sld [smem:$0x0];
	_ =	sdelay $0x2  }
0xb9: {  	s31 =	sshll.u32 s1, $0xD;
	s1 =	sshrl.u32 s1, $0x2  }
0xba: {  	s3 =	sand.u32 $0x4000, s31;
	s1 =	sadd.s32 s1, s30  }
0xbb: {  	s0 =	sor.u32 s3, s0;
	s1 =	sshll.u32 s1, $0x11  }
0xbc: {  	s0 =	sor.u32 s1, s0  }
0xbd: {  	s0 =	sadd.s32 $0x8F2B, s0  }
0xbe: {  	[sflag:s0] =	ssyncadd.remote.s32 $0x1  }
0xbf: {  	_ =	sfence.sel $0xFFFF  }
0xc0: {  	[dreg:$0x0] =	wrdreg $0xFFFFFFFF;
	(pc) =	sbr.abs _section_cstart, $3  }
0xc1: {  	[dreg:$0x1] =	wrdreg $0xFFFFFFFF  }
0xc2: {  	_ =	task.clear_ibuf [dreg:s7], $0x2FFFF;
	_ =	strace $0x9FFFFFFF  }
0xc3: {  	(tm) =	ssettm $0x7FFFFFFF  }
tec
execute0_lowered:
.L_overlay_start_1:
0x0: {  	(tag) =	ssettag $0x1  }
0x1: {  	s1 =	rddreg [dreg:$0x0]  }
0x2: {  	s0 =	rddreg [dreg:$0x1]  }
0x3: {  	s3 =	rddreg [dreg:$0x2]  }
0x4: {  	s2 =	srdreg.scid;
	s8 =	simm.s32 $0x0;
	s11 =	stileid.u32  }
0x5: {  	s9 =	sand.u32 $0x1, s2;
	[smem:$0x7FF] =	sst s8;
	s6 =	sadd.s32 $0xBE00, s0  }
0x6: {  	s4 =	sadd.s32 $0x15E00, s0;
	s7 =	sadd.s32 $0x1E00, s0;
	s31 =	smul.u32 $0x14000, s11  }
0x7: {  	s19 =	smul.u32 $0x50000, s11;
	s25 =	sshll.u32 s11, $0x6;
	s2 =	sshll.u32 s9, $0x4  }
0x8: {  	[dreg:$0x12] =	wrdreg s9;
	s30 =	smul.u32 $0x140000, s9;
	s2 =	sor.u32 s11, s2  }
0x9: {  	_ =	strace $0x80000047;
	s22 =	sshrl.u32 s19, $0x2;
	s5 =	smul.u32 $0x500, s2  }
0xa: {  	[dreg:$0x4] =	wrdreg s4;
	s2 =	smul.u32 $0x2800, s2;
	s24 =	sadd.s32 s22, s3  }
0xb: {  	s4 =	sadd.s32 s31, s30;
	s26 =	rddreg [dreg:$0x4];
	s28 =	sshrl.u32 s24, $0x3  }
0xc: {  	s4 =	sshrl.u32 s4, $0x3;
	s10 =	sadd.s32 s6, s5;
	[dreg:$0x11] =	wrdreg s28  }
0xd: {  	s2 =	sshrl.u32 s2, $0x3;
	s5 =	sadd.s32 s7, s5;
	[dreg:$0x5] =	wrdreg s10  }
0xe: {  	s0 =	sadd.s32 s4, s0;
	[dreg:$0x6] =	wrdreg s5;
	s5 =	sor.u32 $0x1C03, s25  }
0xf: {  	s12 =	sadd.s32 $0x100, s2;
	s0 =	sadd.s32 $0x18600, s0;
	[dreg:$0x10] =	wrdreg s5  }
0x10: {  	s13 =	sadd.s32 s6, s12;
	[dreg:$0xf] =	wrdreg s0  }
0x11: {  	s15 =	sadd.s32 $0x200, s2;
	s14 =	sadd.s32 s7, s12;
	[dreg:$0x7] =	wrdreg s13  }
0x12: {  	s16 =	sadd.s32 s6, s15;
	[dreg:$0x8] =	wrdreg s14  }
0x13: {  	s18 =	sadd.s32 $0x300, s2;
	s17 =	sadd.s32 s7, s15;
	[dreg:$0x9] =	wrdreg s16  }
0x14: {  	s20 =	sadd.s32 s6, s18;
	[dreg:$0xa] =	wrdreg s17  }
0x15: {  	s2 =	sadd.s32 $0x400, s2;
	s21 =	sadd.s32 s7, s18;
	[dreg:$0xb] =	wrdreg s20  }
0x16: {  	s23 =	sadd.s32 s6, s2;
	[dreg:$0xc] =	wrdreg s21  }
0x17: {  	s2 =	sadd.s32 s7, s2;
	[dreg:$0xd] =	wrdreg s23  }
0x18: {  	s6 =	simm.s32 $0x3;
	[dreg:$0xe] =	wrdreg s2  }
0x19: {  	[spmem:s28], [sflag:s5] =	dma.local [hbm:s26], $0x2800  }
0x1a: {  	_ =	swait.ge [sflag:s6], $0x2800  }
0x1b: {  	[sflag:s6] =	ssyncset.done $0x0  }
0x1c: {  	[sflag:s6] =	ssyncadd.s32 $0xFFFFD800  }
0x1d: {  	[bflag:$0x0] =	sbarrier.arrive $0xFFFF  }
0x1e: {  	s29 =	rddreg [dreg:$0x5]  }
0x1f: {  	[tilespmem:s8], [sflag:$0x3] =	stream.linear.gather [hbm4b:s29+s8], $0x800, $0x38;
	[tilespmem:$0x1D000] =	vst v63  }
0x20: {  	_ =	swait.ge [sflag:s6], $0x800  }
0x21: {  	[sflag:s6] =	ssyncset.done $0x0  }
0x22: {  	s31 =	simm.s32 $0x800;
	s30 =	rddreg [dreg:$0x6];
	[sflag:s6] =	ssyncadd.s32 $0xFFFFF800  }
0x23: {  	[tilespmem:s31], [sflag:$0x3] =	stream.linear.gather [hbm4b:s30+s8], $0x800, $0x38;
	[tilespmem:$0x1D000] =	vst v63  }
0x24: {  	_ =	swait.ge [sflag:s6], $0x800  }
0x25: {  	[sflag:s6] =	ssyncset.done $0x0  }
0x26: {  	s9 =	simm.s32 $0x80;
	s10 =	simm.s32 $0x1000;
	[sflag:s6] =	ssyncadd.s32 $0xFFFFF800  }
0x27: {  	[tilespmem:s10], [sflag:$0x1] =	stream.indirect.gather [hbm4b:s1+s9], $0x80, s8, s9, $0xb8;
	[tilespmem:$0x1D000] =	vst v63  }
0x28: {  	s11 =	simm.s32 $0x5000;
	s12 =	simm.s32 $0x1  }
0x29: {  	[tilespmem:s11], [sflag:$0x2] =	stream.indirect.gather [hbm4b:s1+s9], $0x80, s9, s9, $0xb8;
	[tilespmem:$0x1D000] =	vst v63  }
0x2a: {  	_ =	swait.ge [sflag:s12], $0x4000  }
0x2b: {  	[sflag:s12] =	ssyncset.done $0x0  }
0x2c: {  	[sflag:s12] =	ssyncadd.s32 $0xFFFFC000  }
0x2d: {  	[spmem:s3] =	stream.indirect.scatter.add.f32 [tilespmem:s10], [sflag:$0x3], $0x80, s31, s9, $0xb8;
	[tilespmem:$0x1D000] =	vst v63  }
0x2e: {  	_ =	swait.ge [sflag:s6], $0x4000  }
0x2f: {  	[sflag:s6] =	ssyncset.done $0x0  }
0x30: {  	s4 =	simm.s32 $0x100;
	s14 =	simm.s32 $0x2;
	[sflag:s6] =	ssyncadd.s32 $0xFFFFC000  }
0x31: {  	[tilespmem:s10], [sflag:$0x1] =	stream.indirect.gather [hbm4b:s1+s9], $0x80, s4, s9, $0xb8;
	[tilespmem:$0x1D000] =	vst v63  }
0x32: {  	_ =	swait.ge [sflag:s14], $0x4000  }
0x33: {  	[sflag:s14] =	ssyncset.done $0x0  }
0x34: {  	s5 =	simm.s32 $0x880;
	[sflag:s14] =	ssyncadd.s32 $0xFFFFC000  }
0x35: {  	[spmem:s3] =	stream.indirect.scatter.add.f32 [tilespmem:s11], [sflag:$0x3], $0x80, s5, s9, $0xb8;
	[tilespmem:$0x1D000] =	vst v63  }
0x36: {  	_ =	swait.ge [sflag:s6], $0x4000  }
0x37: {  	[sflag:s6] =	ssyncset.done $0x0  }
0x38: {  	s7 =	simm.s32 $0x180;
	[sflag:s6] =	ssyncadd.s32 $0xFFFFC000  }
0x39: {  	[tilespmem:s11], [sflag:$0x2] =	stream.indirect.gather [hbm4b:s1+s9], $0x80, s7, s9, $0xb8;
	[tilespmem:$0x1D000] =	vst v63  }
0x3a: {  	_ =	swait.ge [sflag:s12], $0x4000  }
0x3b: {  	[sflag:s12] =	ssyncset.done $0x0  }
0x3c: {  	s13 =	simm.s32 $0x900;
	[sflag:s12] =	ssyncadd.s32 $0xFFFFC000  }
0x3d: {  	[spmem:s3] =	stream.indirect.scatter.add.f32 [tilespmem:s10], [sflag:$0x3], $0x80, s13, s9, $0xb8;
	[tilespmem:$0x1D000] =	vst v63  }
0x3e: {  	_ =	swait.ge [sflag:s6], $0x4000  }
0x3f: {  	[sflag:s6] =	ssyncset.done $0x0  }
0x40: {  	s15 =	simm.s32 $0x200;
	[sflag:s6] =	ssyncadd.s32 $0xFFFFC000  }
0x41: {  	[tilespmem:s10], [sflag:$0x1] =	stream.indirect.gather [hbm4b:s1+s9], $0x80, s15, s9, $0xb8;
	[tilespmem:$0x1D000] =	vst v63  }
0x42: {  	_ =	swait.ge [sflag:s14], $0x4000  }
0x43: {  	[sflag:s14] =	ssyncset.done $0x0  }
0x44: {  	s16 =	simm.s32 $0x980;
	[sflag:s14] =	ssyncadd.s32 $0xFFFFC000  }
0x45: {  	[spmem:s3] =	stream.indirect.scatter.add.f32 [tilespmem:s11], [sflag:$0x3], $0x80, s16, s9, $0xb8;
	[tilespmem:$0x1D000] =	vst v63  }
0x46: {  	_ =	swait.ge [sflag:s6], $0x4000  }
0x47: {  	[sflag:s6] =	ssyncset.done $0x0  }
0x48: {  	s17 =	simm.s32 $0x280;
	[sflag:s6] =	ssyncadd.s32 $0xFFFFC000  }
0x49: {  	[tilespmem:s11], [sflag:$0x2] =	stream.indirect.gather [hbm4b:s1+s9], $0x80, s17, s9, $0xb8;
	[tilespmem:$0x1D000] =	vst v63  }
0x4a: {  	_ =	swait.ge [sflag:s12], $0x4000  }
0x4b: {  	[sflag:s12] =	ssyncset.done $0x0  }
0x4c: {  	s18 =	simm.s32 $0xA00;
	[sflag:s12] =	ssyncadd.s32 $0xFFFFC000  }
0x4d: {  	[spmem:s3] =	stream.indirect.scatter.add.f32 [tilespmem:s10], [sflag:$0x3], $0x80, s18, s9, $0xb8;
	[tilespmem:$0x1D000] =	vst v63  }
0x4e: {  	_ =	swait.ge [sflag:s6], $0x4000  }
0x4f: {  	[sflag:s6] =	ssyncset.done $0x0  }
0x50: {  	s19 =	simm.s32 $0x300;
	[sflag:s6] =	ssyncadd.s32 $0xFFFFC000  }
0x51: {  	[tilespmem:s10], [sflag:$0x1] =	stream.indirect.gather [hbm4b:s1+s9], $0x80, s19, s9, $0xb8;
	[tilespmem:$0x1D000] =	vst v63  }
0x52: {  	_ =	swait.ge [sflag:s14], $0x4000  }
0x53: {  	[sflag:s14] =	ssyncset.done $0x0  }
0x54: {  	s20 =	simm.s32 $0xA80;
	[sflag:s14] =	ssyncadd.s32 $0xFFFFC000  }
0x55: {  	[spmem:s3] =	stream.indirect.scatter.add.f32 [tilespmem:s11], [sflag:$0x3], $0x80, s20, s9, $0xb8;
	[tilespmem:$0x1D000] =	vst v63  }
0x56: {  	_ =	swait.ge [sflag:s6], $0x4000  }
0x57: {  	[sflag:s6] =	ssyncset.done $0x0  }
0x58: {  	s21 =	simm.s32 $0x380;
	[sflag:s6] =	ssyncadd.s32 $0xFFFFC000  }
0x59: {  	[tilespmem:s11], [sflag:$0x2] =	stream.indirect.gather [hbm4b:s1+s9], $0x80, s21, s9, $0xb8;
	[tilespmem:$0x1D000] =	vst v63  }
0x5a: {  	_ =	swait.ge [sflag:s12], $0x4000  }
0x5b: {  	[sflag:s12] =	ssyncset.done $0x0  }
0x5c: {  	s22 =	simm.s32 $0xB00;
	[sflag:s12] =	ssyncadd.s32 $0xFFFFC000  }
0x5d: {  	[spmem:s3] =	stream.indirect.scatter.add.f32 [tilespmem:s10], [sflag:$0x3], $0x80, s22, s9, $0xb8;
	[tilespmem:$0x1D000] =	vst v63  }
0x5e: {  	_ =	swait.ge [sflag:s6], $0x4000  }
0x5f: {  	[sflag:s6] =	ssyncset.done $0x0  }
0x60: {  	s23 =	simm.s32 $0x400;
	[sflag:s6] =	ssyncadd.s32 $0xFFFFC000  }
0x61: {  	[tilespmem:s10], [sflag:$0x1] =	stream.indirect.gather [hbm4b:s1+s9], $0x80, s23, s9, $0xb8;
	[tilespmem:$0x1D000] =	vst v63  }
0x62: {  	_ =	swait.ge [sflag:s14], $0x4000  }
0x63: {  	[sflag:s14] =	ssyncset.done $0x0  }
0x64: {  	s24 =	simm.s32 $0xB80;
	[sflag:s14] =	ssyncadd.s32 $0xFFFFC000  }
0x65: {  	[spmem:s3] =	stream.indirect.scatter.add.f32 [tilespmem:s11], [sflag:$0x3], $0x80, s24, s9, $0xb8;
	[tilespmem:$0x1D000] =	vst v63  }
0x66: {  	_ =	swait.ge [sflag:s6], $0x4000  }
0x67: {  	[sflag:s6] =	ssyncset.done $0x0  }
0x68: {  	s25 =	simm.s32 $0x480;
	[sflag:s6] =	ssyncadd.s32 $0xFFFFC000  }
0x69: {  	[tilespmem:s11], [sflag:$0x2] =	stream.indirect.gather [hbm4b:s1+s9], $0x80, s25, s9, $0xb8;
	[tilespmem:$0x1D000] =	vst v63  }
0x6a: {  	_ =	swait.ge [sflag:s12], $0x4000  }
0x6b: {  	[sflag:s12] =	ssyncset.done $0x0  }
0x6c: {  	s26 =	simm.s32 $0xC00;
	[sflag:s12] =	ssyncadd.s32 $0xFFFFC000  }
0x6d: {  	[spmem:s3] =	stream.indirect.scatter.add.f32 [tilespmem:s10], [sflag:$0x3], $0x80, s26, s9, $0xb8;
	[tilespmem:$0x1D000] =	vst v63  }
0x6e: {  	_ =	swait.ge [sflag:s6], $0x4000  }
0x6f: {  	[sflag:s6] =	ssyncset.done $0x0  }
0x70: {  	s28 =	simm.s32 $0x500;
	[sflag:s6] =	ssyncadd.s32 $0xFFFFC000  }
0x71: {  	[tilespmem:s10], [sflag:$0x1] =	stream.indirect.gather [hbm4b:s1+s9], $0x80, s28, s9, $0xb8;
	[tilespmem:$0x1D000] =	vst v63  }
0x72: {  	_ =	swait.ge [sflag:s14], $0x4000  }
0x73: {  	[sflag:s14] =	ssyncset.done $0x0  }
0x74: {  	s29 =	simm.s32 $0xC80;
	[sflag:s14] =	ssyncadd.s32 $0xFFFFC000  }
0x75: {  	[spmem:s3] =	stream.indirect.scatter.add.f32 [tilespmem:s11], [sflag:$0x3], $0x80, s29, s9, $0xb8;
	[tilespmem:$0x1D000] =	vst v63  }
0x76: {  	_ =	swait.ge [sflag:s6], $0x4000  }
0x77: {  	[sflag:s6] =	ssyncset.done $0x0  }
0x78: {  	s30 =	simm.s32 $0x580;
	[sflag:s6] =	ssyncadd.s32 $0xFFFFC000  }
0x79: {  	[tilespmem:s11], [sflag:$0x2] =	stream.indirect.gather [hbm4b:s1+s9], $0x80, s30, s9, $0xb8;
	[tilespmem:$0x1D000] =	vst v63  }
0x7a: {  	_ =	swait.ge [sflag:s12], $0x4000  }
0x7b: {  	[sflag:s12] =	ssyncset.done $0x0  }
0x7c: {  	s31 =	simm.s32 $0xD00;
	[sflag:s12] =	ssyncadd.s32 $0xFFFFC000  }
0x7d: {  	[spmem:s3] =	stream.indirect.scatter.add.f32 [tilespmem:s10], [sflag:$0x3], $0x80, s31, s9, $0xb8;
	[tilespmem:$0x1D000] =	vst v63  }
0x7e: {  	_ =	swait.ge [sflag:s6], $0x4000  }
0x7f: {  	[sflag:s6] =	ssyncset.done $0x0  }
0x80: {  	s2 =	simm.s32 $0x600;
	[sflag:s6] =	ssyncadd.s32 $0xFFFFC000  }
0x81: {  	[tilespmem:s10], [sflag:$0x1] =	stream.indirect.gather [hbm4b:s1+s9], $0x80, s2, s9, $0xb8;
	[tilespmem:$0x1D000] =	vst v63  }
0x82: {  	_ =	swait.ge [sflag:s14], $0x4000  }
0x83: {  	[sflag:s14] =	ssyncset.done $0x0  }
0x84: {  	s4 =	simm.s32 $0xD80;
	[sflag:s14] =	ssyncadd.s32 $0xFFFFC000  }
0x85: {  	[spmem:s3] =	stream.indirect.scatter.add.f32 [tilespmem:s11], [sflag:$0x3], $0x80, s4, s9, $0xb8;
	[tilespmem:$0x1D000] =	vst v63  }
0x86: {  	_ =	swait.ge [sflag:s6], $0x4000  }
0x87: {  	[sflag:s6] =	ssyncset.done $0x0  }
0x88: {  	s5 =	simm.s32 $0x680;
	[sflag:s6] =	ssyncadd.s32 $0xFFFFC000  }
0x89: {  	[tilespmem:s11], [sflag:$0x2] =	stream.indirect.gather [hbm4b:s1+s9], $0x80, s5, s9, $0xb8;
	[tilespmem:$0x1D000] =	vst v63  }
0x8a: {  	_ =	swait.ge [sflag:s12], $0x4000  }
0x8b: {  	[sflag:s12] =	ssyncset.done $0x0  }
0x8c: {  	s7 =	simm.s32 $0xE00;
	[sflag:s12] =	ssyncadd.s32 $0xFFFFC000  }
0x8d: {  	[spmem:s3] =	stream.indirect.scatter.add.f32 [tilespmem:s10], [sflag:$0x3], $0x80, s7, s9, $0xb8;
	[tilespmem:$0x1D000] =	vst v63  }
0x8e: {  	_ =	swait.ge [sflag:s6], $0x4000  }
0x8f: {  	[sflag:s6] =	ssyncset.done $0x0  }
0x90: {  	s13 =	simm.s32 $0x700;
	[sflag:s6] =	ssyncadd.s32 $0xFFFFC000  }
0x91: {  	[tilespmem:s10], [sflag:$0x1] =	stream.indirect.gather [hbm4b:s1+s9], $0x80, s13, s9, $0xb8;
	[tilespmem:$0x1D000] =	vst v63  }
0x92: {  	_ =	swait.ge [sflag:s14], $0x4000  }
0x93: {  	[sflag:s14] =	ssyncset.done $0x0  }
0x94: {  	s15 =	simm.s32 $0xE80;
	[sflag:s14] =	ssyncadd.s32 $0xFFFFC000  }
0x95: {  	[spmem:s3] =	stream.indirect.scatter.add.f32 [tilespmem:s11], [sflag:$0x3], $0x80, s15, s9, $0xb8;
	[tilespmem:$0x1D000] =	vst v63  }
0x96: {  	_ =	swait.ge [sflag:s6], $0x4000  }
0x97: {  	[sflag:s6] =	ssyncset.done $0x0  }
0x98: {  	s16 =	simm.s32 $0x780;
	[sflag:s6] =	ssyncadd.s32 $0xFFFFC000  }
0x99: {  	[tilespmem:s11], [sflag:$0x2] =	stream.indirect.gather [hbm4b:s1+s9], $0x80, s16, s9, $0xb8;
	[tilespmem:$0x1D000] =	vst v63  }
0x9a: {  	_ =	swait.ge [sflag:s12], $0x4000  }
0x9b: {  	[sflag:s12] =	ssyncset.done $0x0  }
0x9c: {  	s17 =	simm.s32 $0xF00;
	[sflag:s12] =	ssyncadd.s32 $0xFFFFC000  }
0x9d: {  	[spmem:s3] =	stream.indirect.scatter.add.f32 [tilespmem:s10], [sflag:$0x3], $0x80, s17, s9, $0xb8;
	[tilespmem:$0x1D000] =	vst v63  }
0x9e: {  	_ =	swait.ge [sflag:s6], $0x4000  }
0x9f: {  	[sflag:s6] =	ssyncset.done $0x0  }
0xa0: {  	[sflag:s6] =	ssyncadd.s32 $0xFFFFC000  }
0xa1: {  	_ =	swait.ge [sflag:s14], $0x4000  }
0xa2: {  	[sflag:s14] =	ssyncset.done $0x0  }
0xa3: {  	s18 =	simm.s32 $0xF80;
	[sflag:s14] =	ssyncadd.s32 $0xFFFFC000  }
0xa4: {  	[spmem:s3] =	stream.indirect.scatter.add.f32 [tilespmem:s11], [sflag:$0x3], $0x80, s18, s9, $0xb8;
	[tilespmem:$0x1D000] =	vst v63  }
0xa5: {  	_ =	swait.ge [sflag:s6], $0x4000  }
0xa6: {  	[sflag:s6] =	ssyncset.done $0x0  }
0xa7: {  	s22 =	rddreg [dreg:$0x7];
	[sflag:s6] =	ssyncadd.s32 $0xFFFFC000  }
0xa8: {  	[tilespmem:s8], [sflag:$0x3] =	stream.linear.gather [hbm4b:s22+s8], $0x800, $0x38;
	[tilespmem:$0x1D000] =	vst v63  }
0xa9: {  	_ =	swait.ge [sflag:s6], $0x800  }
0xaa: {  	[sflag:s6] =	ssyncset.done $0x0  }
0xab: {  	s20 =	simm.s32 $0x800;
	s19 =	rddreg [dreg:$0x8];
	[sflag:s6] =	ssyncadd.s32 $0xFFFFF800  }
0xac: {  	[tilespmem:s20], [sflag:$0x3] =	stream.linear.gather [hbm4b:s19+s8], $0x800, $0x38;
	[tilespmem:$0x1D000] =	vst v63  }
0xad: {  	_ =	swait.ge [sflag:s6], $0x800  }
0xae: {  	[sflag:s6] =	ssyncset.done $0x0  }
0xaf: {  	[sflag:s6] =	ssyncadd.s32 $0xFFFFF800  }
0xb0: {  	[tilespmem:s10], [sflag:$0x1] =	stream.indirect.gather [hbm4b:s1+s9], $0x80, s8, s9, $0xb8;
	[tilespmem:$0x1D000] =	vst v63  }
0xb1: {  	_ = 	snop  }
0xb2: {  	[tilespmem:s11], [sflag:$0x2] =	stream.indirect.gather [hbm4b:s1+s9], $0x80, s9, s9, $0xb8;
	[tilespmem:$0x1D000] =	vst v63  }
0xb3: {  	_ =	swait.ge [sflag:s12], $0x4000  }
0xb4: {  	[sflag:s12] =	ssyncset.done $0x0  }
0xb5: {  	[sflag:s12] =	ssyncadd.s32 $0xFFFFC000  }
0xb6: {  	[spmem:s3] =	stream.indirect.scatter.add.f32 [tilespmem:s10], [sflag:$0x3], $0x80, s20, s9, $0xb8;
	[tilespmem:$0x1D000] =	vst v63  }
0xb7: {  	_ =	swait.ge [sflag:s6], $0x4000  }
0xb8: {  	[sflag:s6] =	ssyncset.done $0x0  }
0xb9: {  	s21 =	simm.s32 $0x100;
	[sflag:s6] =	ssyncadd.s32 $0xFFFFC000  }
0xba: {  	[tilespmem:s10], [sflag:$0x1] =	stream.indirect.gather [hbm4b:s1+s9], $0x80, s21, s9, $0xb8;
	[tilespmem:$0x1D000] =	vst v63  }
0xbb: {  	_ =	swait.ge [sflag:s14], $0x4000  }
0xbc: {  	[sflag:s14] =	ssyncset.done $0x0  }
0xbd: {  	s2 =	simm.s32 $0x880;
	[sflag:s14] =	ssyncadd.s32 $0xFFFFC000  }
0xbe: {  	[spmem:s3] =	stream.indirect.scatter.add.f32 [tilespmem:s11], [sflag:$0x3], $0x80, s2, s9, $0xb8;
	[tilespmem:$0x1D000] =	vst v63  }
0xbf: {  	_ =	swait.ge [sflag:s6], $0x4000  }
0xc0: {  	[sflag:s6] =	ssyncset.done $0x0  }
0xc1: {  	s4 =	simm.s32 $0x180;
	[sflag:s6] =	ssyncadd.s32 $0xFFFFC000  }
0xc2: {  	[tilespmem:s11], [sflag:$0x2] =	stream.indirect.gather [hbm4b:s1+s9], $0x80, s4, s9, $0xb8;
	[tilespmem:$0x1D000] =	vst v63  }
0xc3: {  	_ =	swait.ge [sflag:s12], $0x4000  }
0xc4: {  	[sflag:s12] =	ssyncset.done $0x0  }
0xc5: {  	s5 =	simm.s32 $0x900;
	[sflag:s12] =	ssyncadd.s32 $0xFFFFC000  }
0xc6: {  	[spmem:s3] =	stream.indirect.scatter.add.f32 [tilespmem:s10], [sflag:$0x3], $0x80, s5, s9, $0xb8;
	[tilespmem:$0x1D000] =	vst v63  }
0xc7: {  	_ =	swait.ge [sflag:s6], $0x4000  }
0xc8: {  	[sflag:s6] =	ssyncset.done $0x0  }
0xc9: {  	s7 =	simm.s32 $0x200;
	[sflag:s6] =	ssyncadd.s32 $0xFFFFC000  }
0xca: {  	[tilespmem:s10], [sflag:$0x1] =	stream.indirect.gather [hbm4b:s1+s9], $0x80, s7, s9, $0xb8;
	[tilespmem:$0x1D000] =	vst v63  }
0xcb: {  	_ =	swait.ge [sflag:s14], $0x4000  }
0xcc: {  	[sflag:s14] =	ssyncset.done $0x0  }
0xcd: {  	s13 =	simm.s32 $0x980;
	[sflag:s14] =	ssyncadd.s32 $0xFFFFC000  }
0xce: {  	[spmem:s3] =	stream.indirect.scatter.add.f32 [tilespmem:s11], [sflag:$0x3], $0x80, s13, s9, $0xb8;
	[tilespmem:$0x1D000] =	vst v63  }
0xcf: {  	_ =	swait.ge [sflag:s6], $0x4000  }
0xd0: {  	[sflag:s6] =	ssyncset.done $0x0  }
0xd1: {  	s15 =	simm.s32 $0x280;
	[sflag:s6] =	ssyncadd.s32 $0xFFFFC000  }
0xd2: {  	[tilespmem:s11], [sflag:$0x2] =	stream.indirect.gather [hbm4b:s1+s9], $0x80, s15, s9, $0xb8;
	[tilespmem:$0x1D000] =	vst v63  }
0xd3: {  	_ =	swait.ge [sflag:s12], $0x4000  }
0xd4: {  	[sflag:s12] =	ssyncset.done $0x0  }
0xd5: {  	s16 =	simm.s32 $0xA00;
	[sflag:s12] =	ssyncadd.s32 $0xFFFFC000  }
0xd6: {  	[spmem:s3] =	stream.indirect.scatter.add.f32 [tilespmem:s10], [sflag:$0x3], $0x80, s16, s9, $0xb8;
	[tilespmem:$0x1D000] =	vst v63  }
0xd7: {  	_ =	swait.ge [sflag:s6], $0x4000  }
0xd8: {  	[sflag:s6] =	ssyncset.done $0x0  }
0xd9: {  	s17 =	simm.s32 $0x300;
	[sflag:s6] =	ssyncadd.s32 $0xFFFFC000  }
0xda: {  	[tilespmem:s10], [sflag:$0x1] =	stream.indirect.gather [hbm4b:s1+s9], $0x80, s17, s9, $0xb8;
	[tilespmem:$0x1D000] =	vst v63  }
0xdb: {  	_ =	swait.ge [sflag:s14], $0x4000  }
0xdc: {  	[sflag:s14] =	ssyncset.done $0x0  }
0xdd: {  	s18 =	simm.s32 $0xA80;
	[sflag:s14] =	ssyncadd.s32 $0xFFFFC000  }
0xde: {  	[spmem:s3] =	stream.indirect.scatter.add.f32 [tilespmem:s11], [sflag:$0x3], $0x80, s18, s9, $0xb8;
	[tilespmem:$0x1D000] =	vst v63  }
0xdf: {  	_ =	swait.ge [sflag:s6], $0x4000  }
0xe0: {  	[sflag:s6] =	ssyncset.done $0x0  }
0xe1: {  	s19 =	simm.s32 $0x380;
	[sflag:s6] =	ssyncadd.s32 $0xFFFFC000  }
0xe2: {  	[tilespmem:s11], [sflag:$0x2] =	stream.indirect.gather [hbm4b:s1+s9], $0x80, s19, s9, $0xb8;
	[tilespmem:$0x1D000] =	vst v63  }
0xe3: {  	_ =	swait.ge [sflag:s12], $0x4000  }
0xe4: {  	[sflag:s12] =	ssyncset.done $0x0  }
0xe5: {  	s20 =	simm.s32 $0xB00;
	[sflag:s12] =	ssyncadd.s32 $0xFFFFC000  }
0xe6: {  	[spmem:s3] =	stream.indirect.scatter.add.f32 [tilespmem:s10], [sflag:$0x3], $0x80, s20, s9, $0xb8;
	[tilespmem:$0x1D000] =	vst v63  }
0xe7: {  	_ =	swait.ge [sflag:s6], $0x4000  }
0xe8: {  	[sflag:s6] =	ssyncset.done $0x0  }
0xe9: {  	s21 =	simm.s32 $0x400;
	[sflag:s6] =	ssyncadd.s32 $0xFFFFC000  }
0xea: {  	[tilespmem:s10], [sflag:$0x1] =	stream.indirect.gather [hbm4b:s1+s9], $0x80, s21, s9, $0xb8;
	[tilespmem:$0x1D000] =	vst v63  }
0xeb: {  	_ =	swait.ge [sflag:s14], $0x4000  }
0xec: {  	[sflag:s14] =	ssyncset.done $0x0  }
0xed: {  	s23 =	simm.s32 $0xB80;
	[sflag:s14] =	ssyncadd.s32 $0xFFFFC000  }
0xee: {  	[spmem:s3] =	stream.indirect.scatter.add.f32 [tilespmem:s11], [sflag:$0x3], $0x80, s23, s9, $0xb8;
	[tilespmem:$0x1D000] =	vst v63  }
0xef: {  	_ =	swait.ge [sflag:s6], $0x4000  }
0xf0: {  	[sflag:s6] =	ssyncset.done $0x0  }
0xf1: {  	s24 =	simm.s32 $0x480;
	[sflag:s6] =	ssyncadd.s32 $0xFFFFC000  }
0xf2: {  	[tilespmem:s11], [sflag:$0x2] =	stream.indirect.gather [hbm4b:s1+s9], $0x80, s24, s9, $0xb8;
	[tilespmem:$0x1D000] =	vst v63  }
0xf3: {  	_ =	swait.ge [sflag:s12], $0x4000  }
0xf4: {  	[sflag:s12] =	ssyncset.done $0x0  }
0xf5: {  	s25 =	simm.s32 $0xC00;
	[sflag:s12] =	ssyncadd.s32 $0xFFFFC000  }
0xf6: {  	[spmem:s3] =	stream.indirect.scatter.add.f32 [tilespmem:s10], [sflag:$0x3], $0x80, s25, s9, $0xb8;
	[tilespmem:$0x1D000] =	vst v63  }
0xf7: {  	_ =	swait.ge [sflag:s6], $0x4000  }
0xf8: {  	[sflag:s6] =	ssyncset.done $0x0  }
0xf9: {  	s26 =	simm.s32 $0x500;
	[sflag:s6] =	ssyncadd.s32 $0xFFFFC000  }
0xfa: {  	[tilespmem:s10], [sflag:$0x1] =	stream.indirect.gather [hbm4b:s1+s9], $0x80, s26, s9, $0xb8;
	[tilespmem:$0x1D000] =	vst v63  }
0xfb: {  	_ =	swait.ge [sflag:s14], $0x4000  }
0xfc: {  	[sflag:s14] =	ssyncset.done $0x0  }
0xfd: {  	s28 =	simm.s32 $0xC80;
	[sflag:s14] =	ssyncadd.s32 $0xFFFFC000  }
0xfe: {  	[spmem:s3] =	stream.indirect.scatter.add.f32 [tilespmem:s11], [sflag:$0x3], $0x80, s28, s9, $0xb8;
	[tilespmem:$0x1D000] =	vst v63  }
0xff: {  	_ =	swait.ge [sflag:s6], $0x4000  }
0x100: {  	[sflag:s6] =	ssyncset.done $0x0  }
0x101: {  	s29 =	simm.s32 $0x580;
	[sflag:s6] =	ssyncadd.s32 $0xFFFFC000  }
0x102: {  	[tilespmem:s11], [sflag:$0x2] =	stream.indirect.gather [hbm4b:s1+s9], $0x80, s29, s9, $0xb8;
	[tilespmem:$0x1D000] =	vst v63  }
0x103: {  	_ =	swait.ge [sflag:s12], $0x4000  }
0x104: {  	[sflag:s12] =	ssyncset.done $0x0  }
0x105: {  	s30 =	simm.s32 $0xD00;
	[sflag:s12] =	ssyncadd.s32 $0xFFFFC000  }
0x106: {  	[spmem:s3] =	stream.indirect.scatter.add.f32 [tilespmem:s10], [sflag:$0x3], $0x80, s30, s9, $0xb8;
	[tilespmem:$0x1D000] =	vst v63  }
0x107: {  	_ =	swait.ge [sflag:s6], $0x4000  }
0x108: {  	[sflag:s6] =	ssyncset.done $0x0  }
0x109: {  	s31 =	simm.s32 $0x600;
	[sflag:s6] =	ssyncadd.s32 $0xFFFFC000  }
0x10a: {  	[tilespmem:s10], [sflag:$0x1] =	stream.indirect.gather [hbm4b:s1+s9], $0x80, s31, s9, $0xb8;
	[tilespmem:$0x1D000] =	vst v63  }
0x10b: {  	_ =	swait.ge [sflag:s14], $0x4000  }
0x10c: {  	[sflag:s14] =	ssyncset.done $0x0  }
0x10d: {  	s22 =	simm.s32 $0xD80;
	[sflag:s14] =	ssyncadd.s32 $0xFFFFC000  }
0x10e: {  	[spmem:s3] =	stream.indirect.scatter.add.f32 [tilespmem:s11], [sflag:$0x3], $0x80, s22, s9, $0xb8;
	[tilespmem:$0x1D000] =	vst v63  }
0x10f: {  	_ =	swait.ge [sflag:s6], $0x4000  }
0x110: {  	[sflag:s6] =	ssyncset.done $0x0  }
0x111: {  	s22 =	simm.s32 $0x680;
	[sflag:s6] =	ssyncadd.s32 $0xFFFFC000  }
0x112: {  	[tilespmem:s11], [sflag:$0x2] =	stream.indirect.gather [hbm4b:s1+s9], $0x80, s22, s9, $0xb8;
	[tilespmem:$0x1D000] =	vst v63  }
0x113: {  	_ =	swait.ge [sflag:s12], $0x4000  }
0x114: {  	[sflag:s12] =	ssyncset.done $0x0  }
0x115: {  	s22 =	simm.s32 $0xE00;
	[sflag:s12] =	ssyncadd.s32 $0xFFFFC000  }
0x116: {  	[spmem:s3] =	stream.indirect.scatter.add.f32 [tilespmem:s10], [sflag:$0x3], $0x80, s22, s9, $0xb8;
	[tilespmem:$0x1D000] =	vst v63  }
0x117: {  	_ =	swait.ge [sflag:s6], $0x4000  }
0x118: {  	[sflag:s6] =	ssyncset.done $0x0  }
0x119: {  	s22 =	simm.s32 $0x700;
	[sflag:s6] =	ssyncadd.s32 $0xFFFFC000  }
0x11a: {  	[tilespmem:s10], [sflag:$0x1] =	stream.indirect.gather [hbm4b:s1+s9], $0x80, s22, s9, $0xb8;
	[tilespmem:$0x1D000] =	vst v63  }
0x11b: {  	_ =	swait.ge [sflag:s14], $0x4000  }
0x11c: {  	[sflag:s14] =	ssyncset.done $0x0  }
0x11d: {  	s22 =	simm.s32 $0xE80;
	[sflag:s14] =	ssyncadd.s32 $0xFFFFC000  }
0x11e: {  	[spmem:s3] =	stream.indirect.scatter.add.f32 [tilespmem:s11], [sflag:$0x3], $0x80, s22, s9, $0xb8;
	[tilespmem:$0x1D000] =	vst v63  }
0x11f: {  	_ =	swait.ge [sflag:s6], $0x4000  }
0x120: {  	[sflag:s6] =	ssyncset.done $0x0  }
0x121: {  	s22 =	simm.s32 $0x780;
	[sflag:s6] =	ssyncadd.s32 $0xFFFFC000  }
0x122: {  	[tilespmem:s11], [sflag:$0x2] =	stream.indirect.gather [hbm4b:s1+s9], $0x80, s22, s9, $0xb8;
	[tilespmem:$0x1D000] =	vst v63  }
0x123: {  	_ =	swait.ge [sflag:s12], $0x4000  }
0x124: {  	[sflag:s12] =	ssyncset.done $0x0  }
0x125: {  	s22 =	simm.s32 $0xF00;
	[sflag:s12] =	ssyncadd.s32 $0xFFFFC000  }
0x126: {  	[spmem:s3] =	stream.indirect.scatter.add.f32 [tilespmem:s10], [sflag:$0x3], $0x80, s22, s9, $0xb8;
	[tilespmem:$0x1D000] =	vst v63  }
0x127: {  	_ =	swait.ge [sflag:s6], $0x4000  }
0x128: {  	[sflag:s6] =	ssyncset.done $0x0  }
0x129: {  	[sflag:s6] =	ssyncadd.s32 $0xFFFFC000  }
0x12a: {  	_ =	swait.ge [sflag:s14], $0x4000  }
0x12b: {  	[sflag:s14] =	ssyncset.done $0x0  }
0x12c: {  	s22 =	simm.s32 $0xF80;
	[sflag:s14] =	ssyncadd.s32 $0xFFFFC000  }
0x12d: {  	[spmem:s3] =	stream.indirect.scatter.add.f32 [tilespmem:s11], [sflag:$0x3], $0x80, s22, s9, $0xb8;
	[tilespmem:$0x1D000] =	vst v63  }
0x12e: {  	_ =	swait.ge [sflag:s6], $0x4000  }
0x12f: {  	[sflag:s6] =	ssyncset.done $0x0  }
0x130: {  	s22 =	rddreg [dreg:$0x9];
	[sflag:s6] =	ssyncadd.s32 $0xFFFFC000  }
0x131: {  	[tilespmem:s8], [sflag:$0x3] =	stream.linear.gather [hbm4b:s22+s8], $0x800, $0x38;
	[tilespmem:$0x1D000] =	vst v63  }
0x132: {  	_ =	swait.ge [sflag:s6], $0x800  }
0x133: {  	[sflag:s6] =	ssyncset.done $0x0  }
0x134: {  	s0 =	simm.s32 $0x800;
	s22 =	rddreg [dreg:$0xa];
	[sflag:s6] =	ssyncadd.s32 $0xFFFFF800  }
0x135: {  	[tilespmem:s0], [sflag:$0x3] =	stream.linear.gather [hbm4b:s22+s8], $0x800, $0x38;
	[tilespmem:$0x1D000] =	vst v63  }
0x136: {  	_ =	swait.ge [sflag:s6], $0x800  }
0x137: {  	[sflag:s6] =	ssyncset.done $0x0  }
0x138: {  	[sflag:s6] =	ssyncadd.s32 $0xFFFFF800  }
0x139: {  	[tilespmem:s10], [sflag:$0x1] =	stream.indirect.gather [hbm4b:s1+s9], $0x80, s8, s9, $0xb8;
	[tilespmem:$0x1D000] =	vst v63  }
0x13a: {  	_ = 	snop  }
0x13b: {  	[tilespmem:s11], [sflag:$0x2] =	stream.indirect.gather [hbm4b:s1+s9], $0x80, s9, s9, $0xb8;
	[tilespmem:$0x1D000] =	vst v63  }
0x13c: {  	_ =	swait.ge [sflag:s12], $0x4000  }
0x13d: {  	[sflag:s12] =	ssyncset.done $0x0  }
0x13e: {  	[sflag:s12] =	ssyncadd.s32 $0xFFFFC000  }
0x13f: {  	[spmem:s3] =	stream.indirect.scatter.add.f32 [tilespmem:s10], [sflag:$0x3], $0x80, s0, s9, $0xb8;
	[tilespmem:$0x1D000] =	vst v63  }
0x140: {  	_ =	swait.ge [sflag:s6], $0x4000  }
0x141: {  	[sflag:s6] =	ssyncset.done $0x0  }
0x142: {  	s22 =	simm.s32 $0x100;
	[sflag:s6] =	ssyncadd.s32 $0xFFFFC000  }
0x143: {  	[tilespmem:s10], [sflag:$0x1] =	stream.indirect.gather [hbm4b:s1+s9], $0x80, s22, s9, $0xb8;
	[tilespmem:$0x1D000] =	vst v63  }
0x144: {  	_ =	swait.ge [sflag:s14], $0x4000  }
0x145: {  	[sflag:s14] =	ssyncset.done $0x0  }
0x146: {  	[sflag:s14] =	ssyncadd.s32 $0xFFFFC000  }
0x147: {  	[spmem:s3] =	stream.indirect.scatter.add.f32 [tilespmem:s11], [sflag:$0x3], $0x80, s2, s9, $0xb8;
	[tilespmem:$0x1D000] =	vst v63  }
0x148: {  	_ =	swait.ge [sflag:s6], $0x4000  }
0x149: {  	[sflag:s6] =	ssyncset.done $0x0  }
0x14a: {  	[sflag:s6] =	ssyncadd.s32 $0xFFFFC000  }
0x14b: {  	[tilespmem:s11], [sflag:$0x2] =	stream.indirect.gather [hbm4b:s1+s9], $0x80, s4, s9, $0xb8;
	[tilespmem:$0x1D000] =	vst v63  }
0x14c: {  	_ =	swait.ge [sflag:s12], $0x4000  }
0x14d: {  	[sflag:s12] =	ssyncset.done $0x0  }
0x14e: {  	[sflag:s12] =	ssyncadd.s32 $0xFFFFC000  }
0x14f: {  	[spmem:s3] =	stream.indirect.scatter.add.f32 [tilespmem:s10], [sflag:$0x3], $0x80, s5, s9, $0xb8;
	[tilespmem:$0x1D000] =	vst v63  }
0x150: {  	_ =	swait.ge [sflag:s6], $0x4000  }
0x151: {  	[sflag:s6] =	ssyncset.done $0x0  }
0x152: {  	[sflag:s6] =	ssyncadd.s32 $0xFFFFC000  }
0x153: {  	[tilespmem:s10], [sflag:$0x1] =	stream.indirect.gather [hbm4b:s1+s9], $0x80, s7, s9, $0xb8;
	[tilespmem:$0x1D000] =	vst v63  }
0x154: {  	_ =	swait.ge [sflag:s14], $0x4000  }
0x155: {  	[sflag:s14] =	ssyncset.done $0x0  }
0x156: {  	[sflag:s14] =	ssyncadd.s32 $0xFFFFC000  }
0x157: {  	[spmem:s3] =	stream.indirect.scatter.add.f32 [tilespmem:s11], [sflag:$0x3], $0x80, s13, s9, $0xb8;
	[tilespmem:$0x1D000] =	vst v63  }
0x158: {  	_ =	swait.ge [sflag:s6], $0x4000  }
0x159: {  	[sflag:s6] =	ssyncset.done $0x0  }
0x15a: {  	[sflag:s6] =	ssyncadd.s32 $0xFFFFC000  }
0x15b: {  	[tilespmem:s11], [sflag:$0x2] =	stream.indirect.gather [hbm4b:s1+s9], $0x80, s15, s9, $0xb8;
	[tilespmem:$0x1D000] =	vst v63  }
0x15c: {  	_ =	swait.ge [sflag:s12], $0x4000  }
0x15d: {  	[sflag:s12] =	ssyncset.done $0x0  }
0x15e: {  	[sflag:s12] =	ssyncadd.s32 $0xFFFFC000  }
0x15f: {  	[spmem:s3] =	stream.indirect.scatter.add.f32 [tilespmem:s10], [sflag:$0x3], $0x80, s16, s9, $0xb8;
	[tilespmem:$0x1D000] =	vst v63  }
0x160: {  	_ =	swait.ge [sflag:s6], $0x4000  }
0x161: {  	[sflag:s6] =	ssyncset.done $0x0  }
0x162: {  	[sflag:s6] =	ssyncadd.s32 $0xFFFFC000  }
0x163: {  	[tilespmem:s10], [sflag:$0x1] =	stream.indirect.gather [hbm4b:s1+s9], $0x80, s17, s9, $0xb8;
	[tilespmem:$0x1D000] =	vst v63  }
0x164: {  	_ =	swait.ge [sflag:s14], $0x4000  }
0x165: {  	[sflag:s14] =	ssyncset.done $0x0  }
0x166: {  	[sflag:s14] =	ssyncadd.s32 $0xFFFFC000  }
0x167: {  	[spmem:s3] =	stream.indirect.scatter.add.f32 [tilespmem:s11], [sflag:$0x3], $0x80, s18, s9, $0xb8;
	[tilespmem:$0x1D000] =	vst v63  }
0x168: {  	_ =	swait.ge [sflag:s6], $0x4000  }
0x169: {  	[sflag:s6] =	ssyncset.done $0x0  }
0x16a: {  	[sflag:s6] =	ssyncadd.s32 $0xFFFFC000  }
0x16b: {  	[tilespmem:s11], [sflag:$0x2] =	stream.indirect.gather [hbm4b:s1+s9], $0x80, s19, s9, $0xb8;
	[tilespmem:$0x1D000] =	vst v63  }
0x16c: {  	_ =	swait.ge [sflag:s12], $0x4000  }
0x16d: {  	[sflag:s12] =	ssyncset.done $0x0  }
0x16e: {  	[sflag:s12] =	ssyncadd.s32 $0xFFFFC000  }
0x16f: {  	[spmem:s3] =	stream.indirect.scatter.add.f32 [tilespmem:s10], [sflag:$0x3], $0x80, s20, s9, $0xb8;
	[tilespmem:$0x1D000] =	vst v63  }
0x170: {  	_ =	swait.ge [sflag:s6], $0x4000  }
0x171: {  	[sflag:s6] =	ssyncset.done $0x0  }
0x172: {  	[sflag:s6] =	ssyncadd.s32 $0xFFFFC000  }
0x173: {  	[tilespmem:s10], [sflag:$0x1] =	stream.indirect.gather [hbm4b:s1+s9], $0x80, s21, s9, $0xb8;
	[tilespmem:$0x1D000] =	vst v63  }
0x174: {  	_ =	swait.ge [sflag:s14], $0x4000  }
0x175: {  	[sflag:s14] =	ssyncset.done $0x0  }
0x176: {  	[sflag:s14] =	ssyncadd.s32 $0xFFFFC000  }
0x177: {  	[spmem:s3] =	stream.indirect.scatter.add.f32 [tilespmem:s11], [sflag:$0x3], $0x80, s23, s9, $0xb8;
	[tilespmem:$0x1D000] =	vst v63  }
0x178: {  	_ =	swait.ge [sflag:s6], $0x4000  }
0x179: {  	[sflag:s6] =	ssyncset.done $0x0  }
0x17a: {  	[sflag:s6] =	ssyncadd.s32 $0xFFFFC000  }
0x17b: {  	[tilespmem:s11], [sflag:$0x2] =	stream.indirect.gather [hbm4b:s1+s9], $0x80, s24, s9, $0xb8;
	[tilespmem:$0x1D000] =	vst v63  }
0x17c: {  	_ =	swait.ge [sflag:s12], $0x4000  }
0x17d: {  	[sflag:s12] =	ssyncset.done $0x0  }
0x17e: {  	[sflag:s12] =	ssyncadd.s32 $0xFFFFC000  }
0x17f: {  	[spmem:s3] =	stream.indirect.scatter.add.f32 [tilespmem:s10], [sflag:$0x3], $0x80, s25, s9, $0xb8;
	[tilespmem:$0x1D000] =	vst v63  }
0x180: {  	_ =	swait.ge [sflag:s6], $0x4000  }
0x181: {  	[sflag:s6] =	ssyncset.done $0x0  }
0x182: {  	[sflag:s6] =	ssyncadd.s32 $0xFFFFC000  }
0x183: {  	[tilespmem:s10], [sflag:$0x1] =	stream.indirect.gather [hbm4b:s1+s9], $0x80, s26, s9, $0xb8;
	[tilespmem:$0x1D000] =	vst v63  }
0x184: {  	_ =	swait.ge [sflag:s14], $0x4000  }
0x185: {  	[sflag:s14] =	ssyncset.done $0x0  }
0x186: {  	[sflag:s14] =	ssyncadd.s32 $0xFFFFC000  }
0x187: {  	[spmem:s3] =	stream.indirect.scatter.add.f32 [tilespmem:s11], [sflag:$0x3], $0x80, s28, s9, $0xb8;
	[tilespmem:$0x1D000] =	vst v63  }
0x188: {  	_ =	swait.ge [sflag:s6], $0x4000  }
0x189: {  	[sflag:s6] =	ssyncset.done $0x0  }
0x18a: {  	[sflag:s6] =	ssyncadd.s32 $0xFFFFC000  }
0x18b: {  	[tilespmem:s11], [sflag:$0x2] =	stream.indirect.gather [hbm4b:s1+s9], $0x80, s29, s9, $0xb8;
	[tilespmem:$0x1D000] =	vst v63  }
0x18c: {  	_ =	swait.ge [sflag:s12], $0x4000  }
0x18d: {  	[sflag:s12] =	ssyncset.done $0x0  }
0x18e: {  	[sflag:s12] =	ssyncadd.s32 $0xFFFFC000  }
0x18f: {  	[spmem:s3] =	stream.indirect.scatter.add.f32 [tilespmem:s10], [sflag:$0x3], $0x80, s30, s9, $0xb8;
	[tilespmem:$0x1D000] =	vst v63  }
0x190: {  	_ =	swait.ge [sflag:s6], $0x4000  }
0x191: {  	[sflag:s6] =	ssyncset.done $0x0  }
0x192: {  	[sflag:s6] =	ssyncadd.s32 $0xFFFFC000  }
0x193: {  	[tilespmem:s10], [sflag:$0x1] =	stream.indirect.gather [hbm4b:s1+s9], $0x80, s31, s9, $0xb8;
	[tilespmem:$0x1D000] =	vst v63  }
0x194: {  	_ =	swait.ge [sflag:s14], $0x4000  }
0x195: {  	[sflag:s14] =	ssyncset.done $0x0  }
0x196: {  	s24 =	simm.s32 $0xD80;
	[sflag:s14] =	ssyncadd.s32 $0xFFFFC000  }
0x197: {  	[spmem:s3] =	stream.indirect.scatter.add.f32 [tilespmem:s11], [sflag:$0x3], $0x80, s24, s9, $0xb8;
	[tilespmem:$0x1D000] =	vst v63  }
0x198: {  	_ =	swait.ge [sflag:s6], $0x4000  }
0x199: {  	[sflag:s6] =	ssyncset.done $0x0  }
0x19a: {  	s25 =	simm.s32 $0x680;
	[sflag:s6] =	ssyncadd.s32 $0xFFFFC000  }
0x19b: {  	[tilespmem:s11], [sflag:$0x2] =	stream.indirect.gather [hbm4b:s1+s9], $0x80, s25, s9, $0xb8;
	[tilespmem:$0x1D000] =	vst v63  }
0x19c: {  	_ =	swait.ge [sflag:s12], $0x4000  }
0x19d: {  	[sflag:s12] =	ssyncset.done $0x0  }
0x19e: {  	s26 =	simm.s32 $0xE00;
	[sflag:s12] =	ssyncadd.s32 $0xFFFFC000  }
0x19f: {  	[spmem:s3] =	stream.indirect.scatter.add.f32 [tilespmem:s10], [sflag:$0x3], $0x80, s26, s9, $0xb8;
	[tilespmem:$0x1D000] =	vst v63  }
0x1a0: {  	_ =	swait.ge [sflag:s6], $0x4000  }
0x1a1: {  	[sflag:s6] =	ssyncset.done $0x0  }
0x1a2: {  	s28 =	simm.s32 $0x700;
	[sflag:s6] =	ssyncadd.s32 $0xFFFFC000  }
0x1a3: {  	[tilespmem:s10], [sflag:$0x1] =	stream.indirect.gather [hbm4b:s1+s9], $0x80, s28, s9, $0xb8;
	[tilespmem:$0x1D000] =	vst v63  }
0x1a4: {  	_ =	swait.ge [sflag:s14], $0x4000  }
0x1a5: {  	[sflag:s14] =	ssyncset.done $0x0  }
0x1a6: {  	s29 =	simm.s32 $0xE80;
	[sflag:s14] =	ssyncadd.s32 $0xFFFFC000  }
0x1a7: {  	[spmem:s3] =	stream.indirect.scatter.add.f32 [tilespmem:s11], [sflag:$0x3], $0x80, s29, s9, $0xb8;
	[tilespmem:$0x1D000] =	vst v63  }
0x1a8: {  	_ =	swait.ge [sflag:s6], $0x4000  }
0x1a9: {  	[sflag:s6] =	ssyncset.done $0x0  }
0x1aa: {  	s30 =	simm.s32 $0x780;
	[sflag:s6] =	ssyncadd.s32 $0xFFFFC000  }
0x1ab: {  	[tilespmem:s11], [sflag:$0x2] =	stream.indirect.gather [hbm4b:s1+s9], $0x80, s30, s9, $0xb8;
	[tilespmem:$0x1D000] =	vst v63  }
0x1ac: {  	_ =	swait.ge [sflag:s12], $0x4000  }
0x1ad: {  	[sflag:s12] =	ssyncset.done $0x0  }
0x1ae: {  	s31 =	simm.s32 $0xF00;
	[sflag:s12] =	ssyncadd.s32 $0xFFFFC000  }
0x1af: {  	[spmem:s3] =	stream.indirect.scatter.add.f32 [tilespmem:s10], [sflag:$0x3], $0x80, s31, s9, $0xb8;
	[tilespmem:$0x1D000] =	vst v63  }
0x1b0: {  	_ =	swait.ge [sflag:s6], $0x4000  }
0x1b1: {  	[sflag:s6] =	ssyncset.done $0x0  }
0x1b2: {  	[sflag:s6] =	ssyncadd.s32 $0xFFFFC000  }
0x1b3: {  	_ =	swait.ge [sflag:s14], $0x4000  }
0x1b4: {  	[sflag:s14] =	ssyncset.done $0x0  }
0x1b5: {  	s2 =	simm.s32 $0xF80;
	[sflag:s14] =	ssyncadd.s32 $0xFFFFC000  }
0x1b6: {  	[spmem:s3] =	stream.indirect.scatter.add.f32 [tilespmem:s11], [sflag:$0x3], $0x80, s2, s9, $0xb8;
	[tilespmem:$0x1D000] =	vst v63  }
0x1b7: {  	_ =	swait.ge [sflag:s6], $0x4000  }
0x1b8: {  	[sflag:s6] =	ssyncset.done $0x0  }
0x1b9: {  	s4 =	rddreg [dreg:$0xb];
	[sflag:s6] =	ssyncadd.s32 $0xFFFFC000  }
0x1ba: {  	[tilespmem:s8], [sflag:$0x3] =	stream.linear.gather [hbm4b:s4+s8], $0x800, $0x38;
	[tilespmem:$0x1D000] =	vst v63  }
0x1bb: {  	_ =	swait.ge [sflag:s6], $0x800  }
0x1bc: {  	[sflag:s6] =	ssyncset.done $0x0  }
0x1bd: {  	s7 =	simm.s32 $0x800;
	s5 =	rddreg [dreg:$0xc];
	[sflag:s6] =	ssyncadd.s32 $0xFFFFF800  }
0x1be: {  	[tilespmem:s7], [sflag:$0x3] =	stream.linear.gather [hbm4b:s5+s8], $0x800, $0x38;
	[tilespmem:$0x1D000] =	vst v63  }
0x1bf: {  	_ =	swait.ge [sflag:s6], $0x800  }
0x1c0: {  	[sflag:s6] =	ssyncset.done $0x0  }
0x1c1: {  	[sflag:s6] =	ssyncadd.s32 $0xFFFFF800  }
0x1c2: {  	[tilespmem:s10], [sflag:$0x1] =	stream.indirect.gather [hbm4b:s1+s9], $0x80, s8, s9, $0xb8;
	[tilespmem:$0x1D000] =	vst v63  }
0x1c3: {  	_ = 	snop  }
0x1c4: {  	[tilespmem:s11], [sflag:$0x2] =	stream.indirect.gather [hbm4b:s1+s9], $0x80, s9, s9, $0xb8;
	[tilespmem:$0x1D000] =	vst v63  }
0x1c5: {  	_ =	swait.ge [sflag:s12], $0x4000  }
0x1c6: {  	[sflag:s12] =	ssyncset.done $0x0  }
0x1c7: {  	[sflag:s12] =	ssyncadd.s32 $0xFFFFC000  }
0x1c8: {  	[spmem:s3] =	stream.indirect.scatter.add.f32 [tilespmem:s10], [sflag:$0x3], $0x80, s7, s9, $0xb8;
	[tilespmem:$0x1D000] =	vst v63  }
0x1c9: {  	_ =	swait.ge [sflag:s6], $0x4000  }
0x1ca: {  	[sflag:s6] =	ssyncset.done $0x0  }
0x1cb: {  	s13 =	simm.s32 $0x100;
	[sflag:s6] =	ssyncadd.s32 $0xFFFFC000  }
0x1cc: {  	[tilespmem:s10], [sflag:$0x1] =	stream.indirect.gather [hbm4b:s1+s9], $0x80, s13, s9, $0xb8;
	[tilespmem:$0x1D000] =	vst v63  }
0x1cd: {  	_ =	swait.ge [sflag:s14], $0x4000  }
0x1ce: {  	[sflag:s14] =	ssyncset.done $0x0  }
0x1cf: {  	s2 =	simm.s32 $0x880;
	[sflag:s14] =	ssyncadd.s32 $0xFFFFC000  }
0x1d0: {  	[spmem:s3] =	stream.indirect.scatter.add.f32 [tilespmem:s11], [sflag:$0x3], $0x80, s2, s9, $0xb8;
	[tilespmem:$0x1D000] =	vst v63  }
0x1d1: {  	_ =	swait.ge [sflag:s6], $0x4000  }
0x1d2: {  	[sflag:s6] =	ssyncset.done $0x0  }
0x1d3: {  	s15 =	simm.s32 $0x180;
	[sflag:s6] =	ssyncadd.s32 $0xFFFFC000  }
0x1d4: {  	[tilespmem:s11], [sflag:$0x2] =	stream.indirect.gather [hbm4b:s1+s9], $0x80, s15, s9, $0xb8;
	[tilespmem:$0x1D000] =	vst v63  }
0x1d5: {  	_ =	swait.ge [sflag:s12], $0x4000  }
0x1d6: {  	[sflag:s12] =	ssyncset.done $0x0  }
0x1d7: {  	s4 =	simm.s32 $0x900;
	[sflag:s12] =	ssyncadd.s32 $0xFFFFC000  }
0x1d8: {  	[spmem:s3] =	stream.indirect.scatter.add.f32 [tilespmem:s10], [sflag:$0x3], $0x80, s4, s9, $0xb8;
	[tilespmem:$0x1D000] =	vst v63  }
0x1d9: {  	_ =	swait.ge [sflag:s6], $0x4000  }
0x1da: {  	[sflag:s6] =	ssyncset.done $0x0  }
0x1db: {  	s16 =	simm.s32 $0x200;
	[sflag:s6] =	ssyncadd.s32 $0xFFFFC000  }
0x1dc: {  	[tilespmem:s10], [sflag:$0x1] =	stream.indirect.gather [hbm4b:s1+s9], $0x80, s16, s9, $0xb8;
	[tilespmem:$0x1D000] =	vst v63  }
0x1dd: {  	_ =	swait.ge [sflag:s14], $0x4000  }
0x1de: {  	[sflag:s14] =	ssyncset.done $0x0  }
0x1df: {  	s5 =	simm.s32 $0x980;
	[sflag:s14] =	ssyncadd.s32 $0xFFFFC000  }
0x1e0: {  	[spmem:s3] =	stream.indirect.scatter.add.f32 [tilespmem:s11], [sflag:$0x3], $0x80, s5, s9, $0xb8;
	[tilespmem:$0x1D000] =	vst v63  }
0x1e1: {  	_ =	swait.ge [sflag:s6], $0x4000  }
0x1e2: {  	[sflag:s6] =	ssyncset.done $0x0  }
0x1e3: {  	s18 =	simm.s32 $0x280;
	[sflag:s6] =	ssyncadd.s32 $0xFFFFC000  }
0x1e4: {  	[tilespmem:s11], [sflag:$0x2] =	stream.indirect.gather [hbm4b:s1+s9], $0x80, s18, s9, $0xb8;
	[tilespmem:$0x1D000] =	vst v63  }
0x1e5: {  	_ =	swait.ge [sflag:s12], $0x4000  }
0x1e6: {  	[sflag:s12] =	ssyncset.done $0x0  }
0x1e7: {  	s7 =	simm.s32 $0xA00;
	[sflag:s12] =	ssyncadd.s32 $0xFFFFC000  }
0x1e8: {  	[spmem:s3] =	stream.indirect.scatter.add.f32 [tilespmem:s10], [sflag:$0x3], $0x80, s7, s9, $0xb8;
	[tilespmem:$0x1D000] =	vst v63  }
0x1e9: {  	_ =	swait.ge [sflag:s6], $0x4000  }
0x1ea: {  	[sflag:s6] =	ssyncset.done $0x0  }
0x1eb: {  	s20 =	simm.s32 $0x300;
	[sflag:s6] =	ssyncadd.s32 $0xFFFFC000  }
0x1ec: {  	[tilespmem:s10], [sflag:$0x1] =	stream.indirect.gather [hbm4b:s1+s9], $0x80, s20, s9, $0xb8;
	[tilespmem:$0x1D000] =	vst v63  }
0x1ed: {  	_ =	swait.ge [sflag:s14], $0x4000  }
0x1ee: {  	[sflag:s14] =	ssyncset.done $0x0  }
0x1ef: {  	s13 =	simm.s32 $0xA80;
	[sflag:s14] =	ssyncadd.s32 $0xFFFFC000  }
0x1f0: {  	[spmem:s3] =	stream.indirect.scatter.add.f32 [tilespmem:s11], [sflag:$0x3], $0x80, s13, s9, $0xb8;
	[tilespmem:$0x1D000] =	vst v63  }
0x1f1: {  	_ =	swait.ge [sflag:s6], $0x4000  }
0x1f2: {  	[sflag:s6] =	ssyncset.done $0x0  }
0x1f3: {  	s22 =	simm.s32 $0x380;
	[sflag:s6] =	ssyncadd.s32 $0xFFFFC000  }
0x1f4: {  	[tilespmem:s11], [sflag:$0x2] =	stream.indirect.gather [hbm4b:s1+s9], $0x80, s22, s9, $0xb8;
	[tilespmem:$0x1D000] =	vst v63  }
0x1f5: {  	_ =	swait.ge [sflag:s12], $0x4000  }
0x1f6: {  	[sflag:s12] =	ssyncset.done $0x0  }
0x1f7: {  	s15 =	simm.s32 $0xB00;
	[sflag:s12] =	ssyncadd.s32 $0xFFFFC000  }
0x1f8: {  	[spmem:s3] =	stream.indirect.scatter.add.f32 [tilespmem:s10], [sflag:$0x3], $0x80, s15, s9, $0xb8;
	[tilespmem:$0x1D000] =	vst v63  }
0x1f9: {  	_ =	swait.ge [sflag:s6], $0x4000  }
0x1fa: {  	[sflag:s6] =	ssyncset.done $0x0  }
0x1fb: {  	s23 =	simm.s32 $0x400;
	[sflag:s6] =	ssyncadd.s32 $0xFFFFC000  }
0x1fc: {  	[tilespmem:s10], [sflag:$0x1] =	stream.indirect.gather [hbm4b:s1+s9], $0x80, s23, s9, $0xb8;
	[tilespmem:$0x1D000] =	vst v63  }
0x1fd: {  	_ =	swait.ge [sflag:s14], $0x4000  }
0x1fe: {  	[sflag:s14] =	ssyncset.done $0x0  }
0x1ff: {  	s24 =	simm.s32 $0xB80;
	[sflag:s14] =	ssyncadd.s32 $0xFFFFC000  }
0x200: {  	[spmem:s3] =	stream.indirect.scatter.add.f32 [tilespmem:s11], [sflag:$0x3], $0x80, s24, s9, $0xb8;
	[tilespmem:$0x1D000] =	vst v63  }
0x201: {  	_ =	swait.ge [sflag:s6], $0x4000  }
0x202: {  	[sflag:s6] =	ssyncset.done $0x0  }
0x203: {  	s25 =	simm.s32 $0x480;
	[sflag:s6] =	ssyncadd.s32 $0xFFFFC000  }
0x204: {  	[tilespmem:s11], [sflag:$0x2] =	stream.indirect.gather [hbm4b:s1+s9], $0x80, s25, s9, $0xb8;
	[tilespmem:$0x1D000] =	vst v63  }
0x205: {  	_ =	swait.ge [sflag:s12], $0x4000  }
0x206: {  	[sflag:s12] =	ssyncset.done $0x0  }
0x207: {  	s26 =	simm.s32 $0xC00;
	[sflag:s12] =	ssyncadd.s32 $0xFFFFC000  }
0x208: {  	[spmem:s3] =	stream.indirect.scatter.add.f32 [tilespmem:s10], [sflag:$0x3], $0x80, s26, s9, $0xb8;
	[tilespmem:$0x1D000] =	vst v63  }
0x209: {  	_ =	swait.ge [sflag:s6], $0x4000  }
0x20a: {  	[sflag:s6] =	ssyncset.done $0x0  }
0x20b: {  	s28 =	simm.s32 $0x500;
	[sflag:s6] =	ssyncadd.s32 $0xFFFFC000  }
0x20c: {  	[tilespmem:s10], [sflag:$0x1] =	stream.indirect.gather [hbm4b:s1+s9], $0x80, s28, s9, $0xb8;
	[tilespmem:$0x1D000] =	vst v63  }
0x20d: {  	_ =	swait.ge [sflag:s14], $0x4000  }
0x20e: {  	[sflag:s14] =	ssyncset.done $0x0  }
0x20f: {  	s29 =	simm.s32 $0xC80;
	[sflag:s14] =	ssyncadd.s32 $0xFFFFC000  }
0x210: {  	[spmem:s3] =	stream.indirect.scatter.add.f32 [tilespmem:s11], [sflag:$0x3], $0x80, s29, s9, $0xb8;
	[tilespmem:$0x1D000] =	vst v63  }
0x211: {  	_ =	swait.ge [sflag:s6], $0x4000  }
0x212: {  	[sflag:s6] =	ssyncset.done $0x0  }
0x213: {  	s30 =	simm.s32 $0x580;
	[sflag:s6] =	ssyncadd.s32 $0xFFFFC000  }
0x214: {  	[tilespmem:s11], [sflag:$0x2] =	stream.indirect.gather [hbm4b:s1+s9], $0x80, s30, s9, $0xb8;
	[tilespmem:$0x1D000] =	vst v63  }
0x215: {  	_ =	swait.ge [sflag:s12], $0x4000  }
0x216: {  	[sflag:s12] =	ssyncset.done $0x0  }
0x217: {  	s31 =	simm.s32 $0xD00;
	[sflag:s12] =	ssyncadd.s32 $0xFFFFC000  }
0x218: {  	[spmem:s3] =	stream.indirect.scatter.add.f32 [tilespmem:s10], [sflag:$0x3], $0x80, s31, s9, $0xb8;
	[tilespmem:$0x1D000] =	vst v63  }
0x219: {  	_ =	swait.ge [sflag:s6], $0x4000  }
0x21a: {  	[sflag:s6] =	ssyncset.done $0x0  }
0x21b: {  	s22 =	simm.s32 $0x600;
	[sflag:s6] =	ssyncadd.s32 $0xFFFFC000  }
0x21c: {  	[tilespmem:s10], [sflag:$0x1] =	stream.indirect.gather [hbm4b:s1+s9], $0x80, s22, s9, $0xb8;
	[tilespmem:$0x1D000] =	vst v63  }
0x21d: {  	_ =	swait.ge [sflag:s14], $0x4000  }
0x21e: {  	[sflag:s14] =	ssyncset.done $0x0  }
0x21f: {  	s22 =	simm.s32 $0xD80;
	[sflag:s14] =	ssyncadd.s32 $0xFFFFC000  }
0x220: {  	[spmem:s3] =	stream.indirect.scatter.add.f32 [tilespmem:s11], [sflag:$0x3], $0x80, s22, s9, $0xb8;
	[tilespmem:$0x1D000] =	vst v63  }
0x221: {  	_ =	swait.ge [sflag:s6], $0x4000  }
0x222: {  	[sflag:s6] =	ssyncset.done $0x0  }
0x223: {  	s22 =	simm.s32 $0x680;
	[sflag:s6] =	ssyncadd.s32 $0xFFFFC000  }
0x224: {  	[tilespmem:s11], [sflag:$0x2] =	stream.indirect.gather [hbm4b:s1+s9], $0x80, s22, s9, $0xb8;
	[tilespmem:$0x1D000] =	vst v63  }
0x225: {  	_ =	swait.ge [sflag:s12], $0x4000  }
0x226: {  	[sflag:s12] =	ssyncset.done $0x0  }
0x227: {  	s22 =	simm.s32 $0xE00;
	[sflag:s12] =	ssyncadd.s32 $0xFFFFC000  }
0x228: {  	[spmem:s3] =	stream.indirect.scatter.add.f32 [tilespmem:s10], [sflag:$0x3], $0x80, s22, s9, $0xb8;
	[tilespmem:$0x1D000] =	vst v63  }
0x229: {  	_ =	swait.ge [sflag:s6], $0x4000  }
0x22a: {  	[sflag:s6] =	ssyncset.done $0x0  }
0x22b: {  	s22 =	simm.s32 $0x700;
	[sflag:s6] =	ssyncadd.s32 $0xFFFFC000  }
0x22c: {  	[tilespmem:s10], [sflag:$0x1] =	stream.indirect.gather [hbm4b:s1+s9], $0x80, s22, s9, $0xb8;
	[tilespmem:$0x1D000] =	vst v63  }
0x22d: {  	_ =	swait.ge [sflag:s14], $0x4000  }
0x22e: {  	[sflag:s14] =	ssyncset.done $0x0  }
0x22f: {  	s22 =	simm.s32 $0xE80;
	[sflag:s14] =	ssyncadd.s32 $0xFFFFC000  }
0x230: {  	[spmem:s3] =	stream.indirect.scatter.add.f32 [tilespmem:s11], [sflag:$0x3], $0x80, s22, s9, $0xb8;
	[tilespmem:$0x1D000] =	vst v63  }
0x231: {  	_ =	swait.ge [sflag:s6], $0x4000  }
0x232: {  	[sflag:s6] =	ssyncset.done $0x0  }
0x233: {  	s22 =	simm.s32 $0x780;
	[sflag:s6] =	ssyncadd.s32 $0xFFFFC000  }
0x234: {  	[tilespmem:s11], [sflag:$0x2] =	stream.indirect.gather [hbm4b:s1+s9], $0x80, s22, s9, $0xb8;
	[tilespmem:$0x1D000] =	vst v63  }
0x235: {  	_ =	swait.ge [sflag:s12], $0x4000  }
0x236: {  	[sflag:s12] =	ssyncset.done $0x0  }
0x237: {  	s22 =	simm.s32 $0xF00;
	[sflag:s12] =	ssyncadd.s32 $0xFFFFC000  }
0x238: {  	[spmem:s3] =	stream.indirect.scatter.add.f32 [tilespmem:s10], [sflag:$0x3], $0x80, s22, s9, $0xb8;
	[tilespmem:$0x1D000] =	vst v63  }
0x239: {  	_ =	swait.ge [sflag:s6], $0x4000  }
0x23a: {  	[sflag:s6] =	ssyncset.done $0x0  }
0x23b: {  	[sflag:s6] =	ssyncadd.s32 $0xFFFFC000  }
0x23c: {  	_ =	swait.ge [sflag:s14], $0x4000  }
0x23d: {  	[sflag:s14] =	ssyncset.done $0x0  }
0x23e: {  	s22 =	simm.s32 $0xF80;
	[sflag:s14] =	ssyncadd.s32 $0xFFFFC000  }
0x23f: {  	[spmem:s3] =	stream.indirect.scatter.add.f32 [tilespmem:s11], [sflag:$0x3], $0x80, s22, s9, $0xb8;
	[tilespmem:$0x1D000] =	vst v63  }
0x240: {  	_ =	swait.ge [sflag:s6], $0x4000  }
0x241: {  	[sflag:s6] =	ssyncset.done $0x0  }
0x242: {  	s22 =	rddreg [dreg:$0xd];
	[sflag:s6] =	ssyncadd.s32 $0xFFFFC000  }
0x243: {  	[tilespmem:s8], [sflag:$0x3] =	stream.linear.gather [hbm4b:s22+s8], $0x800, $0x38;
	[tilespmem:$0x1D000] =	vst v63  }
0x244: {  	_ =	swait.ge [sflag:s6], $0x800  }
0x245: {  	[sflag:s6] =	ssyncset.done $0x0  }
0x246: {  	s0 =	simm.s32 $0x800;
	s22 =	rddreg [dreg:$0xe];
	[sflag:s6] =	ssyncadd.s32 $0xFFFFF800  }
0x247: {  	[tilespmem:s0], [sflag:$0x3] =	stream.linear.gather [hbm4b:s22+s8], $0x800, $0x38;
	[tilespmem:$0x1D000] =	vst v63  }
0x248: {  	_ =	swait.ge [sflag:s6], $0x800  }
0x249: {  	[sflag:s6] =	ssyncset.done $0x0  }
0x24a: {  	[sflag:s6] =	ssyncadd.s32 $0xFFFFF800  }
0x24b: {  	[tilespmem:s10], [sflag:$0x1] =	stream.indirect.gather [hbm4b:s1+s9], $0x80, s8, s9, $0xb8;
	[tilespmem:$0x1D000] =	vst v63  }
0x24c: {  	_ = 	snop  }
0x24d: {  	[tilespmem:s11], [sflag:$0x2] =	stream.indirect.gather [hbm4b:s1+s9], $0x80, s9, s9, $0xb8;
	[tilespmem:$0x1D000] =	vst v63  }
0x24e: {  	_ =	swait.ge [sflag:s12], $0x4000  }
0x24f: {  	[sflag:s12] =	ssyncset.done $0x0  }
0x250: {  	[sflag:s12] =	ssyncadd.s32 $0xFFFFC000  }
0x251: {  	[spmem:s3] =	stream.indirect.scatter.add.f32 [tilespmem:s10], [sflag:$0x3], $0x80, s0, s9, $0xb8;
	[tilespmem:$0x1D000] =	vst v63  }
0x252: {  	_ =	swait.ge [sflag:s6], $0x4000  }
0x253: {  	[sflag:s6] =	ssyncset.done $0x0  }
0x254: {  	s17 =	simm.s32 $0x100;
	[sflag:s6] =	ssyncadd.s32 $0xFFFFC000  }
0x255: {  	[tilespmem:s10], [sflag:$0x1] =	stream.indirect.gather [hbm4b:s1+s9], $0x80, s17, s9, $0xb8;
	[tilespmem:$0x1D000] =	vst v63  }
0x256: {  	_ =	swait.ge [sflag:s14], $0x4000  }
0x257: {  	[sflag:s14] =	ssyncset.done $0x0  }
0x258: {  	[sflag:s14] =	ssyncadd.s32 $0xFFFFC000  }
0x259: {  	[spmem:s3] =	stream.indirect.scatter.add.f32 [tilespmem:s11], [sflag:$0x3], $0x80, s2, s9, $0xb8;
	[tilespmem:$0x1D000] =	vst v63  }
0x25a: {  	_ =	swait.ge [sflag:s6], $0x4000  }
0x25b: {  	[sflag:s6] =	ssyncset.done $0x0  }
0x25c: {  	s21 =	simm.s32 $0x180;
	[sflag:s6] =	ssyncadd.s32 $0xFFFFC000  }
0x25d: {  	[tilespmem:s11], [sflag:$0x2] =	stream.indirect.gather [hbm4b:s1+s9], $0x80, s21, s9, $0xb8;
	[tilespmem:$0x1D000] =	vst v63  }
0x25e: {  	_ =	swait.ge [sflag:s12], $0x4000  }
0x25f: {  	[sflag:s12] =	ssyncset.done $0x0  }
0x260: {  	[sflag:s12] =	ssyncadd.s32 $0xFFFFC000  }
0x261: {  	[spmem:s3] =	stream.indirect.scatter.add.f32 [tilespmem:s10], [sflag:$0x3], $0x80, s4, s9, $0xb8;
	[tilespmem:$0x1D000] =	vst v63  }
0x262: {  	_ =	swait.ge [sflag:s6], $0x4000  }
0x263: {  	[sflag:s6] =	ssyncset.done $0x0  }
0x264: {  	s19 =	simm.s32 $0x200;
	[sflag:s6] =	ssyncadd.s32 $0xFFFFC000  }
0x265: {  	[tilespmem:s10], [sflag:$0x1] =	stream.indirect.gather [hbm4b:s1+s9], $0x80, s19, s9, $0xb8;
	[tilespmem:$0x1D000] =	vst v63  }
0x266: {  	_ =	swait.ge [sflag:s14], $0x4000  }
0x267: {  	[sflag:s14] =	ssyncset.done $0x0  }
0x268: {  	[sflag:s14] =	ssyncadd.s32 $0xFFFFC000  }
0x269: {  	[spmem:s3] =	stream.indirect.scatter.add.f32 [tilespmem:s11], [sflag:$0x3], $0x80, s5, s9, $0xb8;
	[tilespmem:$0x1D000] =	vst v63  }
0x26a: {  	_ =	swait.ge [sflag:s6], $0x4000  }
0x26b: {  	[sflag:s6] =	ssyncset.done $0x0  }
0x26c: {  	s16 =	simm.s32 $0x280;
	[sflag:s6] =	ssyncadd.s32 $0xFFFFC000  }
0x26d: {  	[tilespmem:s11], [sflag:$0x2] =	stream.indirect.gather [hbm4b:s1+s9], $0x80, s16, s9, $0xb8;
	[tilespmem:$0x1D000] =	vst v63  }
0x26e: {  	_ =	swait.ge [sflag:s12], $0x4000  }
0x26f: {  	[sflag:s12] =	ssyncset.done $0x0  }
0x270: {  	[sflag:s12] =	ssyncadd.s32 $0xFFFFC000  }
0x271: {  	[spmem:s3] =	stream.indirect.scatter.add.f32 [tilespmem:s10], [sflag:$0x3], $0x80, s7, s9, $0xb8;
	[tilespmem:$0x1D000] =	vst v63  }
0x272: {  	_ =	swait.ge [sflag:s6], $0x4000  }
0x273: {  	[sflag:s6] =	ssyncset.done $0x0  }
0x274: {  	s18 =	simm.s32 $0x300;
	[sflag:s6] =	ssyncadd.s32 $0xFFFFC000  }
0x275: {  	[tilespmem:s10], [sflag:$0x1] =	stream.indirect.gather [hbm4b:s1+s9], $0x80, s18, s9, $0xb8;
	[tilespmem:$0x1D000] =	vst v63  }
0x276: {  	_ =	swait.ge [sflag:s14], $0x4000  }
0x277: {  	[sflag:s14] =	ssyncset.done $0x0  }
0x278: {  	[sflag:s14] =	ssyncadd.s32 $0xFFFFC000  }
0x279: {  	[spmem:s3] =	stream.indirect.scatter.add.f32 [tilespmem:s11], [sflag:$0x3], $0x80, s13, s9, $0xb8;
	[tilespmem:$0x1D000] =	vst v63  }
0x27a: {  	_ =	swait.ge [sflag:s6], $0x4000  }
0x27b: {  	[sflag:s6] =	ssyncset.done $0x0  }
0x27c: {  	s20 =	simm.s32 $0x380;
	[sflag:s6] =	ssyncadd.s32 $0xFFFFC000  }
0x27d: {  	[tilespmem:s11], [sflag:$0x2] =	stream.indirect.gather [hbm4b:s1+s9], $0x80, s20, s9, $0xb8;
	[tilespmem:$0x1D000] =	vst v63  }
0x27e: {  	_ =	swait.ge [sflag:s12], $0x4000  }
0x27f: {  	[sflag:s12] =	ssyncset.done $0x0  }
0x280: {  	[sflag:s12] =	ssyncadd.s32 $0xFFFFC000  }
0x281: {  	[spmem:s3] =	stream.indirect.scatter.add.f32 [tilespmem:s10], [sflag:$0x3], $0x80, s15, s9, $0xb8;
	[tilespmem:$0x1D000] =	vst v63  }
0x282: {  	_ =	swait.ge [sflag:s6], $0x4000  }
0x283: {  	[sflag:s6] =	ssyncset.done $0x0  }
0x284: {  	s23 =	simm.s32 $0x400;
	[sflag:s6] =	ssyncadd.s32 $0xFFFFC000  }
0x285: {  	[tilespmem:s10], [sflag:$0x1] =	stream.indirect.gather [hbm4b:s1+s9], $0x80, s23, s9, $0xb8;
	[tilespmem:$0x1D000] =	vst v63  }
0x286: {  	_ =	swait.ge [sflag:s14], $0x4000  }
0x287: {  	[sflag:s14] =	ssyncset.done $0x0  }
0x288: {  	s24 =	simm.s32 $0xB80;
	[sflag:s14] =	ssyncadd.s32 $0xFFFFC000  }
0x289: {  	[spmem:s3] =	stream.indirect.scatter.add.f32 [tilespmem:s11], [sflag:$0x3], $0x80, s24, s9, $0xb8;
	[tilespmem:$0x1D000] =	vst v63  }
0x28a: {  	_ =	swait.ge [sflag:s6], $0x4000  }
0x28b: {  	[sflag:s6] =	ssyncset.done $0x0  }
0x28c: {  	s25 =	simm.s32 $0x480;
	[sflag:s6] =	ssyncadd.s32 $0xFFFFC000  }
0x28d: {  	[tilespmem:s11], [sflag:$0x2] =	stream.indirect.gather [hbm4b:s1+s9], $0x80, s25, s9, $0xb8;
	[tilespmem:$0x1D000] =	vst v63  }
0x28e: {  	_ =	swait.ge [sflag:s12], $0x4000  }
0x28f: {  	[sflag:s12] =	ssyncset.done $0x0  }
0x290: {  	s26 =	simm.s32 $0xC00;
	[sflag:s12] =	ssyncadd.s32 $0xFFFFC000  }
0x291: {  	[spmem:s3] =	stream.indirect.scatter.add.f32 [tilespmem:s10], [sflag:$0x3], $0x80, s26, s9, $0xb8;
	[tilespmem:$0x1D000] =	vst v63  }
0x292: {  	_ =	swait.ge [sflag:s6], $0x4000  }
0x293: {  	[sflag:s6] =	ssyncset.done $0x0  }
0x294: {  	s28 =	simm.s32 $0x500;
	[sflag:s6] =	ssyncadd.s32 $0xFFFFC000  }
0x295: {  	[tilespmem:s10], [sflag:$0x1] =	stream.indirect.gather [hbm4b:s1+s9], $0x80, s28, s9, $0xb8;
	[tilespmem:$0x1D000] =	vst v63  }
0x296: {  	_ =	swait.ge [sflag:s14], $0x4000  }
0x297: {  	[sflag:s14] =	ssyncset.done $0x0  }
0x298: {  	s29 =	simm.s32 $0xC80;
	[sflag:s14] =	ssyncadd.s32 $0xFFFFC000  }
0x299: {  	[spmem:s3] =	stream.indirect.scatter.add.f32 [tilespmem:s11], [sflag:$0x3], $0x80, s29, s9, $0xb8;
	[tilespmem:$0x1D000] =	vst v63  }
0x29a: {  	_ =	swait.ge [sflag:s6], $0x4000  }
0x29b: {  	[sflag:s6] =	ssyncset.done $0x0  }
0x29c: {  	s30 =	simm.s32 $0x580;
	[sflag:s6] =	ssyncadd.s32 $0xFFFFC000  }
0x29d: {  	[tilespmem:s11], [sflag:$0x2] =	stream.indirect.gather [hbm4b:s1+s9], $0x80, s30, s9, $0xb8;
	[tilespmem:$0x1D000] =	vst v63  }
0x29e: {  	_ =	swait.ge [sflag:s12], $0x4000  }
0x29f: {  	[sflag:s12] =	ssyncset.done $0x0  }
0x2a0: {  	s31 =	simm.s32 $0xD00;
	[sflag:s12] =	ssyncadd.s32 $0xFFFFC000  }
0x2a1: {  	[spmem:s3] =	stream.indirect.scatter.add.f32 [tilespmem:s10], [sflag:$0x3], $0x80, s31, s9, $0xb8;
	[tilespmem:$0x1D000] =	vst v63  }
0x2a2: {  	_ =	swait.ge [sflag:s6], $0x4000  }
0x2a3: {  	[sflag:s6] =	ssyncset.done $0x0  }
0x2a4: {  	s17 =	simm.s32 $0x600;
	[sflag:s6] =	ssyncadd.s32 $0xFFFFC000  }
0x2a5: {  	[tilespmem:s10], [sflag:$0x1] =	stream.indirect.gather [hbm4b:s1+s9], $0x80, s17, s9, $0xb8;
	[tilespmem:$0x1D000] =	vst v63  }
0x2a6: {  	_ =	swait.ge [sflag:s14], $0x4000  }
0x2a7: {  	[sflag:s14] =	ssyncset.done $0x0  }
0x2a8: {  	s18 =	simm.s32 $0xD80;
	[sflag:s14] =	ssyncadd.s32 $0xFFFFC000  }
0x2a9: {  	[spmem:s3] =	stream.indirect.scatter.add.f32 [tilespmem:s11], [sflag:$0x3], $0x80, s18, s9, $0xb8;
	[tilespmem:$0x1D000] =	vst v63  }
0x2aa: {  	_ =	swait.ge [sflag:s6], $0x4000  }
0x2ab: {  	[sflag:s6] =	ssyncset.done $0x0  }
0x2ac: {  	s19 =	simm.s32 $0x680;
	[sflag:s6] =	ssyncadd.s32 $0xFFFFC000  }
0x2ad: {  	[tilespmem:s11], [sflag:$0x2] =	stream.indirect.gather [hbm4b:s1+s9], $0x80, s19, s9, $0xb8;
	[tilespmem:$0x1D000] =	vst v63  }
0x2ae: {  	_ =	swait.ge [sflag:s12], $0x4000  }
0x2af: {  	[sflag:s12] =	ssyncset.done $0x0  }
0x2b0: {  	s20 =	simm.s32 $0xE00;
	[sflag:s12] =	ssyncadd.s32 $0xFFFFC000  }
0x2b1: {  	[spmem:s3] =	stream.indirect.scatter.add.f32 [tilespmem:s10], [sflag:$0x3], $0x80, s20, s9, $0xb8;
	[tilespmem:$0x1D000] =	vst v63  }
0x2b2: {  	_ =	swait.ge [sflag:s6], $0x4000  }
0x2b3: {  	[sflag:s6] =	ssyncset.done $0x0  }
0x2b4: {  	s21 =	simm.s32 $0x700;
	[sflag:s6] =	ssyncadd.s32 $0xFFFFC000  }
0x2b5: {  	[tilespmem:s10], [sflag:$0x1] =	stream.indirect.gather [hbm4b:s1+s9], $0x80, s21, s9, $0xb8;
	[tilespmem:$0x1D000] =	vst v63  }
0x2b6: {  	_ =	swait.ge [sflag:s14], $0x4000  }
0x2b7: {  	[sflag:s14] =	ssyncset.done $0x0  }
0x2b8: {  	s22 =	simm.s32 $0xE80;
	[sflag:s14] =	ssyncadd.s32 $0xFFFFC000  }
0x2b9: {  	[spmem:s3] =	stream.indirect.scatter.add.f32 [tilespmem:s11], [sflag:$0x3], $0x80, s22, s9, $0xb8;
	[tilespmem:$0x1D000] =	vst v63  }
0x2ba: {  	_ =	swait.ge [sflag:s6], $0x4000  }
0x2bb: {  	[sflag:s6] =	ssyncset.done $0x0  }
0x2bc: {  	s23 =	simm.s32 $0x780;
	[sflag:s6] =	ssyncadd.s32 $0xFFFFC000  }
0x2bd: {  	[tilespmem:s11], [sflag:$0x2] =	stream.indirect.gather [hbm4b:s1+s9], $0x80, s23, s9, $0xb8;
	[tilespmem:$0x1D000] =	vst v63  }
0x2be: {  	_ =	swait.ge [sflag:s12], $0x4000  }
0x2bf: {  	[sflag:s12] =	ssyncset.done $0x0  }
0x2c0: {  	s24 =	simm.s32 $0xF00;
	[sflag:s12] =	ssyncadd.s32 $0xFFFFC000  }
0x2c1: {  	[spmem:s3] =	stream.indirect.scatter.add.f32 [tilespmem:s10], [sflag:$0x3], $0x80, s24, s9, $0xb8;
	[tilespmem:$0x1D000] =	vst v63  }
0x2c2: {  	_ =	swait.ge [sflag:s6], $0x4000  }
0x2c3: {  	[sflag:s6] =	ssyncset.done $0x0  }
0x2c4: {  	[sflag:s6] =	ssyncadd.s32 $0xFFFFC000  }
0x2c5: {  	_ =	swait.ge [sflag:s14], $0x4000  }
0x2c6: {  	[sflag:s14] =	ssyncset.done $0x0  }
0x2c7: {  	s25 =	simm.s32 $0xF80;
	[sflag:s14] =	ssyncadd.s32 $0xFFFFC000  }
0x2c8: {  	[spmem:s3] =	stream.indirect.scatter.add.f32 [tilespmem:s11], [sflag:$0x3], $0x80, s25, s9, $0xb8;
	[tilespmem:$0x1D000] =	vst v63  }
0x2c9: {  	_ =	swait.ge [sflag:s6], $0x4000  }
0x2ca: {  	[sflag:s6] =	ssyncset.done $0x0  }
0x2cb: {  	[sflag:s6] =	ssyncadd.s32 $0xFFFFC000  }
0x2cc: {  	[bflag:$0x0] =	sbarrier.arrive $0xFFFF  }
0x2cd: {  	s26 =	rddreg [dreg:$0x12]  }
0x2ce: {  	s0 =	ssub.s32 $0x2, s26  }
0x2cf: {  	s29 =	sshrl.u32 s0, $0x1  }
0x2d0: {  	s22 =	ssub.s32 s0, s29  }
0x2d1: {  	s22 =	smax.u32 s22, $0x1  }
0x2d2: {  	p0 =	sne.s32 s22, $0x1  }
.Ltmp0:
0x2d3: {  	s28 =	rddreg [dreg:$0xf];
	(pc) =	sbr.rel @!p0 .LBB2_2-.Ltmp0, $4  }
0x2d4: {  	s30 =	rddreg [dreg:$0x10]  }
0x2d5: {  	s31 =	rddreg [dreg:$0x11]  }
0x2d6: {  	[hbm:s28], [sflag:s30] =	dma.local [spmem:s31], $0x2800  }
0x2d7: {  	_ =	swait.ge [sflag:s6], $0x2800;
	s22 =	sadd.s32 $0xFFFFFFFF, s22  }
.LBB2_1:
0x2d8: {  	s23 =	rddreg [dreg:$0x4]  }
0x2d9: {  	[sflag:s6] =	ssyncset.done $0x0;
	s0 =	rddreg [dreg:$0x10]  }
0x2da: {  	s2 =	rddreg [dreg:$0x11];
	[sflag:s6] =	ssyncadd.s32 $0xFFFFD800  }
0x2db: {  	[spmem:s2], [sflag:s0] =	dma.local [hbm:s23], $0x2800  }
0x2dc: {  	_ =	swait.ge [sflag:s6], $0x2800  }
0x2dd: {  	[sflag:s6] =	ssyncset.done $0x0  }
0x2de: {  	[sflag:s6] =	ssyncadd.s32 $0xFFFFD800  }
0x2df: {  	[bflag:$0x0] =	sbarrier.arrive $0xFFFF  }
0x2e0: {  	s25 =	rddreg [dreg:$0x5]  }
0x2e1: {  	[tilespmem:s8], [sflag:$0x3] =	stream.linear.gather [hbm4b:s25+s8], $0x800, $0x38;
	[tilespmem:$0x1D000] =	vst v63  }
0x2e2: {  	_ =	swait.ge [sflag:s6], $0x800  }
0x2e3: {  	[sflag:s6] =	ssyncset.done $0x0  }
0x2e4: {  	s0 =	simm.s32 $0x800;
	s26 =	rddreg [dreg:$0x6];
	[sflag:s6] =	ssyncadd.s32 $0xFFFFF800  }
0x2e5: {  	[tilespmem:s0], [sflag:$0x3] =	stream.linear.gather [hbm4b:s26+s8], $0x800, $0x38;
	[tilespmem:$0x1D000] =	vst v63  }
0x2e6: {  	_ =	swait.ge [sflag:s6], $0x800  }
0x2e7: {  	[sflag:s6] =	ssyncset.done $0x0  }
0x2e8: {  	[sflag:s6] =	ssyncadd.s32 $0xFFFFF800  }
0x2e9: {  	[tilespmem:s10], [sflag:$0x1] =	stream.indirect.gather [hbm4b:s1+s9], $0x80, s8, s9, $0xb8;
	[tilespmem:$0x1D000] =	vst v63  }
0x2ea: {  	_ = 	snop  }
0x2eb: {  	[tilespmem:s11], [sflag:$0x2] =	stream.indirect.gather [hbm4b:s1+s9], $0x80, s9, s9, $0xb8;
	[tilespmem:$0x1D000] =	vst v63  }
0x2ec: {  	_ =	swait.ge [sflag:s12], $0x4000  }
0x2ed: {  	[sflag:s12] =	ssyncset.done $0x0  }
0x2ee: {  	[sflag:s12] =	ssyncadd.s32 $0xFFFFC000  }
0x2ef: {  	[spmem:s3] =	stream.indirect.scatter.add.f32 [tilespmem:s10], [sflag:$0x3], $0x80, s0, s9, $0xb8;
	[tilespmem:$0x1D000] =	vst v63  }
0x2f0: {  	_ =	swait.ge [sflag:s6], $0x4000  }
0x2f1: {  	[sflag:s6] =	ssyncset.done $0x0  }
0x2f2: {  	s28 =	simm.s32 $0x100;
	[sflag:s6] =	ssyncadd.s32 $0xFFFFC000  }
0x2f3: {  	[tilespmem:s10], [sflag:$0x1] =	stream.indirect.gather [hbm4b:s1+s9], $0x80, s28, s9, $0xb8;
	[tilespmem:$0x1D000] =	vst v63  }
0x2f4: {  	_ =	swait.ge [sflag:s14], $0x4000  }
0x2f5: {  	[sflag:s14] =	ssyncset.done $0x0  }
0x2f6: {  	s29 =	simm.s32 $0x880;
	[sflag:s14] =	ssyncadd.s32 $0xFFFFC000  }
0x2f7: {  	[spmem:s3] =	stream.indirect.scatter.add.f32 [tilespmem:s11], [sflag:$0x3], $0x80, s29, s9, $0xb8;
	[tilespmem:$0x1D000] =	vst v63  }
0x2f8: {  	_ =	swait.ge [sflag:s6], $0x4000  }
0x2f9: {  	[sflag:s6] =	ssyncset.done $0x0  }
0x2fa: {  	s30 =	simm.s32 $0x180;
	[sflag:s6] =	ssyncadd.s32 $0xFFFFC000  }
0x2fb: {  	[tilespmem:s11], [sflag:$0x2] =	stream.indirect.gather [hbm4b:s1+s9], $0x80, s30, s9, $0xb8;
	[tilespmem:$0x1D000] =	vst v63  }
0x2fc: {  	_ =	swait.ge [sflag:s12], $0x4000  }
0x2fd: {  	[sflag:s12] =	ssyncset.done $0x0  }
0x2fe: {  	s31 =	simm.s32 $0x900;
	[sflag:s12] =	ssyncadd.s32 $0xFFFFC000  }
0x2ff: {  	[spmem:s3] =	stream.indirect.scatter.add.f32 [tilespmem:s10], [sflag:$0x3], $0x80, s31, s9, $0xb8;
	[tilespmem:$0x1D000] =	vst v63  }
0x300: {  	_ =	swait.ge [sflag:s6], $0x4000  }
0x301: {  	[sflag:s6] =	ssyncset.done $0x0  }
0x302: {  	s4 =	simm.s32 $0x200;
	[sflag:s6] =	ssyncadd.s32 $0xFFFFC000  }
0x303: {  	[tilespmem:s10], [sflag:$0x1] =	stream.indirect.gather [hbm4b:s1+s9], $0x80, s4, s9, $0xb8;
	[tilespmem:$0x1D000] =	vst v63  }
0x304: {  	_ =	swait.ge [sflag:s14], $0x4000  }
0x305: {  	[sflag:s14] =	ssyncset.done $0x0  }
0x306: {  	s5 =	simm.s32 $0x980;
	[sflag:s14] =	ssyncadd.s32 $0xFFFFC000  }
0x307: {  	[spmem:s3] =	stream.indirect.scatter.add.f32 [tilespmem:s11], [sflag:$0x3], $0x80, s5, s9, $0xb8;
	[tilespmem:$0x1D000] =	vst v63  }
0x308: {  	_ =	swait.ge [sflag:s6], $0x4000  }
0x309: {  	[sflag:s6] =	ssyncset.done $0x0  }
0x30a: {  	s5 =	simm.s32 $0x280;
	[sflag:s6] =	ssyncadd.s32 $0xFFFFC000  }
0x30b: {  	[tilespmem:s11], [sflag:$0x2] =	stream.indirect.gather [hbm4b:s1+s9], $0x80, s5, s9, $0xb8;
	[tilespmem:$0x1D000] =	vst v63  }
0x30c: {  	_ =	swait.ge [sflag:s12], $0x4000  }
0x30d: {  	[sflag:s12] =	ssyncset.done $0x0  }
0x30e: {  	s13 =	simm.s32 $0xA00;
	[sflag:s12] =	ssyncadd.s32 $0xFFFFC000  }
0x30f: {  	[spmem:s3] =	stream.indirect.scatter.add.f32 [tilespmem:s10], [sflag:$0x3], $0x80, s13, s9, $0xb8;
	[tilespmem:$0x1D000] =	vst v63  }
0x310: {  	_ =	swait.ge [sflag:s6], $0x4000  }
0x311: {  	[sflag:s6] =	ssyncset.done $0x0  }
0x312: {  	s15 =	simm.s32 $0x300;
	[sflag:s6] =	ssyncadd.s32 $0xFFFFC000  }
0x313: {  	[tilespmem:s10], [sflag:$0x1] =	stream.indirect.gather [hbm4b:s1+s9], $0x80, s15, s9, $0xb8;
	[tilespmem:$0x1D000] =	vst v63  }
0x314: {  	_ =	swait.ge [sflag:s14], $0x4000  }
0x315: {  	[sflag:s14] =	ssyncset.done $0x0  }
0x316: {  	s16 =	simm.s32 $0xA80;
	[sflag:s14] =	ssyncadd.s32 $0xFFFFC000  }
0x317: {  	[spmem:s3] =	stream.indirect.scatter.add.f32 [tilespmem:s11], [sflag:$0x3], $0x80, s16, s9, $0xb8;
	[tilespmem:$0x1D000] =	vst v63  }
0x318: {  	_ =	swait.ge [sflag:s6], $0x4000  }
0x319: {  	[sflag:s6] =	ssyncset.done $0x0  }
0x31a: {  	s17 =	simm.s32 $0x380;
	[sflag:s6] =	ssyncadd.s32 $0xFFFFC000  }
0x31b: {  	[tilespmem:s11], [sflag:$0x2] =	stream.indirect.gather [hbm4b:s1+s9], $0x80, s17, s9, $0xb8;
	[tilespmem:$0x1D000] =	vst v63  }
0x31c: {  	_ =	swait.ge [sflag:s12], $0x4000  }
0x31d: {  	[sflag:s12] =	ssyncset.done $0x0  }
0x31e: {  	s18 =	simm.s32 $0xB00;
	[sflag:s12] =	ssyncadd.s32 $0xFFFFC000  }
0x31f: {  	[spmem:s3] =	stream.indirect.scatter.add.f32 [tilespmem:s10], [sflag:$0x3], $0x80, s18, s9, $0xb8;
	[tilespmem:$0x1D000] =	vst v63  }
0x320: {  	_ =	swait.ge [sflag:s6], $0x4000  }
0x321: {  	[sflag:s6] =	ssyncset.done $0x0  }
0x322: {  	s19 =	simm.s32 $0x400;
	[sflag:s6] =	ssyncadd.s32 $0xFFFFC000  }
0x323: {  	[tilespmem:s10], [sflag:$0x1] =	stream.indirect.gather [hbm4b:s1+s9], $0x80, s19, s9, $0xb8;
	[tilespmem:$0x1D000] =	vst v63  }
0x324: {  	_ =	swait.ge [sflag:s14], $0x4000  }
0x325: {  	[sflag:s14] =	ssyncset.done $0x0  }
0x326: {  	s23 =	simm.s32 $0xB80;
	[sflag:s14] =	ssyncadd.s32 $0xFFFFC000  }
0x327: {  	[spmem:s3] =	stream.indirect.scatter.add.f32 [tilespmem:s11], [sflag:$0x3], $0x80, s23, s9, $0xb8;
	[tilespmem:$0x1D000] =	vst v63  }
0x328: {  	_ =	swait.ge [sflag:s6], $0x4000  }
0x329: {  	[sflag:s6] =	ssyncset.done $0x0  }
0x32a: {  	s28 =	simm.s32 $0x480;
	[sflag:s6] =	ssyncadd.s32 $0xFFFFC000  }
0x32b: {  	[tilespmem:s11], [sflag:$0x2] =	stream.indirect.gather [hbm4b:s1+s9], $0x80, s28, s9, $0xb8;
	[tilespmem:$0x1D000] =	vst v63  }
0x32c: {  	_ =	swait.ge [sflag:s12], $0x4000  }
0x32d: {  	[sflag:s12] =	ssyncset.done $0x0  }
0x32e: {  	s4 =	simm.s32 $0xC00;
	[sflag:s12] =	ssyncadd.s32 $0xFFFFC000  }
0x32f: {  	[spmem:s3] =	stream.indirect.scatter.add.f32 [tilespmem:s10], [sflag:$0x3], $0x80, s4, s9, $0xb8;
	[tilespmem:$0x1D000] =	vst v63  }
0x330: {  	_ =	swait.ge [sflag:s6], $0x4000  }
0x331: {  	[sflag:s6] =	ssyncset.done $0x0  }
0x332: {  	s29 =	simm.s32 $0x500;
	[sflag:s6] =	ssyncadd.s32 $0xFFFFC000  }
0x333: {  	[tilespmem:s10], [sflag:$0x1] =	stream.indirect.gather [hbm4b:s1+s9], $0x80, s29, s9, $0xb8;
	[tilespmem:$0x1D000] =	vst v63  }
0x334: {  	_ =	swait.ge [sflag:s14], $0x4000  }
0x335: {  	[sflag:s14] =	ssyncset.done $0x0  }
0x336: {  	s30 =	simm.s32 $0xC80;
	[sflag:s14] =	ssyncadd.s32 $0xFFFFC000  }
0x337: {  	[spmem:s3] =	stream.indirect.scatter.add.f32 [tilespmem:s11], [sflag:$0x3], $0x80, s30, s9, $0xb8;
	[tilespmem:$0x1D000] =	vst v63  }
0x338: {  	_ =	swait.ge [sflag:s6], $0x4000  }
0x339: {  	[sflag:s6] =	ssyncset.done $0x0  }
0x33a: {  	s31 =	simm.s32 $0x580;
	[sflag:s6] =	ssyncadd.s32 $0xFFFFC000  }
0x33b: {  	[tilespmem:s11], [sflag:$0x2] =	stream.indirect.gather [hbm4b:s1+s9], $0x80, s31, s9, $0xb8;
	[tilespmem:$0x1D000] =	vst v63  }
0x33c: {  	_ =	swait.ge [sflag:s12], $0x4000  }
0x33d: {  	[sflag:s12] =	ssyncset.done $0x0  }
0x33e: {  	s5 =	simm.s32 $0xD00;
	[sflag:s12] =	ssyncadd.s32 $0xFFFFC000  }
0x33f: {  	[spmem:s3] =	stream.indirect.scatter.add.f32 [tilespmem:s10], [sflag:$0x3], $0x80, s5, s9, $0xb8;
	[tilespmem:$0x1D000] =	vst v63  }
0x340: {  	_ =	swait.ge [sflag:s6], $0x4000  }
0x341: {  	[sflag:s6] =	ssyncset.done $0x0  }
0x342: {  	s13 =	simm.s32 $0x600;
	[sflag:s6] =	ssyncadd.s32 $0xFFFFC000  }
0x343: {  	[tilespmem:s10], [sflag:$0x1] =	stream.indirect.gather [hbm4b:s1+s9], $0x80, s13, s9, $0xb8;
	[tilespmem:$0x1D000] =	vst v63  }
0x344: {  	_ =	swait.ge [sflag:s14], $0x4000  }
0x345: {  	[sflag:s14] =	ssyncset.done $0x0  }
0x346: {  	s15 =	simm.s32 $0xD80;
	[sflag:s14] =	ssyncadd.s32 $0xFFFFC000  }
0x347: {  	[spmem:s3] =	stream.indirect.scatter.add.f32 [tilespmem:s11], [sflag:$0x3], $0x80, s15, s9, $0xb8;
	[tilespmem:$0x1D000] =	vst v63  }
0x348: {  	_ =	swait.ge [sflag:s6], $0x4000  }
0x349: {  	[sflag:s6] =	ssyncset.done $0x0  }
0x34a: {  	s16 =	simm.s32 $0x680;
	[sflag:s6] =	ssyncadd.s32 $0xFFFFC000  }
0x34b: {  	[tilespmem:s11], [sflag:$0x2] =	stream.indirect.gather [hbm4b:s1+s9], $0x80, s16, s9, $0xb8;
	[tilespmem:$0x1D000] =	vst v63  }
0x34c: {  	_ =	swait.ge [sflag:s12], $0x4000  }
0x34d: {  	[sflag:s12] =	ssyncset.done $0x0  }
0x34e: {  	s17 =	simm.s32 $0xE00;
	[sflag:s12] =	ssyncadd.s32 $0xFFFFC000  }
0x34f: {  	[spmem:s3] =	stream.indirect.scatter.add.f32 [tilespmem:s10], [sflag:$0x3], $0x80, s17, s9, $0xb8;
	[tilespmem:$0x1D000] =	vst v63  }
0x350: {  	_ =	swait.ge [sflag:s6], $0x4000  }
0x351: {  	[sflag:s6] =	ssyncset.done $0x0  }
0x352: {  	s18 =	simm.s32 $0x700;
	[sflag:s6] =	ssyncadd.s32 $0xFFFFC000  }
0x353: {  	[tilespmem:s10], [sflag:$0x1] =	stream.indirect.gather [hbm4b:s1+s9], $0x80, s18, s9, $0xb8;
	[tilespmem:$0x1D000] =	vst v63  }
0x354: {  	_ =	swait.ge [sflag:s14], $0x4000  }
0x355: {  	[sflag:s14] =	ssyncset.done $0x0  }
0x356: {  	s19 =	simm.s32 $0xE80;
	[sflag:s14] =	ssyncadd.s32 $0xFFFFC000  }
0x357: {  	[spmem:s3] =	stream.indirect.scatter.add.f32 [tilespmem:s11], [sflag:$0x3], $0x80, s19, s9, $0xb8;
	[tilespmem:$0x1D000] =	vst v63  }
0x358: {  	_ =	swait.ge [sflag:s6], $0x4000  }
0x359: {  	[sflag:s6] =	ssyncset.done $0x0  }
0x35a: {  	s28 =	simm.s32 $0x780;
	[sflag:s6] =	ssyncadd.s32 $0xFFFFC000  }
0x35b: {  	[tilespmem:s11], [sflag:$0x2] =	stream.indirect.gather [hbm4b:s1+s9], $0x80, s28, s9, $0xb8;
	[tilespmem:$0x1D000] =	vst v63  }
0x35c: {  	_ =	swait.ge [sflag:s12], $0x4000  }
0x35d: {  	[sflag:s12] =	ssyncset.done $0x0  }
0x35e: {  	s29 =	simm.s32 $0xF00;
	[sflag:s12] =	ssyncadd.s32 $0xFFFFC000  }
0x35f: {  	[spmem:s3] =	stream.indirect.scatter.add.f32 [tilespmem:s10], [sflag:$0x3], $0x80, s29, s9, $0xb8;
	[tilespmem:$0x1D000] =	vst v63  }
0x360: {  	_ =	swait.ge [sflag:s6], $0x4000  }
0x361: {  	[sflag:s6] =	ssyncset.done $0x0  }
0x362: {  	[sflag:s6] =	ssyncadd.s32 $0xFFFFC000  }
0x363: {  	_ =	swait.ge [sflag:s14], $0x4000  }
0x364: {  	[sflag:s14] =	ssyncset.done $0x0  }
0x365: {  	s30 =	simm.s32 $0xF80;
	[sflag:s14] =	ssyncadd.s32 $0xFFFFC000  }
0x366: {  	[spmem:s3] =	stream.indirect.scatter.add.f32 [tilespmem:s11], [sflag:$0x3], $0x80, s30, s9, $0xb8;
	[tilespmem:$0x1D000] =	vst v63  }
0x367: {  	_ =	swait.ge [sflag:s6], $0x4000  }
0x368: {  	[sflag:s6] =	ssyncset.done $0x0  }
0x369: {  	s31 =	rddreg [dreg:$0x7];
	[sflag:s6] =	ssyncadd.s32 $0xFFFFC000  }
0x36a: {  	[tilespmem:s8], [sflag:$0x3] =	stream.linear.gather [hbm4b:s31+s8], $0x800, $0x38;
	[tilespmem:$0x1D000] =	vst v63  }
0x36b: {  	_ =	swait.ge [sflag:s6], $0x800  }
0x36c: {  	[sflag:s6] =	ssyncset.done $0x0  }
0x36d: {  	s4 =	rddreg [dreg:$0x8];
	[sflag:s6] =	ssyncadd.s32 $0xFFFFF800  }
0x36e: {  	[tilespmem:s0], [sflag:$0x3] =	stream.linear.gather [hbm4b:s4+s8], $0x800, $0x38;
	[tilespmem:$0x1D000] =	vst v63  }
0x36f: {  	_ =	swait.ge [sflag:s6], $0x800  }
0x370: {  	[sflag:s6] =	ssyncset.done $0x0  }
0x371: {  	[sflag:s6] =	ssyncadd.s32 $0xFFFFF800  }
0x372: {  	[tilespmem:s10], [sflag:$0x1] =	stream.indirect.gather [hbm4b:s1+s9], $0x80, s8, s9, $0xb8;
	[tilespmem:$0x1D000] =	vst v63  }
0x373: {  	_ = 	snop  }
0x374: {  	[tilespmem:s11], [sflag:$0x2] =	stream.indirect.gather [hbm4b:s1+s9], $0x80, s9, s9, $0xb8;
	[tilespmem:$0x1D000] =	vst v63  }
0x375: {  	_ =	swait.ge [sflag:s12], $0x4000  }
0x376: {  	[sflag:s12] =	ssyncset.done $0x0  }
0x377: {  	[sflag:s12] =	ssyncadd.s32 $0xFFFFC000  }
0x378: {  	[spmem:s3] =	stream.indirect.scatter.add.f32 [tilespmem:s10], [sflag:$0x3], $0x80, s0, s9, $0xb8;
	[tilespmem:$0x1D000] =	vst v63  }
0x379: {  	_ =	swait.ge [sflag:s6], $0x4000  }
0x37a: {  	[sflag:s6] =	ssyncset.done $0x0  }
0x37b: {  	s7 =	simm.s32 $0x100;
	[sflag:s6] =	ssyncadd.s32 $0xFFFFC000  }
0x37c: {  	[tilespmem:s10], [sflag:$0x1] =	stream.indirect.gather [hbm4b:s1+s9], $0x80, s7, s9, $0xb8;
	[tilespmem:$0x1D000] =	vst v63  }
0x37d: {  	_ =	swait.ge [sflag:s14], $0x4000  }
0x37e: {  	[sflag:s14] =	ssyncset.done $0x0  }
0x37f: {  	s20 =	simm.s32 $0x880;
	[sflag:s14] =	ssyncadd.s32 $0xFFFFC000  }
0x380: {  	[spmem:s3] =	stream.indirect.scatter.add.f32 [tilespmem:s11], [sflag:$0x3], $0x80, s20, s9, $0xb8;
	[tilespmem:$0x1D000] =	vst v63  }
0x381: {  	_ =	swait.ge [sflag:s6], $0x4000  }
0x382: {  	[sflag:s6] =	ssyncset.done $0x0  }
0x383: {  	s21 =	simm.s32 $0x180;
	[sflag:s6] =	ssyncadd.s32 $0xFFFFC000  }
0x384: {  	[tilespmem:s11], [sflag:$0x2] =	stream.indirect.gather [hbm4b:s1+s9], $0x80, s21, s9, $0xb8;
	[tilespmem:$0x1D000] =	vst v63  }
0x385: {  	_ =	swait.ge [sflag:s12], $0x4000  }
0x386: {  	[sflag:s12] =	ssyncset.done $0x0  }
0x387: {  	s25 =	simm.s32 $0x900;
	[sflag:s12] =	ssyncadd.s32 $0xFFFFC000  }
0x388: {  	[spmem:s3] =	stream.indirect.scatter.add.f32 [tilespmem:s10], [sflag:$0x3], $0x80, s25, s9, $0xb8;
	[tilespmem:$0x1D000] =	vst v63  }
0x389: {  	_ =	swait.ge [sflag:s6], $0x4000  }
0x38a: {  	[sflag:s6] =	ssyncset.done $0x0  }
0x38b: {  	s26 =	simm.s32 $0x200;
	[sflag:s6] =	ssyncadd.s32 $0xFFFFC000  }
0x38c: {  	[tilespmem:s10], [sflag:$0x1] =	stream.indirect.gather [hbm4b:s1+s9], $0x80, s26, s9, $0xb8;
	[tilespmem:$0x1D000] =	vst v63  }
0x38d: {  	_ =	swait.ge [sflag:s14], $0x4000  }
0x38e: {  	[sflag:s14] =	ssyncset.done $0x0  }
0x38f: {  	s2 =	simm.s32 $0x980;
	[sflag:s14] =	ssyncadd.s32 $0xFFFFC000  }
0x390: {  	[spmem:s3] =	stream.indirect.scatter.add.f32 [tilespmem:s11], [sflag:$0x3], $0x80, s2, s9, $0xb8;
	[tilespmem:$0x1D000] =	vst v63  }
0x391: {  	_ =	swait.ge [sflag:s6], $0x4000  }
0x392: {  	[sflag:s6] =	ssyncset.done $0x0  }
0x393: {  	s4 =	simm.s32 $0x280;
	[sflag:s6] =	ssyncadd.s32 $0xFFFFC000  }
0x394: {  	[tilespmem:s11], [sflag:$0x2] =	stream.indirect.gather [hbm4b:s1+s9], $0x80, s4, s9, $0xb8;
	[tilespmem:$0x1D000] =	vst v63  }
0x395: {  	_ =	swait.ge [sflag:s12], $0x4000  }
0x396: {  	[sflag:s12] =	ssyncset.done $0x0  }
0x397: {  	s20 =	simm.s32 $0xA00;
	[sflag:s12] =	ssyncadd.s32 $0xFFFFC000  }
0x398: {  	[spmem:s3] =	stream.indirect.scatter.add.f32 [tilespmem:s10], [sflag:$0x3], $0x80, s20, s9, $0xb8;
	[tilespmem:$0x1D000] =	vst v63  }
0x399: {  	_ =	swait.ge [sflag:s6], $0x4000  }
0x39a: {  	[sflag:s6] =	ssyncset.done $0x0  }
0x39b: {  	s21 =	simm.s32 $0x300;
	[sflag:s6] =	ssyncadd.s32 $0xFFFFC000  }
0x39c: {  	[tilespmem:s10], [sflag:$0x1] =	stream.indirect.gather [hbm4b:s1+s9], $0x80, s21, s9, $0xb8;
	[tilespmem:$0x1D000] =	vst v63  }
0x39d: {  	_ =	swait.ge [sflag:s14], $0x4000  }
0x39e: {  	[sflag:s14] =	ssyncset.done $0x0  }
0x39f: {  	s24 =	simm.s32 $0xA80;
	[sflag:s14] =	ssyncadd.s32 $0xFFFFC000  }
0x3a0: {  	[spmem:s3] =	stream.indirect.scatter.add.f32 [tilespmem:s11], [sflag:$0x3], $0x80, s24, s9, $0xb8;
	[tilespmem:$0x1D000] =	vst v63  }
0x3a1: {  	_ =	swait.ge [sflag:s6], $0x4000  }
0x3a2: {  	[sflag:s6] =	ssyncset.done $0x0  }
0x3a3: {  	s2 =	simm.s32 $0x380;
	[sflag:s6] =	ssyncadd.s32 $0xFFFFC000  }
0x3a4: {  	[tilespmem:s11], [sflag:$0x2] =	stream.indirect.gather [hbm4b:s1+s9], $0x80, s2, s9, $0xb8;
	[tilespmem:$0x1D000] =	vst v63  }
0x3a5: {  	_ =	swait.ge [sflag:s12], $0x4000  }
0x3a6: {  	[sflag:s12] =	ssyncset.done $0x0  }
0x3a7: {  	s25 =	simm.s32 $0xB00;
	[sflag:s12] =	ssyncadd.s32 $0xFFFFC000  }
0x3a8: {  	[spmem:s3] =	stream.indirect.scatter.add.f32 [tilespmem:s10], [sflag:$0x3], $0x80, s25, s9, $0xb8;
	[tilespmem:$0x1D000] =	vst v63  }
0x3a9: {  	_ =	swait.ge [sflag:s6], $0x4000  }
0x3aa: {  	[sflag:s6] =	ssyncset.done $0x0  }
0x3ab: {  	s26 =	simm.s32 $0x400;
	[sflag:s6] =	ssyncadd.s32 $0xFFFFC000  }
0x3ac: {  	[tilespmem:s10], [sflag:$0x1] =	stream.indirect.gather [hbm4b:s1+s9], $0x80, s26, s9, $0xb8;
	[tilespmem:$0x1D000] =	vst v63  }
0x3ad: {  	_ =	swait.ge [sflag:s14], $0x4000  }
0x3ae: {  	[sflag:s14] =	ssyncset.done $0x0  }
0x3af: {  	s28 =	simm.s32 $0xB80;
	[sflag:s14] =	ssyncadd.s32 $0xFFFFC000  }
0x3b0: {  	[spmem:s3] =	stream.indirect.scatter.add.f32 [tilespmem:s11], [sflag:$0x3], $0x80, s28, s9, $0xb8;
	[tilespmem:$0x1D000] =	vst v63  }
0x3b1: {  	_ =	swait.ge [sflag:s6], $0x4000  }
0x3b2: {  	[sflag:s6] =	ssyncset.done $0x0  }
0x3b3: {  	s29 =	simm.s32 $0x480;
	[sflag:s6] =	ssyncadd.s32 $0xFFFFC000  }
0x3b4: {  	[tilespmem:s11], [sflag:$0x2] =	stream.indirect.gather [hbm4b:s1+s9], $0x80, s29, s9, $0xb8;
	[tilespmem:$0x1D000] =	vst v63  }
0x3b5: {  	_ =	swait.ge [sflag:s12], $0x4000  }
0x3b6: {  	[sflag:s12] =	ssyncset.done $0x0  }
0x3b7: {  	s30 =	simm.s32 $0xC00;
	[sflag:s12] =	ssyncadd.s32 $0xFFFFC000  }
0x3b8: {  	[spmem:s3] =	stream.indirect.scatter.add.f32 [tilespmem:s10], [sflag:$0x3], $0x80, s30, s9, $0xb8;
	[tilespmem:$0x1D000] =	vst v63  }
0x3b9: {  	_ =	swait.ge [sflag:s6], $0x4000  }
0x3ba: {  	[sflag:s6] =	ssyncset.done $0x0  }
0x3bb: {  	s31 =	simm.s32 $0x500;
	[sflag:s6] =	ssyncadd.s32 $0xFFFFC000  }
0x3bc: {  	[tilespmem:s10], [sflag:$0x1] =	stream.indirect.gather [hbm4b:s1+s9], $0x80, s31, s9, $0xb8;
	[tilespmem:$0x1D000] =	vst v63  }
0x3bd: {  	_ =	swait.ge [sflag:s14], $0x4000  }
0x3be: {  	[sflag:s14] =	ssyncset.done $0x0  }
0x3bf: {  	s24 =	simm.s32 $0xC80;
	[sflag:s14] =	ssyncadd.s32 $0xFFFFC000  }
0x3c0: {  	[spmem:s3] =	stream.indirect.scatter.add.f32 [tilespmem:s11], [sflag:$0x3], $0x80, s24, s9, $0xb8;
	[tilespmem:$0x1D000] =	vst v63  }
0x3c1: {  	_ =	swait.ge [sflag:s6], $0x4000  }
0x3c2: {  	[sflag:s6] =	ssyncset.done $0x0  }
0x3c3: {  	s7 =	simm.s32 $0x580;
	[sflag:s6] =	ssyncadd.s32 $0xFFFFC000  }
0x3c4: {  	[tilespmem:s11], [sflag:$0x2] =	stream.indirect.gather [hbm4b:s1+s9], $0x80, s7, s9, $0xb8;
	[tilespmem:$0x1D000] =	vst v63  }
0x3c5: {  	_ =	swait.ge [sflag:s12], $0x4000  }
0x3c6: {  	[sflag:s12] =	ssyncset.done $0x0  }
0x3c7: {  	s23 =	simm.s32 $0xD00;
	[sflag:s12] =	ssyncadd.s32 $0xFFFFC000  }
0x3c8: {  	[spmem:s3] =	stream.indirect.scatter.add.f32 [tilespmem:s10], [sflag:$0x3], $0x80, s23, s9, $0xb8;
	[tilespmem:$0x1D000] =	vst v63  }
0x3c9: {  	_ =	swait.ge [sflag:s6], $0x4000  }
0x3ca: {  	[sflag:s6] =	ssyncset.done $0x0  }
0x3cb: {  	s5 =	simm.s32 $0x600;
	[sflag:s6] =	ssyncadd.s32 $0xFFFFC000  }
0x3cc: {  	[tilespmem:s10], [sflag:$0x1] =	stream.indirect.gather [hbm4b:s1+s9], $0x80, s5, s9, $0xb8;
	[tilespmem:$0x1D000] =	vst v63  }
0x3cd: {  	_ =	swait.ge [sflag:s14], $0x4000  }
0x3ce: {  	[sflag:s14] =	ssyncset.done $0x0  }
0x3cf: {  	s23 =	simm.s32 $0xD80;
	[sflag:s14] =	ssyncadd.s32 $0xFFFFC000  }
0x3d0: {  	[spmem:s3] =	stream.indirect.scatter.add.f32 [tilespmem:s11], [sflag:$0x3], $0x80, s23, s9, $0xb8;
	[tilespmem:$0x1D000] =	vst v63  }
0x3d1: {  	_ =	swait.ge [sflag:s6], $0x4000  }
0x3d2: {  	[sflag:s6] =	ssyncset.done $0x0  }
0x3d3: {  	s23 =	simm.s32 $0x680;
	[sflag:s6] =	ssyncadd.s32 $0xFFFFC000  }
0x3d4: {  	[tilespmem:s11], [sflag:$0x2] =	stream.indirect.gather [hbm4b:s1+s9], $0x80, s23, s9, $0xb8;
	[tilespmem:$0x1D000] =	vst v63  }
0x3d5: {  	_ =	swait.ge [sflag:s12], $0x4000  }
0x3d6: {  	[sflag:s12] =	ssyncset.done $0x0  }
0x3d7: {  	s13 =	simm.s32 $0xE00;
	[sflag:s12] =	ssyncadd.s32 $0xFFFFC000  }
0x3d8: {  	[spmem:s3] =	stream.indirect.scatter.add.f32 [tilespmem:s10], [sflag:$0x3], $0x80, s13, s9, $0xb8;
	[tilespmem:$0x1D000] =	vst v63  }
0x3d9: {  	_ =	swait.ge [sflag:s6], $0x4000  }
0x3da: {  	[sflag:s6] =	ssyncset.done $0x0  }
0x3db: {  	s15 =	simm.s32 $0x700;
	[sflag:s6] =	ssyncadd.s32 $0xFFFFC000  }
0x3dc: {  	[tilespmem:s10], [sflag:$0x1] =	stream.indirect.gather [hbm4b:s1+s9], $0x80, s15, s9, $0xb8;
	[tilespmem:$0x1D000] =	vst v63  }
0x3dd: {  	_ =	swait.ge [sflag:s14], $0x4000  }
0x3de: {  	[sflag:s14] =	ssyncset.done $0x0  }
0x3df: {  	s16 =	simm.s32 $0xE80;
	[sflag:s14] =	ssyncadd.s32 $0xFFFFC000  }
0x3e0: {  	[spmem:s3] =	stream.indirect.scatter.add.f32 [tilespmem:s11], [sflag:$0x3], $0x80, s16, s9, $0xb8;
	[tilespmem:$0x1D000] =	vst v63  }
0x3e1: {  	_ =	swait.ge [sflag:s6], $0x4000  }
0x3e2: {  	[sflag:s6] =	ssyncset.done $0x0  }
0x3e3: {  	s17 =	simm.s32 $0x780;
	[sflag:s6] =	ssyncadd.s32 $0xFFFFC000  }
0x3e4: {  	[tilespmem:s11], [sflag:$0x2] =	stream.indirect.gather [hbm4b:s1+s9], $0x80, s17, s9, $0xb8;
	[tilespmem:$0x1D000] =	vst v63  }
0x3e5: {  	_ =	swait.ge [sflag:s12], $0x4000  }
0x3e6: {  	[sflag:s12] =	ssyncset.done $0x0  }
0x3e7: {  	s18 =	simm.s32 $0xF00;
	[sflag:s12] =	ssyncadd.s32 $0xFFFFC000  }
0x3e8: {  	[spmem:s3] =	stream.indirect.scatter.add.f32 [tilespmem:s10], [sflag:$0x3], $0x80, s18, s9, $0xb8;
	[tilespmem:$0x1D000] =	vst v63  }
0x3e9: {  	_ =	swait.ge [sflag:s6], $0x4000  }
0x3ea: {  	[sflag:s6] =	ssyncset.done $0x0  }
0x3eb: {  	[sflag:s6] =	ssyncadd.s32 $0xFFFFC000  }
0x3ec: {  	_ =	swait.ge [sflag:s14], $0x4000  }
0x3ed: {  	[sflag:s14] =	ssyncset.done $0x0  }
0x3ee: {  	s19 =	simm.s32 $0xF80;
	[sflag:s14] =	ssyncadd.s32 $0xFFFFC000  }
0x3ef: {  	[spmem:s3] =	stream.indirect.scatter.add.f32 [tilespmem:s11], [sflag:$0x3], $0x80, s19, s9, $0xb8;
	[tilespmem:$0x1D000] =	vst v63  }
0x3f0: {  	_ =	swait.ge [sflag:s6], $0x4000  }
0x3f1: {  	[sflag:s6] =	ssyncset.done $0x0  }
0x3f2: {  	s23 =	rddreg [dreg:$0x9];
	[sflag:s6] =	ssyncadd.s32 $0xFFFFC000  }
0x3f3: {  	[tilespmem:s8], [sflag:$0x3] =	stream.linear.gather [hbm4b:s23+s8], $0x800, $0x38;
	[tilespmem:$0x1D000] =	vst v63  }
0x3f4: {  	_ =	swait.ge [sflag:s6], $0x800  }
0x3f5: {  	[sflag:s6] =	ssyncset.done $0x0  }
0x3f6: {  	s23 =	rddreg [dreg:$0xa];
	[sflag:s6] =	ssyncadd.s32 $0xFFFFF800  }
0x3f7: {  	[tilespmem:s0], [sflag:$0x3] =	stream.linear.gather [hbm4b:s23+s8], $0x800, $0x38;
	[tilespmem:$0x1D000] =	vst v63  }
0x3f8: {  	_ =	swait.ge [sflag:s6], $0x800  }
0x3f9: {  	[sflag:s6] =	ssyncset.done $0x0  }
0x3fa: {  	[sflag:s6] =	ssyncadd.s32 $0xFFFFF800  }
0x3fb: {  	[tilespmem:s10], [sflag:$0x1] =	stream.indirect.gather [hbm4b:s1+s9], $0x80, s8, s9, $0xb8;
	[tilespmem:$0x1D000] =	vst v63  }
0x3fc: {  	_ = 	snop  }
0x3fd: {  	[tilespmem:s11], [sflag:$0x2] =	stream.indirect.gather [hbm4b:s1+s9], $0x80, s9, s9, $0xb8;
	[tilespmem:$0x1D000] =	vst v63  }
0x3fe: {  	_ =	swait.ge [sflag:s12], $0x4000  }
0x3ff: {  	[sflag:s12] =	ssyncset.done $0x0  }
0x400: {  	[sflag:s12] =	ssyncadd.s32 $0xFFFFC000  }
0x401: {  	[spmem:s3] =	stream.indirect.scatter.add.f32 [tilespmem:s10], [sflag:$0x3], $0x80, s0, s9, $0xb8;
	[tilespmem:$0x1D000] =	vst v63  }
0x402: {  	_ =	swait.ge [sflag:s6], $0x4000  }
0x403: {  	[sflag:s6] =	ssyncset.done $0x0  }
0x404: {  	s23 =	simm.s32 $0x100;
	[sflag:s6] =	ssyncadd.s32 $0xFFFFC000  }
0x405: {  	[tilespmem:s10], [sflag:$0x1] =	stream.indirect.gather [hbm4b:s1+s9], $0x80, s23, s9, $0xb8;
	[tilespmem:$0x1D000] =	vst v63  }
0x406: {  	_ =	swait.ge [sflag:s14], $0x4000  }
0x407: {  	[sflag:s14] =	ssyncset.done $0x0  }
0x408: {  	s23 =	simm.s32 $0x880;
	[sflag:s14] =	ssyncadd.s32 $0xFFFFC000  }
0x409: {  	[spmem:s3] =	stream.indirect.scatter.add.f32 [tilespmem:s11], [sflag:$0x3], $0x80, s23, s9, $0xb8;
	[tilespmem:$0x1D000] =	vst v63  }
0x40a: {  	_ =	swait.ge [sflag:s6], $0x4000  }
0x40b: {  	[sflag:s6] =	ssyncset.done $0x0  }
0x40c: {  	s23 =	simm.s32 $0x180;
	[sflag:s6] =	ssyncadd.s32 $0xFFFFC000  }
0x40d: {  	[tilespmem:s11], [sflag:$0x2] =	stream.indirect.gather [hbm4b:s1+s9], $0x80, s23, s9, $0xb8;
	[tilespmem:$0x1D000] =	vst v63  }
0x40e: {  	_ =	swait.ge [sflag:s12], $0x4000  }
0x40f: {  	[sflag:s12] =	ssyncset.done $0x0  }
0x410: {  	s23 =	simm.s32 $0x900;
	[sflag:s12] =	ssyncadd.s32 $0xFFFFC000  }
0x411: {  	[spmem:s3] =	stream.indirect.scatter.add.f32 [tilespmem:s10], [sflag:$0x3], $0x80, s23, s9, $0xb8;
	[tilespmem:$0x1D000] =	vst v63  }
0x412: {  	_ =	swait.ge [sflag:s6], $0x4000  }
0x413: {  	[sflag:s6] =	ssyncset.done $0x0  }
0x414: {  	s23 =	simm.s32 $0x200;
	[sflag:s6] =	ssyncadd.s32 $0xFFFFC000  }
0x415: {  	[tilespmem:s10], [sflag:$0x1] =	stream.indirect.gather [hbm4b:s1+s9], $0x80, s23, s9, $0xb8;
	[tilespmem:$0x1D000] =	vst v63  }
0x416: {  	_ =	swait.ge [sflag:s14], $0x4000  }
0x417: {  	[sflag:s14] =	ssyncset.done $0x0  }
0x418: {  	s23 =	simm.s32 $0x980;
	[sflag:s14] =	ssyncadd.s32 $0xFFFFC000  }
0x419: {  	[spmem:s3] =	stream.indirect.scatter.add.f32 [tilespmem:s11], [sflag:$0x3], $0x80, s23, s9, $0xb8;
	[tilespmem:$0x1D000] =	vst v63  }
0x41a: {  	_ =	swait.ge [sflag:s6], $0x4000  }
0x41b: {  	[sflag:s6] =	ssyncset.done $0x0  }
0x41c: {  	[sflag:s6] =	ssyncadd.s32 $0xFFFFC000  }
0x41d: {  	[tilespmem:s11], [sflag:$0x2] =	stream.indirect.gather [hbm4b:s1+s9], $0x80, s4, s9, $0xb8;
	[tilespmem:$0x1D000] =	vst v63  }
0x41e: {  	_ =	swait.ge [sflag:s12], $0x4000  }
0x41f: {  	[sflag:s12] =	ssyncset.done $0x0  }
0x420: {  	[sflag:s12] =	ssyncadd.s32 $0xFFFFC000  }
0x421: {  	[spmem:s3] =	stream.indirect.scatter.add.f32 [tilespmem:s10], [sflag:$0x3], $0x80, s20, s9, $0xb8;
	[tilespmem:$0x1D000] =	vst v63  }
0x422: {  	_ =	swait.ge [sflag:s6], $0x4000  }
0x423: {  	[sflag:s6] =	ssyncset.done $0x0  }
0x424: {  	[sflag:s6] =	ssyncadd.s32 $0xFFFFC000  }
0x425: {  	[tilespmem:s10], [sflag:$0x1] =	stream.indirect.gather [hbm4b:s1+s9], $0x80, s21, s9, $0xb8;
	[tilespmem:$0x1D000] =	vst v63  }
0x426: {  	_ =	swait.ge [sflag:s14], $0x4000  }
0x427: {  	[sflag:s14] =	ssyncset.done $0x0  }
0x428: {  	s23 =	simm.s32 $0xA80;
	[sflag:s14] =	ssyncadd.s32 $0xFFFFC000  }
0x429: {  	[spmem:s3] =	stream.indirect.scatter.add.f32 [tilespmem:s11], [sflag:$0x3], $0x80, s23, s9, $0xb8;
	[tilespmem:$0x1D000] =	vst v63  }
0x42a: {  	_ =	swait.ge [sflag:s6], $0x4000  }
0x42b: {  	[sflag:s6] =	ssyncset.done $0x0  }
0x42c: {  	[sflag:s6] =	ssyncadd.s32 $0xFFFFC000  }
0x42d: {  	[tilespmem:s11], [sflag:$0x2] =	stream.indirect.gather [hbm4b:s1+s9], $0x80, s2, s9, $0xb8;
	[tilespmem:$0x1D000] =	vst v63  }
0x42e: {  	_ =	swait.ge [sflag:s12], $0x4000  }
0x42f: {  	[sflag:s12] =	ssyncset.done $0x0  }
0x430: {  	[sflag:s12] =	ssyncadd.s32 $0xFFFFC000  }
0x431: {  	[spmem:s3] =	stream.indirect.scatter.add.f32 [tilespmem:s10], [sflag:$0x3], $0x80, s25, s9, $0xb8;
	[tilespmem:$0x1D000] =	vst v63  }
0x432: {  	_ =	swait.ge [sflag:s6], $0x4000  }
0x433: {  	[sflag:s6] =	ssyncset.done $0x0  }
0x434: {  	[sflag:s6] =	ssyncadd.s32 $0xFFFFC000  }
0x435: {  	[tilespmem:s10], [sflag:$0x1] =	stream.indirect.gather [hbm4b:s1+s9], $0x80, s26, s9, $0xb8;
	[tilespmem:$0x1D000] =	vst v63  }
0x436: {  	_ =	swait.ge [sflag:s14], $0x4000  }
0x437: {  	[sflag:s14] =	ssyncset.done $0x0  }
0x438: {  	[sflag:s14] =	ssyncadd.s32 $0xFFFFC000  }
0x439: {  	[spmem:s3] =	stream.indirect.scatter.add.f32 [tilespmem:s11], [sflag:$0x3], $0x80, s28, s9, $0xb8;
	[tilespmem:$0x1D000] =	vst v63  }
0x43a: {  	_ =	swait.ge [sflag:s6], $0x4000  }
0x43b: {  	[sflag:s6] =	ssyncset.done $0x0  }
0x43c: {  	[sflag:s6] =	ssyncadd.s32 $0xFFFFC000  }
0x43d: {  	[tilespmem:s11], [sflag:$0x2] =	stream.indirect.gather [hbm4b:s1+s9], $0x80, s29, s9, $0xb8;
	[tilespmem:$0x1D000] =	vst v63  }
0x43e: {  	_ =	swait.ge [sflag:s12], $0x4000  }
0x43f: {  	[sflag:s12] =	ssyncset.done $0x0  }
0x440: {  	[sflag:s12] =	ssyncadd.s32 $0xFFFFC000  }
0x441: {  	[spmem:s3] =	stream.indirect.scatter.add.f32 [tilespmem:s10], [sflag:$0x3], $0x80, s30, s9, $0xb8;
	[tilespmem:$0x1D000] =	vst v63  }
0x442: {  	_ =	swait.ge [sflag:s6], $0x4000  }
0x443: {  	[sflag:s6] =	ssyncset.done $0x0  }
0x444: {  	[sflag:s6] =	ssyncadd.s32 $0xFFFFC000  }
0x445: {  	[tilespmem:s10], [sflag:$0x1] =	stream.indirect.gather [hbm4b:s1+s9], $0x80, s31, s9, $0xb8;
	[tilespmem:$0x1D000] =	vst v63  }
0x446: {  	_ =	swait.ge [sflag:s14], $0x4000  }
0x447: {  	[sflag:s14] =	ssyncset.done $0x0  }
0x448: {  	[sflag:s14] =	ssyncadd.s32 $0xFFFFC000  }
0x449: {  	[spmem:s3] =	stream.indirect.scatter.add.f32 [tilespmem:s11], [sflag:$0x3], $0x80, s24, s9, $0xb8;
	[tilespmem:$0x1D000] =	vst v63  }
0x44a: {  	_ =	swait.ge [sflag:s6], $0x4000  }
0x44b: {  	[sflag:s6] =	ssyncset.done $0x0  }
0x44c: {  	[sflag:s6] =	ssyncadd.s32 $0xFFFFC000  }
0x44d: {  	[tilespmem:s11], [sflag:$0x2] =	stream.indirect.gather [hbm4b:s1+s9], $0x80, s7, s9, $0xb8;
	[tilespmem:$0x1D000] =	vst v63  }
0x44e: {  	_ =	swait.ge [sflag:s12], $0x4000  }
0x44f: {  	[sflag:s12] =	ssyncset.done $0x0  }
0x450: {  	s24 =	simm.s32 $0xD00;
	[sflag:s12] =	ssyncadd.s32 $0xFFFFC000  }
0x451: {  	[spmem:s3] =	stream.indirect.scatter.add.f32 [tilespmem:s10], [sflag:$0x3], $0x80, s24, s9, $0xb8;
	[tilespmem:$0x1D000] =	vst v63  }
0x452: {  	_ =	swait.ge [sflag:s6], $0x4000  }
0x453: {  	[sflag:s6] =	ssyncset.done $0x0  }
0x454: {  	s5 =	simm.s32 $0x600;
	[sflag:s6] =	ssyncadd.s32 $0xFFFFC000  }
0x455: {  	[tilespmem:s10], [sflag:$0x1] =	stream.indirect.gather [hbm4b:s1+s9], $0x80, s5, s9, $0xb8;
	[tilespmem:$0x1D000] =	vst v63  }
0x456: {  	_ =	swait.ge [sflag:s14], $0x4000  }
0x457: {  	[sflag:s14] =	ssyncset.done $0x0  }
0x458: {  	s23 =	simm.s32 $0xD80;
	[sflag:s14] =	ssyncadd.s32 $0xFFFFC000  }
0x459: {  	[spmem:s3] =	stream.indirect.scatter.add.f32 [tilespmem:s11], [sflag:$0x3], $0x80, s23, s9, $0xb8;
	[tilespmem:$0x1D000] =	vst v63  }
0x45a: {  	_ =	swait.ge [sflag:s6], $0x4000  }
0x45b: {  	[sflag:s6] =	ssyncset.done $0x0  }
0x45c: {  	s7 =	simm.s32 $0x680;
	[sflag:s6] =	ssyncadd.s32 $0xFFFFC000  }
0x45d: {  	[tilespmem:s11], [sflag:$0x2] =	stream.indirect.gather [hbm4b:s1+s9], $0x80, s7, s9, $0xb8;
	[tilespmem:$0x1D000] =	vst v63  }
0x45e: {  	_ =	swait.ge [sflag:s12], $0x4000  }
0x45f: {  	[sflag:s12] =	ssyncset.done $0x0  }
0x460: {  	s13 =	simm.s32 $0xE00;
	[sflag:s12] =	ssyncadd.s32 $0xFFFFC000  }
0x461: {  	[spmem:s3] =	stream.indirect.scatter.add.f32 [tilespmem:s10], [sflag:$0x3], $0x80, s13, s9, $0xb8;
	[tilespmem:$0x1D000] =	vst v63  }
0x462: {  	_ =	swait.ge [sflag:s6], $0x4000  }
0x463: {  	[sflag:s6] =	ssyncset.done $0x0  }
0x464: {  	s15 =	simm.s32 $0x700;
	[sflag:s6] =	ssyncadd.s32 $0xFFFFC000  }
0x465: {  	[tilespmem:s10], [sflag:$0x1] =	stream.indirect.gather [hbm4b:s1+s9], $0x80, s15, s9, $0xb8;
	[tilespmem:$0x1D000] =	vst v63  }
0x466: {  	_ =	swait.ge [sflag:s14], $0x4000  }
0x467: {  	[sflag:s14] =	ssyncset.done $0x0  }
0x468: {  	s16 =	simm.s32 $0xE80;
	[sflag:s14] =	ssyncadd.s32 $0xFFFFC000  }
0x469: {  	[spmem:s3] =	stream.indirect.scatter.add.f32 [tilespmem:s11], [sflag:$0x3], $0x80, s16, s9, $0xb8;
	[tilespmem:$0x1D000] =	vst v63  }
0x46a: {  	_ =	swait.ge [sflag:s6], $0x4000  }
0x46b: {  	[sflag:s6] =	ssyncset.done $0x0  }
0x46c: {  	s17 =	simm.s32 $0x780;
	[sflag:s6] =	ssyncadd.s32 $0xFFFFC000  }
0x46d: {  	[tilespmem:s11], [sflag:$0x2] =	stream.indirect.gather [hbm4b:s1+s9], $0x80, s17, s9, $0xb8;
	[tilespmem:$0x1D000] =	vst v63  }
0x46e: {  	_ =	swait.ge [sflag:s12], $0x4000  }
0x46f: {  	[sflag:s12] =	ssyncset.done $0x0  }
0x470: {  	s18 =	simm.s32 $0xF00;
	[sflag:s12] =	ssyncadd.s32 $0xFFFFC000  }
0x471: {  	[spmem:s3] =	stream.indirect.scatter.add.f32 [tilespmem:s10], [sflag:$0x3], $0x80, s18, s9, $0xb8;
	[tilespmem:$0x1D000] =	vst v63  }
0x472: {  	_ =	swait.ge [sflag:s6], $0x4000  }
0x473: {  	[sflag:s6] =	ssyncset.done $0x0  }
0x474: {  	[sflag:s6] =	ssyncadd.s32 $0xFFFFC000  }
0x475: {  	_ =	swait.ge [sflag:s14], $0x4000  }
0x476: {  	[sflag:s14] =	ssyncset.done $0x0  }
0x477: {  	s19 =	simm.s32 $0xF80;
	[sflag:s14] =	ssyncadd.s32 $0xFFFFC000  }
0x478: {  	[spmem:s3] =	stream.indirect.scatter.add.f32 [tilespmem:s11], [sflag:$0x3], $0x80, s19, s9, $0xb8;
	[tilespmem:$0x1D000] =	vst v63  }
0x479: {  	_ =	swait.ge [sflag:s6], $0x4000  }
0x47a: {  	[sflag:s6] =	ssyncset.done $0x0  }
0x47b: {  	s16 =	rddreg [dreg:$0xb];
	[sflag:s6] =	ssyncadd.s32 $0xFFFFC000  }
0x47c: {  	[tilespmem:s8], [sflag:$0x3] =	stream.linear.gather [hbm4b:s16+s8], $0x800, $0x38;
	[tilespmem:$0x1D000] =	vst v63  }
0x47d: {  	_ =	swait.ge [sflag:s6], $0x800  }
0x47e: {  	[sflag:s6] =	ssyncset.done $0x0  }
0x47f: {  	s17 =	rddreg [dreg:$0xc];
	[sflag:s6] =	ssyncadd.s32 $0xFFFFF800  }
0x480: {  	[tilespmem:s0], [sflag:$0x3] =	stream.linear.gather [hbm4b:s17+s8], $0x800, $0x38;
	[tilespmem:$0x1D000] =	vst v63  }
0x481: {  	_ =	swait.ge [sflag:s6], $0x800  }
0x482: {  	[sflag:s6] =	ssyncset.done $0x0  }
0x483: {  	[sflag:s6] =	ssyncadd.s32 $0xFFFFF800  }
0x484: {  	[tilespmem:s10], [sflag:$0x1] =	stream.indirect.gather [hbm4b:s1+s9], $0x80, s8, s9, $0xb8;
	[tilespmem:$0x1D000] =	vst v63  }
0x485: {  	_ = 	snop  }
0x486: {  	[tilespmem:s11], [sflag:$0x2] =	stream.indirect.gather [hbm4b:s1+s9], $0x80, s9, s9, $0xb8;
	[tilespmem:$0x1D000] =	vst v63  }
0x487: {  	_ =	swait.ge [sflag:s12], $0x4000  }
0x488: {  	[sflag:s12] =	ssyncset.done $0x0  }
0x489: {  	[sflag:s12] =	ssyncadd.s32 $0xFFFFC000  }
0x48a: {  	[spmem:s3] =	stream.indirect.scatter.add.f32 [tilespmem:s10], [sflag:$0x3], $0x80, s0, s9, $0xb8;
	[tilespmem:$0x1D000] =	vst v63  }
0x48b: {  	_ =	swait.ge [sflag:s6], $0x4000  }
0x48c: {  	[sflag:s6] =	ssyncset.done $0x0  }
0x48d: {  	s18 =	simm.s32 $0x100;
	[sflag:s6] =	ssyncadd.s32 $0xFFFFC000  }
0x48e: {  	[tilespmem:s10], [sflag:$0x1] =	stream.indirect.gather [hbm4b:s1+s9], $0x80, s18, s9, $0xb8;
	[tilespmem:$0x1D000] =	vst v63  }
0x48f: {  	_ =	swait.ge [sflag:s14], $0x4000  }
0x490: {  	[sflag:s14] =	ssyncset.done $0x0  }
0x491: {  	s19 =	simm.s32 $0x880;
	[sflag:s14] =	ssyncadd.s32 $0xFFFFC000  }
0x492: {  	[spmem:s3] =	stream.indirect.scatter.add.f32 [tilespmem:s11], [sflag:$0x3], $0x80, s19, s9, $0xb8;
	[tilespmem:$0x1D000] =	vst v63  }
0x493: {  	_ =	swait.ge [sflag:s6], $0x4000  }
0x494: {  	[sflag:s6] =	ssyncset.done $0x0  }
0x495: {  	s23 =	simm.s32 $0x180;
	[sflag:s6] =	ssyncadd.s32 $0xFFFFC000  }
0x496: {  	[tilespmem:s11], [sflag:$0x2] =	stream.indirect.gather [hbm4b:s1+s9], $0x80, s23, s9, $0xb8;
	[tilespmem:$0x1D000] =	vst v63  }
0x497: {  	_ =	swait.ge [sflag:s12], $0x4000  }
0x498: {  	[sflag:s12] =	ssyncset.done $0x0  }
0x499: {  	s7 =	simm.s32 $0x900;
	[sflag:s12] =	ssyncadd.s32 $0xFFFFC000  }
0x49a: {  	[spmem:s3] =	stream.indirect.scatter.add.f32 [tilespmem:s10], [sflag:$0x3], $0x80, s7, s9, $0xb8;
	[tilespmem:$0x1D000] =	vst v63  }
0x49b: {  	_ =	swait.ge [sflag:s6], $0x4000  }
0x49c: {  	[sflag:s6] =	ssyncset.done $0x0  }
0x49d: {  	s13 =	simm.s32 $0x200;
	[sflag:s6] =	ssyncadd.s32 $0xFFFFC000  }
0x49e: {  	[tilespmem:s10], [sflag:$0x1] =	stream.indirect.gather [hbm4b:s1+s9], $0x80, s13, s9, $0xb8;
	[tilespmem:$0x1D000] =	vst v63  }
0x49f: {  	_ =	swait.ge [sflag:s14], $0x4000  }
0x4a0: {  	[sflag:s14] =	ssyncset.done $0x0  }
0x4a1: {  	s15 =	simm.s32 $0x980;
	[sflag:s14] =	ssyncadd.s32 $0xFFFFC000  }
0x4a2: {  	[spmem:s3] =	stream.indirect.scatter.add.f32 [tilespmem:s11], [sflag:$0x3], $0x80, s15, s9, $0xb8;
	[tilespmem:$0x1D000] =	vst v63  }
0x4a3: {  	_ =	swait.ge [sflag:s6], $0x4000  }
0x4a4: {  	[sflag:s6] =	ssyncset.done $0x0  }
0x4a5: {  	s4 =	simm.s32 $0x280;
	[sflag:s6] =	ssyncadd.s32 $0xFFFFC000  }
0x4a6: {  	[tilespmem:s11], [sflag:$0x2] =	stream.indirect.gather [hbm4b:s1+s9], $0x80, s4, s9, $0xb8;
	[tilespmem:$0x1D000] =	vst v63  }
0x4a7: {  	_ =	swait.ge [sflag:s12], $0x4000  }
0x4a8: {  	[sflag:s12] =	ssyncset.done $0x0  }
0x4a9: {  	s20 =	simm.s32 $0xA00;
	[sflag:s12] =	ssyncadd.s32 $0xFFFFC000  }
0x4aa: {  	[spmem:s3] =	stream.indirect.scatter.add.f32 [tilespmem:s10], [sflag:$0x3], $0x80, s20, s9, $0xb8;
	[tilespmem:$0x1D000] =	vst v63  }
0x4ab: {  	_ =	swait.ge [sflag:s6], $0x4000  }
0x4ac: {  	[sflag:s6] =	ssyncset.done $0x0  }
0x4ad: {  	s21 =	simm.s32 $0x300;
	[sflag:s6] =	ssyncadd.s32 $0xFFFFC000  }
0x4ae: {  	[tilespmem:s10], [sflag:$0x1] =	stream.indirect.gather [hbm4b:s1+s9], $0x80, s21, s9, $0xb8;
	[tilespmem:$0x1D000] =	vst v63  }
0x4af: {  	_ =	swait.ge [sflag:s14], $0x4000  }
0x4b0: {  	[sflag:s14] =	ssyncset.done $0x0  }
0x4b1: {  	s16 =	simm.s32 $0xA80;
	[sflag:s14] =	ssyncadd.s32 $0xFFFFC000  }
0x4b2: {  	[spmem:s3] =	stream.indirect.scatter.add.f32 [tilespmem:s11], [sflag:$0x3], $0x80, s16, s9, $0xb8;
	[tilespmem:$0x1D000] =	vst v63  }
0x4b3: {  	_ =	swait.ge [sflag:s6], $0x4000  }
0x4b4: {  	[sflag:s6] =	ssyncset.done $0x0  }
0x4b5: {  	s17 =	simm.s32 $0x380;
	[sflag:s6] =	ssyncadd.s32 $0xFFFFC000  }
0x4b6: {  	[tilespmem:s11], [sflag:$0x2] =	stream.indirect.gather [hbm4b:s1+s9], $0x80, s17, s9, $0xb8;
	[tilespmem:$0x1D000] =	vst v63  }
0x4b7: {  	_ =	swait.ge [sflag:s12], $0x4000  }
0x4b8: {  	[sflag:s12] =	ssyncset.done $0x0  }
0x4b9: {  	s25 =	simm.s32 $0xB00;
	[sflag:s12] =	ssyncadd.s32 $0xFFFFC000  }
0x4ba: {  	[spmem:s3] =	stream.indirect.scatter.add.f32 [tilespmem:s10], [sflag:$0x3], $0x80, s25, s9, $0xb8;
	[tilespmem:$0x1D000] =	vst v63  }
0x4bb: {  	_ =	swait.ge [sflag:s6], $0x4000  }
0x4bc: {  	[sflag:s6] =	ssyncset.done $0x0  }
0x4bd: {  	s26 =	simm.s32 $0x400;
	[sflag:s6] =	ssyncadd.s32 $0xFFFFC000  }
0x4be: {  	[tilespmem:s10], [sflag:$0x1] =	stream.indirect.gather [hbm4b:s1+s9], $0x80, s26, s9, $0xb8;
	[tilespmem:$0x1D000] =	vst v63  }
0x4bf: {  	_ =	swait.ge [sflag:s14], $0x4000  }
0x4c0: {  	[sflag:s14] =	ssyncset.done $0x0  }
0x4c1: {  	s28 =	simm.s32 $0xB80;
	[sflag:s14] =	ssyncadd.s32 $0xFFFFC000  }
0x4c2: {  	[spmem:s3] =	stream.indirect.scatter.add.f32 [tilespmem:s11], [sflag:$0x3], $0x80, s28, s9, $0xb8;
	[tilespmem:$0x1D000] =	vst v63  }
0x4c3: {  	_ =	swait.ge [sflag:s6], $0x4000  }
0x4c4: {  	[sflag:s6] =	ssyncset.done $0x0  }
0x4c5: {  	s29 =	simm.s32 $0x480;
	[sflag:s6] =	ssyncadd.s32 $0xFFFFC000  }
0x4c6: {  	[tilespmem:s11], [sflag:$0x2] =	stream.indirect.gather [hbm4b:s1+s9], $0x80, s29, s9, $0xb8;
	[tilespmem:$0x1D000] =	vst v63  }
0x4c7: {  	_ =	swait.ge [sflag:s12], $0x4000  }
0x4c8: {  	[sflag:s12] =	ssyncset.done $0x0  }
0x4c9: {  	s30 =	simm.s32 $0xC00;
	[sflag:s12] =	ssyncadd.s32 $0xFFFFC000  }
0x4ca: {  	[spmem:s3] =	stream.indirect.scatter.add.f32 [tilespmem:s10], [sflag:$0x3], $0x80, s30, s9, $0xb8;
	[tilespmem:$0x1D000] =	vst v63  }
0x4cb: {  	_ =	swait.ge [sflag:s6], $0x4000  }
0x4cc: {  	[sflag:s6] =	ssyncset.done $0x0  }
0x4cd: {  	s31 =	simm.s32 $0x500;
	[sflag:s6] =	ssyncadd.s32 $0xFFFFC000  }
0x4ce: {  	[tilespmem:s10], [sflag:$0x1] =	stream.indirect.gather [hbm4b:s1+s9], $0x80, s31, s9, $0xb8;
	[tilespmem:$0x1D000] =	vst v63  }
0x4cf: {  	_ =	swait.ge [sflag:s14], $0x4000  }
0x4d0: {  	[sflag:s14] =	ssyncset.done $0x0  }
0x4d1: {  	s2 =	simm.s32 $0xC80;
	[sflag:s14] =	ssyncadd.s32 $0xFFFFC000  }
0x4d2: {  	[spmem:s3] =	stream.indirect.scatter.add.f32 [tilespmem:s11], [sflag:$0x3], $0x80, s2, s9, $0xb8;
	[tilespmem:$0x1D000] =	vst v63  }
0x4d3: {  	_ =	swait.ge [sflag:s6], $0x4000  }
0x4d4: {  	[sflag:s6] =	ssyncset.done $0x0  }
0x4d5: {  	s18 =	simm.s32 $0x580;
	[sflag:s6] =	ssyncadd.s32 $0xFFFFC000  }
0x4d6: {  	[tilespmem:s11], [sflag:$0x2] =	stream.indirect.gather [hbm4b:s1+s9], $0x80, s18, s9, $0xb8;
	[tilespmem:$0x1D000] =	vst v63  }
0x4d7: {  	_ =	swait.ge [sflag:s12], $0x4000  }
0x4d8: {  	[sflag:s12] =	ssyncset.done $0x0  }
0x4d9: {  	s23 =	simm.s32 $0xD00;
	[sflag:s12] =	ssyncadd.s32 $0xFFFFC000  }
0x4da: {  	[spmem:s3] =	stream.indirect.scatter.add.f32 [tilespmem:s10], [sflag:$0x3], $0x80, s23, s9, $0xb8;
	[tilespmem:$0x1D000] =	vst v63  }
0x4db: {  	_ =	swait.ge [sflag:s6], $0x4000  }
0x4dc: {  	[sflag:s6] =	ssyncset.done $0x0  }
0x4dd: {  	s24 =	simm.s32 $0x600;
	[sflag:s6] =	ssyncadd.s32 $0xFFFFC000  }
0x4de: {  	[tilespmem:s10], [sflag:$0x1] =	stream.indirect.gather [hbm4b:s1+s9], $0x80, s24, s9, $0xb8;
	[tilespmem:$0x1D000] =	vst v63  }
0x4df: {  	_ =	swait.ge [sflag:s14], $0x4000  }
0x4e0: {  	[sflag:s14] =	ssyncset.done $0x0  }
0x4e1: {  	s15 =	simm.s32 $0xD80;
	[sflag:s14] =	ssyncadd.s32 $0xFFFFC000  }
0x4e2: {  	[spmem:s3] =	stream.indirect.scatter.add.f32 [tilespmem:s11], [sflag:$0x3], $0x80, s15, s9, $0xb8;
	[tilespmem:$0x1D000] =	vst v63  }
0x4e3: {  	_ =	swait.ge [sflag:s6], $0x4000  }
0x4e4: {  	[sflag:s6] =	ssyncset.done $0x0  }
0x4e5: {  	s16 =	simm.s32 $0x680;
	[sflag:s6] =	ssyncadd.s32 $0xFFFFC000  }
0x4e6: {  	[tilespmem:s11], [sflag:$0x2] =	stream.indirect.gather [hbm4b:s1+s9], $0x80, s16, s9, $0xb8;
	[tilespmem:$0x1D000] =	vst v63  }
0x4e7: {  	_ =	swait.ge [sflag:s12], $0x4000  }
0x4e8: {  	[sflag:s12] =	ssyncset.done $0x0  }
0x4e9: {  	s17 =	simm.s32 $0xE00;
	[sflag:s12] =	ssyncadd.s32 $0xFFFFC000  }
0x4ea: {  	[spmem:s3] =	stream.indirect.scatter.add.f32 [tilespmem:s10], [sflag:$0x3], $0x80, s17, s9, $0xb8;
	[tilespmem:$0x1D000] =	vst v63  }
0x4eb: {  	_ =	swait.ge [sflag:s6], $0x4000  }
0x4ec: {  	[sflag:s6] =	ssyncset.done $0x0  }
0x4ed: {  	s18 =	simm.s32 $0x700;
	[sflag:s6] =	ssyncadd.s32 $0xFFFFC000  }
0x4ee: {  	[tilespmem:s10], [sflag:$0x1] =	stream.indirect.gather [hbm4b:s1+s9], $0x80, s18, s9, $0xb8;
	[tilespmem:$0x1D000] =	vst v63  }
0x4ef: {  	_ =	swait.ge [sflag:s14], $0x4000  }
0x4f0: {  	[sflag:s14] =	ssyncset.done $0x0  }
0x4f1: {  	s23 =	simm.s32 $0xE80;
	[sflag:s14] =	ssyncadd.s32 $0xFFFFC000  }
0x4f2: {  	[spmem:s3] =	stream.indirect.scatter.add.f32 [tilespmem:s11], [sflag:$0x3], $0x80, s23, s9, $0xb8;
	[tilespmem:$0x1D000] =	vst v63  }
0x4f3: {  	_ =	swait.ge [sflag:s6], $0x4000  }
0x4f4: {  	[sflag:s6] =	ssyncset.done $0x0  }
0x4f5: {  	s23 =	simm.s32 $0x780;
	[sflag:s6] =	ssyncadd.s32 $0xFFFFC000  }
0x4f6: {  	[tilespmem:s11], [sflag:$0x2] =	stream.indirect.gather [hbm4b:s1+s9], $0x80, s23, s9, $0xb8;
	[tilespmem:$0x1D000] =	vst v63  }
0x4f7: {  	_ =	swait.ge [sflag:s12], $0x4000  }
0x4f8: {  	[sflag:s12] =	ssyncset.done $0x0  }
0x4f9: {  	s23 =	simm.s32 $0xF00;
	[sflag:s12] =	ssyncadd.s32 $0xFFFFC000  }
0x4fa: {  	[spmem:s3] =	stream.indirect.scatter.add.f32 [tilespmem:s10], [sflag:$0x3], $0x80, s23, s9, $0xb8;
	[tilespmem:$0x1D000] =	vst v63  }
0x4fb: {  	_ =	swait.ge [sflag:s6], $0x4000  }
0x4fc: {  	[sflag:s6] =	ssyncset.done $0x0  }
0x4fd: {  	[sflag:s6] =	ssyncadd.s32 $0xFFFFC000  }
0x4fe: {  	_ =	swait.ge [sflag:s14], $0x4000  }
0x4ff: {  	[sflag:s14] =	ssyncset.done $0x0  }
0x500: {  	s23 =	simm.s32 $0xF80;
	[sflag:s14] =	ssyncadd.s32 $0xFFFFC000  }
0x501: {  	[spmem:s3] =	stream.indirect.scatter.add.f32 [tilespmem:s11], [sflag:$0x3], $0x80, s23, s9, $0xb8;
	[tilespmem:$0x1D000] =	vst v63  }
0x502: {  	_ =	swait.ge [sflag:s6], $0x4000  }
0x503: {  	[sflag:s6] =	ssyncset.done $0x0  }
0x504: {  	s23 =	rddreg [dreg:$0xd];
	[sflag:s6] =	ssyncadd.s32 $0xFFFFC000  }
0x505: {  	[tilespmem:s8], [sflag:$0x3] =	stream.linear.gather [hbm4b:s23+s8], $0x800, $0x38;
	[tilespmem:$0x1D000] =	vst v63  }
0x506: {  	_ =	swait.ge [sflag:s6], $0x800  }
0x507: {  	[sflag:s6] =	ssyncset.done $0x0  }
0x508: {  	s23 =	rddreg [dreg:$0xe];
	[sflag:s6] =	ssyncadd.s32 $0xFFFFF800  }
0x509: {  	[tilespmem:s0], [sflag:$0x3] =	stream.linear.gather [hbm4b:s23+s8], $0x800, $0x38;
	[tilespmem:$0x1D000] =	vst v63  }
0x50a: {  	_ =	swait.ge [sflag:s6], $0x800  }
0x50b: {  	[sflag:s6] =	ssyncset.done $0x0  }
0x50c: {  	[sflag:s6] =	ssyncadd.s32 $0xFFFFF800  }
0x50d: {  	[tilespmem:s10], [sflag:$0x1] =	stream.indirect.gather [hbm4b:s1+s9], $0x80, s8, s9, $0xb8;
	[tilespmem:$0x1D000] =	vst v63  }
0x50e: {  	_ = 	snop  }
0x50f: {  	[tilespmem:s11], [sflag:$0x2] =	stream.indirect.gather [hbm4b:s1+s9], $0x80, s9, s9, $0xb8;
	[tilespmem:$0x1D000] =	vst v63  }
0x510: {  	_ =	swait.ge [sflag:s12], $0x4000  }
0x511: {  	[sflag:s12] =	ssyncset.done $0x0  }
0x512: {  	[sflag:s12] =	ssyncadd.s32 $0xFFFFC000  }
0x513: {  	[spmem:s3] =	stream.indirect.scatter.add.f32 [tilespmem:s10], [sflag:$0x3], $0x80, s0, s9, $0xb8;
	[tilespmem:$0x1D000] =	vst v63  }
0x514: {  	_ =	swait.ge [sflag:s6], $0x4000  }
0x515: {  	[sflag:s6] =	ssyncset.done $0x0  }
0x516: {  	s23 =	simm.s32 $0x100;
	[sflag:s6] =	ssyncadd.s32 $0xFFFFC000  }
0x517: {  	[tilespmem:s10], [sflag:$0x1] =	stream.indirect.gather [hbm4b:s1+s9], $0x80, s23, s9, $0xb8;
	[tilespmem:$0x1D000] =	vst v63  }
0x518: {  	_ =	swait.ge [sflag:s14], $0x4000  }
0x519: {  	[sflag:s14] =	ssyncset.done $0x0  }
0x51a: {  	s23 =	simm.s32 $0x880;
	[sflag:s14] =	ssyncadd.s32 $0xFFFFC000  }
0x51b: {  	[spmem:s3] =	stream.indirect.scatter.add.f32 [tilespmem:s11], [sflag:$0x3], $0x80, s23, s9, $0xb8;
	[tilespmem:$0x1D000] =	vst v63  }
0x51c: {  	_ =	swait.ge [sflag:s6], $0x4000  }
0x51d: {  	[sflag:s6] =	ssyncset.done $0x0  }
0x51e: {  	s23 =	simm.s32 $0x180;
	[sflag:s6] =	ssyncadd.s32 $0xFFFFC000  }
0x51f: {  	[tilespmem:s11], [sflag:$0x2] =	stream.indirect.gather [hbm4b:s1+s9], $0x80, s23, s9, $0xb8;
	[tilespmem:$0x1D000] =	vst v63  }
0x520: {  	_ =	swait.ge [sflag:s12], $0x4000  }
0x521: {  	[sflag:s12] =	ssyncset.done $0x0  }
0x522: {  	s23 =	simm.s32 $0x900;
	[sflag:s12] =	ssyncadd.s32 $0xFFFFC000  }
0x523: {  	[spmem:s3] =	stream.indirect.scatter.add.f32 [tilespmem:s10], [sflag:$0x3], $0x80, s23, s9, $0xb8;
	[tilespmem:$0x1D000] =	vst v63  }
0x524: {  	_ =	swait.ge [sflag:s6], $0x4000  }
0x525: {  	[sflag:s6] =	ssyncset.done $0x0  }
0x526: {  	s23 =	simm.s32 $0x200;
	[sflag:s6] =	ssyncadd.s32 $0xFFFFC000  }
0x527: {  	[tilespmem:s10], [sflag:$0x1] =	stream.indirect.gather [hbm4b:s1+s9], $0x80, s23, s9, $0xb8;
	[tilespmem:$0x1D000] =	vst v63  }
0x528: {  	_ =	swait.ge [sflag:s14], $0x4000  }
0x529: {  	[sflag:s14] =	ssyncset.done $0x0  }
0x52a: {  	s13 =	simm.s32 $0x980;
	[sflag:s14] =	ssyncadd.s32 $0xFFFFC000  }
0x52b: {  	[spmem:s3] =	stream.indirect.scatter.add.f32 [tilespmem:s11], [sflag:$0x3], $0x80, s13, s9, $0xb8;
	[tilespmem:$0x1D000] =	vst v63  }
0x52c: {  	_ =	swait.ge [sflag:s6], $0x4000  }
0x52d: {  	[sflag:s6] =	ssyncset.done $0x0  }
0x52e: {  	s19 =	simm.s32 $0x280;
	[sflag:s6] =	ssyncadd.s32 $0xFFFFC000  }
0x52f: {  	[tilespmem:s11], [sflag:$0x2] =	stream.indirect.gather [hbm4b:s1+s9], $0x80, s19, s9, $0xb8;
	[tilespmem:$0x1D000] =	vst v63  }
0x530: {  	_ =	swait.ge [sflag:s12], $0x4000  }
0x531: {  	[sflag:s12] =	ssyncset.done $0x0  }
0x532: {  	s4 =	simm.s32 $0xA00;
	[sflag:s12] =	ssyncadd.s32 $0xFFFFC000  }
0x533: {  	[spmem:s3] =	stream.indirect.scatter.add.f32 [tilespmem:s10], [sflag:$0x3], $0x80, s4, s9, $0xb8;
	[tilespmem:$0x1D000] =	vst v63  }
0x534: {  	_ =	swait.ge [sflag:s6], $0x4000  }
0x535: {  	[sflag:s6] =	ssyncset.done $0x0  }
0x536: {  	s20 =	simm.s32 $0x300;
	[sflag:s6] =	ssyncadd.s32 $0xFFFFC000  }
0x537: {  	[tilespmem:s10], [sflag:$0x1] =	stream.indirect.gather [hbm4b:s1+s9], $0x80, s20, s9, $0xb8;
	[tilespmem:$0x1D000] =	vst v63  }
0x538: {  	_ =	swait.ge [sflag:s14], $0x4000  }
0x539: {  	[sflag:s14] =	ssyncset.done $0x0  }
0x53a: {  	s20 =	simm.s32 $0xA80;
	[sflag:s14] =	ssyncadd.s32 $0xFFFFC000  }
0x53b: {  	[spmem:s3] =	stream.indirect.scatter.add.f32 [tilespmem:s11], [sflag:$0x3], $0x80, s20, s9, $0xb8;
	[tilespmem:$0x1D000] =	vst v63  }
0x53c: {  	_ =	swait.ge [sflag:s6], $0x4000  }
0x53d: {  	[sflag:s6] =	ssyncset.done $0x0  }
0x53e: {  	s5 =	simm.s32 $0x380;
	[sflag:s6] =	ssyncadd.s32 $0xFFFFC000  }
0x53f: {  	[tilespmem:s11], [sflag:$0x2] =	stream.indirect.gather [hbm4b:s1+s9], $0x80, s5, s9, $0xb8;
	[tilespmem:$0x1D000] =	vst v63  }
0x540: {  	_ =	swait.ge [sflag:s12], $0x4000  }
0x541: {  	[sflag:s12] =	ssyncset.done $0x0  }
0x542: {  	s7 =	simm.s32 $0xB00;
	[sflag:s12] =	ssyncadd.s32 $0xFFFFC000  }
0x543: {  	[spmem:s3] =	stream.indirect.scatter.add.f32 [tilespmem:s10], [sflag:$0x3], $0x80, s7, s9, $0xb8;
	[tilespmem:$0x1D000] =	vst v63  }
0x544: {  	_ =	swait.ge [sflag:s6], $0x4000  }
0x545: {  	[sflag:s6] =	ssyncset.done $0x0  }
0x546: {  	s25 =	simm.s32 $0x400;
	[sflag:s6] =	ssyncadd.s32 $0xFFFFC000  }
0x547: {  	[tilespmem:s10], [sflag:$0x1] =	stream.indirect.gather [hbm4b:s1+s9], $0x80, s25, s9, $0xb8;
	[tilespmem:$0x1D000] =	vst v63  }
0x548: {  	_ =	swait.ge [sflag:s14], $0x4000  }
0x549: {  	[sflag:s14] =	ssyncset.done $0x0  }
0x54a: {  	s26 =	simm.s32 $0xB80;
	[sflag:s14] =	ssyncadd.s32 $0xFFFFC000  }
0x54b: {  	[spmem:s3] =	stream.indirect.scatter.add.f32 [tilespmem:s11], [sflag:$0x3], $0x80, s26, s9, $0xb8;
	[tilespmem:$0x1D000] =	vst v63  }
0x54c: {  	_ =	swait.ge [sflag:s6], $0x4000  }
0x54d: {  	[sflag:s6] =	ssyncset.done $0x0  }
0x54e: {  	s28 =	simm.s32 $0x480;
	[sflag:s6] =	ssyncadd.s32 $0xFFFFC000  }
0x54f: {  	[tilespmem:s11], [sflag:$0x2] =	stream.indirect.gather [hbm4b:s1+s9], $0x80, s28, s9, $0xb8;
	[tilespmem:$0x1D000] =	vst v63  }
0x550: {  	_ =	swait.ge [sflag:s12], $0x4000  }
0x551: {  	[sflag:s12] =	ssyncset.done $0x0  }
0x552: {  	s29 =	simm.s32 $0xC00;
	[sflag:s12] =	ssyncadd.s32 $0xFFFFC000  }
0x553: {  	[spmem:s3] =	stream.indirect.scatter.add.f32 [tilespmem:s10], [sflag:$0x3], $0x80, s29, s9, $0xb8;
	[tilespmem:$0x1D000] =	vst v63  }
0x554: {  	_ =	swait.ge [sflag:s6], $0x4000  }
0x555: {  	[sflag:s6] =	ssyncset.done $0x0  }
0x556: {  	s30 =	simm.s32 $0x500;
	[sflag:s6] =	ssyncadd.s32 $0xFFFFC000  }
0x557: {  	[tilespmem:s10], [sflag:$0x1] =	stream.indirect.gather [hbm4b:s1+s9], $0x80, s30, s9, $0xb8;
	[tilespmem:$0x1D000] =	vst v63  }
0x558: {  	_ =	swait.ge [sflag:s14], $0x4000  }
0x559: {  	[sflag:s14] =	ssyncset.done $0x0  }
0x55a: {  	s21 =	simm.s32 $0xC80;
	[sflag:s14] =	ssyncadd.s32 $0xFFFFC000  }
0x55b: {  	[spmem:s3] =	stream.indirect.scatter.add.f32 [tilespmem:s11], [sflag:$0x3], $0x80, s21, s9, $0xb8;
	[tilespmem:$0x1D000] =	vst v63  }
0x55c: {  	_ =	swait.ge [sflag:s6], $0x4000  }
0x55d: {  	[sflag:s6] =	ssyncset.done $0x0  }
0x55e: {  	s31 =	simm.s32 $0x580;
	[sflag:s6] =	ssyncadd.s32 $0xFFFFC000  }
0x55f: {  	[tilespmem:s11], [sflag:$0x2] =	stream.indirect.gather [hbm4b:s1+s9], $0x80, s31, s9, $0xb8;
	[tilespmem:$0x1D000] =	vst v63  }
0x560: {  	_ =	swait.ge [sflag:s12], $0x4000  }
0x561: {  	[sflag:s12] =	ssyncset.done $0x0  }
0x562: {  	s23 =	simm.s32 $0xD00;
	[sflag:s12] =	ssyncadd.s32 $0xFFFFC000  }
0x563: {  	[spmem:s3] =	stream.indirect.scatter.add.f32 [tilespmem:s10], [sflag:$0x3], $0x80, s23, s9, $0xb8;
	[tilespmem:$0x1D000] =	vst v63  }
0x564: {  	_ =	swait.ge [sflag:s6], $0x4000  }
0x565: {  	[sflag:s6] =	ssyncset.done $0x0  }
0x566: {  	s2 =	simm.s32 $0x600;
	[sflag:s6] =	ssyncadd.s32 $0xFFFFC000  }
0x567: {  	[tilespmem:s10], [sflag:$0x1] =	stream.indirect.gather [hbm4b:s1+s9], $0x80, s2, s9, $0xb8;
	[tilespmem:$0x1D000] =	vst v63  }
0x568: {  	_ =	swait.ge [sflag:s14], $0x4000  }
0x569: {  	[sflag:s14] =	ssyncset.done $0x0  }
0x56a: {  	s24 =	simm.s32 $0xD80;
	[sflag:s14] =	ssyncadd.s32 $0xFFFFC000  }
0x56b: {  	[spmem:s3] =	stream.indirect.scatter.add.f32 [tilespmem:s11], [sflag:$0x3], $0x80, s24, s9, $0xb8;
	[tilespmem:$0x1D000] =	vst v63  }
0x56c: {  	_ =	swait.ge [sflag:s6], $0x4000  }
0x56d: {  	[sflag:s6] =	ssyncset.done $0x0  }
0x56e: {  	s15 =	simm.s32 $0x680;
	[sflag:s6] =	ssyncadd.s32 $0xFFFFC000  }
0x56f: {  	[tilespmem:s11], [sflag:$0x2] =	stream.indirect.gather [hbm4b:s1+s9], $0x80, s15, s9, $0xb8;
	[tilespmem:$0x1D000] =	vst v63  }
0x570: {  	_ =	swait.ge [sflag:s12], $0x4000  }
0x571: {  	[sflag:s12] =	ssyncset.done $0x0  }
0x572: {  	s16 =	simm.s32 $0xE00;
	[sflag:s12] =	ssyncadd.s32 $0xFFFFC000  }
0x573: {  	[spmem:s3] =	stream.indirect.scatter.add.f32 [tilespmem:s10], [sflag:$0x3], $0x80, s16, s9, $0xb8;
	[tilespmem:$0x1D000] =	vst v63  }
0x574: {  	_ =	swait.ge [sflag:s6], $0x4000  }
0x575: {  	[sflag:s6] =	ssyncset.done $0x0  }
0x576: {  	s17 =	simm.s32 $0x700;
	[sflag:s6] =	ssyncadd.s32 $0xFFFFC000  }
0x577: {  	[tilespmem:s10], [sflag:$0x1] =	stream.indirect.gather [hbm4b:s1+s9], $0x80, s17, s9, $0xb8;
	[tilespmem:$0x1D000] =	vst v63  }
0x578: {  	_ =	swait.ge [sflag:s14], $0x4000  }
0x579: {  	[sflag:s14] =	ssyncset.done $0x0  }
0x57a: {  	s18 =	simm.s32 $0xE80;
	[sflag:s14] =	ssyncadd.s32 $0xFFFFC000  }
0x57b: {  	[spmem:s3] =	stream.indirect.scatter.add.f32 [tilespmem:s11], [sflag:$0x3], $0x80, s18, s9, $0xb8;
	[tilespmem:$0x1D000] =	vst v63  }
0x57c: {  	_ =	swait.ge [sflag:s6], $0x4000  }
0x57d: {  	[sflag:s6] =	ssyncset.done $0x0  }
0x57e: {  	s25 =	simm.s32 $0x780;
	[sflag:s6] =	ssyncadd.s32 $0xFFFFC000  }
0x57f: {  	[tilespmem:s11], [sflag:$0x2] =	stream.indirect.gather [hbm4b:s1+s9], $0x80, s25, s9, $0xb8;
	[tilespmem:$0x1D000] =	vst v63  }
0x580: {  	_ =	swait.ge [sflag:s12], $0x4000  }
0x581: {  	[sflag:s12] =	ssyncset.done $0x0  }
0x582: {  	s26 =	simm.s32 $0xF00;
	[sflag:s12] =	ssyncadd.s32 $0xFFFFC000  }
0x583: {  	[spmem:s3] =	stream.indirect.scatter.add.f32 [tilespmem:s10], [sflag:$0x3], $0x80, s26, s9, $0xb8;
	[tilespmem:$0x1D000] =	vst v63  }
0x584: {  	_ =	swait.ge [sflag:s6], $0x4000  }
0x585: {  	[sflag:s6] =	ssyncset.done $0x0  }
0x586: {  	[sflag:s6] =	ssyncadd.s32 $0xFFFFC000  }
0x587: {  	_ =	swait.ge [sflag:s14], $0x4000  }
0x588: {  	[sflag:s14] =	ssyncset.done $0x0  }
0x589: {  	s28 =	simm.s32 $0xF80;
	[sflag:s14] =	ssyncadd.s32 $0xFFFFC000  }
0x58a: {  	[spmem:s3] =	stream.indirect.scatter.add.f32 [tilespmem:s11], [sflag:$0x3], $0x80, s28, s9, $0xb8;
	[tilespmem:$0x1D000] =	vst v63  }
0x58b: {  	_ =	swait.ge [sflag:s6], $0x4000  }
0x58c: {  	[sflag:s6] =	ssyncset.done $0x0  }
0x58d: {  	[sflag:s6] =	ssyncadd.s32 $0xFFFFC000  }
0x58e: {  	p0 =	sne.s32 s22, $0x1;
	[bflag:$0x0] =	sbarrier.arrive $0xFFFF  }
.Ltmp1:
0x58f: {  	s29 =	rddreg [dreg:$0xf];
	(pc) =	sbr.rel @p0 .LBB2_1-.Ltmp1, $4  }
0x590: {  	s30 =	rddreg [dreg:$0x11]  }
0x591: {  	s31 =	rddreg [dreg:$0x10]  }
0x592: {  	[hbm:s29], [sflag:s31] =	dma.local [spmem:s30], $0x2800  }
0x593: {  	s22 =	sadd.s32 $0xFFFFFFFF, s22;
	_ =	swait.ge [sflag:s6], $0x2800  }
.LBB2_2:
0x594: {  	[sflag:s6] =	ssyncset.done $0x0  }
0x595: {  	[sflag:s6] =	ssyncadd.s32 $0xFFFFD800  }
0x596: {  	_ =	sfence.sel $0x180000  }
0x597: {  	[bflag:$0x0] =	sbarrier.arrive $0xFFFF  }
0x598: {  	_ =	strace $0x90000047  }
0x599: {  	s0 =	stileid.u32;
	[bflag:$0x2] =	sbarrier.arrive $0xFFFF  }
0x59a: {  	p0 =	sne.s32 s0, $0x0;
	s0 =	rddreg [dreg:$0x3]  }
0x59b: {  	s0 =	sadd.s32 @!p0 $0x100000, s0  }
0x59c: {  	[sflag:s0] =	ssyncadd.tile.s32 @!p0 $0x1;
	_ =	shalt  }
.Lfunc_end2:
_tile_overlayer_lowered:
.L_overlay_start_2:
0x59d: {  	(tag) =	ssettag $0x2  }
0x59e: {  	s0 =	rddreg [dreg:$0x0];
	s2 =	stileid.u32  }
0x59f: {  	s1 =	rddreg [dreg:$0x1];
	p0 =	sne.s32 s2, $0x0  }
0x5a0: {  	s3 =	rddreg [dreg:$0x2];
	[bflag:$0x3] =	sbarrier.arrive $0xFFFF;
	s2 =	simm.s32 @!p0 $0x1C03  }
0x5a1: {  	[timem:s3], [sflag:s2] =	dma.local @!p0 [hbm:s0], s1  }
0x5a2: {  	s0 =	simm.s32 @!p0 $0x3  }
0x5a3: {  	_ =	swait.ge @!p0 [sflag:s0], s1  }
0x5a4: {  	s1 =	ssub.s32 @!p0 $0x0, s1;
	[sflag:s0] =	ssyncset.done @!p0 $0x0  }
0x5a5: {  	[sflag:s0] =	ssyncadd.s32 @!p0 s1  }
0x5a6: {  	[bflag:$0x3] =	sbarrier.arrive $0xFFFF  }
0x5a7: {  	_ =	shalt  }

// kernel: kernel.14.cloned.1.call-start
scs
__scs_entry_jumppad:
0x0: {  	(pc) =	sbr.rel $0x88, $3  }
0x1: {  	(tag) =	ssettag $0x0;
	lr =	simm.s32 $0x1  }
0x2: {  	[smem:$0x3F99] =	sst lr;
	_ =	strace $0xD0000000  }
0x3: {  	_ = 	snop  }
0x4: {  	_ = 	snop  }
0x5: {  	_ = 	snop  }
0x6: {  	_ = 	snop  }
0x7: {  	_ = 	snop  }
__scs_overlays_trampoline_lowered:
0x8: {  	[smem:$0x3FA8] =	sst s0  }
0x9: {  	[smem:$0x3FA9] =	sst s1  }
0xa: {  	[smem:$0x3FAA] =	sst s2  }
0xb: {  	[smem:$0x3FAB] =	sst s3  }
0xc: {  	[smem:$0x3FAC] =	sst s4  }
0xd: {  	[smem:$0x3FAD] =	sst s5  }
0xe: {  	[smem:$0x3FAE] =	sst s6  }
0xf: {  	[smem:$0x3FAF] =	sst s7  }
0x10: {  	[smem:$0x3FB0] =	sst s8  }
0x11: {  	[smem:$0x3FB1] =	sst s9;
	s0 =	simm.s32 @!p0 $0x0  }
0x12: {  	s1 =	sld [smem:$0x3F97];
	s0 =	simm.s32 @p0 $0x1  }
0x13: {  	[smem:$0x3FB2] =	sst s0;
	s0 =	simm.s32 @!p1 $0x0  }
0x14: {  	s2 =	sld [smem:$0x3F96];
	s0 =	simm.s32 @p1 $0x1  }
0x15: {  	[smem:$0x3FB3] =	sst s0;
	s0 =	simm.s32 @!p2 $0x0  }
0x16: {  	s3 =	sld [smem:$0x3FDB];
	s0 =	simm.s32 @p2 $0x1  }
0x17: {  	s4 =	simm.s32 $0x1BF5;
	[smem:$0x3FB5] =	sst s0  }
0x18: {  	s0 =	sld [smem:$0x3F98];
	_ =	swait.ge [sflag:s4], $0x0  }
0x19: {  	s7 =	sld [smem:$0x3F99]  }
0x1a: {  	s8 =	sadd.s32 $0xFFFFE003, lr  }
0x1b: {  	s9 =	sadd.s32 $0xFFFFFEF7, lr;
	s5 =	simm.s32 $0xFFFFFFFF;
	p2 =	slt.u32 s8, $0xFFFFF086  }
0x1c: {  	p1 =	slt.u32 s9, $0xF7A;
	s5 =	simm.s32 @!p2 $0x0  }
0x1d: {  	s5 =	simm.s32 @p1 $0x1;
	p0 =	seq.s32 s7, s2  }
0x1e: {  	s7 =	smul.u32 @!p0 $0xF7A, s2;
	p2 =	seq.s32 @!p0 s5, $0x0  }
0x1f: {  	s9 =	smul.u32 $0xF7A, s1;
	s8 =	simm.s32 @!p0 $0x1BF5;
	p2 =	por !p2, p0  }
0x20: {  	[sflag:s8] =	ssyncset.s32 @!p0 $0xFFFFF086;
	s6 =	sadd.s32 @!p0 s3, s7;
	s7 =	simm.s32 @!p0 $0x108  }
0x21: {  	s3 =	sadd.s32 s3, s9;
	s6 =	sadd.s32 @!p0 $0x88, s6;
	s7 =	simm.s32 @p2 $0x1082  }
0x22: {  	[simem:s7], [sflag:s8] =	dma.local @!p0 [hbm:s6], $0xF7A  }
0x23: {  	s9 =	sor.u32 $0xD0000000, s2;
	s6 =	simm.s32 $0x108;
	_ =	swait.ge @!p0 [sflag:s8], $0x0  }
0x24: {  	s3 =	sadd.s32 $0x88, s3;
	s6 =	simm.s32 @!p1 $0x1082;
	[sflag:s4] =	ssyncset.s32 $0xFFFFF086  }
0x25: {  	[simem:s6], [sflag:s4] =	dma.local [hbm:s3], $0xF7A  }
0x26: {  	[smem:$0x3F99] =	sst s1;
	(tag) =	ssettag s2;
	_ =	strace s9  }
0x27: {  	s1 =	sld [smem:$0x3FA9]  }
0x28: {  	s2 =	sld [smem:$0x3FAA]  }
0x29: {  	s4 =	sld [smem:$0x3FAC]  }
0x2a: {  	p0 =	seq.s32 s5, $0x0;
	s5 =	sld [smem:$0x3FAD]  }
0x2b: {  	s6 =	sld [smem:$0x3FAE]  }
0x2c: {  	s7 =	sld [smem:$0x3FAF]  }
0x2d: {  	s3 =	simm.s32 $0x108;
	s8 =	sld [smem:$0x3FB0]  }
0x2e: {  	s3 =	simm.s32 @!p0 $0x1082;
	s9 =	sld [smem:$0x3FB1]  }
0x2f: {  	lr =	sadd.s32 s0, s3;
	s0 =	sld [smem:$0x3FA8]  }
0x30: {  	s3 =	sld [smem:$0x3FAB]  }
0x31: {  	[smem:$0x3FB4] =	sst s10  }
0x32: {  	s10 =	sld [smem:$0x3FB2];
	_ =	sdelay $0x3  }
0x33: {  	p0 =	seq.s32 s10, $0x1;
	s10 =	sld [smem:$0x3FB4];
	_ =	sdelay $0x3  }
0x34: {  	[smem:$0x3FB4] =	sst s10  }
0x35: {  	s10 =	sld [smem:$0x3FB3];
	_ =	sdelay $0x3  }
0x36: {  	p1 =	seq.s32 s10, $0x1;
	s10 =	sld [smem:$0x3FB4];
	_ =	sdelay $0x3  }
0x37: {  	[smem:$0x3FB4] =	sst s10  }
0x38: {  	s10 =	sld [smem:$0x3FB5]  }
0x39: {  	_ = 	snop;
	(pc) =	sbr.ind lr, $3  }
0x3a: {  	_ = 	snop  }
0x3b: {  	_ = 	snop  }
0x3c: {  	p2 =	seq.s32 s10, $0x1;
	s10 =	sld [smem:$0x3FB4]  }
0x3d: {  	_ =	shalt  }
0x3e: {  	_ =	shalt  }
0x3f: {  	_ =	shalt  }
0x40: {  	_ =	shalt  }
0x41: {  	_ =	shalt  }
0x42: {  	_ =	shalt  }
0x43: {  	_ =	shalt  }
0x44: {  	_ =	shalt  }
0x45: {  	_ =	shalt  }
0x46: {  	_ =	shalt  }
0x47: {  	_ =	shalt  }
0x48: {  	_ =	shalt  }
0x49: {  	_ =	shalt  }
0x4a: {  	_ =	shalt  }
0x4b: {  	_ =	shalt  }
0x4c: {  	_ =	shalt  }
0x4d: {  	_ =	shalt  }
0x4e: {  	_ =	shalt  }
0x4f: {  	_ =	shalt  }
0x50: {  	_ =	shalt  }
0x51: {  	_ =	shalt  }
0x52: {  	_ =	shalt  }
0x53: {  	_ =	shalt  }
0x54: {  	_ =	shalt  }
0x55: {  	_ =	shalt  }
0x56: {  	_ =	shalt  }
0x57: {  	_ =	shalt  }
0x58: {  	_ =	shalt  }
0x59: {  	_ =	shalt  }
0x5a: {  	_ =	shalt  }
0x5b: {  	_ =	shalt  }
0x5c: {  	_ =	shalt  }
0x5d: {  	_ =	shalt  }
0x5e: {  	_ =	shalt  }
0x5f: {  	_ =	shalt  }
0x60: {  	_ =	shalt  }
0x61: {  	_ =	shalt  }
0x62: {  	_ =	shalt  }
0x63: {  	_ =	shalt  }
0x64: {  	_ =	shalt  }
0x65: {  	_ =	shalt  }
0x66: {  	_ =	shalt  }
0x67: {  	_ =	shalt  }
0x68: {  	_ =	shalt  }
0x69: {  	_ =	shalt  }
0x6a: {  	_ =	shalt  }
0x6b: {  	_ =	shalt  }
0x6c: {  	_ =	shalt  }
0x6d: {  	_ =	shalt  }
0x6e: {  	_ =	shalt  }
0x6f: {  	_ =	shalt  }
0x70: {  	_ =	shalt  }
0x71: {  	_ =	shalt  }
0x72: {  	_ =	shalt  }
0x73: {  	_ =	shalt  }
0x74: {  	_ =	shalt  }
0x75: {  	_ =	shalt  }
0x76: {  	_ =	shalt  }
0x77: {  	_ =	shalt  }
0x78: {  	_ =	shalt  }
0x79: {  	_ =	shalt  }
0x7a: {  	_ =	shalt  }
0x7b: {  	_ =	shalt  }
0x7c: {  	_ =	shalt  }
0x7d: {  	_ =	shalt  }
0x7e: {  	_ =	shalt  }
0x7f: {  	_ =	shalt  }
0x80: {  	_ =	shalt  }
0x81: {  	_ =	shalt  }
0x82: {  	_ =	shalt  }
0x83: {  	_ =	shalt  }
0x84: {  	_ =	shalt  }
0x85: {  	_ =	shalt  }
0x86: {  	_ =	shalt  }
0x87: {  	_ =	shalt  }
.Lfunc_end0:
.L_simem_size_0:
called_computation.2_lowered:
.L_overlay_start_0:
0x88: {  	s2 =	sld [smem:$0x3FD9]  }
0x89: {  	s3 =	sld [smem:$0x3FFE];
	_ =	sdelay $0x1  }
0x8a: {  	s1 =	srdreg.scid  }
0x8b: {  	s0 =	sand.u32 $0x1, s1  }
0x8c: {  	s17 =	sshll.u32 s0, $0xA;
	s2 =	sadd.s32 s3, s2  }
0x8d: {  	s2 =	sadd.s32 s2, s17  }
0x8e: {  	[smem:$0x3FC0] =	sst s2  }
0x8f: {  	_ = 	snop  }
0x90: {  	s2 =	sld [smem:$0x3FD0];
	(tm) =	ssettm $0x1  }
0x91: {  	s18 =	sld [smem:$0x3FFB];
	_ =	sdelay $0x3  }
0x92: {  	_ =	strace s18  }
0x93: {  	s3 =	sld [smem:$0x3FFC];
	_ =	sdelay $0x3  }
0x94: {  	_ =	strace s3  }
0x95: {  	s3 =	sld [smem:$0x3FFD];
	_ =	sdelay $0x3  }
0x96: {  	_ =	strace s3  }
0x97: {  	_ =	strace $0x8FFFFFFF  }
0x98: {  	s19 =	sld [smem:$0x3FDB];
	_ =	sdelay $0x1  }
0x99: {  	s4 =	simm.s32 $_scs_section_size  }
0x9a: {  	s5 =	simm.s32 $_size__tile_overlayer_lowered;
	s6 =	simm.s32 $_tile_overlayer_lowered  }
0x9b: {  	s22 =	simm.s32 $0x1BFF;
	s21 =	sshll.u32 s6, $0x1;
	s3 =	sadd.s32 s4, s19  }
0x9c: {  	s7 =	simm.s32 $0x0;
	s20 =	sshll.u32 s5, $0x1;
	s5 =	sadd.s32 s21, s3  }
0x9d: {  	[timem:s7], [sflag:s22] =	dma.local [hbm:s5], s20  }
0x9e: {  	_ =	swait.ge [sflag:s22], s20  }
0x9f: {  	s4 =	ssub.s32 $0x0, s20;
	[sflag:s22] =	ssyncset.done $0x0  }
0xa0: {  	[sflag:s22] =	ssyncadd.s32 s4;
	_ =	sdelay $0x1  }
0xa1: {  	s23 =	simm.s32 $0x1B8B  }
0xa2: {  	_ =	swait.ge [sflag:s23], $0x1  }
0xa3: {  	[sflag:s23] =	ssyncset.done $0x0  }
0xa4: {  	s25 =	simm.s32 $0x1B8E;
	s24 =	sld [smem:$0x3FFE];
	[sflag:s23] =	ssyncadd.s32 $0xFFFFFFFF  }
0xa5: {  	s26 =	simm.s32 $execute0_lowered;
	[smem:$0x3FD2] =	sst s25  }
0xa6: {  	s5 =	sshll.u32 s26, $0x1;
	_ =	strace $0x8000004C;
	[dreg:$0x1] =	wrdreg $0xFFFFFFFF  }
0xa7: {  	s28 =	simm.s32 $_size_execute0_lowered;
	s3 =	sadd.s32 s3, s5;
	[dreg:$0x0] =	wrdreg $0x0  }
0xa8: {  	s5 =	sshll.u32 s28, $0x1;
	[dreg:$0x2] =	wrdreg s3  }
0xa9: {  	[dreg:$0x3] =	wrdreg s5  }
0xaa: {  	[dreg:$0x4] =	wrdreg $0xC0  }
0xab: {  	_ =	task [dreg:s7], $0x5FFFF  }
0xac: {  	[dreg:$0x1] =	wrdreg $0xFFFFFFFF  }
0xad: {  	[dreg:$0x0] =	wrdreg $0x60  }
0xae: {  	[dreg:$0x2] =	wrdreg s2  }
0xaf: {  	[dreg:$0x3] =	wrdreg s24  }
0xb0: {  	[dreg:$0x4] =	wrdreg $0x90000  }
0xb1: {  	[dreg:$0x5] =	wrdreg $0x9  }
0xb2: {  	_ =	task.clear_ibuf [dreg:s7], $0x6FFFF;
	_ =	strace $0x9000004C  }
0xb3: {  	s29 =	simm.s32 $0x9;
	_ =	strace $0x8000004E  }
0xb4: {  	_ =	swait.ge [sflag:s29], $0x1  }
0xb5: {  	[sflag:s29] =	ssyncadd.s32 $0xFFFFFFFF  }
0xb6: {  	_ =	strace $0x9000004E  }
0xb7: {  	_ =	sfence  }
0xb8: {  	s30 =	sld [smem:$0x0];
	_ =	sdelay $0x2  }
0xb9: {  	s31 =	sshll.u32 s1, $0xD;
	s1 =	sshrl.u32 s1, $0x2  }
0xba: {  	s3 =	sand.u32 $0x4000, s31;
	s1 =	sadd.s32 s1, s30  }
0xbb: {  	s0 =	sor.u32 s3, s0;
	s1 =	sshll.u32 s1, $0x11  }
0xbc: {  	s0 =	sor.u32 s1, s0  }
0xbd: {  	s0 =	sadd.s32 $0x8F2B, s0  }
0xbe: {  	[sflag:s0] =	ssyncadd.remote.s32 $0x1  }
0xbf: {  	_ =	sfence.sel $0xFFFF  }
0xc0: {  	[dreg:$0x0] =	wrdreg $0xFFFFFFFF;
	(pc) =	sbr.abs _section_cstart, $3  }
0xc1: {  	[dreg:$0x1] =	wrdreg $0xFFFFFFFF  }
0xc2: {  	_ =	task.clear_ibuf [dreg:s7], $0x2FFFF;
	_ =	strace $0x9FFFFFFF  }
0xc3: {  	(tm) =	ssettm $0x7FFFFFFF  }
tec
execute0_lowered:
.L_overlay_start_1:
0x0: {  	(tag) =	ssettag $0x1  }
0x1: {  	s1 =	rddreg [dreg:$0x0]  }
0x2: {  	s0 =	rddreg [dreg:$0x1]  }
0x3: {  	s3 =	rddreg [dreg:$0x2]  }
0x4: {  	s2 =	srdreg.scid;
	s8 =	simm.s32 $0x0;
	s11 =	stileid.u32  }
0x5: {  	s9 =	sand.u32 $0x1, s2;
	[smem:$0x7FF] =	sst s8;
	s6 =	sadd.s32 $0xBE00, s0  }
0x6: {  	s4 =	sadd.s32 $0x15E00, s0;
	s7 =	sadd.s32 $0x1E00, s0;
	s31 =	smul.u32 $0x14000, s11  }
0x7: {  	s19 =	smul.u32 $0x50000, s11;
	s25 =	sshll.u32 s11, $0x6;
	s2 =	sshll.u32 s9, $0x4  }
0x8: {  	[dreg:$0x12] =	wrdreg s9;
	s30 =	smul.u32 $0x140000, s9;
	s2 =	sor.u32 s11, s2  }
0x9: {  	_ =	strace $0x8000004D;
	s22 =	sshrl.u32 s19, $0x2;
	s5 =	smul.u32 $0x500, s2  }
0xa: {  	[dreg:$0x4] =	wrdreg s4;
	s2 =	smul.u32 $0x2800, s2;
	s24 =	sadd.s32 s22, s3  }
0xb: {  	s4 =	sadd.s32 s31, s30;
	s26 =	rddreg [dreg:$0x4];
	s28 =	sshrl.u32 s24, $0x3  }
0xc: {  	s4 =	sshrl.u32 s4, $0x3;
	s10 =	sadd.s32 s6, s5;
	[dreg:$0x11] =	wrdreg s28  }
0xd: {  	s2 =	sshrl.u32 s2, $0x3;
	s5 =	sadd.s32 s7, s5;
	[dreg:$0x5] =	wrdreg s10  }
0xe: {  	s0 =	sadd.s32 s4, s0;
	[dreg:$0x6] =	wrdreg s5;
	s5 =	sor.u32 $0x1C03, s25  }
0xf: {  	s12 =	sadd.s32 $0x100, s2;
	s0 =	sadd.s32 $0x18600, s0;
	[dreg:$0x10] =	wrdreg s5  }
0x10: {  	s13 =	sadd.s32 s6, s12;
	[dreg:$0xf] =	wrdreg s0  }
0x11: {  	s15 =	sadd.s32 $0x200, s2;
	s14 =	sadd.s32 s7, s12;
	[dreg:$0x7] =	wrdreg s13  }
0x12: {  	s16 =	sadd.s32 s6, s15;
	[dreg:$0x8] =	wrdreg s14  }
0x13: {  	s18 =	sadd.s32 $0x300, s2;
	s17 =	sadd.s32 s7, s15;
	[dreg:$0x9] =	wrdreg s16  }
0x14: {  	s20 =	sadd.s32 s6, s18;
	[dreg:$0xa] =	wrdreg s17  }
0x15: {  	s2 =	sadd.s32 $0x400, s2;
	s21 =	sadd.s32 s7, s18;
	[dreg:$0xb] =	wrdreg s20  }
0x16: {  	s23 =	sadd.s32 s6, s2;
	[dreg:$0xc] =	wrdreg s21  }
0x17: {  	s2 =	sadd.s32 s7, s2;
	[dreg:$0xd] =	wrdreg s23  }
0x18: {  	s6 =	simm.s32 $0x3;
	[dreg:$0xe] =	wrdreg s2  }
0x19: {  	[spmem:s28], [sflag:s5] =	dma.local [hbm:s26], $0x2800  }
0x1a: {  	_ =	swait.ge [sflag:s6], $0x2800  }
0x1b: {  	[sflag:s6] =	ssyncset.done $0x0  }
0x1c: {  	[sflag:s6] =	ssyncadd.s32 $0xFFFFD800  }
0x1d: {  	[bflag:$0x0] =	sbarrier.arrive $0xFFFF  }
0x1e: {  	s29 =	rddreg [dreg:$0x5]  }
0x1f: {  	[tilespmem:s8], [sflag:$0x3] =	stream.linear.gather [hbm4b:s29+s8], $0x800, $0x38;
	[tilespmem:$0x1D000] =	vst v63  }
0x20: {  	_ =	swait.ge [sflag:s6], $0x800  }
0x21: {  	[sflag:s6] =	ssyncset.done $0x0  }
0x22: {  	s31 =	simm.s32 $0x800;
	s30 =	rddreg [dreg:$0x6];
	[sflag:s6] =	ssyncadd.s32 $0xFFFFF800  }
0x23: {  	[tilespmem:s31], [sflag:$0x3] =	stream.linear.gather [hbm4b:s30+s8], $0x800, $0x38;
	[tilespmem:$0x1D000] =	vst v63  }
0x24: {  	_ =	swait.ge [sflag:s6], $0x800  }
0x25: {  	[sflag:s6] =	ssyncset.done $0x0  }
0x26: {  	s9 =	simm.s32 $0x80;
	s10 =	simm.s32 $0x1000;
	[sflag:s6] =	ssyncadd.s32 $0xFFFFF800  }
0x27: {  	[tilespmem:s10], [sflag:$0x1] =	stream.indirect.gather [hbm4b:s1+s9], $0x80, s8, s9, $0xb8;
	[tilespmem:$0x1D000] =	vst v63  }
0x28: {  	s11 =	simm.s32 $0x5000;
	s12 =	simm.s32 $0x1  }
0x29: {  	[tilespmem:s11], [sflag:$0x2] =	stream.indirect.gather [hbm4b:s1+s9], $0x80, s9, s9, $0xb8;
	[tilespmem:$0x1D000] =	vst v63  }
0x2a: {  	_ =	swait.ge [sflag:s12], $0x4000  }
0x2b: {  	[sflag:s12] =	ssyncset.done $0x0  }
0x2c: {  	[sflag:s12] =	ssyncadd.s32 $0xFFFFC000  }
0x2d: {  	[spmem:s3] =	stream.indirect.scatter.add.f32 [tilespmem:s10], [sflag:$0x3], $0x80, s31, s9, $0xb8;
	[tilespmem:$0x1D000] =	vst v63  }
0x2e: {  	_ =	swait.ge [sflag:s6], $0x4000  }
0x2f: {  	[sflag:s6] =	ssyncset.done $0x0  }
0x30: {  	s4 =	simm.s32 $0x100;
	s14 =	simm.s32 $0x2;
	[sflag:s6] =	ssyncadd.s32 $0xFFFFC000  }
0x31: {  	[tilespmem:s10], [sflag:$0x1] =	stream.indirect.gather [hbm4b:s1+s9], $0x80, s4, s9, $0xb8;
	[tilespmem:$0x1D000] =	vst v63  }
0x32: {  	_ =	swait.ge [sflag:s14], $0x4000  }
0x33: {  	[sflag:s14] =	ssyncset.done $0x0  }
0x34: {  	s5 =	simm.s32 $0x880;
	[sflag:s14] =	ssyncadd.s32 $0xFFFFC000  }
0x35: {  	[spmem:s3] =	stream.indirect.scatter.add.f32 [tilespmem:s11], [sflag:$0x3], $0x80, s5, s9, $0xb8;
	[tilespmem:$0x1D000] =	vst v63  }
0x36: {  	_ =	swait.ge [sflag:s6], $0x4000  }
0x37: {  	[sflag:s6] =	ssyncset.done $0x0  }
0x38: {  	s7 =	simm.s32 $0x180;
	[sflag:s6] =	ssyncadd.s32 $0xFFFFC000  }
0x39: {  	[tilespmem:s11], [sflag:$0x2] =	stream.indirect.gather [hbm4b:s1+s9], $0x80, s7, s9, $0xb8;
	[tilespmem:$0x1D000] =	vst v63  }
0x3a: {  	_ =	swait.ge [sflag:s12], $0x4000  }
0x3b: {  	[sflag:s12] =	ssyncset.done $0x0  }
0x3c: {  	s13 =	simm.s32 $0x900;
	[sflag:s12] =	ssyncadd.s32 $0xFFFFC000  }
0x3d: {  	[spmem:s3] =	stream.indirect.scatter.add.f32 [tilespmem:s10], [sflag:$0x3], $0x80, s13, s9, $0xb8;
	[tilespmem:$0x1D000] =	vst v63  }
0x3e: {  	_ =	swait.ge [sflag:s6], $0x4000  }
0x3f: {  	[sflag:s6] =	ssyncset.done $0x0  }
0x40: {  	s15 =	simm.s32 $0x200;
	[sflag:s6] =	ssyncadd.s32 $0xFFFFC000  }
0x41: {  	[tilespmem:s10], [sflag:$0x1] =	stream.indirect.gather [hbm4b:s1+s9], $0x80, s15, s9, $0xb8;
	[tilespmem:$0x1D000] =	vst v63  }
0x42: {  	_ =	swait.ge [sflag:s14], $0x4000  }
0x43: {  	[sflag:s14] =	ssyncset.done $0x0  }
0x44: {  	s16 =	simm.s32 $0x980;
	[sflag:s14] =	ssyncadd.s32 $0xFFFFC000  }
0x45: {  	[spmem:s3] =	stream.indirect.scatter.add.f32 [tilespmem:s11], [sflag:$0x3], $0x80, s16, s9, $0xb8;
	[tilespmem:$0x1D000] =	vst v63  }
0x46: {  	_ =	swait.ge [sflag:s6], $0x4000  }
0x47: {  	[sflag:s6] =	ssyncset.done $0x0  }
0x48: {  	s17 =	simm.s32 $0x280;
	[sflag:s6] =	ssyncadd.s32 $0xFFFFC000  }
0x49: {  	[tilespmem:s11], [sflag:$0x2] =	stream.indirect.gather [hbm4b:s1+s9], $0x80, s17, s9, $0xb8;
	[tilespmem:$0x1D000] =	vst v63  }
0x4a: {  	_ =	swait.ge [sflag:s12], $0x4000  }
0x4b: {  	[sflag:s12] =	ssyncset.done $0x0  }
0x4c: {  	s18 =	simm.s32 $0xA00;
	[sflag:s12] =	ssyncadd.s32 $0xFFFFC000  }
0x4d: {  	[spmem:s3] =	stream.indirect.scatter.add.f32 [tilespmem:s10], [sflag:$0x3], $0x80, s18, s9, $0xb8;
	[tilespmem:$0x1D000] =	vst v63  }
0x4e: {  	_ =	swait.ge [sflag:s6], $0x4000  }
0x4f: {  	[sflag:s6] =	ssyncset.done $0x0  }
0x50: {  	s19 =	simm.s32 $0x300;
	[sflag:s6] =	ssyncadd.s32 $0xFFFFC000  }
0x51: {  	[tilespmem:s10], [sflag:$0x1] =	stream.indirect.gather [hbm4b:s1+s9], $0x80, s19, s9, $0xb8;
	[tilespmem:$0x1D000] =	vst v63  }
0x52: {  	_ =	swait.ge [sflag:s14], $0x4000  }
0x53: {  	[sflag:s14] =	ssyncset.done $0x0  }
0x54: {  	s20 =	simm.s32 $0xA80;
	[sflag:s14] =	ssyncadd.s32 $0xFFFFC000  }
0x55: {  	[spmem:s3] =	stream.indirect.scatter.add.f32 [tilespmem:s11], [sflag:$0x3], $0x80, s20, s9, $0xb8;
	[tilespmem:$0x1D000] =	vst v63  }
0x56: {  	_ =	swait.ge [sflag:s6], $0x4000  }
0x57: {  	[sflag:s6] =	ssyncset.done $0x0  }
0x58: {  	s21 =	simm.s32 $0x380;
	[sflag:s6] =	ssyncadd.s32 $0xFFFFC000  }
0x59: {  	[tilespmem:s11], [sflag:$0x2] =	stream.indirect.gather [hbm4b:s1+s9], $0x80, s21, s9, $0xb8;
	[tilespmem:$0x1D000] =	vst v63  }
0x5a: {  	_ =	swait.ge [sflag:s12], $0x4000  }
0x5b: {  	[sflag:s12] =	ssyncset.done $0x0  }
0x5c: {  	s22 =	simm.s32 $0xB00;
	[sflag:s12] =	ssyncadd.s32 $0xFFFFC000  }
0x5d: {  	[spmem:s3] =	stream.indirect.scatter.add.f32 [tilespmem:s10], [sflag:$0x3], $0x80, s22, s9, $0xb8;
	[tilespmem:$0x1D000] =	vst v63  }
0x5e: {  	_ =	swait.ge [sflag:s6], $0x4000  }
0x5f: {  	[sflag:s6] =	ssyncset.done $0x0  }
0x60: {  	s23 =	simm.s32 $0x400;
	[sflag:s6] =	ssyncadd.s32 $0xFFFFC000  }
0x61: {  	[tilespmem:s10], [sflag:$0x1] =	stream.indirect.gather [hbm4b:s1+s9], $0x80, s23, s9, $0xb8;
	[tilespmem:$0x1D000] =	vst v63  }
0x62: {  	_ =	swait.ge [sflag:s14], $0x4000  }
0x63: {  	[sflag:s14] =	ssyncset.done $0x0  }
0x64: {  	s24 =	simm.s32 $0xB80;
	[sflag:s14] =	ssyncadd.s32 $0xFFFFC000  }
0x65: {  	[spmem:s3] =	stream.indirect.scatter.add.f32 [tilespmem:s11], [sflag:$0x3], $0x80, s24, s9, $0xb8;
	[tilespmem:$0x1D000] =	vst v63  }
0x66: {  	_ =	swait.ge [sflag:s6], $0x4000  }
0x67: {  	[sflag:s6] =	ssyncset.done $0x0  }
0x68: {  	s25 =	simm.s32 $0x480;
	[sflag:s6] =	ssyncadd.s32 $0xFFFFC000  }
0x69: {  	[tilespmem:s11], [sflag:$0x2] =	stream.indirect.gather [hbm4b:s1+s9], $0x80, s25, s9, $0xb8;
	[tilespmem:$0x1D000] =	vst v63  }
0x6a: {  	_ =	swait.ge [sflag:s12], $0x4000  }
0x6b: {  	[sflag:s12] =	ssyncset.done $0x0  }
0x6c: {  	s26 =	simm.s32 $0xC00;
	[sflag:s12] =	ssyncadd.s32 $0xFFFFC000  }
0x6d: {  	[spmem:s3] =	stream.indirect.scatter.add.f32 [tilespmem:s10], [sflag:$0x3], $0x80, s26, s9, $0xb8;
	[tilespmem:$0x1D000] =	vst v63  }
0x6e: {  	_ =	swait.ge [sflag:s6], $0x4000  }
0x6f: {  	[sflag:s6] =	ssyncset.done $0x0  }
0x70: {  	s28 =	simm.s32 $0x500;
	[sflag:s6] =	ssyncadd.s32 $0xFFFFC000  }
0x71: {  	[tilespmem:s10], [sflag:$0x1] =	stream.indirect.gather [hbm4b:s1+s9], $0x80, s28, s9, $0xb8;
	[tilespmem:$0x1D000] =	vst v63  }
0x72: {  	_ =	swait.ge [sflag:s14], $0x4000  }
0x73: {  	[sflag:s14] =	ssyncset.done $0x0  }
0x74: {  	s29 =	simm.s32 $0xC80;
	[sflag:s14] =	ssyncadd.s32 $0xFFFFC000  }
0x75: {  	[spmem:s3] =	stream.indirect.scatter.add.f32 [tilespmem:s11], [sflag:$0x3], $0x80, s29, s9, $0xb8;
	[tilespmem:$0x1D000] =	vst v63  }
0x76: {  	_ =	swait.ge [sflag:s6], $0x4000  }
0x77: {  	[sflag:s6] =	ssyncset.done $0x0  }
0x78: {  	s30 =	simm.s32 $0x580;
	[sflag:s6] =	ssyncadd.s32 $0xFFFFC000  }
0x79: {  	[tilespmem:s11], [sflag:$0x2] =	stream.indirect.gather [hbm4b:s1+s9], $0x80, s30, s9, $0xb8;
	[tilespmem:$0x1D000] =	vst v63  }
0x7a: {  	_ =	swait.ge [sflag:s12], $0x4000  }
0x7b: {  	[sflag:s12] =	ssyncset.done $0x0  }
0x7c: {  	s31 =	simm.s32 $0xD00;
	[sflag:s12] =	ssyncadd.s32 $0xFFFFC000  }
0x7d: {  	[spmem:s3] =	stream.indirect.scatter.add.f32 [tilespmem:s10], [sflag:$0x3], $0x80, s31, s9, $0xb8;
	[tilespmem:$0x1D000] =	vst v63  }
0x7e: {  	_ =	swait.ge [sflag:s6], $0x4000  }
0x7f: {  	[sflag:s6] =	ssyncset.done $0x0  }
0x80: {  	s2 =	simm.s32 $0x600;
	[sflag:s6] =	ssyncadd.s32 $0xFFFFC000  }
0x81: {  	[tilespmem:s10], [sflag:$0x1] =	stream.indirect.gather [hbm4b:s1+s9], $0x80, s2, s9, $0xb8;
	[tilespmem:$0x1D000] =	vst v63  }
0x82: {  	_ =	swait.ge [sflag:s14], $0x4000  }
0x83: {  	[sflag:s14] =	ssyncset.done $0x0  }
0x84: {  	s4 =	simm.s32 $0xD80;
	[sflag:s14] =	ssyncadd.s32 $0xFFFFC000  }
0x85: {  	[spmem:s3] =	stream.indirect.scatter.add.f32 [tilespmem:s11], [sflag:$0x3], $0x80, s4, s9, $0xb8;
	[tilespmem:$0x1D000] =	vst v63  }
0x86: {  	_ =	swait.ge [sflag:s6], $0x4000  }
0x87: {  	[sflag:s6] =	ssyncset.done $0x0  }
0x88: {  	s5 =	simm.s32 $0x680;
	[sflag:s6] =	ssyncadd.s32 $0xFFFFC000  }
0x89: {  	[tilespmem:s11], [sflag:$0x2] =	stream.indirect.gather [hbm4b:s1+s9], $0x80, s5, s9, $0xb8;
	[tilespmem:$0x1D000] =	vst v63  }
0x8a: {  	_ =	swait.ge [sflag:s12], $0x4000  }
0x8b: {  	[sflag:s12] =	ssyncset.done $0x0  }
0x8c: {  	s7 =	simm.s32 $0xE00;
	[sflag:s12] =	ssyncadd.s32 $0xFFFFC000  }
0x8d: {  	[spmem:s3] =	stream.indirect.scatter.add.f32 [tilespmem:s10], [sflag:$0x3], $0x80, s7, s9, $0xb8;
	[tilespmem:$0x1D000] =	vst v63  }
0x8e: {  	_ =	swait.ge [sflag:s6], $0x4000  }
0x8f: {  	[sflag:s6] =	ssyncset.done $0x0  }
0x90: {  	s13 =	simm.s32 $0x700;
	[sflag:s6] =	ssyncadd.s32 $0xFFFFC000  }
0x91: {  	[tilespmem:s10], [sflag:$0x1] =	stream.indirect.gather [hbm4b:s1+s9], $0x80, s13, s9, $0xb8;
	[tilespmem:$0x1D000] =	vst v63  }
0x92: {  	_ =	swait.ge [sflag:s14], $0x4000  }
0x93: {  	[sflag:s14] =	ssyncset.done $0x0  }
0x94: {  	s15 =	simm.s32 $0xE80;
	[sflag:s14] =	ssyncadd.s32 $0xFFFFC000  }
0x95: {  	[spmem:s3] =	stream.indirect.scatter.add.f32 [tilespmem:s11], [sflag:$0x3], $0x80, s15, s9, $0xb8;
	[tilespmem:$0x1D000] =	vst v63  }
0x96: {  	_ =	swait.ge [sflag:s6], $0x4000  }
0x97: {  	[sflag:s6] =	ssyncset.done $0x0  }
0x98: {  	s16 =	simm.s32 $0x780;
	[sflag:s6] =	ssyncadd.s32 $0xFFFFC000  }
0x99: {  	[tilespmem:s11], [sflag:$0x2] =	stream.indirect.gather [hbm4b:s1+s9], $0x80, s16, s9, $0xb8;
	[tilespmem:$0x1D000] =	vst v63  }
0x9a: {  	_ =	swait.ge [sflag:s12], $0x4000  }
0x9b: {  	[sflag:s12] =	ssyncset.done $0x0  }
0x9c: {  	s17 =	simm.s32 $0xF00;
	[sflag:s12] =	ssyncadd.s32 $0xFFFFC000  }
0x9d: {  	[spmem:s3] =	stream.indirect.scatter.add.f32 [tilespmem:s10], [sflag:$0x3], $0x80, s17, s9, $0xb8;
	[tilespmem:$0x1D000] =	vst v63  }
0x9e: {  	_ =	swait.ge [sflag:s6], $0x4000  }
0x9f: {  	[sflag:s6] =	ssyncset.done $0x0  }
0xa0: {  	[sflag:s6] =	ssyncadd.s32 $0xFFFFC000  }
0xa1: {  	_ =	swait.ge [sflag:s14], $0x4000  }
0xa2: {  	[sflag:s14] =	ssyncset.done $0x0  }
0xa3: {  	s18 =	simm.s32 $0xF80;
	[sflag:s14] =	ssyncadd.s32 $0xFFFFC000  }
0xa4: {  	[spmem:s3] =	stream.indirect.scatter.add.f32 [tilespmem:s11], [sflag:$0x3], $0x80, s18, s9, $0xb8;
	[tilespmem:$0x1D000] =	vst v63  }
0xa5: {  	_ =	swait.ge [sflag:s6], $0x4000  }
0xa6: {  	[sflag:s6] =	ssyncset.done $0x0  }
0xa7: {  	s22 =	rddreg [dreg:$0x7];
	[sflag:s6] =	ssyncadd.s32 $0xFFFFC000  }
0xa8: {  	[tilespmem:s8], [sflag:$0x3] =	stream.linear.gather [hbm4b:s22+s8], $0x800, $0x38;
	[tilespmem:$0x1D000] =	vst v63  }
0xa9: {  	_ =	swait.ge [sflag:s6], $0x800  }
0xaa: {  	[sflag:s6] =	ssyncset.done $0x0  }
0xab: {  	s20 =	simm.s32 $0x800;
	s19 =	rddreg [dreg:$0x8];
	[sflag:s6] =	ssyncadd.s32 $0xFFFFF800  }
0xac: {  	[tilespmem:s20], [sflag:$0x3] =	stream.linear.gather [hbm4b:s19+s8], $0x800, $0x38;
	[tilespmem:$0x1D000] =	vst v63  }
0xad: {  	_ =	swait.ge [sflag:s6], $0x800  }
0xae: {  	[sflag:s6] =	ssyncset.done $0x0  }
0xaf: {  	[sflag:s6] =	ssyncadd.s32 $0xFFFFF800  }
0xb0: {  	[tilespmem:s10], [sflag:$0x1] =	stream.indirect.gather [hbm4b:s1+s9], $0x80, s8, s9, $0xb8;
	[tilespmem:$0x1D000] =	vst v63  }
0xb1: {  	_ = 	snop  }
0xb2: {  	[tilespmem:s11], [sflag:$0x2] =	stream.indirect.gather [hbm4b:s1+s9], $0x80, s9, s9, $0xb8;
	[tilespmem:$0x1D000] =	vst v63  }
0xb3: {  	_ =	swait.ge [sflag:s12], $0x4000  }
0xb4: {  	[sflag:s12] =	ssyncset.done $0x0  }
0xb5: {  	[sflag:s12] =	ssyncadd.s32 $0xFFFFC000  }
0xb6: {  	[spmem:s3] =	stream.indirect.scatter.add.f32 [tilespmem:s10], [sflag:$0x3], $0x80, s20, s9, $0xb8;
	[tilespmem:$0x1D000] =	vst v63  }
0xb7: {  	_ =	swait.ge [sflag:s6], $0x4000  }
0xb8: {  	[sflag:s6] =	ssyncset.done $0x0  }
0xb9: {  	s21 =	simm.s32 $0x100;
	[sflag:s6] =	ssyncadd.s32 $0xFFFFC000  }
0xba: {  	[tilespmem:s10], [sflag:$0x1] =	stream.indirect.gather [hbm4b:s1+s9], $0x80, s21, s9, $0xb8;
	[tilespmem:$0x1D000] =	vst v63  }
0xbb: {  	_ =	swait.ge [sflag:s14], $0x4000  }
0xbc: {  	[sflag:s14] =	ssyncset.done $0x0  }
0xbd: {  	s2 =	simm.s32 $0x880;
	[sflag:s14] =	ssyncadd.s32 $0xFFFFC000  }
0xbe: {  	[spmem:s3] =	stream.indirect.scatter.add.f32 [tilespmem:s11], [sflag:$0x3], $0x80, s2, s9, $0xb8;
	[tilespmem:$0x1D000] =	vst v63  }
0xbf: {  	_ =	swait.ge [sflag:s6], $0x4000  }
0xc0: {  	[sflag:s6] =	ssyncset.done $0x0  }
0xc1: {  	s4 =	simm.s32 $0x180;
	[sflag:s6] =	ssyncadd.s32 $0xFFFFC000  }
0xc2: {  	[tilespmem:s11], [sflag:$0x2] =	stream.indirect.gather [hbm4b:s1+s9], $0x80, s4, s9, $0xb8;
	[tilespmem:$0x1D000] =	vst v63  }
0xc3: {  	_ =	swait.ge [sflag:s12], $0x4000  }
0xc4: {  	[sflag:s12] =	ssyncset.done $0x0  }
0xc5: {  	s5 =	simm.s32 $0x900;
	[sflag:s12] =	ssyncadd.s32 $0xFFFFC000  }
0xc6: {  	[spmem:s3] =	stream.indirect.scatter.add.f32 [tilespmem:s10], [sflag:$0x3], $0x80, s5, s9, $0xb8;
	[tilespmem:$0x1D000] =	vst v63  }
0xc7: {  	_ =	swait.ge [sflag:s6], $0x4000  }
0xc8: {  	[sflag:s6] =	ssyncset.done $0x0  }
0xc9: {  	s7 =	simm.s32 $0x200;
	[sflag:s6] =	ssyncadd.s32 $0xFFFFC000  }
0xca: {  	[tilespmem:s10], [sflag:$0x1] =	stream.indirect.gather [hbm4b:s1+s9], $0x80, s7, s9, $0xb8;
	[tilespmem:$0x1D000] =	vst v63  }
0xcb: {  	_ =	swait.ge [sflag:s14], $0x4000  }
0xcc: {  	[sflag:s14] =	ssyncset.done $0x0  }
0xcd: {  	s13 =	simm.s32 $0x980;
	[sflag:s14] =	ssyncadd.s32 $0xFFFFC000  }
0xce: {  	[spmem:s3] =	stream.indirect.scatter.add.f32 [tilespmem:s11], [sflag:$0x3], $0x80, s13, s9, $0xb8;
	[tilespmem:$0x1D000] =	vst v63  }
0xcf: {  	_ =	swait.ge [sflag:s6], $0x4000  }
0xd0: {  	[sflag:s6] =	ssyncset.done $0x0  }
0xd1: {  	s15 =	simm.s32 $0x280;
	[sflag:s6] =	ssyncadd.s32 $0xFFFFC000  }
0xd2: {  	[tilespmem:s11], [sflag:$0x2] =	stream.indirect.gather [hbm4b:s1+s9], $0x80, s15, s9, $0xb8;
	[tilespmem:$0x1D000] =	vst v63  }
0xd3: {  	_ =	swait.ge [sflag:s12], $0x4000  }
0xd4: {  	[sflag:s12] =	ssyncset.done $0x0  }
0xd5: {  	s16 =	simm.s32 $0xA00;
	[sflag:s12] =	ssyncadd.s32 $0xFFFFC000  }
0xd6: {  	[spmem:s3] =	stream.indirect.scatter.add.f32 [tilespmem:s10], [sflag:$0x3], $0x80, s16, s9, $0xb8;
	[tilespmem:$0x1D000] =	vst v63  }
0xd7: {  	_ =	swait.ge [sflag:s6], $0x4000  }
0xd8: {  	[sflag:s6] =	ssyncset.done $0x0  }
0xd9: {  	s17 =	simm.s32 $0x300;
	[sflag:s6] =	ssyncadd.s32 $0xFFFFC000  }
0xda: {  	[tilespmem:s10], [sflag:$0x1] =	stream.indirect.gather [hbm4b:s1+s9], $0x80, s17, s9, $0xb8;
	[tilespmem:$0x1D000] =	vst v63  }
0xdb: {  	_ =	swait.ge [sflag:s14], $0x4000  }
0xdc: {  	[sflag:s14] =	ssyncset.done $0x0  }
0xdd: {  	s18 =	simm.s32 $0xA80;
	[sflag:s14] =	ssyncadd.s32 $0xFFFFC000  }
0xde: {  	[spmem:s3] =	stream.indirect.scatter.add.f32 [tilespmem:s11], [sflag:$0x3], $0x80, s18, s9, $0xb8;
	[tilespmem:$0x1D000] =	vst v63  }
0xdf: {  	_ =	swait.ge [sflag:s6], $0x4000  }
0xe0: {  	[sflag:s6] =	ssyncset.done $0x0  }
0xe1: {  	s19 =	simm.s32 $0x380;
	[sflag:s6] =	ssyncadd.s32 $0xFFFFC000  }
0xe2: {  	[tilespmem:s11], [sflag:$0x2] =	stream.indirect.gather [hbm4b:s1+s9], $0x80, s19, s9, $0xb8;
	[tilespmem:$0x1D000] =	vst v63  }
0xe3: {  	_ =	swait.ge [sflag:s12], $0x4000  }
0xe4: {  	[sflag:s12] =	ssyncset.done $0x0  }
0xe5: {  	s20 =	simm.s32 $0xB00;
	[sflag:s12] =	ssyncadd.s32 $0xFFFFC000  }
0xe6: {  	[spmem:s3] =	stream.indirect.scatter.add.f32 [tilespmem:s10], [sflag:$0x3], $0x80, s20, s9, $0xb8;
	[tilespmem:$0x1D000] =	vst v63  }
0xe7: {  	_ =	swait.ge [sflag:s6], $0x4000  }
0xe8: {  	[sflag:s6] =	ssyncset.done $0x0  }
0xe9: {  	s21 =	simm.s32 $0x400;
	[sflag:s6] =	ssyncadd.s32 $0xFFFFC000  }
0xea: {  	[tilespmem:s10], [sflag:$0x1] =	stream.indirect.gather [hbm4b:s1+s9], $0x80, s21, s9, $0xb8;
	[tilespmem:$0x1D000] =	vst v63  }
0xeb: {  	_ =	swait.ge [sflag:s14], $0x4000  }
0xec: {  	[sflag:s14] =	ssyncset.done $0x0  }
0xed: {  	s23 =	simm.s32 $0xB80;
	[sflag:s14] =	ssyncadd.s32 $0xFFFFC000  }
0xee: {  	[spmem:s3] =	stream.indirect.scatter.add.f32 [tilespmem:s11], [sflag:$0x3], $0x80, s23, s9, $0xb8;
	[tilespmem:$0x1D000] =	vst v63  }
0xef: {  	_ =	swait.ge [sflag:s6], $0x4000  }
0xf0: {  	[sflag:s6] =	ssyncset.done $0x0  }
0xf1: {  	s24 =	simm.s32 $0x480;
	[sflag:s6] =	ssyncadd.s32 $0xFFFFC000  }
0xf2: {  	[tilespmem:s11], [sflag:$0x2] =	stream.indirect.gather [hbm4b:s1+s9], $0x80, s24, s9, $0xb8;
	[tilespmem:$0x1D000] =	vst v63  }
0xf3: {  	_ =	swait.ge [sflag:s12], $0x4000  }
0xf4: {  	[sflag:s12] =	ssyncset.done $0x0  }
0xf5: {  	s25 =	simm.s32 $0xC00;
	[sflag:s12] =	ssyncadd.s32 $0xFFFFC000  }
0xf6: {  	[spmem:s3] =	stream.indirect.scatter.add.f32 [tilespmem:s10], [sflag:$0x3], $0x80, s25, s9, $0xb8;
	[tilespmem:$0x1D000] =	vst v63  }
0xf7: {  	_ =	swait.ge [sflag:s6], $0x4000  }
0xf8: {  	[sflag:s6] =	ssyncset.done $0x0  }
0xf9: {  	s26 =	simm.s32 $0x500;
	[sflag:s6] =	ssyncadd.s32 $0xFFFFC000  }
0xfa: {  	[tilespmem:s10], [sflag:$0x1] =	stream.indirect.gather [hbm4b:s1+s9], $0x80, s26, s9, $0xb8;
	[tilespmem:$0x1D000] =	vst v63  }
0xfb: {  	_ =	swait.ge [sflag:s14], $0x4000  }
0xfc: {  	[sflag:s14] =	ssyncset.done $0x0  }
0xfd: {  	s28 =	simm.s32 $0xC80;
	[sflag:s14] =	ssyncadd.s32 $0xFFFFC000  }
0xfe: {  	[spmem:s3] =	stream.indirect.scatter.add.f32 [tilespmem:s11], [sflag:$0x3], $0x80, s28, s9, $0xb8;
	[tilespmem:$0x1D000] =	vst v63  }
0xff: {  	_ =	swait.ge [sflag:s6], $0x4000  }
0x100: {  	[sflag:s6] =	ssyncset.done $0x0  }
0x101: {  	s29 =	simm.s32 $0x580;
	[sflag:s6] =	ssyncadd.s32 $0xFFFFC000  }
0x102: {  	[tilespmem:s11], [sflag:$0x2] =	stream.indirect.gather [hbm4b:s1+s9], $0x80, s29, s9, $0xb8;
	[tilespmem:$0x1D000] =	vst v63  }
0x103: {  	_ =	swait.ge [sflag:s12], $0x4000  }
0x104: {  	[sflag:s12] =	ssyncset.done $0x0  }
0x105: {  	s30 =	simm.s32 $0xD00;
	[sflag:s12] =	ssyncadd.s32 $0xFFFFC000  }
0x106: {  	[spmem:s3] =	stream.indirect.scatter.add.f32 [tilespmem:s10], [sflag:$0x3], $0x80, s30, s9, $0xb8;
	[tilespmem:$0x1D000] =	vst v63  }
0x107: {  	_ =	swait.ge [sflag:s6], $0x4000  }
0x108: {  	[sflag:s6] =	ssyncset.done $0x0  }
0x109: {  	s31 =	simm.s32 $0x600;
	[sflag:s6] =	ssyncadd.s32 $0xFFFFC000  }
0x10a: {  	[tilespmem:s10], [sflag:$0x1] =	stream.indirect.gather [hbm4b:s1+s9], $0x80, s31, s9, $0xb8;
	[tilespmem:$0x1D000] =	vst v63  }
0x10b: {  	_ =	swait.ge [sflag:s14], $0x4000  }
0x10c: {  	[sflag:s14] =	ssyncset.done $0x0  }
0x10d: {  	s22 =	simm.s32 $0xD80;
	[sflag:s14] =	ssyncadd.s32 $0xFFFFC000  }
0x10e: {  	[spmem:s3] =	stream.indirect.scatter.add.f32 [tilespmem:s11], [sflag:$0x3], $0x80, s22, s9, $0xb8;
	[tilespmem:$0x1D000] =	vst v63  }
0x10f: {  	_ =	swait.ge [sflag:s6], $0x4000  }
0x110: {  	[sflag:s6] =	ssyncset.done $0x0  }
0x111: {  	s22 =	simm.s32 $0x680;
	[sflag:s6] =	ssyncadd.s32 $0xFFFFC000  }
0x112: {  	[tilespmem:s11], [sflag:$0x2] =	stream.indirect.gather [hbm4b:s1+s9], $0x80, s22, s9, $0xb8;
	[tilespmem:$0x1D000] =	vst v63  }
0x113: {  	_ =	swait.ge [sflag:s12], $0x4000  }
0x114: {  	[sflag:s12] =	ssyncset.done $0x0  }
0x115: {  	s22 =	simm.s32 $0xE00;
	[sflag:s12] =	ssyncadd.s32 $0xFFFFC000  }
0x116: {  	[spmem:s3] =	stream.indirect.scatter.add.f32 [tilespmem:s10], [sflag:$0x3], $0x80, s22, s9, $0xb8;
	[tilespmem:$0x1D000] =	vst v63  }
0x117: {  	_ =	swait.ge [sflag:s6], $0x4000  }
0x118: {  	[sflag:s6] =	ssyncset.done $0x0  }
0x119: {  	s22 =	simm.s32 $0x700;
	[sflag:s6] =	ssyncadd.s32 $0xFFFFC000  }
0x11a: {  	[tilespmem:s10], [sflag:$0x1] =	stream.indirect.gather [hbm4b:s1+s9], $0x80, s22, s9, $0xb8;
	[tilespmem:$0x1D000] =	vst v63  }
0x11b: {  	_ =	swait.ge [sflag:s14], $0x4000  }
0x11c: {  	[sflag:s14] =	ssyncset.done $0x0  }
0x11d: {  	s22 =	simm.s32 $0xE80;
	[sflag:s14] =	ssyncadd.s32 $0xFFFFC000  }
0x11e: {  	[spmem:s3] =	stream.indirect.scatter.add.f32 [tilespmem:s11], [sflag:$0x3], $0x80, s22, s9, $0xb8;
	[tilespmem:$0x1D000] =	vst v63  }
0x11f: {  	_ =	swait.ge [sflag:s6], $0x4000  }
0x120: {  	[sflag:s6] =	ssyncset.done $0x0  }
0x121: {  	s22 =	simm.s32 $0x780;
	[sflag:s6] =	ssyncadd.s32 $0xFFFFC000  }
0x122: {  	[tilespmem:s11], [sflag:$0x2] =	stream.indirect.gather [hbm4b:s1+s9], $0x80, s22, s9, $0xb8;
	[tilespmem:$0x1D000] =	vst v63  }
0x123: {  	_ =	swait.ge [sflag:s12], $0x4000  }
0x124: {  	[sflag:s12] =	ssyncset.done $0x0  }
0x125: {  	s22 =	simm.s32 $0xF00;
	[sflag:s12] =	ssyncadd.s32 $0xFFFFC000  }
0x126: {  	[spmem:s3] =	stream.indirect.scatter.add.f32 [tilespmem:s10], [sflag:$0x3], $0x80, s22, s9, $0xb8;
	[tilespmem:$0x1D000] =	vst v63  }
0x127: {  	_ =	swait.ge [sflag:s6], $0x4000  }
0x128: {  	[sflag:s6] =	ssyncset.done $0x0  }
0x129: {  	[sflag:s6] =	ssyncadd.s32 $0xFFFFC000  }
0x12a: {  	_ =	swait.ge [sflag:s14], $0x4000  }
0x12b: {  	[sflag:s14] =	ssyncset.done $0x0  }
0x12c: {  	s22 =	simm.s32 $0xF80;
	[sflag:s14] =	ssyncadd.s32 $0xFFFFC000  }
0x12d: {  	[spmem:s3] =	stream.indirect.scatter.add.f32 [tilespmem:s11], [sflag:$0x3], $0x80, s22, s9, $0xb8;
	[tilespmem:$0x1D000] =	vst v63  }
0x12e: {  	_ =	swait.ge [sflag:s6], $0x4000  }
0x12f: {  	[sflag:s6] =	ssyncset.done $0x0  }
0x130: {  	s22 =	rddreg [dreg:$0x9];
	[sflag:s6] =	ssyncadd.s32 $0xFFFFC000  }
0x131: {  	[tilespmem:s8], [sflag:$0x3] =	stream.linear.gather [hbm4b:s22+s8], $0x800, $0x38;
	[tilespmem:$0x1D000] =	vst v63  }
0x132: {  	_ =	swait.ge [sflag:s6], $0x800  }
0x133: {  	[sflag:s6] =	ssyncset.done $0x0  }
0x134: {  	s0 =	simm.s32 $0x800;
	s22 =	rddreg [dreg:$0xa];
	[sflag:s6] =	ssyncadd.s32 $0xFFFFF800  }
0x135: {  	[tilespmem:s0], [sflag:$0x3] =	stream.linear.gather [hbm4b:s22+s8], $0x800, $0x38;
	[tilespmem:$0x1D000] =	vst v63  }
0x136: {  	_ =	swait.ge [sflag:s6], $0x800  }
0x137: {  	[sflag:s6] =	ssyncset.done $0x0  }
0x138: {  	[sflag:s6] =	ssyncadd.s32 $0xFFFFF800  }
0x139: {  	[tilespmem:s10], [sflag:$0x1] =	stream.indirect.gather [hbm4b:s1+s9], $0x80, s8, s9, $0xb8;
	[tilespmem:$0x1D000] =	vst v63  }
0x13a: {  	_ = 	snop  }
0x13b: {  	[tilespmem:s11], [sflag:$0x2] =	stream.indirect.gather [hbm4b:s1+s9], $0x80, s9, s9, $0xb8;
	[tilespmem:$0x1D000] =	vst v63  }
0x13c: {  	_ =	swait.ge [sflag:s12], $0x4000  }
0x13d: {  	[sflag:s12] =	ssyncset.done $0x0  }
0x13e: {  	[sflag:s12] =	ssyncadd.s32 $0xFFFFC000  }
0x13f: {  	[spmem:s3] =	stream.indirect.scatter.add.f32 [tilespmem:s10], [sflag:$0x3], $0x80, s0, s9, $0xb8;
	[tilespmem:$0x1D000] =	vst v63  }
0x140: {  	_ =	swait.ge [sflag:s6], $0x4000  }
0x141: {  	[sflag:s6] =	ssyncset.done $0x0  }
0x142: {  	s22 =	simm.s32 $0x100;
	[sflag:s6] =	ssyncadd.s32 $0xFFFFC000  }
0x143: {  	[tilespmem:s10], [sflag:$0x1] =	stream.indirect.gather [hbm4b:s1+s9], $0x80, s22, s9, $0xb8;
	[tilespmem:$0x1D000] =	vst v63  }
0x144: {  	_ =	swait.ge [sflag:s14], $0x4000  }
0x145: {  	[sflag:s14] =	ssyncset.done $0x0  }
0x146: {  	[sflag:s14] =	ssyncadd.s32 $0xFFFFC000  }
0x147: {  	[spmem:s3] =	stream.indirect.scatter.add.f32 [tilespmem:s11], [sflag:$0x3], $0x80, s2, s9, $0xb8;
	[tilespmem:$0x1D000] =	vst v63  }
0x148: {  	_ =	swait.ge [sflag:s6], $0x4000  }
0x149: {  	[sflag:s6] =	ssyncset.done $0x0  }
0x14a: {  	[sflag:s6] =	ssyncadd.s32 $0xFFFFC000  }
0x14b: {  	[tilespmem:s11], [sflag:$0x2] =	stream.indirect.gather [hbm4b:s1+s9], $0x80, s4, s9, $0xb8;
	[tilespmem:$0x1D000] =	vst v63  }
0x14c: {  	_ =	swait.ge [sflag:s12], $0x4000  }
0x14d: {  	[sflag:s12] =	ssyncset.done $0x0  }
0x14e: {  	[sflag:s12] =	ssyncadd.s32 $0xFFFFC000  }
0x14f: {  	[spmem:s3] =	stream.indirect.scatter.add.f32 [tilespmem:s10], [sflag:$0x3], $0x80, s5, s9, $0xb8;
	[tilespmem:$0x1D000] =	vst v63  }
0x150: {  	_ =	swait.ge [sflag:s6], $0x4000  }
0x151: {  	[sflag:s6] =	ssyncset.done $0x0  }
0x152: {  	[sflag:s6] =	ssyncadd.s32 $0xFFFFC000  }
0x153: {  	[tilespmem:s10], [sflag:$0x1] =	stream.indirect.gather [hbm4b:s1+s9], $0x80, s7, s9, $0xb8;
	[tilespmem:$0x1D000] =	vst v63  }
0x154: {  	_ =	swait.ge [sflag:s14], $0x4000  }
0x155: {  	[sflag:s14] =	ssyncset.done $0x0  }
0x156: {  	[sflag:s14] =	ssyncadd.s32 $0xFFFFC000  }
0x157: {  	[spmem:s3] =	stream.indirect.scatter.add.f32 [tilespmem:s11], [sflag:$0x3], $0x80, s13, s9, $0xb8;
	[tilespmem:$0x1D000] =	vst v63  }
0x158: {  	_ =	swait.ge [sflag:s6], $0x4000  }
0x159: {  	[sflag:s6] =	ssyncset.done $0x0  }
0x15a: {  	[sflag:s6] =	ssyncadd.s32 $0xFFFFC000  }
0x15b: {  	[tilespmem:s11], [sflag:$0x2] =	stream.indirect.gather [hbm4b:s1+s9], $0x80, s15, s9, $0xb8;
	[tilespmem:$0x1D000] =	vst v63  }
0x15c: {  	_ =	swait.ge [sflag:s12], $0x4000  }
0x15d: {  	[sflag:s12] =	ssyncset.done $0x0  }
0x15e: {  	[sflag:s12] =	ssyncadd.s32 $0xFFFFC000  }
0x15f: {  	[spmem:s3] =	stream.indirect.scatter.add.f32 [tilespmem:s10], [sflag:$0x3], $0x80, s16, s9, $0xb8;
	[tilespmem:$0x1D000] =	vst v63  }
0x160: {  	_ =	swait.ge [sflag:s6], $0x4000  }
0x161: {  	[sflag:s6] =	ssyncset.done $0x0  }
0x162: {  	[sflag:s6] =	ssyncadd.s32 $0xFFFFC000  }
0x163: {  	[tilespmem:s10], [sflag:$0x1] =	stream.indirect.gather [hbm4b:s1+s9], $0x80, s17, s9, $0xb8;
	[tilespmem:$0x1D000] =	vst v63  }
0x164: {  	_ =	swait.ge [sflag:s14], $0x4000  }
0x165: {  	[sflag:s14] =	ssyncset.done $0x0  }
0x166: {  	[sflag:s14] =	ssyncadd.s32 $0xFFFFC000  }
0x167: {  	[spmem:s3] =	stream.indirect.scatter.add.f32 [tilespmem:s11], [sflag:$0x3], $0x80, s18, s9, $0xb8;
	[tilespmem:$0x1D000] =	vst v63  }
0x168: {  	_ =	swait.ge [sflag:s6], $0x4000  }
0x169: {  	[sflag:s6] =	ssyncset.done $0x0  }
0x16a: {  	[sflag:s6] =	ssyncadd.s32 $0xFFFFC000  }
0x16b: {  	[tilespmem:s11], [sflag:$0x2] =	stream.indirect.gather [hbm4b:s1+s9], $0x80, s19, s9, $0xb8;
	[tilespmem:$0x1D000] =	vst v63  }
0x16c: {  	_ =	swait.ge [sflag:s12], $0x4000  }
0x16d: {  	[sflag:s12] =	ssyncset.done $0x0  }
0x16e: {  	[sflag:s12] =	ssyncadd.s32 $0xFFFFC000  }
0x16f: {  	[spmem:s3] =	stream.indirect.scatter.add.f32 [tilespmem:s10], [sflag:$0x3], $0x80, s20, s9, $0xb8;
	[tilespmem:$0x1D000] =	vst v63  }
0x170: {  	_ =	swait.ge [sflag:s6], $0x4000  }
0x171: {  	[sflag:s6] =	ssyncset.done $0x0  }
0x172: {  	[sflag:s6] =	ssyncadd.s32 $0xFFFFC000  }
0x173: {  	[tilespmem:s10], [sflag:$0x1] =	stream.indirect.gather [hbm4b:s1+s9], $0x80, s21, s9, $0xb8;
	[tilespmem:$0x1D000] =	vst v63  }
0x174: {  	_ =	swait.ge [sflag:s14], $0x4000  }
0x175: {  	[sflag:s14] =	ssyncset.done $0x0  }
0x176: {  	[sflag:s14] =	ssyncadd.s32 $0xFFFFC000  }
0x177: {  	[spmem:s3] =	stream.indirect.scatter.add.f32 [tilespmem:s11], [sflag:$0x3], $0x80, s23, s9, $0xb8;
	[tilespmem:$0x1D000] =	vst v63  }
0x178: {  	_ =	swait.ge [sflag:s6], $0x4000  }
0x179: {  	[sflag:s6] =	ssyncset.done $0x0  }
0x17a: {  	[sflag:s6] =	ssyncadd.s32 $0xFFFFC000  }
0x17b: {  	[tilespmem:s11], [sflag:$0x2] =	stream.indirect.gather [hbm4b:s1+s9], $0x80, s24, s9, $0xb8;
	[tilespmem:$0x1D000] =	vst v63  }
0x17c: {  	_ =	swait.ge [sflag:s12], $0x4000  }
0x17d: {  	[sflag:s12] =	ssyncset.done $0x0  }
0x17e: {  	[sflag:s12] =	ssyncadd.s32 $0xFFFFC000  }
0x17f: {  	[spmem:s3] =	stream.indirect.scatter.add.f32 [tilespmem:s10], [sflag:$0x3], $0x80, s25, s9, $0xb8;
	[tilespmem:$0x1D000] =	vst v63  }
0x180: {  	_ =	swait.ge [sflag:s6], $0x4000  }
0x181: {  	[sflag:s6] =	ssyncset.done $0x0  }
0x182: {  	[sflag:s6] =	ssyncadd.s32 $0xFFFFC000  }
0x183: {  	[tilespmem:s10], [sflag:$0x1] =	stream.indirect.gather [hbm4b:s1+s9], $0x80, s26, s9, $0xb8;
	[tilespmem:$0x1D000] =	vst v63  }
0x184: {  	_ =	swait.ge [sflag:s14], $0x4000  }
0x185: {  	[sflag:s14] =	ssyncset.done $0x0  }
0x186: {  	[sflag:s14] =	ssyncadd.s32 $0xFFFFC000  }
0x187: {  	[spmem:s3] =	stream.indirect.scatter.add.f32 [tilespmem:s11], [sflag:$0x3], $0x80, s28, s9, $0xb8;
	[tilespmem:$0x1D000] =	vst v63  }
0x188: {  	_ =	swait.ge [sflag:s6], $0x4000  }
0x189: {  	[sflag:s6] =	ssyncset.done $0x0  }
0x18a: {  	[sflag:s6] =	ssyncadd.s32 $0xFFFFC000  }
0x18b: {  	[tilespmem:s11], [sflag:$0x2] =	stream.indirect.gather [hbm4b:s1+s9], $0x80, s29, s9, $0xb8;
	[tilespmem:$0x1D000] =	vst v63  }
0x18c: {  	_ =	swait.ge [sflag:s12], $0x4000  }
0x18d: {  	[sflag:s12] =	ssyncset.done $0x0  }
0x18e: {  	[sflag:s12] =	ssyncadd.s32 $0xFFFFC000  }
0x18f: {  	[spmem:s3] =	stream.indirect.scatter.add.f32 [tilespmem:s10], [sflag:$0x3], $0x80, s30, s9, $0xb8;
	[tilespmem:$0x1D000] =	vst v63  }
0x190: {  	_ =	swait.ge [sflag:s6], $0x4000  }
0x191: {  	[sflag:s6] =	ssyncset.done $0x0  }
0x192: {  	[sflag:s6] =	ssyncadd.s32 $0xFFFFC000  }
0x193: {  	[tilespmem:s10], [sflag:$0x1] =	stream.indirect.gather [hbm4b:s1+s9], $0x80, s31, s9, $0xb8;
	[tilespmem:$0x1D000] =	vst v63  }
0x194: {  	_ =	swait.ge [sflag:s14], $0x4000  }
0x195: {  	[sflag:s14] =	ssyncset.done $0x0  }
0x196: {  	s24 =	simm.s32 $0xD80;
	[sflag:s14] =	ssyncadd.s32 $0xFFFFC000  }
0x197: {  	[spmem:s3] =	stream.indirect.scatter.add.f32 [tilespmem:s11], [sflag:$0x3], $0x80, s24, s9, $0xb8;
	[tilespmem:$0x1D000] =	vst v63  }
0x198: {  	_ =	swait.ge [sflag:s6], $0x4000  }
0x199: {  	[sflag:s6] =	ssyncset.done $0x0  }
0x19a: {  	s25 =	simm.s32 $0x680;
	[sflag:s6] =	ssyncadd.s32 $0xFFFFC000  }
0x19b: {  	[tilespmem:s11], [sflag:$0x2] =	stream.indirect.gather [hbm4b:s1+s9], $0x80, s25, s9, $0xb8;
	[tilespmem:$0x1D000] =	vst v63  }
0x19c: {  	_ =	swait.ge [sflag:s12], $0x4000  }
0x19d: {  	[sflag:s12] =	ssyncset.done $0x0  }
0x19e: {  	s26 =	simm.s32 $0xE00;
	[sflag:s12] =	ssyncadd.s32 $0xFFFFC000  }
0x19f: {  	[spmem:s3] =	stream.indirect.scatter.add.f32 [tilespmem:s10], [sflag:$0x3], $0x80, s26, s9, $0xb8;
	[tilespmem:$0x1D000] =	vst v63  }
0x1a0: {  	_ =	swait.ge [sflag:s6], $0x4000  }
0x1a1: {  	[sflag:s6] =	ssyncset.done $0x0  }
0x1a2: {  	s28 =	simm.s32 $0x700;
	[sflag:s6] =	ssyncadd.s32 $0xFFFFC000  }
0x1a3: {  	[tilespmem:s10], [sflag:$0x1] =	stream.indirect.gather [hbm4b:s1+s9], $0x80, s28, s9, $0xb8;
	[tilespmem:$0x1D000] =	vst v63  }
0x1a4: {  	_ =	swait.ge [sflag:s14], $0x4000  }
0x1a5: {  	[sflag:s14] =	ssyncset.done $0x0  }
0x1a6: {  	s29 =	simm.s32 $0xE80;
	[sflag:s14] =	ssyncadd.s32 $0xFFFFC000  }
0x1a7: {  	[spmem:s3] =	stream.indirect.scatter.add.f32 [tilespmem:s11], [sflag:$0x3], $0x80, s29, s9, $0xb8;
	[tilespmem:$0x1D000] =	vst v63  }
0x1a8: {  	_ =	swait.ge [sflag:s6], $0x4000  }
0x1a9: {  	[sflag:s6] =	ssyncset.done $0x0  }
0x1aa: {  	s30 =	simm.s32 $0x780;
	[sflag:s6] =	ssyncadd.s32 $0xFFFFC000  }
0x1ab: {  	[tilespmem:s11], [sflag:$0x2] =	stream.indirect.gather [hbm4b:s1+s9], $0x80, s30, s9, $0xb8;
	[tilespmem:$0x1D000] =	vst v63  }
0x1ac: {  	_ =	swait.ge [sflag:s12], $0x4000  }
0x1ad: {  	[sflag:s12] =	ssyncset.done $0x0  }
0x1ae: {  	s31 =	simm.s32 $0xF00;
	[sflag:s12] =	ssyncadd.s32 $0xFFFFC000  }
0x1af: {  	[spmem:s3] =	stream.indirect.scatter.add.f32 [tilespmem:s10], [sflag:$0x3], $0x80, s31, s9, $0xb8;
	[tilespmem:$0x1D000] =	vst v63  }
0x1b0: {  	_ =	swait.ge [sflag:s6], $0x4000  }
0x1b1: {  	[sflag:s6] =	ssyncset.done $0x0  }
0x1b2: {  	[sflag:s6] =	ssyncadd.s32 $0xFFFFC000  }
0x1b3: {  	_ =	swait.ge [sflag:s14], $0x4000  }
0x1b4: {  	[sflag:s14] =	ssyncset.done $0x0  }
0x1b5: {  	s2 =	simm.s32 $0xF80;
	[sflag:s14] =	ssyncadd.s32 $0xFFFFC000  }
0x1b6: {  	[spmem:s3] =	stream.indirect.scatter.add.f32 [tilespmem:s11], [sflag:$0x3], $0x80, s2, s9, $0xb8;
	[tilespmem:$0x1D000] =	vst v63  }
0x1b7: {  	_ =	swait.ge [sflag:s6], $0x4000  }
0x1b8: {  	[sflag:s6] =	ssyncset.done $0x0  }
0x1b9: {  	s4 =	rddreg [dreg:$0xb];
	[sflag:s6] =	ssyncadd.s32 $0xFFFFC000  }
0x1ba: {  	[tilespmem:s8], [sflag:$0x3] =	stream.linear.gather [hbm4b:s4+s8], $0x800, $0x38;
	[tilespmem:$0x1D000] =	vst v63  }
0x1bb: {  	_ =	swait.ge [sflag:s6], $0x800  }
0x1bc: {  	[sflag:s6] =	ssyncset.done $0x0  }
0x1bd: {  	s7 =	simm.s32 $0x800;
	s5 =	rddreg [dreg:$0xc];
	[sflag:s6] =	ssyncadd.s32 $0xFFFFF800  }
0x1be: {  	[tilespmem:s7], [sflag:$0x3] =	stream.linear.gather [hbm4b:s5+s8], $0x800, $0x38;
	[tilespmem:$0x1D000] =	vst v63  }
0x1bf: {  	_ =	swait.ge [sflag:s6], $0x800  }
0x1c0: {  	[sflag:s6] =	ssyncset.done $0x0  }
0x1c1: {  	[sflag:s6] =	ssyncadd.s32 $0xFFFFF800  }
0x1c2: {  	[tilespmem:s10], [sflag:$0x1] =	stream.indirect.gather [hbm4b:s1+s9], $0x80, s8, s9, $0xb8;
	[tilespmem:$0x1D000] =	vst v63  }
0x1c3: {  	_ = 	snop  }
0x1c4: {  	[tilespmem:s11], [sflag:$0x2] =	stream.indirect.gather [hbm4b:s1+s9], $0x80, s9, s9, $0xb8;
	[tilespmem:$0x1D000] =	vst v63  }
0x1c5: {  	_ =	swait.ge [sflag:s12], $0x4000  }
0x1c6: {  	[sflag:s12] =	ssyncset.done $0x0  }
0x1c7: {  	[sflag:s12] =	ssyncadd.s32 $0xFFFFC000  }
0x1c8: {  	[spmem:s3] =	stream.indirect.scatter.add.f32 [tilespmem:s10], [sflag:$0x3], $0x80, s7, s9, $0xb8;
	[tilespmem:$0x1D000] =	vst v63  }
0x1c9: {  	_ =	swait.ge [sflag:s6], $0x4000  }
0x1ca: {  	[sflag:s6] =	ssyncset.done $0x0  }
0x1cb: {  	s13 =	simm.s32 $0x100;
	[sflag:s6] =	ssyncadd.s32 $0xFFFFC000  }
0x1cc: {  	[tilespmem:s10], [sflag:$0x1] =	stream.indirect.gather [hbm4b:s1+s9], $0x80, s13, s9, $0xb8;
	[tilespmem:$0x1D000] =	vst v63  }
0x1cd: {  	_ =	swait.ge [sflag:s14], $0x4000  }
0x1ce: {  	[sflag:s14] =	ssyncset.done $0x0  }
0x1cf: {  	s2 =	simm.s32 $0x880;
	[sflag:s14] =	ssyncadd.s32 $0xFFFFC000  }
0x1d0: {  	[spmem:s3] =	stream.indirect.scatter.add.f32 [tilespmem:s11], [sflag:$0x3], $0x80, s2, s9, $0xb8;
	[tilespmem:$0x1D000] =	vst v63  }
0x1d1: {  	_ =	swait.ge [sflag:s6], $0x4000  }
0x1d2: {  	[sflag:s6] =	ssyncset.done $0x0  }
0x1d3: {  	s15 =	simm.s32 $0x180;
	[sflag:s6] =	ssyncadd.s32 $0xFFFFC000  }
0x1d4: {  	[tilespmem:s11], [sflag:$0x2] =	stream.indirect.gather [hbm4b:s1+s9], $0x80, s15, s9, $0xb8;
	[tilespmem:$0x1D000] =	vst v63  }
0x1d5: {  	_ =	swait.ge [sflag:s12], $0x4000  }
0x1d6: {  	[sflag:s12] =	ssyncset.done $0x0  }
0x1d7: {  	s4 =	simm.s32 $0x900;
	[sflag:s12] =	ssyncadd.s32 $0xFFFFC000  }
0x1d8: {  	[spmem:s3] =	stream.indirect.scatter.add.f32 [tilespmem:s10], [sflag:$0x3], $0x80, s4, s9, $0xb8;
	[tilespmem:$0x1D000] =	vst v63  }
0x1d9: {  	_ =	swait.ge [sflag:s6], $0x4000  }
0x1da: {  	[sflag:s6] =	ssyncset.done $0x0  }
0x1db: {  	s16 =	simm.s32 $0x200;
	[sflag:s6] =	ssyncadd.s32 $0xFFFFC000  }
0x1dc: {  	[tilespmem:s10], [sflag:$0x1] =	stream.indirect.gather [hbm4b:s1+s9], $0x80, s16, s9, $0xb8;
	[tilespmem:$0x1D000] =	vst v63  }
0x1dd: {  	_ =	swait.ge [sflag:s14], $0x4000  }
0x1de: {  	[sflag:s14] =	ssyncset.done $0x0  }
0x1df: {  	s5 =	simm.s32 $0x980;
	[sflag:s14] =	ssyncadd.s32 $0xFFFFC000  }
0x1e0: {  	[spmem:s3] =	stream.indirect.scatter.add.f32 [tilespmem:s11], [sflag:$0x3], $0x80, s5, s9, $0xb8;
	[tilespmem:$0x1D000] =	vst v63  }
0x1e1: {  	_ =	swait.ge [sflag:s6], $0x4000  }
0x1e2: {  	[sflag:s6] =	ssyncset.done $0x0  }
0x1e3: {  	s18 =	simm.s32 $0x280;
	[sflag:s6] =	ssyncadd.s32 $0xFFFFC000  }
0x1e4: {  	[tilespmem:s11], [sflag:$0x2] =	stream.indirect.gather [hbm4b:s1+s9], $0x80, s18, s9, $0xb8;
	[tilespmem:$0x1D000] =	vst v63  }
0x1e5: {  	_ =	swait.ge [sflag:s12], $0x4000  }
0x1e6: {  	[sflag:s12] =	ssyncset.done $0x0  }
0x1e7: {  	s7 =	simm.s32 $0xA00;
	[sflag:s12] =	ssyncadd.s32 $0xFFFFC000  }
0x1e8: {  	[spmem:s3] =	stream.indirect.scatter.add.f32 [tilespmem:s10], [sflag:$0x3], $0x80, s7, s9, $0xb8;
	[tilespmem:$0x1D000] =	vst v63  }
0x1e9: {  	_ =	swait.ge [sflag:s6], $0x4000  }
0x1ea: {  	[sflag:s6] =	ssyncset.done $0x0  }
0x1eb: {  	s20 =	simm.s32 $0x300;
	[sflag:s6] =	ssyncadd.s32 $0xFFFFC000  }
0x1ec: {  	[tilespmem:s10], [sflag:$0x1] =	stream.indirect.gather [hbm4b:s1+s9], $0x80, s20, s9, $0xb8;
	[tilespmem:$0x1D000] =	vst v63  }
0x1ed: {  	_ =	swait.ge [sflag:s14], $0x4000  }
0x1ee: {  	[sflag:s14] =	ssyncset.done $0x0  }
0x1ef: {  	s13 =	simm.s32 $0xA80;
	[sflag:s14] =	ssyncadd.s32 $0xFFFFC000  }
0x1f0: {  	[spmem:s3] =	stream.indirect.scatter.add.f32 [tilespmem:s11], [sflag:$0x3], $0x80, s13, s9, $0xb8;
	[tilespmem:$0x1D000] =	vst v63  }
0x1f1: {  	_ =	swait.ge [sflag:s6], $0x4000  }
0x1f2: {  	[sflag:s6] =	ssyncset.done $0x0  }
0x1f3: {  	s22 =	simm.s32 $0x380;
	[sflag:s6] =	ssyncadd.s32 $0xFFFFC000  }
0x1f4: {  	[tilespmem:s11], [sflag:$0x2] =	stream.indirect.gather [hbm4b:s1+s9], $0x80, s22, s9, $0xb8;
	[tilespmem:$0x1D000] =	vst v63  }
0x1f5: {  	_ =	swait.ge [sflag:s12], $0x4000  }
0x1f6: {  	[sflag:s12] =	ssyncset.done $0x0  }
0x1f7: {  	s15 =	simm.s32 $0xB00;
	[sflag:s12] =	ssyncadd.s32 $0xFFFFC000  }
0x1f8: {  	[spmem:s3] =	stream.indirect.scatter.add.f32 [tilespmem:s10], [sflag:$0x3], $0x80, s15, s9, $0xb8;
	[tilespmem:$0x1D000] =	vst v63  }
0x1f9: {  	_ =	swait.ge [sflag:s6], $0x4000  }
0x1fa: {  	[sflag:s6] =	ssyncset.done $0x0  }
0x1fb: {  	s23 =	simm.s32 $0x400;
	[sflag:s6] =	ssyncadd.s32 $0xFFFFC000  }
0x1fc: {  	[tilespmem:s10], [sflag:$0x1] =	stream.indirect.gather [hbm4b:s1+s9], $0x80, s23, s9, $0xb8;
	[tilespmem:$0x1D000] =	vst v63  }
0x1fd: {  	_ =	swait.ge [sflag:s14], $0x4000  }
0x1fe: {  	[sflag:s14] =	ssyncset.done $0x0  }
0x1ff: {  	s24 =	simm.s32 $0xB80;
	[sflag:s14] =	ssyncadd.s32 $0xFFFFC000  }
0x200: {  	[spmem:s3] =	stream.indirect.scatter.add.f32 [tilespmem:s11], [sflag:$0x3], $0x80, s24, s9, $0xb8;
	[tilespmem:$0x1D000] =	vst v63  }
0x201: {  	_ =	swait.ge [sflag:s6], $0x4000  }
0x202: {  	[sflag:s6] =	ssyncset.done $0x0  }
0x203: {  	s25 =	simm.s32 $0x480;
	[sflag:s6] =	ssyncadd.s32 $0xFFFFC000  }
0x204: {  	[tilespmem:s11], [sflag:$0x2] =	stream.indirect.gather [hbm4b:s1+s9], $0x80, s25, s9, $0xb8;
	[tilespmem:$0x1D000] =	vst v63  }
0x205: {  	_ =	swait.ge [sflag:s12], $0x4000  }
0x206: {  	[sflag:s12] =	ssyncset.done $0x0  }
0x207: {  	s26 =	simm.s32 $0xC00;
	[sflag:s12] =	ssyncadd.s32 $0xFFFFC000  }
0x208: {  	[spmem:s3] =	stream.indirect.scatter.add.f32 [tilespmem:s10], [sflag:$0x3], $0x80, s26, s9, $0xb8;
	[tilespmem:$0x1D000] =	vst v63  }
0x209: {  	_ =	swait.ge [sflag:s6], $0x4000  }
0x20a: {  	[sflag:s6] =	ssyncset.done $0x0  }
0x20b: {  	s28 =	simm.s32 $0x500;
	[sflag:s6] =	ssyncadd.s32 $0xFFFFC000  }
0x20c: {  	[tilespmem:s10], [sflag:$0x1] =	stream.indirect.gather [hbm4b:s1+s9], $0x80, s28, s9, $0xb8;
	[tilespmem:$0x1D000] =	vst v63  }
0x20d: {  	_ =	swait.ge [sflag:s14], $0x4000  }
0x20e: {  	[sflag:s14] =	ssyncset.done $0x0  }
0x20f: {  	s29 =	simm.s32 $0xC80;
	[sflag:s14] =	ssyncadd.s32 $0xFFFFC000  }
0x210: {  	[spmem:s3] =	stream.indirect.scatter.add.f32 [tilespmem:s11], [sflag:$0x3], $0x80, s29, s9, $0xb8;
	[tilespmem:$0x1D000] =	vst v63  }
0x211: {  	_ =	swait.ge [sflag:s6], $0x4000  }
0x212: {  	[sflag:s6] =	ssyncset.done $0x0  }
0x213: {  	s30 =	simm.s32 $0x580;
	[sflag:s6] =	ssyncadd.s32 $0xFFFFC000  }
0x214: {  	[tilespmem:s11], [sflag:$0x2] =	stream.indirect.gather [hbm4b:s1+s9], $0x80, s30, s9, $0xb8;
	[tilespmem:$0x1D000] =	vst v63  }
0x215: {  	_ =	swait.ge [sflag:s12], $0x4000  }
0x216: {  	[sflag:s12] =	ssyncset.done $0x0  }
0x217: {  	s31 =	simm.s32 $0xD00;
	[sflag:s12] =	ssyncadd.s32 $0xFFFFC000  }
0x218: {  	[spmem:s3] =	stream.indirect.scatter.add.f32 [tilespmem:s10], [sflag:$0x3], $0x80, s31, s9, $0xb8;
	[tilespmem:$0x1D000] =	vst v63  }
0x219: {  	_ =	swait.ge [sflag:s6], $0x4000  }
0x21a: {  	[sflag:s6] =	ssyncset.done $0x0  }
0x21b: {  	s22 =	simm.s32 $0x600;
	[sflag:s6] =	ssyncadd.s32 $0xFFFFC000  }
0x21c: {  	[tilespmem:s10], [sflag:$0x1] =	stream.indirect.gather [hbm4b:s1+s9], $0x80, s22, s9, $0xb8;
	[tilespmem:$0x1D000] =	vst v63  }
0x21d: {  	_ =	swait.ge [sflag:s14], $0x4000  }
0x21e: {  	[sflag:s14] =	ssyncset.done $0x0  }
0x21f: {  	s22 =	simm.s32 $0xD80;
	[sflag:s14] =	ssyncadd.s32 $0xFFFFC000  }
0x220: {  	[spmem:s3] =	stream.indirect.scatter.add.f32 [tilespmem:s11], [sflag:$0x3], $0x80, s22, s9, $0xb8;
	[tilespmem:$0x1D000] =	vst v63  }
0x221: {  	_ =	swait.ge [sflag:s6], $0x4000  }
0x222: {  	[sflag:s6] =	ssyncset.done $0x0  }
0x223: {  	s22 =	simm.s32 $0x680;
	[sflag:s6] =	ssyncadd.s32 $0xFFFFC000  }
0x224: {  	[tilespmem:s11], [sflag:$0x2] =	stream.indirect.gather [hbm4b:s1+s9], $0x80, s22, s9, $0xb8;
	[tilespmem:$0x1D000] =	vst v63  }
0x225: {  	_ =	swait.ge [sflag:s12], $0x4000  }
0x226: {  	[sflag:s12] =	ssyncset.done $0x0  }
0x227: {  	s22 =	simm.s32 $0xE00;
	[sflag:s12] =	ssyncadd.s32 $0xFFFFC000  }
0x228: {  	[spmem:s3] =	stream.indirect.scatter.add.f32 [tilespmem:s10], [sflag:$0x3], $0x80, s22, s9, $0xb8;
	[tilespmem:$0x1D000] =	vst v63  }
0x229: {  	_ =	swait.ge [sflag:s6], $0x4000  }
0x22a: {  	[sflag:s6] =	ssyncset.done $0x0  }
0x22b: {  	s22 =	simm.s32 $0x700;
	[sflag:s6] =	ssyncadd.s32 $0xFFFFC000  }
0x22c: {  	[tilespmem:s10], [sflag:$0x1] =	stream.indirect.gather [hbm4b:s1+s9], $0x80, s22, s9, $0xb8;
	[tilespmem:$0x1D000] =	vst v63  }
0x22d: {  	_ =	swait.ge [sflag:s14], $0x4000  }
0x22e: {  	[sflag:s14] =	ssyncset.done $0x0  }
0x22f: {  	s22 =	simm.s32 $0xE80;
	[sflag:s14] =	ssyncadd.s32 $0xFFFFC000  }
0x230: {  	[spmem:s3] =	stream.indirect.scatter.add.f32 [tilespmem:s11], [sflag:$0x3], $0x80, s22, s9, $0xb8;
	[tilespmem:$0x1D000] =	vst v63  }
0x231: {  	_ =	swait.ge [sflag:s6], $0x4000  }
0x232: {  	[sflag:s6] =	ssyncset.done $0x0  }
0x233: {  	s22 =	simm.s32 $0x780;
	[sflag:s6] =	ssyncadd.s32 $0xFFFFC000  }
0x234: {  	[tilespmem:s11], [sflag:$0x2] =	stream.indirect.gather [hbm4b:s1+s9], $0x80, s22, s9, $0xb8;
	[tilespmem:$0x1D000] =	vst v63  }
0x235: {  	_ =	swait.ge [sflag:s12], $0x4000  }
0x236: {  	[sflag:s12] =	ssyncset.done $0x0  }
0x237: {  	s22 =	simm.s32 $0xF00;
	[sflag:s12] =	ssyncadd.s32 $0xFFFFC000  }
0x238: {  	[spmem:s3] =	stream.indirect.scatter.add.f32 [tilespmem:s10], [sflag:$0x3], $0x80, s22, s9, $0xb8;
	[tilespmem:$0x1D000] =	vst v63  }
0x239: {  	_ =	swait.ge [sflag:s6], $0x4000  }
0x23a: {  	[sflag:s6] =	ssyncset.done $0x0  }
0x23b: {  	[sflag:s6] =	ssyncadd.s32 $0xFFFFC000  }
0x23c: {  	_ =	swait.ge [sflag:s14], $0x4000  }
0x23d: {  	[sflag:s14] =	ssyncset.done $0x0  }
0x23e: {  	s22 =	simm.s32 $0xF80;
	[sflag:s14] =	ssyncadd.s32 $0xFFFFC000  }
0x23f: {  	[spmem:s3] =	stream.indirect.scatter.add.f32 [tilespmem:s11], [sflag:$0x3], $0x80, s22, s9, $0xb8;
	[tilespmem:$0x1D000] =	vst v63  }
0x240: {  	_ =	swait.ge [sflag:s6], $0x4000  }
0x241: {  	[sflag:s6] =	ssyncset.done $0x0  }
0x242: {  	s22 =	rddreg [dreg:$0xd];
	[sflag:s6] =	ssyncadd.s32 $0xFFFFC000  }
0x243: {  	[tilespmem:s8], [sflag:$0x3] =	stream.linear.gather [hbm4b:s22+s8], $0x800, $0x38;
	[tilespmem:$0x1D000] =	vst v63  }
0x244: {  	_ =	swait.ge [sflag:s6], $0x800  }
0x245: {  	[sflag:s6] =	ssyncset.done $0x0  }
0x246: {  	s0 =	simm.s32 $0x800;
	s22 =	rddreg [dreg:$0xe];
	[sflag:s6] =	ssyncadd.s32 $0xFFFFF800  }
0x247: {  	[tilespmem:s0], [sflag:$0x3] =	stream.linear.gather [hbm4b:s22+s8], $0x800, $0x38;
	[tilespmem:$0x1D000] =	vst v63  }
0x248: {  	_ =	swait.ge [sflag:s6], $0x800  }
0x249: {  	[sflag:s6] =	ssyncset.done $0x0  }
0x24a: {  	[sflag:s6] =	ssyncadd.s32 $0xFFFFF800  }
0x24b: {  	[tilespmem:s10], [sflag:$0x1] =	stream.indirect.gather [hbm4b:s1+s9], $0x80, s8, s9, $0xb8;
	[tilespmem:$0x1D000] =	vst v63  }
0x24c: {  	_ = 	snop  }
0x24d: {  	[tilespmem:s11], [sflag:$0x2] =	stream.indirect.gather [hbm4b:s1+s9], $0x80, s9, s9, $0xb8;
	[tilespmem:$0x1D000] =	vst v63  }
0x24e: {  	_ =	swait.ge [sflag:s12], $0x4000  }
0x24f: {  	[sflag:s12] =	ssyncset.done $0x0  }
0x250: {  	[sflag:s12] =	ssyncadd.s32 $0xFFFFC000  }
0x251: {  	[spmem:s3] =	stream.indirect.scatter.add.f32 [tilespmem:s10], [sflag:$0x3], $0x80, s0, s9, $0xb8;
	[tilespmem:$0x1D000] =	vst v63  }
0x252: {  	_ =	swait.ge [sflag:s6], $0x4000  }
0x253: {  	[sflag:s6] =	ssyncset.done $0x0  }
0x254: {  	s17 =	simm.s32 $0x100;
	[sflag:s6] =	ssyncadd.s32 $0xFFFFC000  }
0x255: {  	[tilespmem:s10], [sflag:$0x1] =	stream.indirect.gather [hbm4b:s1+s9], $0x80, s17, s9, $0xb8;
	[tilespmem:$0x1D000] =	vst v63  }
0x256: {  	_ =	swait.ge [sflag:s14], $0x4000  }
0x257: {  	[sflag:s14] =	ssyncset.done $0x0  }
0x258: {  	[sflag:s14] =	ssyncadd.s32 $0xFFFFC000  }
0x259: {  	[spmem:s3] =	stream.indirect.scatter.add.f32 [tilespmem:s11], [sflag:$0x3], $0x80, s2, s9, $0xb8;
	[tilespmem:$0x1D000] =	vst v63  }
0x25a: {  	_ =	swait.ge [sflag:s6], $0x4000  }
0x25b: {  	[sflag:s6] =	ssyncset.done $0x0  }
0x25c: {  	s21 =	simm.s32 $0x180;
	[sflag:s6] =	ssyncadd.s32 $0xFFFFC000  }
0x25d: {  	[tilespmem:s11], [sflag:$0x2] =	stream.indirect.gather [hbm4b:s1+s9], $0x80, s21, s9, $0xb8;
	[tilespmem:$0x1D000] =	vst v63  }
0x25e: {  	_ =	swait.ge [sflag:s12], $0x4000  }
0x25f: {  	[sflag:s12] =	ssyncset.done $0x0  }
0x260: {  	[sflag:s12] =	ssyncadd.s32 $0xFFFFC000  }
0x261: {  	[spmem:s3] =	stream.indirect.scatter.add.f32 [tilespmem:s10], [sflag:$0x3], $0x80, s4, s9, $0xb8;
	[tilespmem:$0x1D000] =	vst v63  }
0x262: {  	_ =	swait.ge [sflag:s6], $0x4000  }
0x263: {  	[sflag:s6] =	ssyncset.done $0x0  }
0x264: {  	s19 =	simm.s32 $0x200;
	[sflag:s6] =	ssyncadd.s32 $0xFFFFC000  }
0x265: {  	[tilespmem:s10], [sflag:$0x1] =	stream.indirect.gather [hbm4b:s1+s9], $0x80, s19, s9, $0xb8;
	[tilespmem:$0x1D000] =	vst v63  }
0x266: {  	_ =	swait.ge [sflag:s14], $0x4000  }
0x267: {  	[sflag:s14] =	ssyncset.done $0x0  }
0x268: {  	[sflag:s14] =	ssyncadd.s32 $0xFFFFC000  }
0x269: {  	[spmem:s3] =	stream.indirect.scatter.add.f32 [tilespmem:s11], [sflag:$0x3], $0x80, s5, s9, $0xb8;
	[tilespmem:$0x1D000] =	vst v63  }
0x26a: {  	_ =	swait.ge [sflag:s6], $0x4000  }
0x26b: {  	[sflag:s6] =	ssyncset.done $0x0  }
0x26c: {  	s16 =	simm.s32 $0x280;
	[sflag:s6] =	ssyncadd.s32 $0xFFFFC000  }
0x26d: {  	[tilespmem:s11], [sflag:$0x2] =	stream.indirect.gather [hbm4b:s1+s9], $0x80, s16, s9, $0xb8;
	[tilespmem:$0x1D000] =	vst v63  }
0x26e: {  	_ =	swait.ge [sflag:s12], $0x4000  }
0x26f: {  	[sflag:s12] =	ssyncset.done $0x0  }
0x270: {  	[sflag:s12] =	ssyncadd.s32 $0xFFFFC000  }
0x271: {  	[spmem:s3] =	stream.indirect.scatter.add.f32 [tilespmem:s10], [sflag:$0x3], $0x80, s7, s9, $0xb8;
	[tilespmem:$0x1D000] =	vst v63  }
0x272: {  	_ =	swait.ge [sflag:s6], $0x4000  }
0x273: {  	[sflag:s6] =	ssyncset.done $0x0  }
0x274: {  	s18 =	simm.s32 $0x300;
	[sflag:s6] =	ssyncadd.s32 $0xFFFFC000  }
0x275: {  	[tilespmem:s10], [sflag:$0x1] =	stream.indirect.gather [hbm4b:s1+s9], $0x80, s18, s9, $0xb8;
	[tilespmem:$0x1D000] =	vst v63  }
0x276: {  	_ =	swait.ge [sflag:s14], $0x4000  }
0x277: {  	[sflag:s14] =	ssyncset.done $0x0  }
0x278: {  	[sflag:s14] =	ssyncadd.s32 $0xFFFFC000  }
0x279: {  	[spmem:s3] =	stream.indirect.scatter.add.f32 [tilespmem:s11], [sflag:$0x3], $0x80, s13, s9, $0xb8;
	[tilespmem:$0x1D000] =	vst v63  }
0x27a: {  	_ =	swait.ge [sflag:s6], $0x4000  }
0x27b: {  	[sflag:s6] =	ssyncset.done $0x0  }
0x27c: {  	s20 =	simm.s32 $0x380;
	[sflag:s6] =	ssyncadd.s32 $0xFFFFC000  }
0x27d: {  	[tilespmem:s11], [sflag:$0x2] =	stream.indirect.gather [hbm4b:s1+s9], $0x80, s20, s9, $0xb8;
	[tilespmem:$0x1D000] =	vst v63  }
0x27e: {  	_ =	swait.ge [sflag:s12], $0x4000  }
0x27f: {  	[sflag:s12] =	ssyncset.done $0x0  }
0x280: {  	[sflag:s12] =	ssyncadd.s32 $0xFFFFC000  }
0x281: {  	[spmem:s3] =	stream.indirect.scatter.add.f32 [tilespmem:s10], [sflag:$0x3], $0x80, s15, s9, $0xb8;
	[tilespmem:$0x1D000] =	vst v63  }
0x282: {  	_ =	swait.ge [sflag:s6], $0x4000  }
0x283: {  	[sflag:s6] =	ssyncset.done $0x0  }
0x284: {  	s23 =	simm.s32 $0x400;
	[sflag:s6] =	ssyncadd.s32 $0xFFFFC000  }
0x285: {  	[tilespmem:s10], [sflag:$0x1] =	stream.indirect.gather [hbm4b:s1+s9], $0x80, s23, s9, $0xb8;
	[tilespmem:$0x1D000] =	vst v63  }
0x286: {  	_ =	swait.ge [sflag:s14], $0x4000  }
0x287: {  	[sflag:s14] =	ssyncset.done $0x0  }
0x288: {  	s24 =	simm.s32 $0xB80;
	[sflag:s14] =	ssyncadd.s32 $0xFFFFC000  }
0x289: {  	[spmem:s3] =	stream.indirect.scatter.add.f32 [tilespmem:s11], [sflag:$0x3], $0x80, s24, s9, $0xb8;
	[tilespmem:$0x1D000] =	vst v63  }
0x28a: {  	_ =	swait.ge [sflag:s6], $0x4000  }
0x28b: {  	[sflag:s6] =	ssyncset.done $0x0  }
0x28c: {  	s25 =	simm.s32 $0x480;
	[sflag:s6] =	ssyncadd.s32 $0xFFFFC000  }
0x28d: {  	[tilespmem:s11], [sflag:$0x2] =	stream.indirect.gather [hbm4b:s1+s9], $0x80, s25, s9, $0xb8;
	[tilespmem:$0x1D000] =	vst v63  }
0x28e: {  	_ =	swait.ge [sflag:s12], $0x4000  }
0x28f: {  	[sflag:s12] =	ssyncset.done $0x0  }
0x290: {  	s26 =	simm.s32 $0xC00;
	[sflag:s12] =	ssyncadd.s32 $0xFFFFC000  }
0x291: {  	[spmem:s3] =	stream.indirect.scatter.add.f32 [tilespmem:s10], [sflag:$0x3], $0x80, s26, s9, $0xb8;
	[tilespmem:$0x1D000] =	vst v63  }
0x292: {  	_ =	swait.ge [sflag:s6], $0x4000  }
0x293: {  	[sflag:s6] =	ssyncset.done $0x0  }
0x294: {  	s28 =	simm.s32 $0x500;
	[sflag:s6] =	ssyncadd.s32 $0xFFFFC000  }
0x295: {  	[tilespmem:s10], [sflag:$0x1] =	stream.indirect.gather [hbm4b:s1+s9], $0x80, s28, s9, $0xb8;
	[tilespmem:$0x1D000] =	vst v63  }
0x296: {  	_ =	swait.ge [sflag:s14], $0x4000  }
0x297: {  	[sflag:s14] =	ssyncset.done $0x0  }
0x298: {  	s29 =	simm.s32 $0xC80;
	[sflag:s14] =	ssyncadd.s32 $0xFFFFC000  }
0x299: {  	[spmem:s3] =	stream.indirect.scatter.add.f32 [tilespmem:s11], [sflag:$0x3], $0x80, s29, s9, $0xb8;
	[tilespmem:$0x1D000] =	vst v63  }
0x29a: {  	_ =	swait.ge [sflag:s6], $0x4000  }
0x29b: {  	[sflag:s6] =	ssyncset.done $0x0  }
0x29c: {  	s30 =	simm.s32 $0x580;
	[sflag:s6] =	ssyncadd.s32 $0xFFFFC000  }
0x29d: {  	[tilespmem:s11], [sflag:$0x2] =	stream.indirect.gather [hbm4b:s1+s9], $0x80, s30, s9, $0xb8;
	[tilespmem:$0x1D000] =	vst v63  }
0x29e: {  	_ =	swait.ge [sflag:s12], $0x4000  }
0x29f: {  	[sflag:s12] =	ssyncset.done $0x0  }
0x2a0: {  	s31 =	simm.s32 $0xD00;
	[sflag:s12] =	ssyncadd.s32 $0xFFFFC000  }
0x2a1: {  	[spmem:s3] =	stream.indirect.scatter.add.f32 [tilespmem:s10], [sflag:$0x3], $0x80, s31, s9, $0xb8;
	[tilespmem:$0x1D000] =	vst v63  }
0x2a2: {  	_ =	swait.ge [sflag:s6], $0x4000  }
0x2a3: {  	[sflag:s6] =	ssyncset.done $0x0  }
0x2a4: {  	s17 =	simm.s32 $0x600;
	[sflag:s6] =	ssyncadd.s32 $0xFFFFC000  }
0x2a5: {  	[tilespmem:s10], [sflag:$0x1] =	stream.indirect.gather [hbm4b:s1+s9], $0x80, s17, s9, $0xb8;
	[tilespmem:$0x1D000] =	vst v63  }
0x2a6: {  	_ =	swait.ge [sflag:s14], $0x4000  }
0x2a7: {  	[sflag:s14] =	ssyncset.done $0x0  }
0x2a8: {  	s18 =	simm.s32 $0xD80;
	[sflag:s14] =	ssyncadd.s32 $0xFFFFC000  }
0x2a9: {  	[spmem:s3] =	stream.indirect.scatter.add.f32 [tilespmem:s11], [sflag:$0x3], $0x80, s18, s9, $0xb8;
	[tilespmem:$0x1D000] =	vst v63  }
0x2aa: {  	_ =	swait.ge [sflag:s6], $0x4000  }
0x2ab: {  	[sflag:s6] =	ssyncset.done $0x0  }
0x2ac: {  	s19 =	simm.s32 $0x680;
	[sflag:s6] =	ssyncadd.s32 $0xFFFFC000  }
0x2ad: {  	[tilespmem:s11], [sflag:$0x2] =	stream.indirect.gather [hbm4b:s1+s9], $0x80, s19, s9, $0xb8;
	[tilespmem:$0x1D000] =	vst v63  }
0x2ae: {  	_ =	swait.ge [sflag:s12], $0x4000  }
0x2af: {  	[sflag:s12] =	ssyncset.done $0x0  }
0x2b0: {  	s20 =	simm.s32 $0xE00;
	[sflag:s12] =	ssyncadd.s32 $0xFFFFC000  }
0x2b1: {  	[spmem:s3] =	stream.indirect.scatter.add.f32 [tilespmem:s10], [sflag:$0x3], $0x80, s20, s9, $0xb8;
	[tilespmem:$0x1D000] =	vst v63  }
0x2b2: {  	_ =	swait.ge [sflag:s6], $0x4000  }
0x2b3: {  	[sflag:s6] =	ssyncset.done $0x0  }
0x2b4: {  	s21 =	simm.s32 $0x700;
	[sflag:s6] =	ssyncadd.s32 $0xFFFFC000  }
0x2b5: {  	[tilespmem:s10], [sflag:$0x1] =	stream.indirect.gather [hbm4b:s1+s9], $0x80, s21, s9, $0xb8;
	[tilespmem:$0x1D000] =	vst v63  }
0x2b6: {  	_ =	swait.ge [sflag:s14], $0x4000  }
0x2b7: {  	[sflag:s14] =	ssyncset.done $0x0  }
0x2b8: {  	s22 =	simm.s32 $0xE80;
	[sflag:s14] =	ssyncadd.s32 $0xFFFFC000  }
0x2b9: {  	[spmem:s3] =	stream.indirect.scatter.add.f32 [tilespmem:s11], [sflag:$0x3], $0x80, s22, s9, $0xb8;
	[tilespmem:$0x1D000] =	vst v63  }
0x2ba: {  	_ =	swait.ge [sflag:s6], $0x4000  }
0x2bb: {  	[sflag:s6] =	ssyncset.done $0x0  }
0x2bc: {  	s23 =	simm.s32 $0x780;
	[sflag:s6] =	ssyncadd.s32 $0xFFFFC000  }
0x2bd: {  	[tilespmem:s11], [sflag:$0x2] =	stream.indirect.gather [hbm4b:s1+s9], $0x80, s23, s9, $0xb8;
	[tilespmem:$0x1D000] =	vst v63  }
0x2be: {  	_ =	swait.ge [sflag:s12], $0x4000  }
0x2bf: {  	[sflag:s12] =	ssyncset.done $0x0  }
0x2c0: {  	s24 =	simm.s32 $0xF00;
	[sflag:s12] =	ssyncadd.s32 $0xFFFFC000  }
0x2c1: {  	[spmem:s3] =	stream.indirect.scatter.add.f32 [tilespmem:s10], [sflag:$0x3], $0x80, s24, s9, $0xb8;
	[tilespmem:$0x1D000] =	vst v63  }
0x2c2: {  	_ =	swait.ge [sflag:s6], $0x4000  }
0x2c3: {  	[sflag:s6] =	ssyncset.done $0x0  }
0x2c4: {  	[sflag:s6] =	ssyncadd.s32 $0xFFFFC000  }
0x2c5: {  	_ =	swait.ge [sflag:s14], $0x4000  }
0x2c6: {  	[sflag:s14] =	ssyncset.done $0x0  }
0x2c7: {  	s25 =	simm.s32 $0xF80;
	[sflag:s14] =	ssyncadd.s32 $0xFFFFC000  }
0x2c8: {  	[spmem:s3] =	stream.indirect.scatter.add.f32 [tilespmem:s11], [sflag:$0x3], $0x80, s25, s9, $0xb8;
	[tilespmem:$0x1D000] =	vst v63  }
0x2c9: {  	_ =	swait.ge [sflag:s6], $0x4000  }
0x2ca: {  	[sflag:s6] =	ssyncset.done $0x0  }
0x2cb: {  	[sflag:s6] =	ssyncadd.s32 $0xFFFFC000  }
0x2cc: {  	[bflag:$0x0] =	sbarrier.arrive $0xFFFF  }
0x2cd: {  	s26 =	rddreg [dreg:$0x12]  }
0x2ce: {  	s0 =	ssub.s32 $0x2, s26  }
0x2cf: {  	s29 =	sshrl.u32 s0, $0x1  }
0x2d0: {  	s22 =	ssub.s32 s0, s29  }
0x2d1: {  	s22 =	smax.u32 s22, $0x1  }
0x2d2: {  	p0 =	sne.s32 s22, $0x1  }
.Ltmp0:
0x2d3: {  	s28 =	rddreg [dreg:$0xf];
	(pc) =	sbr.rel @!p0 .LBB2_2-.Ltmp0, $4  }
0x2d4: {  	s30 =	rddreg [dreg:$0x10]  }
0x2d5: {  	s31 =	rddreg [dreg:$0x11]  }
0x2d6: {  	[hbm:s28], [sflag:s30] =	dma.local [spmem:s31], $0x2800  }
0x2d7: {  	_ =	swait.ge [sflag:s6], $0x2800;
	s22 =	sadd.s32 $0xFFFFFFFF, s22  }
.LBB2_1:
0x2d8: {  	s23 =	rddreg [dreg:$0x4]  }
0x2d9: {  	[sflag:s6] =	ssyncset.done $0x0;
	s0 =	rddreg [dreg:$0x10]  }
0x2da: {  	s2 =	rddreg [dreg:$0x11];
	[sflag:s6] =	ssyncadd.s32 $0xFFFFD800  }
0x2db: {  	[spmem:s2], [sflag:s0] =	dma.local [hbm:s23], $0x2800  }
0x2dc: {  	_ =	swait.ge [sflag:s6], $0x2800  }
0x2dd: {  	[sflag:s6] =	ssyncset.done $0x0  }
0x2de: {  	[sflag:s6] =	ssyncadd.s32 $0xFFFFD800  }
0x2df: {  	[bflag:$0x0] =	sbarrier.arrive $0xFFFF  }
0x2e0: {  	s25 =	rddreg [dreg:$0x5]  }
0x2e1: {  	[tilespmem:s8], [sflag:$0x3] =	stream.linear.gather [hbm4b:s25+s8], $0x800, $0x38;
	[tilespmem:$0x1D000] =	vst v63  }
0x2e2: {  	_ =	swait.ge [sflag:s6], $0x800  }
0x2e3: {  	[sflag:s6] =	ssyncset.done $0x0  }
0x2e4: {  	s0 =	simm.s32 $0x800;
	s26 =	rddreg [dreg:$0x6];
	[sflag:s6] =	ssyncadd.s32 $0xFFFFF800  }
0x2e5: {  	[tilespmem:s0], [sflag:$0x3] =	stream.linear.gather [hbm4b:s26+s8], $0x800, $0x38;
	[tilespmem:$0x1D000] =	vst v63  }
0x2e6: {  	_ =	swait.ge [sflag:s6], $0x800  }
0x2e7: {  	[sflag:s6] =	ssyncset.done $0x0  }
0x2e8: {  	[sflag:s6] =	ssyncadd.s32 $0xFFFFF800  }
0x2e9: {  	[tilespmem:s10], [sflag:$0x1] =	stream.indirect.gather [hbm4b:s1+s9], $0x80, s8, s9, $0xb8;
	[tilespmem:$0x1D000] =	vst v63  }
0x2ea: {  	_ = 	snop  }
0x2eb: {  	[tilespmem:s11], [sflag:$0x2] =	stream.indirect.gather [hbm4b:s1+s9], $0x80, s9, s9, $0xb8;
	[tilespmem:$0x1D000] =	vst v63  }
0x2ec: {  	_ =	swait.ge [sflag:s12], $0x4000  }
0x2ed: {  	[sflag:s12] =	ssyncset.done $0x0  }
0x2ee: {  	[sflag:s12] =	ssyncadd.s32 $0xFFFFC000  }
0x2ef: {  	[spmem:s3] =	stream.indirect.scatter.add.f32 [tilespmem:s10], [sflag:$0x3], $0x80, s0, s9, $0xb8;
	[tilespmem:$0x1D000] =	vst v63  }
0x2f0: {  	_ =	swait.ge [sflag:s6], $0x4000  }
0x2f1: {  	[sflag:s6] =	ssyncset.done $0x0  }
0x2f2: {  	s28 =	simm.s32 $0x100;
	[sflag:s6] =	ssyncadd.s32 $0xFFFFC000  }
0x2f3: {  	[tilespmem:s10], [sflag:$0x1] =	stream.indirect.gather [hbm4b:s1+s9], $0x80, s28, s9, $0xb8;
	[tilespmem:$0x1D000] =	vst v63  }
0x2f4: {  	_ =	swait.ge [sflag:s14], $0x4000  }
0x2f5: {  	[sflag:s14] =	ssyncset.done $0x0  }
0x2f6: {  	s29 =	simm.s32 $0x880;
	[sflag:s14] =	ssyncadd.s32 $0xFFFFC000  }
0x2f7: {  	[spmem:s3] =	stream.indirect.scatter.add.f32 [tilespmem:s11], [sflag:$0x3], $0x80, s29, s9, $0xb8;
	[tilespmem:$0x1D000] =	vst v63  }
0x2f8: {  	_ =	swait.ge [sflag:s6], $0x4000  }
0x2f9: {  	[sflag:s6] =	ssyncset.done $0x0  }
0x2fa: {  	s30 =	simm.s32 $0x180;
	[sflag:s6] =	ssyncadd.s32 $0xFFFFC000  }
0x2fb: {  	[tilespmem:s11], [sflag:$0x2] =	stream.indirect.gather [hbm4b:s1+s9], $0x80, s30, s9, $0xb8;
	[tilespmem:$0x1D000] =	vst v63  }
0x2fc: {  	_ =	swait.ge [sflag:s12], $0x4000  }
0x2fd: {  	[sflag:s12] =	ssyncset.done $0x0  }
0x2fe: {  	s31 =	simm.s32 $0x900;
	[sflag:s12] =	ssyncadd.s32 $0xFFFFC000  }
0x2ff: {  	[spmem:s3] =	stream.indirect.scatter.add.f32 [tilespmem:s10], [sflag:$0x3], $0x80, s31, s9, $0xb8;
	[tilespmem:$0x1D000] =	vst v63  }
0x300: {  	_ =	swait.ge [sflag:s6], $0x4000  }
0x301: {  	[sflag:s6] =	ssyncset.done $0x0  }
0x302: {  	s4 =	simm.s32 $0x200;
	[sflag:s6] =	ssyncadd.s32 $0xFFFFC000  }
0x303: {  	[tilespmem:s10], [sflag:$0x1] =	stream.indirect.gather [hbm4b:s1+s9], $0x80, s4, s9, $0xb8;
	[tilespmem:$0x1D000] =	vst v63  }
0x304: {  	_ =	swait.ge [sflag:s14], $0x4000  }
0x305: {  	[sflag:s14] =	ssyncset.done $0x0  }
0x306: {  	s5 =	simm.s32 $0x980;
	[sflag:s14] =	ssyncadd.s32 $0xFFFFC000  }
0x307: {  	[spmem:s3] =	stream.indirect.scatter.add.f32 [tilespmem:s11], [sflag:$0x3], $0x80, s5, s9, $0xb8;
	[tilespmem:$0x1D000] =	vst v63  }
0x308: {  	_ =	swait.ge [sflag:s6], $0x4000  }
0x309: {  	[sflag:s6] =	ssyncset.done $0x0  }
0x30a: {  	s5 =	simm.s32 $0x280;
	[sflag:s6] =	ssyncadd.s32 $0xFFFFC000  }
0x30b: {  	[tilespmem:s11], [sflag:$0x2] =	stream.indirect.gather [hbm4b:s1+s9], $0x80, s5, s9, $0xb8;
	[tilespmem:$0x1D000] =	vst v63  }
0x30c: {  	_ =	swait.ge [sflag:s12], $0x4000  }
0x30d: {  	[sflag:s12] =	ssyncset.done $0x0  }
0x30e: {  	s13 =	simm.s32 $0xA00;
	[sflag:s12] =	ssyncadd.s32 $0xFFFFC000  }
0x30f: {  	[spmem:s3] =	stream.indirect.scatter.add.f32 [tilespmem:s10], [sflag:$0x3], $0x80, s13, s9, $0xb8;
	[tilespmem:$0x1D000] =	vst v63  }
0x310: {  	_ =	swait.ge [sflag:s6], $0x4000  }
0x311: {  	[sflag:s6] =	ssyncset.done $0x0  }
0x312: {  	s15 =	simm.s32 $0x300;
	[sflag:s6] =	ssyncadd.s32 $0xFFFFC000  }
0x313: {  	[tilespmem:s10], [sflag:$0x1] =	stream.indirect.gather [hbm4b:s1+s9], $0x80, s15, s9, $0xb8;
	[tilespmem:$0x1D000] =	vst v63  }
0x314: {  	_ =	swait.ge [sflag:s14], $0x4000  }
0x315: {  	[sflag:s14] =	ssyncset.done $0x0  }
0x316: {  	s16 =	simm.s32 $0xA80;
	[sflag:s14] =	ssyncadd.s32 $0xFFFFC000  }
0x317: {  	[spmem:s3] =	stream.indirect.scatter.add.f32 [tilespmem:s11], [sflag:$0x3], $0x80, s16, s9, $0xb8;
	[tilespmem:$0x1D000] =	vst v63  }
0x318: {  	_ =	swait.ge [sflag:s6], $0x4000  }
0x319: {  	[sflag:s6] =	ssyncset.done $0x0  }
0x31a: {  	s17 =	simm.s32 $0x380;
	[sflag:s6] =	ssyncadd.s32 $0xFFFFC000  }
0x31b: {  	[tilespmem:s11], [sflag:$0x2] =	stream.indirect.gather [hbm4b:s1+s9], $0x80, s17, s9, $0xb8;
	[tilespmem:$0x1D000] =	vst v63  }
0x31c: {  	_ =	swait.ge [sflag:s12], $0x4000  }
0x31d: {  	[sflag:s12] =	ssyncset.done $0x0  }
0x31e: {  	s18 =	simm.s32 $0xB00;
	[sflag:s12] =	ssyncadd.s32 $0xFFFFC000  }
0x31f: {  	[spmem:s3] =	stream.indirect.scatter.add.f32 [tilespmem:s10], [sflag:$0x3], $0x80, s18, s9, $0xb8;
	[tilespmem:$0x1D000] =	vst v63  }
0x320: {  	_ =	swait.ge [sflag:s6], $0x4000  }
0x321: {  	[sflag:s6] =	ssyncset.done $0x0  }
0x322: {  	s19 =	simm.s32 $0x400;
	[sflag:s6] =	ssyncadd.s32 $0xFFFFC000  }
0x323: {  	[tilespmem:s10], [sflag:$0x1] =	stream.indirect.gather [hbm4b:s1+s9], $0x80, s19, s9, $0xb8;
	[tilespmem:$0x1D000] =	vst v63  }
0x324: {  	_ =	swait.ge [sflag:s14], $0x4000  }
0x325: {  	[sflag:s14] =	ssyncset.done $0x0  }
0x326: {  	s23 =	simm.s32 $0xB80;
	[sflag:s14] =	ssyncadd.s32 $0xFFFFC000  }
0x327: {  	[spmem:s3] =	stream.indirect.scatter.add.f32 [tilespmem:s11], [sflag:$0x3], $0x80, s23, s9, $0xb8;
	[tilespmem:$0x1D000] =	vst v63  }
0x328: {  	_ =	swait.ge [sflag:s6], $0x4000  }
0x329: {  	[sflag:s6] =	ssyncset.done $0x0  }
0x32a: {  	s28 =	simm.s32 $0x480;
	[sflag:s6] =	ssyncadd.s32 $0xFFFFC000  }
0x32b: {  	[tilespmem:s11], [sflag:$0x2] =	stream.indirect.gather [hbm4b:s1+s9], $0x80, s28, s9, $0xb8;
	[tilespmem:$0x1D000] =	vst v63  }
0x32c: {  	_ =	swait.ge [sflag:s12], $0x4000  }
0x32d: {  	[sflag:s12] =	ssyncset.done $0x0  }
0x32e: {  	s4 =	simm.s32 $0xC00;
	[sflag:s12] =	ssyncadd.s32 $0xFFFFC000  }
0x32f: {  	[spmem:s3] =	stream.indirect.scatter.add.f32 [tilespmem:s10], [sflag:$0x3], $0x80, s4, s9, $0xb8;
	[tilespmem:$0x1D000] =	vst v63  }
0x330: {  	_ =	swait.ge [sflag:s6], $0x4000  }
0x331: {  	[sflag:s6] =	ssyncset.done $0x0  }
0x332: {  	s29 =	simm.s32 $0x500;
	[sflag:s6] =	ssyncadd.s32 $0xFFFFC000  }
0x333: {  	[tilespmem:s10], [sflag:$0x1] =	stream.indirect.gather [hbm4b:s1+s9], $0x80, s29, s9, $0xb8;
	[tilespmem:$0x1D000] =	vst v63  }
0x334: {  	_ =	swait.ge [sflag:s14], $0x4000  }
0x335: {  	[sflag:s14] =	ssyncset.done $0x0  }
0x336: {  	s30 =	simm.s32 $0xC80;
	[sflag:s14] =	ssyncadd.s32 $0xFFFFC000  }
0x337: {  	[spmem:s3] =	stream.indirect.scatter.add.f32 [tilespmem:s11], [sflag:$0x3], $0x80, s30, s9, $0xb8;
	[tilespmem:$0x1D000] =	vst v63  }
0x338: {  	_ =	swait.ge [sflag:s6], $0x4000  }
0x339: {  	[sflag:s6] =	ssyncset.done $0x0  }
0x33a: {  	s31 =	simm.s32 $0x580;
	[sflag:s6] =	ssyncadd.s32 $0xFFFFC000  }
0x33b: {  	[tilespmem:s11], [sflag:$0x2] =	stream.indirect.gather [hbm4b:s1+s9], $0x80, s31, s9, $0xb8;
	[tilespmem:$0x1D000] =	vst v63  }
0x33c: {  	_ =	swait.ge [sflag:s12], $0x4000  }
0x33d: {  	[sflag:s12] =	ssyncset.done $0x0  }
0x33e: {  	s5 =	simm.s32 $0xD00;
	[sflag:s12] =	ssyncadd.s32 $0xFFFFC000  }
0x33f: {  	[spmem:s3] =	stream.indirect.scatter.add.f32 [tilespmem:s10], [sflag:$0x3], $0x80, s5, s9, $0xb8;
	[tilespmem:$0x1D000] =	vst v63  }
0x340: {  	_ =	swait.ge [sflag:s6], $0x4000  }
0x341: {  	[sflag:s6] =	ssyncset.done $0x0  }
0x342: {  	s13 =	simm.s32 $0x600;
	[sflag:s6] =	ssyncadd.s32 $0xFFFFC000  }
0x343: {  	[tilespmem:s10], [sflag:$0x1] =	stream.indirect.gather [hbm4b:s1+s9], $0x80, s13, s9, $0xb8;
	[tilespmem:$0x1D000] =	vst v63  }
0x344: {  	_ =	swait.ge [sflag:s14], $0x4000  }
0x345: {  	[sflag:s14] =	ssyncset.done $0x0  }
0x346: {  	s15 =	simm.s32 $0xD80;
	[sflag:s14] =	ssyncadd.s32 $0xFFFFC000  }
0x347: {  	[spmem:s3] =	stream.indirect.scatter.add.f32 [tilespmem:s11], [sflag:$0x3], $0x80, s15, s9, $0xb8;
	[tilespmem:$0x1D000] =	vst v63  }
0x348: {  	_ =	swait.ge [sflag:s6], $0x4000  }
0x349: {  	[sflag:s6] =	ssyncset.done $0x0  }
0x34a: {  	s16 =	simm.s32 $0x680;
	[sflag:s6] =	ssyncadd.s32 $0xFFFFC000  }
0x34b: {  	[tilespmem:s11], [sflag:$0x2] =	stream.indirect.gather [hbm4b:s1+s9], $0x80, s16, s9, $0xb8;
	[tilespmem:$0x1D000] =	vst v63  }
0x34c: {  	_ =	swait.ge [sflag:s12], $0x4000  }
0x34d: {  	[sflag:s12] =	ssyncset.done $0x0  }
0x34e: {  	s17 =	simm.s32 $0xE00;
	[sflag:s12] =	ssyncadd.s32 $0xFFFFC000  }
0x34f: {  	[spmem:s3] =	stream.indirect.scatter.add.f32 [tilespmem:s10], [sflag:$0x3], $0x80, s17, s9, $0xb8;
	[tilespmem:$0x1D000] =	vst v63  }
0x350: {  	_ =	swait.ge [sflag:s6], $0x4000  }
0x351: {  	[sflag:s6] =	ssyncset.done $0x0  }
0x352: {  	s18 =	simm.s32 $0x700;
	[sflag:s6] =	ssyncadd.s32 $0xFFFFC000  }
0x353: {  	[tilespmem:s10], [sflag:$0x1] =	stream.indirect.gather [hbm4b:s1+s9], $0x80, s18, s9, $0xb8;
	[tilespmem:$0x1D000] =	vst v63  }
0x354: {  	_ =	swait.ge [sflag:s14], $0x4000  }
0x355: {  	[sflag:s14] =	ssyncset.done $0x0  }
0x356: {  	s19 =	simm.s32 $0xE80;
	[sflag:s14] =	ssyncadd.s32 $0xFFFFC000  }
0x357: {  	[spmem:s3] =	stream.indirect.scatter.add.f32 [tilespmem:s11], [sflag:$0x3], $0x80, s19, s9, $0xb8;
	[tilespmem:$0x1D000] =	vst v63  }
0x358: {  	_ =	swait.ge [sflag:s6], $0x4000  }
0x359: {  	[sflag:s6] =	ssyncset.done $0x0  }
0x35a: {  	s28 =	simm.s32 $0x780;
	[sflag:s6] =	ssyncadd.s32 $0xFFFFC000  }
0x35b: {  	[tilespmem:s11], [sflag:$0x2] =	stream.indirect.gather [hbm4b:s1+s9], $0x80, s28, s9, $0xb8;
	[tilespmem:$0x1D000] =	vst v63  }
0x35c: {  	_ =	swait.ge [sflag:s12], $0x4000  }
0x35d: {  	[sflag:s12] =	ssyncset.done $0x0  }
0x35e: {  	s29 =	simm.s32 $0xF00;
	[sflag:s12] =	ssyncadd.s32 $0xFFFFC000  }
0x35f: {  	[spmem:s3] =	stream.indirect.scatter.add.f32 [tilespmem:s10], [sflag:$0x3], $0x80, s29, s9, $0xb8;
	[tilespmem:$0x1D000] =	vst v63  }
0x360: {  	_ =	swait.ge [sflag:s6], $0x4000  }
0x361: {  	[sflag:s6] =	ssyncset.done $0x0  }
0x362: {  	[sflag:s6] =	ssyncadd.s32 $0xFFFFC000  }
0x363: {  	_ =	swait.ge [sflag:s14], $0x4000  }
0x364: {  	[sflag:s14] =	ssyncset.done $0x0  }
0x365: {  	s30 =	simm.s32 $0xF80;
	[sflag:s14] =	ssyncadd.s32 $0xFFFFC000  }
0x366: {  	[spmem:s3] =	stream.indirect.scatter.add.f32 [tilespmem:s11], [sflag:$0x3], $0x80, s30, s9, $0xb8;
	[tilespmem:$0x1D000] =	vst v63  }
0x367: {  	_ =	swait.ge [sflag:s6], $0x4000  }
0x368: {  	[sflag:s6] =	ssyncset.done $0x0  }
0x369: {  	s31 =	rddreg [dreg:$0x7];
	[sflag:s6] =	ssyncadd.s32 $0xFFFFC000  }
0x36a: {  	[tilespmem:s8], [sflag:$0x3] =	stream.linear.gather [hbm4b:s31+s8], $0x800, $0x38;
	[tilespmem:$0x1D000] =	vst v63  }
0x36b: {  	_ =	swait.ge [sflag:s6], $0x800  }
0x36c: {  	[sflag:s6] =	ssyncset.done $0x0  }
0x36d: {  	s4 =	rddreg [dreg:$0x8];
	[sflag:s6] =	ssyncadd.s32 $0xFFFFF800  }
0x36e: {  	[tilespmem:s0], [sflag:$0x3] =	stream.linear.gather [hbm4b:s4+s8], $0x800, $0x38;
	[tilespmem:$0x1D000] =	vst v63  }
0x36f: {  	_ =	swait.ge [sflag:s6], $0x800  }
0x370: {  	[sflag:s6] =	ssyncset.done $0x0  }
0x371: {  	[sflag:s6] =	ssyncadd.s32 $0xFFFFF800  }
0x372: {  	[tilespmem:s10], [sflag:$0x1] =	stream.indirect.gather [hbm4b:s1+s9], $0x80, s8, s9, $0xb8;
	[tilespmem:$0x1D000] =	vst v63  }
0x373: {  	_ = 	snop  }
0x374: {  	[tilespmem:s11], [sflag:$0x2] =	stream.indirect.gather [hbm4b:s1+s9], $0x80, s9, s9, $0xb8;
	[tilespmem:$0x1D000] =	vst v63  }
0x375: {  	_ =	swait.ge [sflag:s12], $0x4000  }
0x376: {  	[sflag:s12] =	ssyncset.done $0x0  }
0x377: {  	[sflag:s12] =	ssyncadd.s32 $0xFFFFC000  }
0x378: {  	[spmem:s3] =	stream.indirect.scatter.add.f32 [tilespmem:s10], [sflag:$0x3], $0x80, s0, s9, $0xb8;
	[tilespmem:$0x1D000] =	vst v63  }
0x379: {  	_ =	swait.ge [sflag:s6], $0x4000  }
0x37a: {  	[sflag:s6] =	ssyncset.done $0x0  }
0x37b: {  	s7 =	simm.s32 $0x100;
	[sflag:s6] =	ssyncadd.s32 $0xFFFFC000  }
0x37c: {  	[tilespmem:s10], [sflag:$0x1] =	stream.indirect.gather [hbm4b:s1+s9], $0x80, s7, s9, $0xb8;
	[tilespmem:$0x1D000] =	vst v63  }
0x37d: {  	_ =	swait.ge [sflag:s14], $0x4000  }
0x37e: {  	[sflag:s14] =	ssyncset.done $0x0  }
0x37f: {  	s20 =	simm.s32 $0x880;
	[sflag:s14] =	ssyncadd.s32 $0xFFFFC000  }
0x380: {  	[spmem:s3] =	stream.indirect.scatter.add.f32 [tilespmem:s11], [sflag:$0x3], $0x80, s20, s9, $0xb8;
	[tilespmem:$0x1D000] =	vst v63  }
0x381: {  	_ =	swait.ge [sflag:s6], $0x4000  }
0x382: {  	[sflag:s6] =	ssyncset.done $0x0  }
0x383: {  	s21 =	simm.s32 $0x180;
	[sflag:s6] =	ssyncadd.s32 $0xFFFFC000  }
0x384: {  	[tilespmem:s11], [sflag:$0x2] =	stream.indirect.gather [hbm4b:s1+s9], $0x80, s21, s9, $0xb8;
	[tilespmem:$0x1D000] =	vst v63  }
0x385: {  	_ =	swait.ge [sflag:s12], $0x4000  }
0x386: {  	[sflag:s12] =	ssyncset.done $0x0  }
0x387: {  	s25 =	simm.s32 $0x900;
	[sflag:s12] =	ssyncadd.s32 $0xFFFFC000  }
0x388: {  	[spmem:s3] =	stream.indirect.scatter.add.f32 [tilespmem:s10], [sflag:$0x3], $0x80, s25, s9, $0xb8;
	[tilespmem:$0x1D000] =	vst v63  }
0x389: {  	_ =	swait.ge [sflag:s6], $0x4000  }
0x38a: {  	[sflag:s6] =	ssyncset.done $0x0  }
0x38b: {  	s26 =	simm.s32 $0x200;
	[sflag:s6] =	ssyncadd.s32 $0xFFFFC000  }
0x38c: {  	[tilespmem:s10], [sflag:$0x1] =	stream.indirect.gather [hbm4b:s1+s9], $0x80, s26, s9, $0xb8;
	[tilespmem:$0x1D000] =	vst v63  }
0x38d: {  	_ =	swait.ge [sflag:s14], $0x4000  }
0x38e: {  	[sflag:s14] =	ssyncset.done $0x0  }
0x38f: {  	s2 =	simm.s32 $0x980;
	[sflag:s14] =	ssyncadd.s32 $0xFFFFC000  }
0x390: {  	[spmem:s3] =	stream.indirect.scatter.add.f32 [tilespmem:s11], [sflag:$0x3], $0x80, s2, s9, $0xb8;
	[tilespmem:$0x1D000] =	vst v63  }
0x391: {  	_ =	swait.ge [sflag:s6], $0x4000  }
0x392: {  	[sflag:s6] =	ssyncset.done $0x0  }
0x393: {  	s4 =	simm.s32 $0x280;
	[sflag:s6] =	ssyncadd.s32 $0xFFFFC000  }
0x394: {  	[tilespmem:s11], [sflag:$0x2] =	stream.indirect.gather [hbm4b:s1+s9], $0x80, s4, s9, $0xb8;
	[tilespmem:$0x1D000] =	vst v63  }
0x395: {  	_ =	swait.ge [sflag:s12], $0x4000  }
0x396: {  	[sflag:s12] =	ssyncset.done $0x0  }
0x397: {  	s20 =	simm.s32 $0xA00;
	[sflag:s12] =	ssyncadd.s32 $0xFFFFC000  }
0x398: {  	[spmem:s3] =	stream.indirect.scatter.add.f32 [tilespmem:s10], [sflag:$0x3], $0x80, s20, s9, $0xb8;
	[tilespmem:$0x1D000] =	vst v63  }
0x399: {  	_ =	swait.ge [sflag:s6], $0x4000  }
0x39a: {  	[sflag:s6] =	ssyncset.done $0x0  }
0x39b: {  	s21 =	simm.s32 $0x300;
	[sflag:s6] =	ssyncadd.s32 $0xFFFFC000  }
0x39c: {  	[tilespmem:s10], [sflag:$0x1] =	stream.indirect.gather [hbm4b:s1+s9], $0x80, s21, s9, $0xb8;
	[tilespmem:$0x1D000] =	vst v63  }
0x39d: {  	_ =	swait.ge [sflag:s14], $0x4000  }
0x39e: {  	[sflag:s14] =	ssyncset.done $0x0  }
0x39f: {  	s24 =	simm.s32 $0xA80;
	[sflag:s14] =	ssyncadd.s32 $0xFFFFC000  }
0x3a0: {  	[spmem:s3] =	stream.indirect.scatter.add.f32 [tilespmem:s11], [sflag:$0x3], $0x80, s24, s9, $0xb8;
	[tilespmem:$0x1D000] =	vst v63  }
0x3a1: {  	_ =	swait.ge [sflag:s6], $0x4000  }
0x3a2: {  	[sflag:s6] =	ssyncset.done $0x0  }
0x3a3: {  	s2 =	simm.s32 $0x380;
	[sflag:s6] =	ssyncadd.s32 $0xFFFFC000  }
0x3a4: {  	[tilespmem:s11], [sflag:$0x2] =	stream.indirect.gather [hbm4b:s1+s9], $0x80, s2, s9, $0xb8;
	[tilespmem:$0x1D000] =	vst v63  }
0x3a5: {  	_ =	swait.ge [sflag:s12], $0x4000  }
0x3a6: {  	[sflag:s12] =	ssyncset.done $0x0  }
0x3a7: {  	s25 =	simm.s32 $0xB00;
	[sflag:s12] =	ssyncadd.s32 $0xFFFFC000  }
0x3a8: {  	[spmem:s3] =	stream.indirect.scatter.add.f32 [tilespmem:s10], [sflag:$0x3], $0x80, s25, s9, $0xb8;
	[tilespmem:$0x1D000] =	vst v63  }
0x3a9: {  	_ =	swait.ge [sflag:s6], $0x4000  }
0x3aa: {  	[sflag:s6] =	ssyncset.done $0x0  }
0x3ab: {  	s26 =	simm.s32 $0x400;
	[sflag:s6] =	ssyncadd.s32 $0xFFFFC000  }
0x3ac: {  	[tilespmem:s10], [sflag:$0x1] =	stream.indirect.gather [hbm4b:s1+s9], $0x80, s26, s9, $0xb8;
	[tilespmem:$0x1D000] =	vst v63  }
0x3ad: {  	_ =	swait.ge [sflag:s14], $0x4000  }
0x3ae: {  	[sflag:s14] =	ssyncset.done $0x0  }
0x3af: {  	s28 =	simm.s32 $0xB80;
	[sflag:s14] =	ssyncadd.s32 $0xFFFFC000  }
0x3b0: {  	[spmem:s3] =	stream.indirect.scatter.add.f32 [tilespmem:s11], [sflag:$0x3], $0x80, s28, s9, $0xb8;
	[tilespmem:$0x1D000] =	vst v63  }
0x3b1: {  	_ =	swait.ge [sflag:s6], $0x4000  }
0x3b2: {  	[sflag:s6] =	ssyncset.done $0x0  }
0x3b3: {  	s29 =	simm.s32 $0x480;
	[sflag:s6] =	ssyncadd.s32 $0xFFFFC000  }
0x3b4: {  	[tilespmem:s11], [sflag:$0x2] =	stream.indirect.gather [hbm4b:s1+s9], $0x80, s29, s9, $0xb8;
	[tilespmem:$0x1D000] =	vst v63  }
0x3b5: {  	_ =	swait.ge [sflag:s12], $0x4000  }
0x3b6: {  	[sflag:s12] =	ssyncset.done $0x0  }
0x3b7: {  	s30 =	simm.s32 $0xC00;
	[sflag:s12] =	ssyncadd.s32 $0xFFFFC000  }
0x3b8: {  	[spmem:s3] =	stream.indirect.scatter.add.f32 [tilespmem:s10], [sflag:$0x3], $0x80, s30, s9, $0xb8;
	[tilespmem:$0x1D000] =	vst v63  }
0x3b9: {  	_ =	swait.ge [sflag:s6], $0x4000  }
0x3ba: {  	[sflag:s6] =	ssyncset.done $0x0  }
0x3bb: {  	s31 =	simm.s32 $0x500;
	[sflag:s6] =	ssyncadd.s32 $0xFFFFC000  }
0x3bc: {  	[tilespmem:s10], [sflag:$0x1] =	stream.indirect.gather [hbm4b:s1+s9], $0x80, s31, s9, $0xb8;
	[tilespmem:$0x1D000] =	vst v63  }
0x3bd: {  	_ =	swait.ge [sflag:s14], $0x4000  }
0x3be: {  	[sflag:s14] =	ssyncset.done $0x0  }
0x3bf: {  	s24 =	simm.s32 $0xC80;
	[sflag:s14] =	ssyncadd.s32 $0xFFFFC000  }
0x3c0: {  	[spmem:s3] =	stream.indirect.scatter.add.f32 [tilespmem:s11], [sflag:$0x3], $0x80, s24, s9, $0xb8;
	[tilespmem:$0x1D000] =	vst v63  }
0x3c1: {  	_ =	swait.ge [sflag:s6], $0x4000  }
0x3c2: {  	[sflag:s6] =	ssyncset.done $0x0  }
0x3c3: {  	s7 =	simm.s32 $0x580;
	[sflag:s6] =	ssyncadd.s32 $0xFFFFC000  }
0x3c4: {  	[tilespmem:s11], [sflag:$0x2] =	stream.indirect.gather [hbm4b:s1+s9], $0x80, s7, s9, $0xb8;
	[tilespmem:$0x1D000] =	vst v63  }
0x3c5: {  	_ =	swait.ge [sflag:s12], $0x4000  }
0x3c6: {  	[sflag:s12] =	ssyncset.done $0x0  }
0x3c7: {  	s23 =	simm.s32 $0xD00;
	[sflag:s12] =	ssyncadd.s32 $0xFFFFC000  }
0x3c8: {  	[spmem:s3] =	stream.indirect.scatter.add.f32 [tilespmem:s10], [sflag:$0x3], $0x80, s23, s9, $0xb8;
	[tilespmem:$0x1D000] =	vst v63  }
0x3c9: {  	_ =	swait.ge [sflag:s6], $0x4000  }
0x3ca: {  	[sflag:s6] =	ssyncset.done $0x0  }
0x3cb: {  	s5 =	simm.s32 $0x600;
	[sflag:s6] =	ssyncadd.s32 $0xFFFFC000  }
0x3cc: {  	[tilespmem:s10], [sflag:$0x1] =	stream.indirect.gather [hbm4b:s1+s9], $0x80, s5, s9, $0xb8;
	[tilespmem:$0x1D000] =	vst v63  }
0x3cd: {  	_ =	swait.ge [sflag:s14], $0x4000  }
0x3ce: {  	[sflag:s14] =	ssyncset.done $0x0  }
0x3cf: {  	s23 =	simm.s32 $0xD80;
	[sflag:s14] =	ssyncadd.s32 $0xFFFFC000  }
0x3d0: {  	[spmem:s3] =	stream.indirect.scatter.add.f32 [tilespmem:s11], [sflag:$0x3], $0x80, s23, s9, $0xb8;
	[tilespmem:$0x1D000] =	vst v63  }
0x3d1: {  	_ =	swait.ge [sflag:s6], $0x4000  }
0x3d2: {  	[sflag:s6] =	ssyncset.done $0x0  }
0x3d3: {  	s23 =	simm.s32 $0x680;
	[sflag:s6] =	ssyncadd.s32 $0xFFFFC000  }
0x3d4: {  	[tilespmem:s11], [sflag:$0x2] =	stream.indirect.gather [hbm4b:s1+s9], $0x80, s23, s9, $0xb8;
	[tilespmem:$0x1D000] =	vst v63  }
0x3d5: {  	_ =	swait.ge [sflag:s12], $0x4000  }
0x3d6: {  	[sflag:s12] =	ssyncset.done $0x0  }
0x3d7: {  	s13 =	simm.s32 $0xE00;
	[sflag:s12] =	ssyncadd.s32 $0xFFFFC000  }
0x3d8: {  	[spmem:s3] =	stream.indirect.scatter.add.f32 [tilespmem:s10], [sflag:$0x3], $0x80, s13, s9, $0xb8;
	[tilespmem:$0x1D000] =	vst v63  }
0x3d9: {  	_ =	swait.ge [sflag:s6], $0x4000  }
0x3da: {  	[sflag:s6] =	ssyncset.done $0x0  }
0x3db: {  	s15 =	simm.s32 $0x700;
	[sflag:s6] =	ssyncadd.s32 $0xFFFFC000  }
0x3dc: {  	[tilespmem:s10], [sflag:$0x1] =	stream.indirect.gather [hbm4b:s1+s9], $0x80, s15, s9, $0xb8;
	[tilespmem:$0x1D000] =	vst v63  }
0x3dd: {  	_ =	swait.ge [sflag:s14], $0x4000  }
0x3de: {  	[sflag:s14] =	ssyncset.done $0x0  }
0x3df: {  	s16 =	simm.s32 $0xE80;
	[sflag:s14] =	ssyncadd.s32 $0xFFFFC000  }
0x3e0: {  	[spmem:s3] =	stream.indirect.scatter.add.f32 [tilespmem:s11], [sflag:$0x3], $0x80, s16, s9, $0xb8;
	[tilespmem:$0x1D000] =	vst v63  }
0x3e1: {  	_ =	swait.ge [sflag:s6], $0x4000  }
0x3e2: {  	[sflag:s6] =	ssyncset.done $0x0  }
0x3e3: {  	s17 =	simm.s32 $0x780;
	[sflag:s6] =	ssyncadd.s32 $0xFFFFC000  }
0x3e4: {  	[tilespmem:s11], [sflag:$0x2] =	stream.indirect.gather [hbm4b:s1+s9], $0x80, s17, s9, $0xb8;
	[tilespmem:$0x1D000] =	vst v63  }
0x3e5: {  	_ =	swait.ge [sflag:s12], $0x4000  }
0x3e6: {  	[sflag:s12] =	ssyncset.done $0x0  }
0x3e7: {  	s18 =	simm.s32 $0xF00;
	[sflag:s12] =	ssyncadd.s32 $0xFFFFC000  }
0x3e8: {  	[spmem:s3] =	stream.indirect.scatter.add.f32 [tilespmem:s10], [sflag:$0x3], $0x80, s18, s9, $0xb8;
	[tilespmem:$0x1D000] =	vst v63  }
0x3e9: {  	_ =	swait.ge [sflag:s6], $0x4000  }
0x3ea: {  	[sflag:s6] =	ssyncset.done $0x0  }
0x3eb: {  	[sflag:s6] =	ssyncadd.s32 $0xFFFFC000  }
0x3ec: {  	_ =	swait.ge [sflag:s14], $0x4000  }
0x3ed: {  	[sflag:s14] =	ssyncset.done $0x0  }
0x3ee: {  	s19 =	simm.s32 $0xF80;
	[sflag:s14] =	ssyncadd.s32 $0xFFFFC000  }
0x3ef: {  	[spmem:s3] =	stream.indirect.scatter.add.f32 [tilespmem:s11], [sflag:$0x3], $0x80, s19, s9, $0xb8;
	[tilespmem:$0x1D000] =	vst v63  }
0x3f0: {  	_ =	swait.ge [sflag:s6], $0x4000  }
0x3f1: {  	[sflag:s6] =	ssyncset.done $0x0  }
0x3f2: {  	s23 =	rddreg [dreg:$0x9];
	[sflag:s6] =	ssyncadd.s32 $0xFFFFC000  }
0x3f3: {  	[tilespmem:s8], [sflag:$0x3] =	stream.linear.gather [hbm4b:s23+s8], $0x800, $0x38;
	[tilespmem:$0x1D000] =	vst v63  }
0x3f4: {  	_ =	swait.ge [sflag:s6], $0x800  }
0x3f5: {  	[sflag:s6] =	ssyncset.done $0x0  }
0x3f6: {  	s23 =	rddreg [dreg:$0xa];
	[sflag:s6] =	ssyncadd.s32 $0xFFFFF800  }
0x3f7: {  	[tilespmem:s0], [sflag:$0x3] =	stream.linear.gather [hbm4b:s23+s8], $0x800, $0x38;
	[tilespmem:$0x1D000] =	vst v63  }
0x3f8: {  	_ =	swait.ge [sflag:s6], $0x800  }
0x3f9: {  	[sflag:s6] =	ssyncset.done $0x0  }
0x3fa: {  	[sflag:s6] =	ssyncadd.s32 $0xFFFFF800  }
0x3fb: {  	[tilespmem:s10], [sflag:$0x1] =	stream.indirect.gather [hbm4b:s1+s9], $0x80, s8, s9, $0xb8;
	[tilespmem:$0x1D000] =	vst v63  }
0x3fc: {  	_ = 	snop  }
0x3fd: {  	[tilespmem:s11], [sflag:$0x2] =	stream.indirect.gather [hbm4b:s1+s9], $0x80, s9, s9, $0xb8;
	[tilespmem:$0x1D000] =	vst v63  }
0x3fe: {  	_ =	swait.ge [sflag:s12], $0x4000  }
0x3ff: {  	[sflag:s12] =	ssyncset.done $0x0  }
0x400: {  	[sflag:s12] =	ssyncadd.s32 $0xFFFFC000  }
0x401: {  	[spmem:s3] =	stream.indirect.scatter.add.f32 [tilespmem:s10], [sflag:$0x3], $0x80, s0, s9, $0xb8;
	[tilespmem:$0x1D000] =	vst v63  }
0x402: {  	_ =	swait.ge [sflag:s6], $0x4000  }
0x403: {  	[sflag:s6] =	ssyncset.done $0x0  }
0x404: {  	s23 =	simm.s32 $0x100;
	[sflag:s6] =	ssyncadd.s32 $0xFFFFC000  }
0x405: {  	[tilespmem:s10], [sflag:$0x1] =	stream.indirect.gather [hbm4b:s1+s9], $0x80, s23, s9, $0xb8;
	[tilespmem:$0x1D000] =	vst v63  }
0x406: {  	_ =	swait.ge [sflag:s14], $0x4000  }
0x407: {  	[sflag:s14] =	ssyncset.done $0x0  }
0x408: {  	s23 =	simm.s32 $0x880;
	[sflag:s14] =	ssyncadd.s32 $0xFFFFC000  }
0x409: {  	[spmem:s3] =	stream.indirect.scatter.add.f32 [tilespmem:s11], [sflag:$0x3], $0x80, s23, s9, $0xb8;
	[tilespmem:$0x1D000] =	vst v63  }
0x40a: {  	_ =	swait.ge [sflag:s6], $0x4000  }
0x40b: {  	[sflag:s6] =	ssyncset.done $0x0  }
0x40c: {  	s23 =	simm.s32 $0x180;
	[sflag:s6] =	ssyncadd.s32 $0xFFFFC000  }
0x40d: {  	[tilespmem:s11], [sflag:$0x2] =	stream.indirect.gather [hbm4b:s1+s9], $0x80, s23, s9, $0xb8;
	[tilespmem:$0x1D000] =	vst v63  }
0x40e: {  	_ =	swait.ge [sflag:s12], $0x4000  }
0x40f: {  	[sflag:s12] =	ssyncset.done $0x0  }
0x410: {  	s23 =	simm.s32 $0x900;
	[sflag:s12] =	ssyncadd.s32 $0xFFFFC000  }
0x411: {  	[spmem:s3] =	stream.indirect.scatter.add.f32 [tilespmem:s10], [sflag:$0x3], $0x80, s23, s9, $0xb8;
	[tilespmem:$0x1D000] =	vst v63  }
0x412: {  	_ =	swait.ge [sflag:s6], $0x4000  }
0x413: {  	[sflag:s6] =	ssyncset.done $0x0  }
0x414: {  	s23 =	simm.s32 $0x200;
	[sflag:s6] =	ssyncadd.s32 $0xFFFFC000  }
0x415: {  	[tilespmem:s10], [sflag:$0x1] =	stream.indirect.gather [hbm4b:s1+s9], $0x80, s23, s9, $0xb8;
	[tilespmem:$0x1D000] =	vst v63  }
0x416: {  	_ =	swait.ge [sflag:s14], $0x4000  }
0x417: {  	[sflag:s14] =	ssyncset.done $0x0  }
0x418: {  	s23 =	simm.s32 $0x980;
	[sflag:s14] =	ssyncadd.s32 $0xFFFFC000  }
0x419: {  	[spmem:s3] =	stream.indirect.scatter.add.f32 [tilespmem:s11], [sflag:$0x3], $0x80, s23, s9, $0xb8;
	[tilespmem:$0x1D000] =	vst v63  }
0x41a: {  	_ =	swait.ge [sflag:s6], $0x4000  }
0x41b: {  	[sflag:s6] =	ssyncset.done $0x0  }
0x41c: {  	[sflag:s6] =	ssyncadd.s32 $0xFFFFC000  }
0x41d: {  	[tilespmem:s11], [sflag:$0x2] =	stream.indirect.gather [hbm4b:s1+s9], $0x80, s4, s9, $0xb8;
	[tilespmem:$0x1D000] =	vst v63  }
0x41e: {  	_ =	swait.ge [sflag:s12], $0x4000  }
0x41f: {  	[sflag:s12] =	ssyncset.done $0x0  }
0x420: {  	[sflag:s12] =	ssyncadd.s32 $0xFFFFC000  }
0x421: {  	[spmem:s3] =	stream.indirect.scatter.add.f32 [tilespmem:s10], [sflag:$0x3], $0x80, s20, s9, $0xb8;
	[tilespmem:$0x1D000] =	vst v63  }
0x422: {  	_ =	swait.ge [sflag:s6], $0x4000  }
0x423: {  	[sflag:s6] =	ssyncset.done $0x0  }
0x424: {  	[sflag:s6] =	ssyncadd.s32 $0xFFFFC000  }
0x425: {  	[tilespmem:s10], [sflag:$0x1] =	stream.indirect.gather [hbm4b:s1+s9], $0x80, s21, s9, $0xb8;
	[tilespmem:$0x1D000] =	vst v63  }
0x426: {  	_ =	swait.ge [sflag:s14], $0x4000  }
0x427: {  	[sflag:s14] =	ssyncset.done $0x0  }
0x428: {  	s23 =	simm.s32 $0xA80;
	[sflag:s14] =	ssyncadd.s32 $0xFFFFC000  }
0x429: {  	[spmem:s3] =	stream.indirect.scatter.add.f32 [tilespmem:s11], [sflag:$0x3], $0x80, s23, s9, $0xb8;
	[tilespmem:$0x1D000] =	vst v63  }
0x42a: {  	_ =	swait.ge [sflag:s6], $0x4000  }
0x42b: {  	[sflag:s6] =	ssyncset.done $0x0  }
0x42c: {  	[sflag:s6] =	ssyncadd.s32 $0xFFFFC000  }
0x42d: {  	[tilespmem:s11], [sflag:$0x2] =	stream.indirect.gather [hbm4b:s1+s9], $0x80, s2, s9, $0xb8;
	[tilespmem:$0x1D000] =	vst v63  }
0x42e: {  	_ =	swait.ge [sflag:s12], $0x4000  }
0x42f: {  	[sflag:s12] =	ssyncset.done $0x0  }
0x430: {  	[sflag:s12] =	ssyncadd.s32 $0xFFFFC000  }
0x431: {  	[spmem:s3] =	stream.indirect.scatter.add.f32 [tilespmem:s10], [sflag:$0x3], $0x80, s25, s9, $0xb8;
	[tilespmem:$0x1D000] =	vst v63  }
0x432: {  	_ =	swait.ge [sflag:s6], $0x4000  }
0x433: {  	[sflag:s6] =	ssyncset.done $0x0  }
0x434: {  	[sflag:s6] =	ssyncadd.s32 $0xFFFFC000  }
0x435: {  	[tilespmem:s10], [sflag:$0x1] =	stream.indirect.gather [hbm4b:s1+s9], $0x80, s26, s9, $0xb8;
	[tilespmem:$0x1D000] =	vst v63  }
0x436: {  	_ =	swait.ge [sflag:s14], $0x4000  }
0x437: {  	[sflag:s14] =	ssyncset.done $0x0  }
0x438: {  	[sflag:s14] =	ssyncadd.s32 $0xFFFFC000  }
0x439: {  	[spmem:s3] =	stream.indirect.scatter.add.f32 [tilespmem:s11], [sflag:$0x3], $0x80, s28, s9, $0xb8;
	[tilespmem:$0x1D000] =	vst v63  }
0x43a: {  	_ =	swait.ge [sflag:s6], $0x4000  }
0x43b: {  	[sflag:s6] =	ssyncset.done $0x0  }
0x43c: {  	[sflag:s6] =	ssyncadd.s32 $0xFFFFC000  }
0x43d: {  	[tilespmem:s11], [sflag:$0x2] =	stream.indirect.gather [hbm4b:s1+s9], $0x80, s29, s9, $0xb8;
	[tilespmem:$0x1D000] =	vst v63  }
0x43e: {  	_ =	swait.ge [sflag:s12], $0x4000  }
0x43f: {  	[sflag:s12] =	ssyncset.done $0x0  }
0x440: {  	[sflag:s12] =	ssyncadd.s32 $0xFFFFC000  }
0x441: {  	[spmem:s3] =	stream.indirect.scatter.add.f32 [tilespmem:s10], [sflag:$0x3], $0x80, s30, s9, $0xb8;
	[tilespmem:$0x1D000] =	vst v63  }
0x442: {  	_ =	swait.ge [sflag:s6], $0x4000  }
0x443: {  	[sflag:s6] =	ssyncset.done $0x0  }
0x444: {  	[sflag:s6] =	ssyncadd.s32 $0xFFFFC000  }
0x445: {  	[tilespmem:s10], [sflag:$0x1] =	stream.indirect.gather [hbm4b:s1+s9], $0x80, s31, s9, $0xb8;
	[tilespmem:$0x1D000] =	vst v63  }
0x446: {  	_ =	swait.ge [sflag:s14], $0x4000  }
0x447: {  	[sflag:s14] =	ssyncset.done $0x0  }
0x448: {  	[sflag:s14] =	ssyncadd.s32 $0xFFFFC000  }
0x449: {  	[spmem:s3] =	stream.indirect.scatter.add.f32 [tilespmem:s11], [sflag:$0x3], $0x80, s24, s9, $0xb8;
	[tilespmem:$0x1D000] =	vst v63  }
0x44a: {  	_ =	swait.ge [sflag:s6], $0x4000  }
0x44b: {  	[sflag:s6] =	ssyncset.done $0x0  }
0x44c: {  	[sflag:s6] =	ssyncadd.s32 $0xFFFFC000  }
0x44d: {  	[tilespmem:s11], [sflag:$0x2] =	stream.indirect.gather [hbm4b:s1+s9], $0x80, s7, s9, $0xb8;
	[tilespmem:$0x1D000] =	vst v63  }
0x44e: {  	_ =	swait.ge [sflag:s12], $0x4000  }
0x44f: {  	[sflag:s12] =	ssyncset.done $0x0  }
0x450: {  	s24 =	simm.s32 $0xD00;
	[sflag:s12] =	ssyncadd.s32 $0xFFFFC000  }
0x451: {  	[spmem:s3] =	stream.indirect.scatter.add.f32 [tilespmem:s10], [sflag:$0x3], $0x80, s24, s9, $0xb8;
	[tilespmem:$0x1D000] =	vst v63  }
0x452: {  	_ =	swait.ge [sflag:s6], $0x4000  }
0x453: {  	[sflag:s6] =	ssyncset.done $0x0  }
0x454: {  	s5 =	simm.s32 $0x600;
	[sflag:s6] =	ssyncadd.s32 $0xFFFFC000  }
0x455: {  	[tilespmem:s10], [sflag:$0x1] =	stream.indirect.gather [hbm4b:s1+s9], $0x80, s5, s9, $0xb8;
	[tilespmem:$0x1D000] =	vst v63  }
0x456: {  	_ =	swait.ge [sflag:s14], $0x4000  }
0x457: {  	[sflag:s14] =	ssyncset.done $0x0  }
0x458: {  	s23 =	simm.s32 $0xD80;
	[sflag:s14] =	ssyncadd.s32 $0xFFFFC000  }
0x459: {  	[spmem:s3] =	stream.indirect.scatter.add.f32 [tilespmem:s11], [sflag:$0x3], $0x80, s23, s9, $0xb8;
	[tilespmem:$0x1D000] =	vst v63  }
0x45a: {  	_ =	swait.ge [sflag:s6], $0x4000  }
0x45b: {  	[sflag:s6] =	ssyncset.done $0x0  }
0x45c: {  	s7 =	simm.s32 $0x680;
	[sflag:s6] =	ssyncadd.s32 $0xFFFFC000  }
0x45d: {  	[tilespmem:s11], [sflag:$0x2] =	stream.indirect.gather [hbm4b:s1+s9], $0x80, s7, s9, $0xb8;
	[tilespmem:$0x1D000] =	vst v63  }
0x45e: {  	_ =	swait.ge [sflag:s12], $0x4000  }
0x45f: {  	[sflag:s12] =	ssyncset.done $0x0  }
0x460: {  	s13 =	simm.s32 $0xE00;
	[sflag:s12] =	ssyncadd.s32 $0xFFFFC000  }
0x461: {  	[spmem:s3] =	stream.indirect.scatter.add.f32 [tilespmem:s10], [sflag:$0x3], $0x80, s13, s9, $0xb8;
	[tilespmem:$0x1D000] =	vst v63  }
0x462: {  	_ =	swait.ge [sflag:s6], $0x4000  }
0x463: {  	[sflag:s6] =	ssyncset.done $0x0  }
0x464: {  	s15 =	simm.s32 $0x700;
	[sflag:s6] =	ssyncadd.s32 $0xFFFFC000  }
0x465: {  	[tilespmem:s10], [sflag:$0x1] =	stream.indirect.gather [hbm4b:s1+s9], $0x80, s15, s9, $0xb8;
	[tilespmem:$0x1D000] =	vst v63  }
0x466: {  	_ =	swait.ge [sflag:s14], $0x4000  }
0x467: {  	[sflag:s14] =	ssyncset.done $0x0  }
0x468: {  	s16 =	simm.s32 $0xE80;
	[sflag:s14] =	ssyncadd.s32 $0xFFFFC000  }
0x469: {  	[spmem:s3] =	stream.indirect.scatter.add.f32 [tilespmem:s11], [sflag:$0x3], $0x80, s16, s9, $0xb8;
	[tilespmem:$0x1D000] =	vst v63  }
0x46a: {  	_ =	swait.ge [sflag:s6], $0x4000  }
0x46b: {  	[sflag:s6] =	ssyncset.done $0x0  }
0x46c: {  	s17 =	simm.s32 $0x780;
	[sflag:s6] =	ssyncadd.s32 $0xFFFFC000  }
0x46d: {  	[tilespmem:s11], [sflag:$0x2] =	stream.indirect.gather [hbm4b:s1+s9], $0x80, s17, s9, $0xb8;
	[tilespmem:$0x1D000] =	vst v63  }
0x46e: {  	_ =	swait.ge [sflag:s12], $0x4000  }
0x46f: {  	[sflag:s12] =	ssyncset.done $0x0  }
0x470: {  	s18 =	simm.s32 $0xF00;
	[sflag:s12] =	ssyncadd.s32 $0xFFFFC000  }
0x471: {  	[spmem:s3] =	stream.indirect.scatter.add.f32 [tilespmem:s10], [sflag:$0x3], $0x80, s18, s9, $0xb8;
	[tilespmem:$0x1D000] =	vst v63  }
0x472: {  	_ =	swait.ge [sflag:s6], $0x4000  }
0x473: {  	[sflag:s6] =	ssyncset.done $0x0  }
0x474: {  	[sflag:s6] =	ssyncadd.s32 $0xFFFFC000  }
0x475: {  	_ =	swait.ge [sflag:s14], $0x4000  }
0x476: {  	[sflag:s14] =	ssyncset.done $0x0  }
0x477: {  	s19 =	simm.s32 $0xF80;
	[sflag:s14] =	ssyncadd.s32 $0xFFFFC000  }
0x478: {  	[spmem:s3] =	stream.indirect.scatter.add.f32 [tilespmem:s11], [sflag:$0x3], $0x80, s19, s9, $0xb8;
	[tilespmem:$0x1D000] =	vst v63  }
0x479: {  	_ =	swait.ge [sflag:s6], $0x4000  }
0x47a: {  	[sflag:s6] =	ssyncset.done $0x0  }
0x47b: {  	s16 =	rddreg [dreg:$0xb];
	[sflag:s6] =	ssyncadd.s32 $0xFFFFC000  }
0x47c: {  	[tilespmem:s8], [sflag:$0x3] =	stream.linear.gather [hbm4b:s16+s8], $0x800, $0x38;
	[tilespmem:$0x1D000] =	vst v63  }
0x47d: {  	_ =	swait.ge [sflag:s6], $0x800  }
0x47e: {  	[sflag:s6] =	ssyncset.done $0x0  }
0x47f: {  	s17 =	rddreg [dreg:$0xc];
	[sflag:s6] =	ssyncadd.s32 $0xFFFFF800  }
0x480: {  	[tilespmem:s0], [sflag:$0x3] =	stream.linear.gather [hbm4b:s17+s8], $0x800, $0x38;
	[tilespmem:$0x1D000] =	vst v63  }
0x481: {  	_ =	swait.ge [sflag:s6], $0x800  }
0x482: {  	[sflag:s6] =	ssyncset.done $0x0  }
0x483: {  	[sflag:s6] =	ssyncadd.s32 $0xFFFFF800  }
0x484: {  	[tilespmem:s10], [sflag:$0x1] =	stream.indirect.gather [hbm4b:s1+s9], $0x80, s8, s9, $0xb8;
	[tilespmem:$0x1D000] =	vst v63  }
0x485: {  	_ = 	snop  }
0x486: {  	[tilespmem:s11], [sflag:$0x2] =	stream.indirect.gather [hbm4b:s1+s9], $0x80, s9, s9, $0xb8;
	[tilespmem:$0x1D000] =	vst v63  }
0x487: {  	_ =	swait.ge [sflag:s12], $0x4000  }
0x488: {  	[sflag:s12] =	ssyncset.done $0x0  }
0x489: {  	[sflag:s12] =	ssyncadd.s32 $0xFFFFC000  }
0x48a: {  	[spmem:s3] =	stream.indirect.scatter.add.f32 [tilespmem:s10], [sflag:$0x3], $0x80, s0, s9, $0xb8;
	[tilespmem:$0x1D000] =	vst v63  }
0x48b: {  	_ =	swait.ge [sflag:s6], $0x4000  }
0x48c: {  	[sflag:s6] =	ssyncset.done $0x0  }
0x48d: {  	s18 =	simm.s32 $0x100;
	[sflag:s6] =	ssyncadd.s32 $0xFFFFC000  }
0x48e: {  	[tilespmem:s10], [sflag:$0x1] =	stream.indirect.gather [hbm4b:s1+s9], $0x80, s18, s9, $0xb8;
	[tilespmem:$0x1D000] =	vst v63  }
0x48f: {  	_ =	swait.ge [sflag:s14], $0x4000  }
0x490: {  	[sflag:s14] =	ssyncset.done $0x0  }
0x491: {  	s19 =	simm.s32 $0x880;
	[sflag:s14] =	ssyncadd.s32 $0xFFFFC000  }
0x492: {  	[spmem:s3] =	stream.indirect.scatter.add.f32 [tilespmem:s11], [sflag:$0x3], $0x80, s19, s9, $0xb8;
	[tilespmem:$0x1D000] =	vst v63  }
0x493: {  	_ =	swait.ge [sflag:s6], $0x4000  }
0x494: {  	[sflag:s6] =	ssyncset.done $0x0  }
0x495: {  	s23 =	simm.s32 $0x180;
	[sflag:s6] =	ssyncadd.s32 $0xFFFFC000  }
0x496: {  	[tilespmem:s11], [sflag:$0x2] =	stream.indirect.gather [hbm4b:s1+s9], $0x80, s23, s9, $0xb8;
	[tilespmem:$0x1D000] =	vst v63  }
0x497: {  	_ =	swait.ge [sflag:s12], $0x4000  }
0x498: {  	[sflag:s12] =	ssyncset.done $0x0  }
0x499: {  	s7 =	simm.s32 $0x900;
	[sflag:s12] =	ssyncadd.s32 $0xFFFFC000  }
0x49a: {  	[spmem:s3] =	stream.indirect.scatter.add.f32 [tilespmem:s10], [sflag:$0x3], $0x80, s7, s9, $0xb8;
	[tilespmem:$0x1D000] =	vst v63  }
0x49b: {  	_ =	swait.ge [sflag:s6], $0x4000  }
0x49c: {  	[sflag:s6] =	ssyncset.done $0x0  }
0x49d: {  	s13 =	simm.s32 $0x200;
	[sflag:s6] =	ssyncadd.s32 $0xFFFFC000  }
0x49e: {  	[tilespmem:s10], [sflag:$0x1] =	stream.indirect.gather [hbm4b:s1+s9], $0x80, s13, s9, $0xb8;
	[tilespmem:$0x1D000] =	vst v63  }
0x49f: {  	_ =	swait.ge [sflag:s14], $0x4000  }
0x4a0: {  	[sflag:s14] =	ssyncset.done $0x0  }
0x4a1: {  	s15 =	simm.s32 $0x980;
	[sflag:s14] =	ssyncadd.s32 $0xFFFFC000  }
0x4a2: {  	[spmem:s3] =	stream.indirect.scatter.add.f32 [tilespmem:s11], [sflag:$0x3], $0x80, s15, s9, $0xb8;
	[tilespmem:$0x1D000] =	vst v63  }
0x4a3: {  	_ =	swait.ge [sflag:s6], $0x4000  }
0x4a4: {  	[sflag:s6] =	ssyncset.done $0x0  }
0x4a5: {  	s4 =	simm.s32 $0x280;
	[sflag:s6] =	ssyncadd.s32 $0xFFFFC000  }
0x4a6: {  	[tilespmem:s11], [sflag:$0x2] =	stream.indirect.gather [hbm4b:s1+s9], $0x80, s4, s9, $0xb8;
	[tilespmem:$0x1D000] =	vst v63  }
0x4a7: {  	_ =	swait.ge [sflag:s12], $0x4000  }
0x4a8: {  	[sflag:s12] =	ssyncset.done $0x0  }
0x4a9: {  	s20 =	simm.s32 $0xA00;
	[sflag:s12] =	ssyncadd.s32 $0xFFFFC000  }
0x4aa: {  	[spmem:s3] =	stream.indirect.scatter.add.f32 [tilespmem:s10], [sflag:$0x3], $0x80, s20, s9, $0xb8;
	[tilespmem:$0x1D000] =	vst v63  }
0x4ab: {  	_ =	swait.ge [sflag:s6], $0x4000  }
0x4ac: {  	[sflag:s6] =	ssyncset.done $0x0  }
0x4ad: {  	s21 =	simm.s32 $0x300;
	[sflag:s6] =	ssyncadd.s32 $0xFFFFC000  }
0x4ae: {  	[tilespmem:s10], [sflag:$0x1] =	stream.indirect.gather [hbm4b:s1+s9], $0x80, s21, s9, $0xb8;
	[tilespmem:$0x1D000] =	vst v63  }
0x4af: {  	_ =	swait.ge [sflag:s14], $0x4000  }
0x4b0: {  	[sflag:s14] =	ssyncset.done $0x0  }
0x4b1: {  	s16 =	simm.s32 $0xA80;
	[sflag:s14] =	ssyncadd.s32 $0xFFFFC000  }
0x4b2: {  	[spmem:s3] =	stream.indirect.scatter.add.f32 [tilespmem:s11], [sflag:$0x3], $0x80, s16, s9, $0xb8;
	[tilespmem:$0x1D000] =	vst v63  }
0x4b3: {  	_ =	swait.ge [sflag:s6], $0x4000  }
0x4b4: {  	[sflag:s6] =	ssyncset.done $0x0  }
0x4b5: {  	s17 =	simm.s32 $0x380;
	[sflag:s6] =	ssyncadd.s32 $0xFFFFC000  }
0x4b6: {  	[tilespmem:s11], [sflag:$0x2] =	stream.indirect.gather [hbm4b:s1+s9], $0x80, s17, s9, $0xb8;
	[tilespmem:$0x1D000] =	vst v63  }
0x4b7: {  	_ =	swait.ge [sflag:s12], $0x4000  }
0x4b8: {  	[sflag:s12] =	ssyncset.done $0x0  }
0x4b9: {  	s25 =	simm.s32 $0xB00;
	[sflag:s12] =	ssyncadd.s32 $0xFFFFC000  }
0x4ba: {  	[spmem:s3] =	stream.indirect.scatter.add.f32 [tilespmem:s10], [sflag:$0x3], $0x80, s25, s9, $0xb8;
	[tilespmem:$0x1D000] =	vst v63  }
0x4bb: {  	_ =	swait.ge [sflag:s6], $0x4000  }
0x4bc: {  	[sflag:s6] =	ssyncset.done $0x0  }
0x4bd: {  	s26 =	simm.s32 $0x400;
	[sflag:s6] =	ssyncadd.s32 $0xFFFFC000  }
0x4be: {  	[tilespmem:s10], [sflag:$0x1] =	stream.indirect.gather [hbm4b:s1+s9], $0x80, s26, s9, $0xb8;
	[tilespmem:$0x1D000] =	vst v63  }
0x4bf: {  	_ =	swait.ge [sflag:s14], $0x4000  }
0x4c0: {  	[sflag:s14] =	ssyncset.done $0x0  }
0x4c1: {  	s28 =	simm.s32 $0xB80;
	[sflag:s14] =	ssyncadd.s32 $0xFFFFC000  }
0x4c2: {  	[spmem:s3] =	stream.indirect.scatter.add.f32 [tilespmem:s11], [sflag:$0x3], $0x80, s28, s9, $0xb8;
	[tilespmem:$0x1D000] =	vst v63  }
0x4c3: {  	_ =	swait.ge [sflag:s6], $0x4000  }
0x4c4: {  	[sflag:s6] =	ssyncset.done $0x0  }
0x4c5: {  	s29 =	simm.s32 $0x480;
	[sflag:s6] =	ssyncadd.s32 $0xFFFFC000  }
0x4c6: {  	[tilespmem:s11], [sflag:$0x2] =	stream.indirect.gather [hbm4b:s1+s9], $0x80, s29, s9, $0xb8;
	[tilespmem:$0x1D000] =	vst v63  }
0x4c7: {  	_ =	swait.ge [sflag:s12], $0x4000  }
0x4c8: {  	[sflag:s12] =	ssyncset.done $0x0  }
0x4c9: {  	s30 =	simm.s32 $0xC00;
	[sflag:s12] =	ssyncadd.s32 $0xFFFFC000  }
0x4ca: {  	[spmem:s3] =	stream.indirect.scatter.add.f32 [tilespmem:s10], [sflag:$0x3], $0x80, s30, s9, $0xb8;
	[tilespmem:$0x1D000] =	vst v63  }
0x4cb: {  	_ =	swait.ge [sflag:s6], $0x4000  }
0x4cc: {  	[sflag:s6] =	ssyncset.done $0x0  }
0x4cd: {  	s31 =	simm.s32 $0x500;
	[sflag:s6] =	ssyncadd.s32 $0xFFFFC000  }
0x4ce: {  	[tilespmem:s10], [sflag:$0x1] =	stream.indirect.gather [hbm4b:s1+s9], $0x80, s31, s9, $0xb8;
	[tilespmem:$0x1D000] =	vst v63  }
0x4cf: {  	_ =	swait.ge [sflag:s14], $0x4000  }
0x4d0: {  	[sflag:s14] =	ssyncset.done $0x0  }
0x4d1: {  	s2 =	simm.s32 $0xC80;
	[sflag:s14] =	ssyncadd.s32 $0xFFFFC000  }
0x4d2: {  	[spmem:s3] =	stream.indirect.scatter.add.f32 [tilespmem:s11], [sflag:$0x3], $0x80, s2, s9, $0xb8;
	[tilespmem:$0x1D000] =	vst v63  }
0x4d3: {  	_ =	swait.ge [sflag:s6], $0x4000  }
0x4d4: {  	[sflag:s6] =	ssyncset.done $0x0  }
0x4d5: {  	s18 =	simm.s32 $0x580;
	[sflag:s6] =	ssyncadd.s32 $0xFFFFC000  }
0x4d6: {  	[tilespmem:s11], [sflag:$0x2] =	stream.indirect.gather [hbm4b:s1+s9], $0x80, s18, s9, $0xb8;
	[tilespmem:$0x1D000] =	vst v63  }
0x4d7: {  	_ =	swait.ge [sflag:s12], $0x4000  }
0x4d8: {  	[sflag:s12] =	ssyncset.done $0x0  }
0x4d9: {  	s23 =	simm.s32 $0xD00;
	[sflag:s12] =	ssyncadd.s32 $0xFFFFC000  }
0x4da: {  	[spmem:s3] =	stream.indirect.scatter.add.f32 [tilespmem:s10], [sflag:$0x3], $0x80, s23, s9, $0xb8;
	[tilespmem:$0x1D000] =	vst v63  }
0x4db: {  	_ =	swait.ge [sflag:s6], $0x4000  }
0x4dc: {  	[sflag:s6] =	ssyncset.done $0x0  }
0x4dd: {  	s24 =	simm.s32 $0x600;
	[sflag:s6] =	ssyncadd.s32 $0xFFFFC000  }
0x4de: {  	[tilespmem:s10], [sflag:$0x1] =	stream.indirect.gather [hbm4b:s1+s9], $0x80, s24, s9, $0xb8;
	[tilespmem:$0x1D000] =	vst v63  }
0x4df: {  	_ =	swait.ge [sflag:s14], $0x4000  }
0x4e0: {  	[sflag:s14] =	ssyncset.done $0x0  }
0x4e1: {  	s15 =	simm.s32 $0xD80;
	[sflag:s14] =	ssyncadd.s32 $0xFFFFC000  }
0x4e2: {  	[spmem:s3] =	stream.indirect.scatter.add.f32 [tilespmem:s11], [sflag:$0x3], $0x80, s15, s9, $0xb8;
	[tilespmem:$0x1D000] =	vst v63  }
0x4e3: {  	_ =	swait.ge [sflag:s6], $0x4000  }
0x4e4: {  	[sflag:s6] =	ssyncset.done $0x0  }
0x4e5: {  	s16 =	simm.s32 $0x680;
	[sflag:s6] =	ssyncadd.s32 $0xFFFFC000  }
0x4e6: {  	[tilespmem:s11], [sflag:$0x2] =	stream.indirect.gather [hbm4b:s1+s9], $0x80, s16, s9, $0xb8;
	[tilespmem:$0x1D000] =	vst v63  }
0x4e7: {  	_ =	swait.ge [sflag:s12], $0x4000  }
0x4e8: {  	[sflag:s12] =	ssyncset.done $0x0  }
0x4e9: {  	s17 =	simm.s32 $0xE00;
	[sflag:s12] =	ssyncadd.s32 $0xFFFFC000  }
0x4ea: {  	[spmem:s3] =	stream.indirect.scatter.add.f32 [tilespmem:s10], [sflag:$0x3], $0x80, s17, s9, $0xb8;
	[tilespmem:$0x1D000] =	vst v63  }
0x4eb: {  	_ =	swait.ge [sflag:s6], $0x4000  }
0x4ec: {  	[sflag:s6] =	ssyncset.done $0x0  }
0x4ed: {  	s18 =	simm.s32 $0x700;
	[sflag:s6] =	ssyncadd.s32 $0xFFFFC000  }
0x4ee: {  	[tilespmem:s10], [sflag:$0x1] =	stream.indirect.gather [hbm4b:s1+s9], $0x80, s18, s9, $0xb8;
	[tilespmem:$0x1D000] =	vst v63  }
0x4ef: {  	_ =	swait.ge [sflag:s14], $0x4000  }
0x4f0: {  	[sflag:s14] =	ssyncset.done $0x0  }
0x4f1: {  	s23 =	simm.s32 $0xE80;
	[sflag:s14] =	ssyncadd.s32 $0xFFFFC000  }
0x4f2: {  	[spmem:s3] =	stream.indirect.scatter.add.f32 [tilespmem:s11], [sflag:$0x3], $0x80, s23, s9, $0xb8;
	[tilespmem:$0x1D000] =	vst v63  }
0x4f3: {  	_ =	swait.ge [sflag:s6], $0x4000  }
0x4f4: {  	[sflag:s6] =	ssyncset.done $0x0  }
0x4f5: {  	s23 =	simm.s32 $0x780;
	[sflag:s6] =	ssyncadd.s32 $0xFFFFC000  }
0x4f6: {  	[tilespmem:s11], [sflag:$0x2] =	stream.indirect.gather [hbm4b:s1+s9], $0x80, s23, s9, $0xb8;
	[tilespmem:$0x1D000] =	vst v63  }
0x4f7: {  	_ =	swait.ge [sflag:s12], $0x4000  }
0x4f8: {  	[sflag:s12] =	ssyncset.done $0x0  }
0x4f9: {  	s23 =	simm.s32 $0xF00;
	[sflag:s12] =	ssyncadd.s32 $0xFFFFC000  }
0x4fa: {  	[spmem:s3] =	stream.indirect.scatter.add.f32 [tilespmem:s10], [sflag:$0x3], $0x80, s23, s9, $0xb8;
	[tilespmem:$0x1D000] =	vst v63  }
0x4fb: {  	_ =	swait.ge [sflag:s6], $0x4000  }
0x4fc: {  	[sflag:s6] =	ssyncset.done $0x0  }
0x4fd: {  	[sflag:s6] =	ssyncadd.s32 $0xFFFFC000  }
0x4fe: {  	_ =	swait.ge [sflag:s14], $0x4000  }
0x4ff: {  	[sflag:s14] =	ssyncset.done $0x0  }
0x500: {  	s23 =	simm.s32 $0xF80;
	[sflag:s14] =	ssyncadd.s32 $0xFFFFC000  }
0x501: {  	[spmem:s3] =	stream.indirect.scatter.add.f32 [tilespmem:s11], [sflag:$0x3], $0x80, s23, s9, $0xb8;
	[tilespmem:$0x1D000] =	vst v63  }
0x502: {  	_ =	swait.ge [sflag:s6], $0x4000  }
0x503: {  	[sflag:s6] =	ssyncset.done $0x0  }
0x504: {  	s23 =	rddreg [dreg:$0xd];
	[sflag:s6] =	ssyncadd.s32 $0xFFFFC000  }
0x505: {  	[tilespmem:s8], [sflag:$0x3] =	stream.linear.gather [hbm4b:s23+s8], $0x800, $0x38;
	[tilespmem:$0x1D000] =	vst v63  }
0x506: {  	_ =	swait.ge [sflag:s6], $0x800  }
0x507: {  	[sflag:s6] =	ssyncset.done $0x0  }
0x508: {  	s23 =	rddreg [dreg:$0xe];
	[sflag:s6] =	ssyncadd.s32 $0xFFFFF800  }
0x509: {  	[tilespmem:s0], [sflag:$0x3] =	stream.linear.gather [hbm4b:s23+s8], $0x800, $0x38;
	[tilespmem:$0x1D000] =	vst v63  }
0x50a: {  	_ =	swait.ge [sflag:s6], $0x800  }
0x50b: {  	[sflag:s6] =	ssyncset.done $0x0  }
0x50c: {  	[sflag:s6] =	ssyncadd.s32 $0xFFFFF800  }
0x50d: {  	[tilespmem:s10], [sflag:$0x1] =	stream.indirect.gather [hbm4b:s1+s9], $0x80, s8, s9, $0xb8;
	[tilespmem:$0x1D000] =	vst v63  }
0x50e: {  	_ = 	snop  }
0x50f: {  	[tilespmem:s11], [sflag:$0x2] =	stream.indirect.gather [hbm4b:s1+s9], $0x80, s9, s9, $0xb8;
	[tilespmem:$0x1D000] =	vst v63  }
0x510: {  	_ =	swait.ge [sflag:s12], $0x4000  }
0x511: {  	[sflag:s12] =	ssyncset.done $0x0  }
0x512: {  	[sflag:s12] =	ssyncadd.s32 $0xFFFFC000  }
0x513: {  	[spmem:s3] =	stream.indirect.scatter.add.f32 [tilespmem:s10], [sflag:$0x3], $0x80, s0, s9, $0xb8;
	[tilespmem:$0x1D000] =	vst v63  }
0x514: {  	_ =	swait.ge [sflag:s6], $0x4000  }
0x515: {  	[sflag:s6] =	ssyncset.done $0x0  }
0x516: {  	s23 =	simm.s32 $0x100;
	[sflag:s6] =	ssyncadd.s32 $0xFFFFC000  }
0x517: {  	[tilespmem:s10], [sflag:$0x1] =	stream.indirect.gather [hbm4b:s1+s9], $0x80, s23, s9, $0xb8;
	[tilespmem:$0x1D000] =	vst v63  }
0x518: {  	_ =	swait.ge [sflag:s14], $0x4000  }
0x519: {  	[sflag:s14] =	ssyncset.done $0x0  }
0x51a: {  	s23 =	simm.s32 $0x880;
	[sflag:s14] =	ssyncadd.s32 $0xFFFFC000  }
0x51b: {  	[spmem:s3] =	stream.indirect.scatter.add.f32 [tilespmem:s11], [sflag:$0x3], $0x80, s23, s9, $0xb8;
	[tilespmem:$0x1D000] =	vst v63  }
0x51c: {  	_ =	swait.ge [sflag:s6], $0x4000  }
0x51d: {  	[sflag:s6] =	ssyncset.done $0x0  }
0x51e: {  	s23 =	simm.s32 $0x180;
	[sflag:s6] =	ssyncadd.s32 $0xFFFFC000  }
0x51f: {  	[tilespmem:s11], [sflag:$0x2] =	stream.indirect.gather [hbm4b:s1+s9], $0x80, s23, s9, $0xb8;
	[tilespmem:$0x1D000] =	vst v63  }
0x520: {  	_ =	swait.ge [sflag:s12], $0x4000  }
0x521: {  	[sflag:s12] =	ssyncset.done $0x0  }
0x522: {  	s23 =	simm.s32 $0x900;
	[sflag:s12] =	ssyncadd.s32 $0xFFFFC000  }
0x523: {  	[spmem:s3] =	stream.indirect.scatter.add.f32 [tilespmem:s10], [sflag:$0x3], $0x80, s23, s9, $0xb8;
	[tilespmem:$0x1D000] =	vst v63  }
0x524: {  	_ =	swait.ge [sflag:s6], $0x4000  }
0x525: {  	[sflag:s6] =	ssyncset.done $0x0  }
0x526: {  	s23 =	simm.s32 $0x200;
	[sflag:s6] =	ssyncadd.s32 $0xFFFFC000  }
0x527: {  	[tilespmem:s10], [sflag:$0x1] =	stream.indirect.gather [hbm4b:s1+s9], $0x80, s23, s9, $0xb8;
	[tilespmem:$0x1D000] =	vst v63  }
0x528: {  	_ =	swait.ge [sflag:s14], $0x4000  }
0x529: {  	[sflag:s14] =	ssyncset.done $0x0  }
0x52a: {  	s13 =	simm.s32 $0x980;
	[sflag:s14] =	ssyncadd.s32 $0xFFFFC000  }
0x52b: {  	[spmem:s3] =	stream.indirect.scatter.add.f32 [tilespmem:s11], [sflag:$0x3], $0x80, s13, s9, $0xb8;
	[tilespmem:$0x1D000] =	vst v63  }
0x52c: {  	_ =	swait.ge [sflag:s6], $0x4000  }
0x52d: {  	[sflag:s6] =	ssyncset.done $0x0  }
0x52e: {  	s19 =	simm.s32 $0x280;
	[sflag:s6] =	ssyncadd.s32 $0xFFFFC000  }
0x52f: {  	[tilespmem:s11], [sflag:$0x2] =	stream.indirect.gather [hbm4b:s1+s9], $0x80, s19, s9, $0xb8;
	[tilespmem:$0x1D000] =	vst v63  }
0x530: {  	_ =	swait.ge [sflag:s12], $0x4000  }
0x531: {  	[sflag:s12] =	ssyncset.done $0x0  }
0x532: {  	s4 =	simm.s32 $0xA00;
	[sflag:s12] =	ssyncadd.s32 $0xFFFFC000  }
0x533: {  	[spmem:s3] =	stream.indirect.scatter.add.f32 [tilespmem:s10], [sflag:$0x3], $0x80, s4, s9, $0xb8;
	[tilespmem:$0x1D000] =	vst v63  }
0x534: {  	_ =	swait.ge [sflag:s6], $0x4000  }
0x535: {  	[sflag:s6] =	ssyncset.done $0x0  }
0x536: {  	s20 =	simm.s32 $0x300;
	[sflag:s6] =	ssyncadd.s32 $0xFFFFC000  }
0x537: {  	[tilespmem:s10], [sflag:$0x1] =	stream.indirect.gather [hbm4b:s1+s9], $0x80, s20, s9, $0xb8;
	[tilespmem:$0x1D000] =	vst v63  }
0x538: {  	_ =	swait.ge [sflag:s14], $0x4000  }
0x539: {  	[sflag:s14] =	ssyncset.done $0x0  }
0x53a: {  	s20 =	simm.s32 $0xA80;
	[sflag:s14] =	ssyncadd.s32 $0xFFFFC000  }
0x53b: {  	[spmem:s3] =	stream.indirect.scatter.add.f32 [tilespmem:s11], [sflag:$0x3], $0x80, s20, s9, $0xb8;
	[tilespmem:$0x1D000] =	vst v63  }
0x53c: {  	_ =	swait.ge [sflag:s6], $0x4000  }
0x53d: {  	[sflag:s6] =	ssyncset.done $0x0  }
0x53e: {  	s5 =	simm.s32 $0x380;
	[sflag:s6] =	ssyncadd.s32 $0xFFFFC000  }
0x53f: {  	[tilespmem:s11], [sflag:$0x2] =	stream.indirect.gather [hbm4b:s1+s9], $0x80, s5, s9, $0xb8;
	[tilespmem:$0x1D000] =	vst v63  }
0x540: {  	_ =	swait.ge [sflag:s12], $0x4000  }
0x541: {  	[sflag:s12] =	ssyncset.done $0x0  }
0x542: {  	s7 =	simm.s32 $0xB00;
	[sflag:s12] =	ssyncadd.s32 $0xFFFFC000  }
0x543: {  	[spmem:s3] =	stream.indirect.scatter.add.f32 [tilespmem:s10], [sflag:$0x3], $0x80, s7, s9, $0xb8;
	[tilespmem:$0x1D000] =	vst v63  }
0x544: {  	_ =	swait.ge [sflag:s6], $0x4000  }
0x545: {  	[sflag:s6] =	ssyncset.done $0x0  }
0x546: {  	s25 =	simm.s32 $0x400;
	[sflag:s6] =	ssyncadd.s32 $0xFFFFC000  }
0x547: {  	[tilespmem:s10], [sflag:$0x1] =	stream.indirect.gather [hbm4b:s1+s9], $0x80, s25, s9, $0xb8;
	[tilespmem:$0x1D000] =	vst v63  }
0x548: {  	_ =	swait.ge [sflag:s14], $0x4000  }
0x549: {  	[sflag:s14] =	ssyncset.done $0x0  }
0x54a: {  	s26 =	simm.s32 $0xB80;
	[sflag:s14] =	ssyncadd.s32 $0xFFFFC000  }
0x54b: {  	[spmem:s3] =	stream.indirect.scatter.add.f32 [tilespmem:s11], [sflag:$0x3], $0x80, s26, s9, $0xb8;
	[tilespmem:$0x1D000] =	vst v63  }
0x54c: {  	_ =	swait.ge [sflag:s6], $0x4000  }
0x54d: {  	[sflag:s6] =	ssyncset.done $0x0  }
0x54e: {  	s28 =	simm.s32 $0x480;
	[sflag:s6] =	ssyncadd.s32 $0xFFFFC000  }
0x54f: {  	[tilespmem:s11], [sflag:$0x2] =	stream.indirect.gather [hbm4b:s1+s9], $0x80, s28, s9, $0xb8;
	[tilespmem:$0x1D000] =	vst v63  }
0x550: {  	_ =	swait.ge [sflag:s12], $0x4000  }
0x551: {  	[sflag:s12] =	ssyncset.done $0x0  }
0x552: {  	s29 =	simm.s32 $0xC00;
	[sflag:s12] =	ssyncadd.s32 $0xFFFFC000  }
0x553: {  	[spmem:s3] =	stream.indirect.scatter.add.f32 [tilespmem:s10], [sflag:$0x3], $0x80, s29, s9, $0xb8;
	[tilespmem:$0x1D000] =	vst v63  }
0x554: {  	_ =	swait.ge [sflag:s6], $0x4000  }
0x555: {  	[sflag:s6] =	ssyncset.done $0x0  }
0x556: {  	s30 =	simm.s32 $0x500;
	[sflag:s6] =	ssyncadd.s32 $0xFFFFC000  }
0x557: {  	[tilespmem:s10], [sflag:$0x1] =	stream.indirect.gather [hbm4b:s1+s9], $0x80, s30, s9, $0xb8;
	[tilespmem:$0x1D000] =	vst v63  }
0x558: {  	_ =	swait.ge [sflag:s14], $0x4000  }
0x559: {  	[sflag:s14] =	ssyncset.done $0x0  }
0x55a: {  	s21 =	simm.s32 $0xC80;
	[sflag:s14] =	ssyncadd.s32 $0xFFFFC000  }
0x55b: {  	[spmem:s3] =	stream.indirect.scatter.add.f32 [tilespmem:s11], [sflag:$0x3], $0x80, s21, s9, $0xb8;
	[tilespmem:$0x1D000] =	vst v63  }
0x55c: {  	_ =	swait.ge [sflag:s6], $0x4000  }
0x55d: {  	[sflag:s6] =	ssyncset.done $0x0  }
0x55e: {  	s31 =	simm.s32 $0x580;
	[sflag:s6] =	ssyncadd.s32 $0xFFFFC000  }
0x55f: {  	[tilespmem:s11], [sflag:$0x2] =	stream.indirect.gather [hbm4b:s1+s9], $0x80, s31, s9, $0xb8;
	[tilespmem:$0x1D000] =	vst v63  }
0x560: {  	_ =	swait.ge [sflag:s12], $0x4000  }
0x561: {  	[sflag:s12] =	ssyncset.done $0x0  }
0x562: {  	s23 =	simm.s32 $0xD00;
	[sflag:s12] =	ssyncadd.s32 $0xFFFFC000  }
0x563: {  	[spmem:s3] =	stream.indirect.scatter.add.f32 [tilespmem:s10], [sflag:$0x3], $0x80, s23, s9, $0xb8;
	[tilespmem:$0x1D000] =	vst v63  }
0x564: {  	_ =	swait.ge [sflag:s6], $0x4000  }
0x565: {  	[sflag:s6] =	ssyncset.done $0x0  }
0x566: {  	s2 =	simm.s32 $0x600;
	[sflag:s6] =	ssyncadd.s32 $0xFFFFC000  }
0x567: {  	[tilespmem:s10], [sflag:$0x1] =	stream.indirect.gather [hbm4b:s1+s9], $0x80, s2, s9, $0xb8;
	[tilespmem:$0x1D000] =	vst v63  }
0x568: {  	_ =	swait.ge [sflag:s14], $0x4000  }
0x569: {  	[sflag:s14] =	ssyncset.done $0x0  }
0x56a: {  	s24 =	simm.s32 $0xD80;
	[sflag:s14] =	ssyncadd.s32 $0xFFFFC000  }
0x56b: {  	[spmem:s3] =	stream.indirect.scatter.add.f32 [tilespmem:s11], [sflag:$0x3], $0x80, s24, s9, $0xb8;
	[tilespmem:$0x1D000] =	vst v63  }
0x56c: {  	_ =	swait.ge [sflag:s6], $0x4000  }
0x56d: {  	[sflag:s6] =	ssyncset.done $0x0  }
0x56e: {  	s15 =	simm.s32 $0x680;
	[sflag:s6] =	ssyncadd.s32 $0xFFFFC000  }
0x56f: {  	[tilespmem:s11], [sflag:$0x2] =	stream.indirect.gather [hbm4b:s1+s9], $0x80, s15, s9, $0xb8;
	[tilespmem:$0x1D000] =	vst v63  }
0x570: {  	_ =	swait.ge [sflag:s12], $0x4000  }
0x571: {  	[sflag:s12] =	ssyncset.done $0x0  }
0x572: {  	s16 =	simm.s32 $0xE00;
	[sflag:s12] =	ssyncadd.s32 $0xFFFFC000  }
0x573: {  	[spmem:s3] =	stream.indirect.scatter.add.f32 [tilespmem:s10], [sflag:$0x3], $0x80, s16, s9, $0xb8;
	[tilespmem:$0x1D000] =	vst v63  }
0x574: {  	_ =	swait.ge [sflag:s6], $0x4000  }
0x575: {  	[sflag:s6] =	ssyncset.done $0x0  }
0x576: {  	s17 =	simm.s32 $0x700;
	[sflag:s6] =	ssyncadd.s32 $0xFFFFC000  }
0x577: {  	[tilespmem:s10], [sflag:$0x1] =	stream.indirect.gather [hbm4b:s1+s9], $0x80, s17, s9, $0xb8;
	[tilespmem:$0x1D000] =	vst v63  }
0x578: {  	_ =	swait.ge [sflag:s14], $0x4000  }
0x579: {  	[sflag:s14] =	ssyncset.done $0x0  }
0x57a: {  	s18 =	simm.s32 $0xE80;
	[sflag:s14] =	ssyncadd.s32 $0xFFFFC000  }
0x57b: {  	[spmem:s3] =	stream.indirect.scatter.add.f32 [tilespmem:s11], [sflag:$0x3], $0x80, s18, s9, $0xb8;
	[tilespmem:$0x1D000] =	vst v63  }
0x57c: {  	_ =	swait.ge [sflag:s6], $0x4000  }
0x57d: {  	[sflag:s6] =	ssyncset.done $0x0  }
0x57e: {  	s25 =	simm.s32 $0x780;
	[sflag:s6] =	ssyncadd.s32 $0xFFFFC000  }
0x57f: {  	[tilespmem:s11], [sflag:$0x2] =	stream.indirect.gather [hbm4b:s1+s9], $0x80, s25, s9, $0xb8;
	[tilespmem:$0x1D000] =	vst v63  }
0x580: {  	_ =	swait.ge [sflag:s12], $0x4000  }
0x581: {  	[sflag:s12] =	ssyncset.done $0x0  }
0x582: {  	s26 =	simm.s32 $0xF00;
	[sflag:s12] =	ssyncadd.s32 $0xFFFFC000  }
0x583: {  	[spmem:s3] =	stream.indirect.scatter.add.f32 [tilespmem:s10], [sflag:$0x3], $0x80, s26, s9, $0xb8;
	[tilespmem:$0x1D000] =	vst v63  }
0x584: {  	_ =	swait.ge [sflag:s6], $0x4000  }
0x585: {  	[sflag:s6] =	ssyncset.done $0x0  }
0x586: {  	[sflag:s6] =	ssyncadd.s32 $0xFFFFC000  }
0x587: {  	_ =	swait.ge [sflag:s14], $0x4000  }
0x588: {  	[sflag:s14] =	ssyncset.done $0x0  }
0x589: {  	s28 =	simm.s32 $0xF80;
	[sflag:s14] =	ssyncadd.s32 $0xFFFFC000  }
0x58a: {  	[spmem:s3] =	stream.indirect.scatter.add.f32 [tilespmem:s11], [sflag:$0x3], $0x80, s28, s9, $0xb8;
	[tilespmem:$0x1D000] =	vst v63  }
0x58b: {  	_ =	swait.ge [sflag:s6], $0x4000  }
0x58c: {  	[sflag:s6] =	ssyncset.done $0x0  }
0x58d: {  	[sflag:s6] =	ssyncadd.s32 $0xFFFFC000  }
0x58e: {  	p0 =	sne.s32 s22, $0x1;
	[bflag:$0x0] =	sbarrier.arrive $0xFFFF  }
.Ltmp1:
0x58f: {  	s29 =	rddreg [dreg:$0xf];
	(pc) =	sbr.rel @p0 .LBB2_1-.Ltmp1, $4  }
0x590: {  	s30 =	rddreg [dreg:$0x11]  }
0x591: {  	s31 =	rddreg [dreg:$0x10]  }
0x592: {  	[hbm:s29], [sflag:s31] =	dma.local [spmem:s30], $0x2800  }
0x593: {  	s22 =	sadd.s32 $0xFFFFFFFF, s22;
	_ =	swait.ge [sflag:s6], $0x2800  }
.LBB2_2:
0x594: {  	[sflag:s6] =	ssyncset.done $0x0  }
0x595: {  	[sflag:s6] =	ssyncadd.s32 $0xFFFFD800  }
0x596: {  	_ =	sfence.sel $0x180000  }
0x597: {  	[bflag:$0x0] =	sbarrier.arrive $0xFFFF  }
0x598: {  	_ =	strace $0x9000004D  }
0x599: {  	s0 =	stileid.u32;
	[bflag:$0x2] =	sbarrier.arrive $0xFFFF  }
0x59a: {  	p0 =	sne.s32 s0, $0x0;
	s0 =	rddreg [dreg:$0x3]  }
0x59b: {  	s0 =	sadd.s32 @!p0 $0x100000, s0  }
0x59c: {  	[sflag:s0] =	ssyncadd.tile.s32 @!p0 $0x1;
	_ =	shalt  }
.Lfunc_end2:
_tile_overlayer_lowered:
.L_overlay_start_2:
0x59d: {  	(tag) =	ssettag $0x2  }
0x59e: {  	s0 =	rddreg [dreg:$0x0];
	s2 =	stileid.u32  }
0x59f: {  	s1 =	rddreg [dreg:$0x1];
	p0 =	sne.s32 s2, $0x0  }
0x5a0: {  	s3 =	rddreg [dreg:$0x2];
	[bflag:$0x3] =	sbarrier.arrive $0xFFFF;
	s2 =	simm.s32 @!p0 $0x1C03  }
0x5a1: {  	[timem:s3], [sflag:s2] =	dma.local @!p0 [hbm:s0], s1  }
0x5a2: {  	s0 =	simm.s32 @!p0 $0x3  }
0x5a3: {  	_ =	swait.ge @!p0 [sflag:s0], s1  }
0x5a4: {  	s1 =	ssub.s32 @!p0 $0x0, s1;
	[sflag:s0] =	ssyncset.done @!p0 $0x0  }
0x5a5: {  	[sflag:s0] =	ssyncadd.s32 @!p0 s1  }
0x5a6: {  	[bflag:$0x3] =	sbarrier.arrive $0xFFFF  }
0x5a7: {  	_ =	shalt  }

// kernel: kernel.8.cloned.1.call-start
scs
__scs_entry_jumppad:
0x0: {  	(pc) =	sbr.rel $0x88, $3  }
0x1: {  	(tag) =	ssettag $0x0;
	lr =	simm.s32 $0x1  }
0x2: {  	[smem:$0x3F99] =	sst lr;
	_ =	strace $0xD0000000  }
0x3: {  	_ = 	snop  }
0x4: {  	_ = 	snop  }
0x5: {  	_ = 	snop  }
0x6: {  	_ = 	snop  }
0x7: {  	_ = 	snop  }
__scs_overlays_trampoline_lowered:
0x8: {  	[smem:$0x3FA8] =	sst s0  }
0x9: {  	[smem:$0x3FA9] =	sst s1  }
0xa: {  	[smem:$0x3FAA] =	sst s2  }
0xb: {  	[smem:$0x3FAB] =	sst s3  }
0xc: {  	[smem:$0x3FAC] =	sst s4  }
0xd: {  	[smem:$0x3FAD] =	sst s5  }
0xe: {  	[smem:$0x3FAE] =	sst s6  }
0xf: {  	[smem:$0x3FAF] =	sst s7  }
0x10: {  	[smem:$0x3FB0] =	sst s8  }
0x11: {  	[smem:$0x3FB1] =	sst s9;
	s0 =	simm.s32 @!p0 $0x0  }
0x12: {  	s1 =	sld [smem:$0x3F97];
	s0 =	simm.s32 @p0 $0x1  }
0x13: {  	[smem:$0x3FB2] =	sst s0;
	s0 =	simm.s32 @!p1 $0x0  }
0x14: {  	s2 =	sld [smem:$0x3F96];
	s0 =	simm.s32 @p1 $0x1  }
0x15: {  	[smem:$0x3FB3] =	sst s0;
	s0 =	simm.s32 @!p2 $0x0  }
0x16: {  	s3 =	sld [smem:$0x3FDB];
	s0 =	simm.s32 @p2 $0x1  }
0x17: {  	s4 =	simm.s32 $0x1BF5;
	[smem:$0x3FB5] =	sst s0  }
0x18: {  	s0 =	sld [smem:$0x3F98];
	_ =	swait.ge [sflag:s4], $0x0  }
0x19: {  	s7 =	sld [smem:$0x3F99]  }
0x1a: {  	s8 =	sadd.s32 $0xFFFFE003, lr  }
0x1b: {  	s9 =	sadd.s32 $0xFFFFFEF7, lr;
	s5 =	simm.s32 $0xFFFFFFFF;
	p2 =	slt.u32 s8, $0xFFFFF086  }
0x1c: {  	p1 =	slt.u32 s9, $0xF7A;
	s5 =	simm.s32 @!p2 $0x0  }
0x1d: {  	s5 =	simm.s32 @p1 $0x1;
	p0 =	seq.s32 s7, s2  }
0x1e: {  	s7 =	smul.u32 @!p0 $0xF7A, s2;
	p2 =	seq.s32 @!p0 s5, $0x0  }
0x1f: {  	s9 =	smul.u32 $0xF7A, s1;
	s8 =	simm.s32 @!p0 $0x1BF5;
	p2 =	por !p2, p0  }
0x20: {  	[sflag:s8] =	ssyncset.s32 @!p0 $0xFFFFF086;
	s6 =	sadd.s32 @!p0 s3, s7;
	s7 =	simm.s32 @!p0 $0x108  }
0x21: {  	s3 =	sadd.s32 s3, s9;
	s6 =	sadd.s32 @!p0 $0x88, s6;
	s7 =	simm.s32 @p2 $0x1082  }
0x22: {  	[simem:s7], [sflag:s8] =	dma.local @!p0 [hbm:s6], $0xF7A  }
0x23: {  	s9 =	sor.u32 $0xD0000000, s2;
	s6 =	simm.s32 $0x108;
	_ =	swait.ge @!p0 [sflag:s8], $0x0  }
0x24: {  	s3 =	sadd.s32 $0x88, s3;
	s6 =	simm.s32 @!p1 $0x1082;
	[sflag:s4] =	ssyncset.s32 $0xFFFFF086  }
0x25: {  	[simem:s6], [sflag:s4] =	dma.local [hbm:s3], $0xF7A  }
0x26: {  	[smem:$0x3F99] =	sst s1;
	(tag) =	ssettag s2;
	_ =	strace s9  }
0x27: {  	s1 =	sld [smem:$0x3FA9]  }
0x28: {  	s2 =	sld [smem:$0x3FAA]  }
0x29: {  	s4 =	sld [smem:$0x3FAC]  }
0x2a: {  	p0 =	seq.s32 s5, $0x0;
	s5 =	sld [smem:$0x3FAD]  }
0x2b: {  	s6 =	sld [smem:$0x3FAE]  }
0x2c: {  	s7 =	sld [smem:$0x3FAF]  }
0x2d: {  	s3 =	simm.s32 $0x108;
	s8 =	sld [smem:$0x3FB0]  }
0x2e: {  	s3 =	simm.s32 @!p0 $0x1082;
	s9 =	sld [smem:$0x3FB1]  }
0x2f: {  	lr =	sadd.s32 s0, s3;
	s0 =	sld [smem:$0x3FA8]  }
0x30: {  	s3 =	sld [smem:$0x3FAB]  }
0x31: {  	[smem:$0x3FB4] =	sst s10  }
0x32: {  	s10 =	sld [smem:$0x3FB2];
	_ =	sdelay $0x3  }
0x33: {  	p0 =	seq.s32 s10, $0x1;
	s10 =	sld [smem:$0x3FB4];
	_ =	sdelay $0x3  }
0x34: {  	[smem:$0x3FB4] =	sst s10  }
0x35: {  	s10 =	sld [smem:$0x3FB3];
	_ =	sdelay $0x3  }
0x36: {  	p1 =	seq.s32 s10, $0x1;
	s10 =	sld [smem:$0x3FB4];
	_ =	sdelay $0x3  }
0x37: {  	[smem:$0x3FB4] =	sst s10  }
0x38: {  	s10 =	sld [smem:$0x3FB5]  }
0x39: {  	_ = 	snop;
	(pc) =	sbr.ind lr, $3  }
0x3a: {  	_ = 	snop  }
0x3b: {  	_ = 	snop  }
0x3c: {  	p2 =	seq.s32 s10, $0x1;
	s10 =	sld [smem:$0x3FB4]  }
0x3d: {  	_ =	shalt  }
0x3e: {  	_ =	shalt  }
0x3f: {  	_ =	shalt  }
0x40: {  	_ =	shalt  }
0x41: {  	_ =	shalt  }
0x42: {  	_ =	shalt  }
0x43: {  	_ =	shalt  }
0x44: {  	_ =	shalt  }
0x45: {  	_ =	shalt  }
0x46: {  	_ =	shalt  }
0x47: {  	_ =	shalt  }
0x48: {  	_ =	shalt  }
0x49: {  	_ =	shalt  }
0x4a: {  	_ =	shalt  }
0x4b: {  	_ =	shalt  }
0x4c: {  	_ =	shalt  }
0x4d: {  	_ =	shalt  }
0x4e: {  	_ =	shalt  }
0x4f: {  	_ =	shalt  }
0x50: {  	_ =	shalt  }
0x51: {  	_ =	shalt  }
0x52: {  	_ =	shalt  }
0x53: {  	_ =	shalt  }
0x54: {  	_ =	shalt  }
0x55: {  	_ =	shalt  }
0x56: {  	_ =	shalt  }
0x57: {  	_ =	shalt  }
0x58: {  	_ =	shalt  }
0x59: {  	_ =	shalt  }
0x5a: {  	_ =	shalt  }
0x5b: {  	_ =	shalt  }
0x5c: {  	_ =	shalt  }
0x5d: {  	_ =	shalt  }
0x5e: {  	_ =	shalt  }
0x5f: {  	_ =	shalt  }
0x60: {  	_ =	shalt  }
0x61: {  	_ =	shalt  }
0x62: {  	_ =	shalt  }
0x63: {  	_ =	shalt  }
0x64: {  	_ =	shalt  }
0x65: {  	_ =	shalt  }
0x66: {  	_ =	shalt  }
0x67: {  	_ =	shalt  }
0x68: {  	_ =	shalt  }
0x69: {  	_ =	shalt  }
0x6a: {  	_ =	shalt  }
0x6b: {  	_ =	shalt  }
0x6c: {  	_ =	shalt  }
0x6d: {  	_ =	shalt  }
0x6e: {  	_ =	shalt  }
0x6f: {  	_ =	shalt  }
0x70: {  	_ =	shalt  }
0x71: {  	_ =	shalt  }
0x72: {  	_ =	shalt  }
0x73: {  	_ =	shalt  }
0x74: {  	_ =	shalt  }
0x75: {  	_ =	shalt  }
0x76: {  	_ =	shalt  }
0x77: {  	_ =	shalt  }
0x78: {  	_ =	shalt  }
0x79: {  	_ =	shalt  }
0x7a: {  	_ =	shalt  }
0x7b: {  	_ =	shalt  }
0x7c: {  	_ =	shalt  }
0x7d: {  	_ =	shalt  }
0x7e: {  	_ =	shalt  }
0x7f: {  	_ =	shalt  }
0x80: {  	_ =	shalt  }
0x81: {  	_ =	shalt  }
0x82: {  	_ =	shalt  }
0x83: {  	_ =	shalt  }
0x84: {  	_ =	shalt  }
0x85: {  	_ =	shalt  }
0x86: {  	_ =	shalt  }
0x87: {  	_ =	shalt  }
.Lfunc_end0:
.L_simem_size_0:
called_computation_lowered:
.L_overlay_start_0:
0x88: {  	s2 =	sld [smem:$0x3FD9]  }
0x89: {  	s3 =	sld [smem:$0x3FFE];
	_ =	sdelay $0x1  }
0x8a: {  	s1 =	srdreg.scid  }
0x8b: {  	s0 =	sand.u32 $0x1, s1  }
0x8c: {  	s17 =	sshll.u32 s0, $0xA;
	s2 =	sadd.s32 s3, s2  }
0x8d: {  	s2 =	sadd.s32 s2, s17  }
0x8e: {  	[smem:$0x3FC0] =	sst s2  }
0x8f: {  	_ = 	snop  }
0x90: {  	(tm) =	ssettm $0x1  }
0x91: {  	s18 =	sld [smem:$0x3FFB];
	_ =	sdelay $0x3  }
0x92: {  	_ =	strace s18  }
0x93: {  	s2 =	sld [smem:$0x3FFC];
	_ =	sdelay $0x3  }
0x94: {  	_ =	strace s2  }
0x95: {  	s2 =	sld [smem:$0x3FFD];
	_ =	sdelay $0x3  }
0x96: {  	_ =	strace s2  }
0x97: {  	_ =	strace $0x8FFFFFFF  }
0x98: {  	s19 =	sld [smem:$0x3FDB];
	_ =	sdelay $0x1  }
0x99: {  	s20 =	simm.s32 $_scs_section_size  }
0x9a: {  	s4 =	simm.s32 $_size__tile_overlayer_lowered;
	s5 =	simm.s32 $_tile_overlayer_lowered  }
0x9b: {  	s6 =	simm.s32 $0x1BFF;
	s21 =	sshll.u32 s5, $0x1;
	s3 =	sadd.s32 s20, s19  }
0x9c: {  	s22 =	simm.s32 $0x0;
	s4 =	sshll.u32 s4, $0x1;
	s5 =	sadd.s32 s21, s3  }
0x9d: {  	[timem:s22], [sflag:s6] =	dma.local [hbm:s5], s4  }
0x9e: {  	_ =	swait.ge [sflag:s6], s4  }
0x9f: {  	s4 =	ssub.s32 $0x0, s4;
	[sflag:s6] =	ssyncset.done $0x0  }
0xa0: {  	[sflag:s6] =	ssyncadd.s32 s4;
	_ =	sdelay $0x1  }
0xa1: {  	s23 =	simm.s32 $0x1B8B  }
0xa2: {  	_ =	swait.ge [sflag:s23], $0x1  }
0xa3: {  	[sflag:s23] =	ssyncset.done $0x0  }
0xa4: {  	[sflag:s23] =	ssyncadd.s32 $0xFFFFFFFF  }
0xa5: {  	s4 =	sld [smem:$0x0]  }
0xa6: {  	s5 =	sand.u32 $0xFFFFFFFE, s1  }
0xa7: {  	p0 =	sne.s32 s1, s5  }
0xa8: {  	s5 =	sshll.u32 @p0 s5, $0xE  }
0xa9: {  	s5 =	sadd.s32 @p0 $0x11B8D, s5;
	s6 =	sshll.u32 @p0 s4, $0x11  }
0xaa: {  	s5 =	sor.u32 @p0 s6, s5  }
0xab: {  	[sflag:s5] =	ssyncadd.remote.s32 @p0 $0x1;
	_ =	sdelay $0x1  }
0xac: {  	s5 =	simm.s32 @p0 $0x1B8D  }
0xad: {  	_ =	swait.eq @p0 [sflag:s5], $0x1  }
0xae: {  	[sflag:s5] =	ssyncadd.s32 @p0 $0xFFFFFFFF  }
0xaf: {  	s6 =	sshll.u32 @!p0 s1, $0xE  }
0xb0: {  	s6 =	sor.u32 @!p0 $0x4000, s6;
	s5 =	simm.s32 @!p0 $0x1B8D  }
0xb1: {  	s4 =	sshll.u32 @!p0 s4, $0x11;
	s6 =	sadd.s32 @!p0 $0x11B8D, s6;
	_ =	swait.eq @!p0 [sflag:s5], $0x1  }
0xb2: {  	s4 =	sor.u32 @!p0 s4, s6;
	[sflag:s5] =	ssyncadd.s32 @!p0 $0xFFFFFFFF  }
0xb3: {  	s25 =	simm.s32 $0x1B8E;
	s24 =	sld [smem:$0x3FFE];
	[sflag:s4] =	ssyncadd.remote.s32 @!p0 $0x1  }
0xb4: {  	s26 =	simm.s32 $execute0_lowered;
	[smem:$0x3FD2] =	sst s25  }
0xb5: {  	s5 =	sshll.u32 s26, $0x1;
	_ =	strace $0x80000049;
	[dreg:$0x1] =	wrdreg $0xFFFFFFFF  }
0xb6: {  	s28 =	simm.s32 $_size_execute0_lowered;
	s3 =	sadd.s32 s3, s5;
	[dreg:$0x0] =	wrdreg $0x0  }
0xb7: {  	s5 =	sshll.u32 s28, $0x1;
	[dreg:$0x2] =	wrdreg s3  }
0xb8: {  	[dreg:$0x3] =	wrdreg s5  }
0xb9: {  	[dreg:$0x4] =	wrdreg $0xC0  }
0xba: {  	_ =	task [dreg:s22], $0x5FFFF  }
0xbb: {  	[dreg:$0x1] =	wrdreg $0xFFFFFFFF  }
0xbc: {  	[dreg:$0x0] =	wrdreg $0x60  }
0xbd: {  	[dreg:$0x2] =	wrdreg s24  }
0xbe: {  	[dreg:$0x3] =	wrdreg $0x68000  }
0xbf: {  	[dreg:$0x4] =	wrdreg $0x9  }
0xc0: {  	_ =	task.clear_ibuf [dreg:s22], $0x5FFFF;
	_ =	strace $0x90000049  }
0xc1: {  	s29 =	simm.s32 $0x9;
	_ =	strace $0x8000004B  }
0xc2: {  	_ =	swait.ge [sflag:s29], $0x1  }
0xc3: {  	[sflag:s29] =	ssyncadd.s32 $0xFFFFFFFF  }
0xc4: {  	_ =	strace $0x9000004B  }
0xc5: {  	_ =	sfence  }
0xc6: {  	s30 =	sld [smem:$0x0];
	_ =	sdelay $0x2  }
0xc7: {  	s31 =	sshll.u32 s1, $0xD;
	s1 =	sshrl.u32 s1, $0x2  }
0xc8: {  	s4 =	sand.u32 $0x4000, s31;
	s1 =	sadd.s32 s1, s30  }
0xc9: {  	s0 =	sor.u32 s4, s0;
	s1 =	sshll.u32 s1, $0x11  }
0xca: {  	s0 =	sor.u32 s1, s0  }
0xcb: {  	s0 =	sadd.s32 $0x8F2B, s0  }
0xcc: {  	[sflag:s0] =	ssyncadd.remote.s32 $0x1  }
0xcd: {  	_ =	sfence.sel $0xFFFF  }
0xce: {  	[dreg:$0x0] =	wrdreg $0xFFFFFFFF;
	(pc) =	sbr.abs _section_cstart, $3  }
0xcf: {  	[dreg:$0x1] =	wrdreg $0xFFFFFFFF  }
0xd0: {  	_ =	task.clear_ibuf [dreg:s22], $0x2FFFF;
	_ =	strace $0x9FFFFFFF  }
0xd1: {  	(tm) =	ssettm $0x7FFFFFFF  }
tec
execute0_lowered:
.L_overlay_start_1:
0x0: {  	(tag) =	ssettag $0x1  }
0x1: {  	s7 =	rddreg [dreg:$0x0]  }
0x2: {  	s0 =	srdreg.scid;
	s2 =	rddreg [dreg:$0x1]  }
0x3: {  	s3 =	simm.s32 $0x0;
	s13 =	simm.s32 $0x80;
	s6 =	sand.u32 $0x1, s0  }
0x4: {  	s14 =	simm.s32 $0x0;
	s0 =	stileid.u32;
	s5 =	smul.u32 $0x140000, s6  }
0x5: {  	[smem:$0x7FF] =	sst s3;
	s1 =	sshll.u32 s6, $0x4;
	s8 =	smul.u32 $0x14000, s0  }
0x6: {  	s10 =	smul.u32 $0x50000, s0;
	s6 =	ssub.s32 $0x2, s6;
	s11 =	sshll.u32 s0, $0x6  }
0x7: {  	s1 =	sor.u32 s0, s1;
	s31 =	sshrl.u32 s6, $0x1;
	s11 =	sor.u32 $0x1C01, s11  }
0x8: {  	s4 =	smul.u32 $0x500, s1;
	s1 =	rddreg [dreg:$0x2];
	_ =	strace $0x8000004A  }
0x9: {  	s8 =	sadd.s32 s8, s5;
	s5 =	sadd.s32 $0x15E00, s7;
	s10 =	sshrl.u32 s10, $0x2  }
0xa: {  	s8 =	sshrl.u32 s8, $0x3;
	s12 =	sadd.s32 s10, s2;
	s10 =	simm.s32 $0x2800  }
0xb: {  	s9 =	sadd.s32 s4, s7;
	s4 =	sadd.s32 $0x68600, s7;
	s7 =	sadd.s32 s8, s7  }
0xc: {  	s8 =	ssub.s32 s6, s31;
	s12 =	sshrl.u32 s12, $0x3;
	s6 =	sadd.s32 $0x1E00, s9  }
0xd: {  	s7 =	sadd.s32 $0x68E00, s7;
	s8 =	smax.u32 s8, $0x1;
	s9 =	simm.s32 $0x1  }
.LBB2_1:
0xe: {  	[tilespmem:s3], [sflag:$0x1] =	stream.linear.gather [hbm4b:s6+s3], $0x2800, $0x38;
	[tilespmem:$0x1A800] =	vst v63  }
0xf: {  	_ =	swait.ge [sflag:s9], $0x2800  }
0x10: {  	[sflag:s9] =	ssyncset.done $0x0  }
0x11: {  	[sflag:s9] =	ssyncadd.s32 $0xFFFFD800  }
0x12: {  	[tilespmem:s10], [sflag:$0x1] =	stream.linear.gather [hbm4b:s4+s3], $0x4000, $0x38;
	[tilespmem:$0x1A800] =	vst v63  }
0x13: {  	_ =	swait.ge [sflag:s9], $0x4000  }
0x14: {  	[sflag:s9] =	ssyncset.done $0x0  }
0x15: {  	[sflag:s9] =	ssyncadd.s32 $0xFFFFC000  }
0x16: {  	[spmem:s12], [sflag:s11] =	dma.local [hbm:s5], $0x2800  }
0x17: {  	_ =	swait.ge [sflag:s9], $0x2800  }
0x18: {  	[sflag:s9] =	ssyncset.done $0x0  }
0x19: {  	[sflag:s9] =	ssyncadd.s32 $0xFFFFD800  }
0x1a: {  	s15 =	simm.s32 $0x0;
	[bflag:$0x0] =	sbarrier.arrive $0xFFFF  }
0x1b: {  	[spmem:s2] =	stream.indirect.scatter.add.f32 [tilespmem:s10], [sflag:$0x1], $0x80, s15, s13, $0xb8;
	[tilespmem:$0x1A800] =	vst v63  }
0x1c: {  	_ =	swait.ge [sflag:s9], $0x4000  }
0x1d: {  	s15 =	simm.s32 $0x200;
	[sflag:s9] =	ssyncset.done $0x0  }
.LBB2_2:
0x1e: {  	s16 =	sshra.s32 s15, $0x2;
	[sflag:s9] =	ssyncadd.s32 $0xFFFFC000;
	p0 =	sne.s32 s15, $0x9E00  }
0x1f: {  	[spmem:s2] =	stream.indirect.scatter.add.f32 [tilespmem:s10], [sflag:$0x1], $0x80, s16, s13, $0xb8;
	[tilespmem:$0x1A800] =	vst v63  }
.Ltmp0:
0x20: {  	_ = 	snop;
	(pc) =	sbr.rel @p0 .LBB2_2-.Ltmp0, $4  }
0x21: {  	_ = 	snop  }
0x22: {  	s15 =	sadd.s32 $0x200, s15  }
0x23: {  	_ =	swait.ge [sflag:s9], $0x4000  }
0x24: {  	[sflag:s9] =	ssyncset.done $0x0  }
0x25: {  	s14 =	sadd.s32 $0x1, s14  }
0x26: {  	[sflag:s9] =	ssyncadd.s32 $0xFFFFC000;
	p0 =	sne.s32 s14, s8  }
.Ltmp1:
0x27: {  	[bflag:$0x0] =	sbarrier.arrive $0xFFFF;
	(pc) =	sbr.rel @p0 .LBB2_1-.Ltmp1, $4  }
0x28: {  	[hbm:s7], [sflag:s11] =	dma.local [spmem:s12], $0x2800  }
0x29: {  	_ =	swait.ge [sflag:s9], $0x2800  }
0x2a: {  	[sflag:s9] =	ssyncset.done $0x0  }
0x2b: {  	[sflag:s9] =	ssyncadd.s32 $0xFFFFD800  }
0x2c: {  	_ =	sfence.sel $0x180000  }
0x2d: {  	[bflag:$0x0] =	sbarrier.arrive $0xFFFF  }
0x2e: {  	p0 =	sne.s32 s0, $0x0;
	_ =	strace $0x9000004A  }
0x2f: {  	s0 =	sadd.s32 @!p0 $0x100000, s1;
	[bflag:$0x2] =	sbarrier.arrive $0xFFFF  }
0x30: {  	[sflag:s0] =	ssyncadd.tile.s32 @!p0 $0x1;
	_ =	shalt  }
.Lfunc_end2:
_tile_overlayer_lowered:
.L_overlay_start_2:
0x31: {  	(tag) =	ssettag $0x2  }
0x32: {  	s0 =	rddreg [dreg:$0x0];
	s2 =	stileid.u32  }
0x33: {  	s1 =	rddreg [dreg:$0x1];
	p0 =	sne.s32 s2, $0x0  }
0x34: {  	s3 =	rddreg [dreg:$0x2];
	[bflag:$0x3] =	sbarrier.arrive $0xFFFF;
	s2 =	simm.s32 @!p0 $0x1C01  }
0x35: {  	[timem:s3], [sflag:s2] =	dma.local @!p0 [hbm:s0], s1  }
0x36: {  	s0 =	simm.s32 @!p0 $0x1  }
0x37: {  	_ =	swait.ge @!p0 [sflag:s0], s1  }
0x38: {  	s1 =	ssub.s32 @!p0 $0x0, s1;
	[sflag:s0] =	ssyncset.done @!p0 $0x0  }
0x39: {  	[sflag:s0] =	ssyncadd.s32 @!p0 s1  }
0x3a: {  	[bflag:$0x3] =	sbarrier.arrive $0xFFFF  }
0x3b: {  	_ =	shalt  }

</sc_bundles>
